<compile_context>
chip_gen: v7x
topology: tpu7x:2x2x1
jax: 0.10.2.dev20260603
libtpu: 0.0.44.dev20260713+nightly
codegen_flags: <defaults>
</compile_context>

<pallas_src>
import functools

import jax
import jax.numpy as jnp
from jax import lax
from jax.experimental import pallas as pl
from jax.experimental.pallas import tpu as pltpu
from jax.experimental.pallas import tpu_sc as plsc

_N = 10000
_E = 320000
_H = 128
_DE = 16

_NC = 2
_NS = 16
_NW = _NC * _NS
_EW = _E // _NW
_CH = 80
_NCHUNK = _EW // _CH
_NP = 10240
_TS = _NP // _NS

_BE = 4000
_GE = _E // _BE

def _sc_mesh():
    return plsc.VectorSubcoreMesh(core_axis_name="c", subcore_axis_name="s",
                                  num_cores=_NC, num_subcores=_NS)


@functools.cache
def _sc_gather_kernel():
    @functools.partial(
        pl.kernel,
        out_type=[
            jax.ShapeDtypeStruct((_E, 2 * _H), jnp.float32),
            jax.ShapeDtypeStruct((_E, _H), jnp.float32),
        ],
        mesh=_sc_mesh(),
        scratch_types=[
            pltpu.VMEM((_EW,), jnp.int32),
            pltpu.VMEM((_EW,), jnp.int32),
            pltpu.VMEM((_CH, 2 * _H), jnp.float32),
            pltpu.VMEM((_CH, 2 * _H), jnp.float32),
            pltpu.VMEM((_CH, _H), jnp.float32),
            pltpu.VMEM((_CH, _H), jnp.float32),
            pltpu.SemaphoreType.DMA,
            pltpu.SemaphoreType.DMA,
            pltpu.SemaphoreType.DMA,
            pltpu.SemaphoreType.DMA,
        ],
    )
    def k(row_h, col_h, prow_h, pcol_h, grow_h, gcol_h,
          ir, ic, br0, br1, bc0, bc1, sr0, sr1, sc0, sc1):
        wid = lax.axis_index("s") * _NC + lax.axis_index("c")
        base = wid * _EW
        pltpu.sync_copy(row_h.at[pl.ds(base, _EW)], ir)
        pltpu.sync_copy(col_h.at[pl.ds(base, _EW)], ic)
        brs, bcs = (br0, br1), (bc0, bc1)
        srs, scs = (sr0, sr1), (sc0, sc1)

        def fire(j, p):
            pltpu.async_copy(prow_h.at[ir.at[pl.ds(j * _CH, _CH)]], brs[p], srs[p])
            pltpu.async_copy(pcol_h.at[ic.at[pl.ds(j * _CH, _CH)]], bcs[p], scs[p])

        def drain(p):
            pltpu.make_async_copy(
                prow_h.at[ir.at[pl.ds(0, _CH)]], brs[p], srs[p]).wait()
            pltpu.make_async_copy(
                pcol_h.at[ic.at[pl.ds(0, _CH)]], bcs[p], scs[p]).wait()

        def write(j, p):
            off = base + j * _CH
            pltpu.sync_copy(brs[p], grow_h.at[pl.ds(off, _CH)])
            pltpu.sync_copy(bcs[p], gcol_h.at[pl.ds(off, _CH)])

        fire(0, 0)

        def body(g, carry):
            j = 2 * g
            fire(j + 1, 1)
            drain(0)
            write(j, 0)
            fire(j + 2, 0)
            drain(1)
            write(j + 1, 1)
            return carry

        lax.fori_loop(0, (_NCHUNK - 1) // 2, body, 0)
        drain(0)
        write(_NCHUNK - 1, 0)

    return k


def _sc_gather(row, col, prow, pcol):
    return _sc_gather_kernel()(row, col, prow, pcol)


@functools.cache
def _sc_scatter_kernel():
    @functools.partial(
        pl.kernel,
        out_type=jax.ShapeDtypeStruct((_NC * _NP, _H), jnp.float32),
        mesh=_sc_mesh(),
        scratch_types=[
            pltpu.VMEM((_NCHUNK, _CH), jnp.int32),
            pltpu.VMEM((_CH, _H), jnp.float32),
            pltpu.VMEM((_CH, _H), jnp.float32),
            pltpu.VMEM_SHARED((_NP, _H), jnp.float32),
            pltpu.SemaphoreType.DMA,
            pltpu.SemaphoreType.DMA,
        ],
    )
    def k(m_h, col2_h, z_h, out_h, ic, bm0, bm1, acc, sm0, sm1):
        cid = lax.axis_index("c")
        sid = lax.axis_index("s")
        wid = sid * _NC + cid
        pltpu.sync_copy(z_h.at[pl.ds(sid * _TS, _TS)],
                        acc.at[pl.ds(sid * _TS, _TS)])
        pltpu.sync_copy(col2_h.at[wid], ic)
        bms, sms = (bm0, bm1), (sm0, sm1)

        def fire(j, p):
            pltpu.async_copy(
                m_h.at[pl.ds(wid * _EW + j * _CH, _CH)], bms[p], sms[p])

        def drain(p):
            pltpu.make_async_copy(m_h.at[pl.ds(0, _CH)], bms[p], sms[p]).wait()

        def scat(j, p):
            pltpu.sync_copy(bms[p], acc.at[ic.at[j]], add=True)

        plsc.subcore_barrier()
        fire(0, 0)

        def body(g, carry):
            j = 2 * g
            fire(j + 1, 1)
            drain(0)
            scat(j, 0)
            fire(j + 2, 0)
            drain(1)
            scat(j + 1, 1)
            return carry

        lax.fori_loop(0, (_NCHUNK - 1) // 2, body, 0)
        drain(0)
        scat(_NCHUNK - 1, 0)
        plsc.subcore_barrier()
        pltpu.sync_copy(acc.at[pl.ds(sid * _TS, _TS)],
                        out_h.at[pl.ds(cid * _NP + sid * _TS, _TS)])

    return k


def _sc_scatter(m, col2, zeros_np):
    return _sc_scatter_kernel()(m, col2, zeros_np)


@functools.cache
def _sc_count_kernel():
    @functools.partial(
        pl.kernel,
        out_type=jax.ShapeDtypeStruct((_NC * _NP, _H), jnp.float32),
        mesh=_sc_mesh(),
        scratch_types=[
            pltpu.VMEM((_NCHUNK, _CH), jnp.int32),
            pltpu.VMEM((_CH, _H), jnp.float32),
            pltpu.VMEM_SHARED((_NP, _H), jnp.float32),
        ],
    )
    def k(col2_h, z_h, ones_h, out_h, ic, bo, acc):
        cid = lax.axis_index("c")
        sid = lax.axis_index("s")
        wid = sid * _NC + cid
        pltpu.sync_copy(z_h.at[pl.ds(sid * _TS, _TS)],
                        acc.at[pl.ds(sid * _TS, _TS)])
        pltpu.sync_copy(col2_h.at[wid], ic)
        pltpu.sync_copy(ones_h, bo)
        plsc.subcore_barrier()

        def body(j, carry):
            pltpu.sync_copy(bo, acc.at[ic.at[j]], add=True)
            return carry

        lax.fori_loop(0, _NCHUNK, body, 0)
        plsc.subcore_barrier()
        pltpu.sync_copy(acc.at[pl.ds(sid * _TS, _TS)],
                        out_h.at[pl.ds(cid * _NP + sid * _TS, _TS)])

    return k


def _sc_count(col2, zeros_np, ones_ch):
    return _sc_count_kernel()(col2, zeros_np, ones_ch)


def _mm(a, b):
    return jnp.dot(a, b, preferred_element_type=jnp.float32)


def _mmh(a, b):
    return jnp.dot(a, b, preferred_element_type=jnp.float32,
                   precision=lax.Precision.HIGHEST)


def _mme(a, b):
    ah = a.astype(jnp.bfloat16)
    al = (a - ah.astype(jnp.float32)).astype(jnp.bfloat16)
    bh = b.astype(jnp.bfloat16)
    bl = (b - bh.astype(jnp.float32)).astype(jnp.bfloat16)
    d = lambda u, v: jnp.dot(u, v, preferred_element_type=jnp.float32)
    return d(ah, bh) + (d(ah, bl) + d(al, bh))


def _edge_body(first, e_ref, grow_ref, gcol_ref, w0_ref, b0_ref,
               we_ref, be_ref, ae_ref, b1_ref, eo_ref, mo_ref, so_ref):
    @pl.when(pl.program_id(0) == 0)
    def _():
        so_ref[...] = jnp.zeros_like(so_ref)

    if first:
        e = jnp.maximum(_mme(e_ref[...], w0_ref[...]) + b0_ref[...], 0.0)
    else:
        st = w0_ref[...]
        mu = st[0:1] / _E
        var = st[1:2] / _E - mu * mu
        scale = st[2:3] * lax.rsqrt(var + 1e-5)
        shift = b0_ref[...] - mu * scale
        e = e_ref[...] * scale + shift

    g = grow_ref[...]
    e2 = jnp.maximum(
        g[:, :_H] + gcol_ref[...] + _mme(e, we_ref[...]) + be_ref[...], 0.0)
    m = jnp.maximum(
        g[:, _H:] + _mme(e2, ae_ref[...]) + b1_ref[...], 0.0)
    eo_ref[...] = e2
    mo_ref[...] = m
    so_ref[...] += jnp.concatenate(
        [jnp.sum(e2, 0, keepdims=True), jnp.sum(e2 * e2, 0, keepdims=True)], 0)


def _edge_call(first, e_in, grow, gcol, w0, b0, we, be, ae, b1):
    d0 = e_in.shape[1]
    full = lambda s: pl.BlockSpec(s, lambda i: (0, 0))
    return pl.pallas_call(
        functools.partial(_edge_body, first),
        grid=(_GE,),
        in_specs=[
            pl.BlockSpec((_BE, d0), lambda i: (i, 0)),
            pl.BlockSpec((_BE, 2 * _H), lambda i: (i, 0)),
            pl.BlockSpec((_BE, _H), lambda i: (i, 0)),
            full(w0.shape),
            full(b0.shape),
            full((_H, _H)),
            full((1, _H)),
            full((_H, _H)),
            full((1, _H)),
        ],
        out_specs=[
            pl.BlockSpec((_BE, _H), lambda i: (i, 0)),
            pl.BlockSpec((_BE, _H), lambda i: (i, 0)),
            pl.BlockSpec((2, _H), lambda i: (0, 0)),
        ],
        out_shape=[
            jax.ShapeDtypeStruct((_E, _H), jnp.float32),
            jax.ShapeDtypeStruct((_E, _H), jnp.float32),
            jax.ShapeDtypeStruct((2, _H), jnp.float32),
        ],
    )(e_in, grow, gcol, w0, b0, we, be, ae, b1)


def _node0_body(x_ref, wn_ref, bn_ref, wrow_ref, wcol_ref,
                xo_ref, prow_ref, pcol_ref):
    x1 = jnp.maximum(_mmh(x_ref[...], wn_ref[...]) + bn_ref[...], 0.0)
    xo_ref[...] = x1
    prow_ref[...] = _mmh(x1, wrow_ref[...])
    pcol_ref[...] = _mmh(x1, wcol_ref[...])


_BN = 2000
_GN = _N // _BN


def _node0_call(x, wn, bn, wrow, wcol):
    blk = lambda w: pl.BlockSpec((_BN, w), lambda i: (i, 0))
    full = lambda s: pl.BlockSpec(s, lambda i: (0, 0))
    return pl.pallas_call(
        _node0_body,
        grid=(_GN,),
        in_specs=[blk(_H), full((_H, _H)), full((1, _H)),
                  full((_H, 2 * _H)), full((_H, _H))],
        out_specs=[blk(_H), blk(2 * _H), blk(_H)],
        out_shape=[
            jax.ShapeDtypeStruct((_N, _H), jnp.float32),
            jax.ShapeDtypeStruct((_N, 2 * _H), jnp.float32),
            jax.ShapeDtypeStruct((_N, _H), jnp.float32),
        ],
    )(x, wn, bn, wrow, wcol)


def _agg_x(x_ref, s0_ref, s1_ref, c0_ref, c1_ref, bx_ref, bagg_ref, b2_ref):
    cnt = c0_ref[...][:, 0:1] + c1_ref[...][:, 0:1]
    s = s0_ref[...] + s1_ref[...]
    agg = s / jnp.maximum(cnt, 1.0)
    return jnp.maximum(
        _mmh(x_ref[...], bx_ref[...]) + _mmh(agg, bagg_ref[...])
        + b2_ref[...], 0.0)


def _node_mid_body(x_ref, s0_ref, s1_ref, c0_ref, c1_ref, bx_ref, bagg_ref,
                   b2_ref, g_ref, b_ref, wrow_ref, wcol_ref,
                   xo_ref, prow_ref, pcol_ref, xn_scr, st_scr):
    p = pl.program_id(0)
    i = pl.program_id(1)

    @pl.when(p == 0)
    def _():
        @pl.when(i == 0)
        def _():
            st_scr[...] = jnp.zeros_like(st_scr)

        xn = _agg_x(x_ref, s0_ref, s1_ref, c0_ref, c1_ref,
                    bx_ref, bagg_ref, b2_ref)
        xn_scr[pl.ds(i * _BN, _BN), :] = xn
        st_scr[...] += jnp.concatenate(
            [jnp.sum(xn, 0, keepdims=True),
             jnp.sum(xn * xn, 0, keepdims=True)], 0)

    @pl.when(p == 1)
    def _():
        st = st_scr[...]
        mu = st[0:1] / _N
        var = st[1:2] / _N - mu * mu
        xn = xn_scr[pl.ds(i * _BN, _BN), :]
        xb = (xn - mu) * (g_ref[...] * lax.rsqrt(var + 1e-5)) + b_ref[...]
        xo_ref[...] = xb
        prow_ref[...] = _mmh(xb, wrow_ref[...])
        pcol_ref[...] = _mmh(xb, wcol_ref[...])


def _node_mid_call(x, s0, s1, c0, c1, bx, bagg, b2, g, b, wrow, wcol):
    blk = lambda w: pl.BlockSpec((_BN, w), lambda p, i: (i, 0))
    oblk = lambda w: pl.BlockSpec(
        (_BN, w), lambda p, i: (jnp.where(p == 0, _GN, i), 0))
    full = lambda s: pl.BlockSpec(s, lambda p, i: (0, 0))
    xo, prow, pcol = pl.pallas_call(
        _node_mid_body,
        grid=(2, _GN),
        in_specs=[blk(_H), blk(_H), blk(_H), blk(1), blk(1),
                  full((_H, _H)), full((_H, _H)), full((1, _H)),
                  full((1, _H)), full((1, _H)),
                  full((_H, 2 * _H)), full((_H, _H))],
        out_specs=[oblk(_H), oblk(2 * _H), oblk(_H)],
        out_shape=[
            jax.ShapeDtypeStruct((_N + _BN, _H), jnp.float32),
            jax.ShapeDtypeStruct((_N + _BN, 2 * _H), jnp.float32),
            jax.ShapeDtypeStruct((_N + _BN, _H), jnp.float32),
        ],
        scratch_shapes=[
            pltpu.VMEM((_N, _H), jnp.float32),
            pltpu.VMEM((2, _H), jnp.float32),
        ],
    )(x, s0, s1, c0, c1, bx, bagg, b2, g, b, wrow, wcol)
    return xo[:_N], prow[:_N], pcol[:_N]


def _node_fin_body(x_ref, s0_ref, s1_ref, c0_ref, c1_ref, bx_ref, bagg_ref,
                   b2_ref, st_ref, rw_ref, rb_ref, out_ref, sum_scr):
    i = pl.program_id(0)

    @pl.when(i == 0)
    def _():
        sum_scr[...] = jnp.zeros_like(sum_scr)

    xn = _agg_x(x_ref, s0_ref, s1_ref, c0_ref, c1_ref,
                bx_ref, bagg_ref, b2_ref)
    sum_scr[...] += jnp.sum(xn, 0, keepdims=True)

    @pl.when(i == _GN - 1)
    def _():
        node_r = sum_scr[...] / _N
        edge_r = st_ref[0:1] / _E
        out_ref[...] = (_mmh(node_r, rw_ref[0:_H])
                        + _mmh(edge_r, rw_ref[_H:]) + rb_ref[...])


def _node_fin_call(x, s0, s1, c0, c1, bx, bagg, b2, st, rw, rb):
    blk = lambda w: pl.BlockSpec((_BN, w), lambda i: (i, 0))
    full = lambda s: pl.BlockSpec(s, lambda i: (0, 0))
    return pl.pallas_call(
        _node_fin_body,
        grid=(_GN,),
        in_specs=[blk(_H), blk(_H), blk(_H), blk(1), blk(1),
                  full((_H, _H)), full((_H, _H)), full((1, _H)),
                  full((2, _H)), full((2 * _H, 1)), full((1, 1))],
        out_specs=[pl.BlockSpec((1, 1), lambda i: (0, 0))],
        out_shape=[jax.ShapeDtypeStruct((1, 1), jnp.float32)],
        scratch_shapes=[pltpu.VMEM((1, _H), jnp.float32)],
    )(x, s0, s1, c0, c1, bx, bagg, b2, st, rw, rb)[0]


def kernel(x, edge_index, edge_attr, params):
    row = edge_index[0]
    col = edge_index[1]
    col2 = col.reshape(_NW, _NCHUNK, _CH)
    layers = params['layers']

    zeros_np = jnp.zeros((_NP, _H), jnp.float32)
    ones_ch = jnp.ones((_CH, _H), jnp.float32)
    cp = _sc_count(col2, zeros_np, ones_ch)
    c0, c1 = cp[0:_N, 0:1], cp[_NP:_NP + _N, 0:1]

    def r1(v):
        return v.reshape(1, -1)

    def tables(layer):
        wrow = jnp.concatenate(
            [layer['edge_W'][:_H], layer['n1_W'][:_H]], axis=1)
        return wrow, layer['edge_W'][_H:2 * _H]

    wrow, wcol = tables(layers[0])
    xc, prow, pcol = _node0_call(
        x, params['enc_node_W'], r1(params['enc_node_b']), wrow, wcol)

    e = edge_attr
    stats = None
    out = None
    for i, li in enumerate(layers):
        grow, gcol = _sc_gather(row, col, prow, pcol)
        we = li['edge_W'][2 * _H:]
        ae = li['n1_W'][_H:]
        if i == 0:
            w0 = params['enc_edge_W']
            b0 = r1(params['enc_edge_b'])
        else:
            w0 = jnp.concatenate([stats, r1(params['edge_norm_g'])], axis=0)
            b0 = r1(params['edge_norm_b'])
        e, m, stats = _edge_call(i == 0, e, grow, gcol, w0, b0,
                                 we, r1(li['edge_b']), ae, r1(li['n1_b']))
        sp = _sc_scatter(m, col2, zeros_np)
        s0, s1 = sp[0:_N], sp[_NP:_NP + _N]
        bx = li['n2_W'][:_H]
        bagg = li['n2_W'][_H:]
        if i < len(layers) - 1:
            wrow, wcol = tables(layers[i + 1])
            xc, prow, pcol = _node_mid_call(
                xc, s0, s1, c0, c1, bx, bagg, r1(li['n2_b']),
                r1(params['node_norm_g']), r1(params['node_norm_b']),
                wrow, wcol)
        else:
            out = _node_fin_call(
                xc, s0, s1, c0, c1, bx, bagg, r1(li['n2_b']),
                stats, params['reg_W'], r1(params['reg_b']).reshape(1, 1))
    return out

# --- scband reference (transcript-rebuilt; emitter-appended) ---
"""Pipeline reference for scband-base-mpnn-54589034332476 (READ-ONLY COPY).

The authoritative reference and input builder live on the scoring server;
editing this copy changes nothing except your own understanding.
"""

import jax, jax.numpy as jnp
import numpy as np

N = 10000
E = 320000
D_NODE = 128
D_EDGE = 16
H = 128

def _init_params(key):
    ks = jax.random.split(key, 24)
    def w(k, shape):
        return jax.random.normal(k, shape, jnp.float32) * 0.05
    params = {
        'enc_node_W': w(ks[0], (D_NODE, H)), 'enc_node_b': jnp.zeros((H,), jnp.float32),
        'enc_edge_W': w(ks[1], (D_EDGE, H)), 'enc_edge_b': jnp.zeros((H,), jnp.float32),
        'node_norm_g': jnp.ones((H,), jnp.float32), 'node_norm_b': jnp.zeros((H,), jnp.float32),
        'edge_norm_g': jnp.ones((H,), jnp.float32), 'edge_norm_b': jnp.zeros((H,), jnp.float32),
        'reg_W': w(ks[2], (2 * H, 1)), 'reg_b': jnp.zeros((1,), jnp.float32),
        'layers': []
    }
    for i in range(3):
        base = 3 + i * 3
        params['layers'].append({
            'edge_W': w(ks[base], (3 * H, H)), 'edge_b': jnp.zeros((H,), jnp.float32),
            'n1_W': w(ks[base + 1], (2 * H, H)), 'n1_b': jnp.zeros((H,), jnp.float32),
            'n2_W': w(ks[base + 2], (2 * H, H)), 'n2_b': jnp.zeros((H,), jnp.float32),
        })
    return params

def setup_inputs(seed: int = 0):
    key = jax.random.key(seed)
    k1, k2, k3, k4 = jax.random.split(key, 4)
    x = jax.random.normal(k1, (N, D_NODE), jnp.float32)
    edge_index = jax.random.randint(k2, (2, E), 0, N, dtype=jnp.int32)
    edge_attr = jax.random.normal(k3, (E, D_EDGE), jnp.float32)
    params = _init_params(k4)
    return {'x': x, 'edge_index': edge_index, 'edge_attr': edge_attr, 'params': params}

def _bn(v, g, b):
    mean = jnp.mean(v, axis=0, keepdims=True)
    var = jnp.var(v, axis=0, keepdims=True)
    return (v - mean) / jnp.sqrt(var + 1e-5) * g + b

def _forward(x, edge_attr, params, edge_index):
    relu = jax.nn.relu
    # NodeEdgeFeatEncoder: Linear + ReLU projections to hidden_dim
    x = relu(x @ params['enc_node_W'] + params['enc_node_b'])
    e = relu(edge_attr @ params['enc_edge_W'] + params['enc_edge_b'])
    row = edge_index[0]
    col = edge_index[1]
    n_layers = len(params['layers'])
    for i, L in enumerate(params['layers']):
        # MetaLayer: edge update first (phi^e)
        src = x[row]
        dst = x[col]
        e = relu(jnp.concatenate([src, dst, e], axis=1) @ L['edge_W'] + L['edge_b'])
        # node update (phi^v): gather, mlp1, scatter-mean by col, mlp2
        m = relu(jnp.concatenate([x[row], e], axis=1) @ L['n1_W'] + L['n1_b'])
        s = jax.ops.segment_sum(m, col, num_segments=N)
        cnt = jax.ops.segment_sum(jnp.ones((E, 1), jnp.float32), col, num_segments=N)
        agg = s / jnp.maximum(cnt, 1.0)
        x = relu(jnp.concatenate([x, agg], axis=1) @ L['n2_W'] + L['n2_b'])
        if i < n_layers - 1:
            x = _bn(x, params['node_norm_g'], params['node_norm_b'])
            e = _bn(e, params['edge_norm_g'], params['edge_norm_b'])
    node_r = jnp.mean(x, axis=0, keepdims=True)
    edge_r = jnp.mean(e, axis=0, keepdims=True)
    meta = jnp.concatenate([node_r, edge_r], axis=1)
    return meta @ params['reg_W'] + params['reg_b']

def reference(x, edge_index, edge_attr, params):
    return _forward(x, edge_attr, params, edge_index)

if __name__ == "__main__":
    import jax
    _d = setup_inputs()
    print(jax.jit(kernel)(*tuple(_d.values())))

</pallas_src>

<mosaic_0001>
#map = affine_map<(d0, d1) -> (0, 0, 0)>
#map1 = affine_map<(d0, d1) -> (0, 0)>
module attributes {stable_mosaic.version = 14 : i64} {
  func.func @k(%arg0: i32, %arg1: i32, %arg2: memref<32x125x80xi32, #tpu.memory_space<hbm>>, %arg3: memref<10240x128xf32, #tpu.memory_space<hbm>>, %arg4: memref<80x128xf32, #tpu.memory_space<hbm>>, %arg5: memref<20480x128xf32, #tpu.memory_space<hbm>>, %arg6: memref<125x80xi32, #tpu.memory_space<vmem>>, %arg7: memref<80x128xf32, #tpu.memory_space<vmem>>, %arg8: memref<10240x128xf32, #tpu.memory_space<vmem_shared>>) attributes {dimension_semantics = [#tpu.dimension_semantics<core_parallel>, #tpu.dimension_semantics<subcore_parallel>], iteration_bounds = array<i64: 2, 16>, scalar_prefetch = 0 : i64, scratch_operands = 3 : i64, tpu.core_type = #tpu.core_type<sc_vector_subcore>, window_params = [{transform_indices = #map}, {transform_indices = #map1}, {transform_indices = #map1}, {transform_indices = #map1}]} {
    %mul3A = arith.constant 2 : i32
    %mul3A_0 = arith.muli %arg1, %mul3A : i32
    %add3A = arith.addi %mul3A_0, %arg0 : i32
    %mul3A_1 = arith.constant 640 : i32
    %mul3A_2 = arith.muli %arg1, %mul3A_1 : i32
    %mul3A_3 = arith.constant 640 : i32
    %mul3A_4 = arith.muli %arg1, %mul3A_3 : i32
    "tpu.region"() ({
      %run_scoped3A = tpu.sem_alloc : memref<!tpu.dma_semaphore, #tpu.memory_space<semaphore_mem>>
      %dma_start3A = arith.constant 0 : i32
      %dma_start3A_18 = tpu.memref_slice %arg8[%mul3A_4, %dma_start3A] : memref<10240x128xf32, #tpu.memory_space<vmem_shared>> -> memref<640x128xf32, #tpu.memory_space<vmem_shared>>
      %dma_start3A_19 = arith.constant 0 : i32
      %dma_start3A_20 = tpu.memref_slice %arg3[%mul3A_2, %dma_start3A_19] : memref<10240x128xf32, #tpu.memory_space<hbm>> -> memref<640x128xf32, #tpu.memory_space<hbm>>
      tpu.enqueue_dma source(%dma_start3A_20 : memref<640x128xf32, #tpu.memory_space<hbm>>) target(%dma_start3A_18 : memref<640x128xf32, #tpu.memory_space<vmem_shared>>) target_semaphore(%run_scoped3A : memref<!tpu.dma_semaphore, #tpu.memory_space<semaphore_mem>>)
      %dma_wait3A = arith.constant 0 : i32
      %dma_wait3A_21 = tpu.memref_slice %arg8[%mul3A_4, %dma_wait3A] : memref<10240x128xf32, #tpu.memory_space<vmem_shared>> -> memref<640x128xf32, #tpu.memory_space<vmem_shared>>
      %dma_wait3A_22 = arith.constant 0 : i32
      %dma_wait3A_23 = tpu.memref_slice %arg3[%mul3A_2, %dma_wait3A_22] : memref<10240x128xf32, #tpu.memory_space<hbm>> -> memref<640x128xf32, #tpu.memory_space<hbm>>
      tpu.wait_dma2 semaphore(%run_scoped3A : memref<!tpu.dma_semaphore, #tpu.memory_space<semaphore_mem>>) src(%dma_wait3A_23 : memref<640x128xf32, #tpu.memory_space<hbm>>) dst(%dma_wait3A_21 : memref<640x128xf32, #tpu.memory_space<vmem_shared>>)
      tpu.yield
    }) : () -> ()
    "tpu.region"() ({
      %run_scoped3A = tpu.sem_alloc : memref<!tpu.dma_semaphore, #tpu.memory_space<semaphore_mem>>
      %dma_start3A = arith.constant 0 : i32
      %dma_start3A_18 = arith.constant 0 : i32
      %dma_start3A_19 = tpu.memref_slice %arg2[%add3A, %dma_start3A, %dma_start3A_18] : memref<32x125x80xi32, #tpu.memory_space<hbm>> -> memref<1x125x80xi32, #tpu.memory_space<hbm>>
      %dma_start3A_20 = tpu.memref_squeeze %dma_start3A_19 : memref<1x125x80xi32, #tpu.memory_space<hbm>> -> memref<125x80xi32, #tpu.memory_space<hbm>>
      %dma_start3A_21 = arith.constant 0 : i32
      %dma_start3A_22 = arith.constant 0 : i32
      %dma_start3A_23 = tpu.memref_slice %arg2[%add3A, %dma_start3A_21, %dma_start3A_22] : memref<32x125x80xi32, #tpu.memory_space<hbm>> -> memref<1x125x80xi32, #tpu.memory_space<hbm>>
      %dma_start3A_24 = tpu.memref_squeeze %dma_start3A_23 : memref<1x125x80xi32, #tpu.memory_space<hbm>> -> memref<125x80xi32, #tpu.memory_space<hbm>>
      tpu.enqueue_dma source(%dma_start3A_24 : memref<125x80xi32, #tpu.memory_space<hbm>>) target(%arg6 : memref<125x80xi32, #tpu.memory_space<vmem>>) target_semaphore(%run_scoped3A : memref<!tpu.dma_semaphore, #tpu.memory_space<semaphore_mem>>)
      %dma_wait3A = arith.constant 0 : i32
      %dma_wait3A_25 = arith.constant 0 : i32
      %dma_wait3A_26 = tpu.memref_slice %arg2[%add3A, %dma_wait3A, %dma_wait3A_25] : memref<32x125x80xi32, #tpu.memory_space<hbm>> -> memref<1x125x80xi32, #tpu.memory_space<hbm>>
      %dma_wait3A_27 = tpu.memref_squeeze %dma_wait3A_26 : memref<1x125x80xi32, #tpu.memory_space<hbm>> -> memref<125x80xi32, #tpu.memory_space<hbm>>
      %dma_wait3A_28 = arith.constant 0 : i32
      %dma_wait3A_29 = arith.constant 0 : i32
      %dma_wait3A_30 = tpu.memref_slice %arg2[%add3A, %dma_wait3A_28, %dma_wait3A_29] : memref<32x125x80xi32, #tpu.memory_space<hbm>> -> memref<1x125x80xi32, #tpu.memory_space<hbm>>
      %dma_wait3A_31 = tpu.memref_squeeze %dma_wait3A_30 : memref<1x125x80xi32, #tpu.memory_space<hbm>> -> memref<125x80xi32, #tpu.memory_space<hbm>>
      tpu.wait_dma2 semaphore(%run_scoped3A : memref<!tpu.dma_semaphore, #tpu.memory_space<semaphore_mem>>) src(%dma_wait3A_31 : memref<125x80xi32, #tpu.memory_space<hbm>>) dst(%arg6 : memref<125x80xi32, #tpu.memory_space<vmem>>)
      tpu.yield
    }) : () -> ()
    "tpu.region"() ({
      %run_scoped3A = tpu.sem_alloc : memref<!tpu.dma_semaphore, #tpu.memory_space<semaphore_mem>>
      tpu.enqueue_dma source(%arg4 : memref<80x128xf32, #tpu.memory_space<hbm>>) target(%arg7 : memref<80x128xf32, #tpu.memory_space<vmem>>) target_semaphore(%run_scoped3A : memref<!tpu.dma_semaphore, #tpu.memory_space<semaphore_mem>>)
      tpu.wait_dma2 semaphore(%run_scoped3A : memref<!tpu.dma_semaphore, #tpu.memory_space<semaphore_mem>>) src(%arg4 : memref<80x128xf32, #tpu.memory_space<hbm>>) dst(%arg7 : memref<80x128xf32, #tpu.memory_space<vmem>>)
      tpu.yield
    }) : () -> ()
    %barrier3A = arith.constant 0 : index
    tpu.barrier barrier_id(%barrier3A)
    %scan3A = arith.constant 0 : i32
    %scan3A_5 = arith.constant 0 : i32
    %scan3A_6 = arith.constant 125 : i32
    %scan3A_7 = arith.addi %scan3A_5, %scan3A_6 : i32
    %scan3A_8 = arith.constant 1 : i32
    scf.for %scan3A_18 = %scan3A_5 to %scan3A_7 step %scan3A_8  : i32 {
      "tpu.region"() ({
        %run_scoped3A = tpu.sem_alloc : memref<!tpu.dma_semaphore, #tpu.memory_space<semaphore_mem>>
        %dma_start3A = arith.constant 0 : i32
        %dma_start3A_19 = tpu.memref_slice %arg6[%scan3A_18, %dma_start3A] : memref<125x80xi32, #tpu.memory_space<vmem>> -> memref<1x80xi32, #tpu.memory_space<vmem>>
        %dma_start3A_20 = tpu.memref_squeeze %dma_start3A_19 : memref<1x80xi32, #tpu.memory_space<vmem>> -> memref<80xi32, #tpu.memory_space<vmem>>
        %dma_start3A_21 = arith.constant 0 : i32
        %dma_start3A_22 = arith.constant 0 : i32
        %dma_start3A_23 = tpu.memref_slice %arg8[%dma_start3A_21, %dma_start3A_22] : memref<10240x128xf32, #tpu.memory_space<vmem_shared>> -> memref<10240x128xf32, #tpu.memory_space<vmem_shared>>
        tpu.enqueue_indirect_dma source(%arg7 : memref<80x128xf32, #tpu.memory_space<vmem>>) target(%dma_start3A_23 : memref<10240x128xf32, #tpu.memory_space<vmem_shared>>) offsets(%dma_start3A_20 : memref<80xi32, #tpu.memory_space<vmem>>) semaphore(%run_scoped3A : memref<!tpu.dma_semaphore, #tpu.memory_space<semaphore_mem>>) {add = true}
        %dma_wait3A = arith.constant 0 : i32
        %dma_wait3A_24 = tpu.memref_slice %arg6[%scan3A_18, %dma_wait3A] : memref<125x80xi32, #tpu.memory_space<vmem>> -> memref<1x80xi32, #tpu.memory_space<vmem>>
        %dma_wait3A_25 = tpu.memref_squeeze %dma_wait3A_24 : memref<1x80xi32, #tpu.memory_space<vmem>> -> memref<80xi32, #tpu.memory_space<vmem>>
        %dma_wait3A_26 = arith.constant 0 : i32
        %dma_wait3A_27 = arith.constant 0 : i32
        %dma_wait3A_28 = tpu.memref_slice %arg8[%dma_wait3A_26, %dma_wait3A_27] : memref<10240x128xf32, #tpu.memory_space<vmem_shared>> -> memref<10240x128xf32, #tpu.memory_space<vmem_shared>>
        tpu.wait_indirect_dma semaphore(%run_scoped3A : memref<!tpu.dma_semaphore, #tpu.memory_space<semaphore_mem>>) src(%arg7 : memref<80x128xf32, #tpu.memory_space<vmem>>) dst(%dma_wait3A_28 : memref<10240x128xf32, #tpu.memory_space<vmem_shared>>)
        tpu.yield
      }) : () -> ()
    }
    %scan3A_9 = arith.constant 125 : i32
    %barrier3A_10 = arith.constant 0 : index
    tpu.barrier barrier_id(%barrier3A_10)
    %mul3A_11 = arith.constant 640 : i32
    %mul3A_12 = arith.muli %arg1, %mul3A_11 : i32
    %mul3A_13 = arith.constant 10240 : i32
    %mul3A_14 = arith.muli %arg0, %mul3A_13 : i32
    %mul3A_15 = arith.constant 640 : i32
    %mul3A_16 = arith.muli %arg1, %mul3A_15 : i32
    %add3A_17 = arith.addi %mul3A_14, %mul3A_16 : i32
    "tpu.region"() ({
      %run_scoped3A = tpu.sem_alloc : memref<!tpu.dma_semaphore, #tpu.memory_space<semaphore_mem>>
      %dma_start3A = arith.constant 0 : i32
      %dma_start3A_18 = tpu.memref_slice %arg5[%add3A_17, %dma_start3A] : memref<20480x128xf32, #tpu.memory_space<hbm>> -> memref<640x128xf32, #tpu.memory_space<hbm>>
      %dma_start3A_19 = arith.constant 0 : i32
      %dma_start3A_20 = tpu.memref_slice %arg8[%mul3A_12, %dma_start3A_19] : memref<10240x128xf32, #tpu.memory_space<vmem_shared>> -> memref<640x128xf32, #tpu.memory_space<vmem_shared>>
      tpu.enqueue_dma source(%dma_start3A_20 : memref<640x128xf32, #tpu.memory_space<vmem_shared>>) target(%dma_start3A_18 : memref<640x128xf32, #tpu.memory_space<hbm>>) target_semaphore(%run_scoped3A : memref<!tpu.dma_semaphore, #tpu.memory_space<semaphore_mem>>)
      %dma_wait3A = arith.constant 0 : i32
      %dma_wait3A_21 = tpu.memref_slice %arg5[%add3A_17, %dma_wait3A] : memref<20480x128xf32, #tpu.memory_space<hbm>> -> memref<640x128xf32, #tpu.memory_space<hbm>>
      %dma_wait3A_22 = arith.constant 0 : i32
      %dma_wait3A_23 = tpu.memref_slice %arg8[%mul3A_12, %dma_wait3A_22] : memref<10240x128xf32, #tpu.memory_space<vmem_shared>> -> memref<640x128xf32, #tpu.memory_space<vmem_shared>>
      tpu.wait_dma2 semaphore(%run_scoped3A : memref<!tpu.dma_semaphore, #tpu.memory_space<semaphore_mem>>) src(%dma_wait3A_23 : memref<640x128xf32, #tpu.memory_space<vmem_shared>>) dst(%dma_wait3A_21 : memref<640x128xf32, #tpu.memory_space<hbm>>)
      tpu.yield
    }) : () -> ()
    return
  }
}

#map = affine_map<(d0, d1) -> (0, 0)>
#map1 = affine_map<(d0, d1) -> (0, 0, 0)>
module attributes {stable_mosaic.version = 14 : i64} {
  func.func @k(%arg0: i32, %arg1: i32, %arg2: memref<320000x128xf32, #tpu.memory_space<hbm>>, %arg3: memref<32x125x80xi32, #tpu.memory_space<hbm>>, %arg4: memref<10240x128xf32, #tpu.memory_space<hbm>>, %arg5: memref<20480x128xf32, #tpu.memory_space<hbm>>, %arg6: memref<125x80xi32, #tpu.memory_space<vmem>>, %arg7: memref<80x128xf32, #tpu.memory_space<vmem>>, %arg8: memref<80x128xf32, #tpu.memory_space<vmem>>, %arg9: memref<10240x128xf32, #tpu.memory_space<vmem_shared>>, %arg10: memref<!tpu.dma_semaphore, #tpu.memory_space<semaphore_mem>>, %arg11: memref<!tpu.dma_semaphore, #tpu.memory_space<semaphore_mem>>) attributes {dimension_semantics = [#tpu.dimension_semantics<core_parallel>, #tpu.dimension_semantics<subcore_parallel>], iteration_bounds = array<i64: 2, 16>, scalar_prefetch = 0 : i64, scratch_operands = 6 : i64, tpu.core_type = #tpu.core_type<sc_vector_subcore>, window_params = [{transform_indices = #map}, {transform_indices = #map1}, {transform_indices = #map}, {transform_indices = #map}]} {
    %mul3A = arith.constant 2 : i32
    %mul3A_0 = arith.muli %arg1, %mul3A : i32
    %add3A = arith.addi %mul3A_0, %arg0 : i32
    %mul3A_1 = arith.constant 640 : i32
    %mul3A_2 = arith.muli %arg1, %mul3A_1 : i32
    %mul3A_3 = arith.constant 640 : i32
    %mul3A_4 = arith.muli %arg1, %mul3A_3 : i32
    "tpu.region"() ({
      %run_scoped3A_30 = tpu.sem_alloc : memref<!tpu.dma_semaphore, #tpu.memory_space<semaphore_mem>>
      %dma_start3A_31 = arith.constant 0 : i32
      %dma_start3A_32 = tpu.memref_slice %arg9[%mul3A_4, %dma_start3A_31] : memref<10240x128xf32, #tpu.memory_space<vmem_shared>> -> memref<640x128xf32, #tpu.memory_space<vmem_shared>>
      %dma_start3A_33 = arith.constant 0 : i32
      %dma_start3A_34 = tpu.memref_slice %arg4[%mul3A_2, %dma_start3A_33] : memref<10240x128xf32, #tpu.memory_space<hbm>> -> memref<640x128xf32, #tpu.memory_space<hbm>>
      tpu.enqueue_dma source(%dma_start3A_34 : memref<640x128xf32, #tpu.memory_space<hbm>>) target(%dma_start3A_32 : memref<640x128xf32, #tpu.memory_space<vmem_shared>>) target_semaphore(%run_scoped3A_30 : memref<!tpu.dma_semaphore, #tpu.memory_space<semaphore_mem>>)
      %dma_wait3A_35 = arith.constant 0 : i32
      %dma_wait3A_36 = tpu.memref_slice %arg9[%mul3A_4, %dma_wait3A_35] : memref<10240x128xf32, #tpu.memory_space<vmem_shared>> -> memref<640x128xf32, #tpu.memory_space<vmem_shared>>
      %dma_wait3A_37 = arith.constant 0 : i32
      %dma_wait3A_38 = tpu.memref_slice %arg4[%mul3A_2, %dma_wait3A_37] : memref<10240x128xf32, #tpu.memory_space<hbm>> -> memref<640x128xf32, #tpu.memory_space<hbm>>
      tpu.wait_dma2 semaphore(%run_scoped3A_30 : memref<!tpu.dma_semaphore, #tpu.memory_space<semaphore_mem>>) src(%dma_wait3A_38 : memref<640x128xf32, #tpu.memory_space<hbm>>) dst(%dma_wait3A_36 : memref<640x128xf32, #tpu.memory_space<vmem_shared>>)
      tpu.yield
    }) : () -> ()
    "tpu.region"() ({
      %run_scoped3A_30 = tpu.sem_alloc : memref<!tpu.dma_semaphore, #tpu.memory_space<semaphore_mem>>
      %dma_start3A_31 = arith.constant 0 : i32
      %dma_start3A_32 = arith.constant 0 : i32
      %dma_start3A_33 = tpu.memref_slice %arg3[%add3A, %dma_start3A_31, %dma_start3A_32] : memref<32x125x80xi32, #tpu.memory_space<hbm>> -> memref<1x125x80xi32, #tpu.memory_space<hbm>>
      %dma_start3A_34 = tpu.memref_squeeze %dma_start3A_33 : memref<1x125x80xi32, #tpu.memory_space<hbm>> -> memref<125x80xi32, #tpu.memory_space<hbm>>
      %dma_start3A_35 = arith.constant 0 : i32
      %dma_start3A_36 = arith.constant 0 : i32
      %dma_start3A_37 = tpu.memref_slice %arg3[%add3A, %dma_start3A_35, %dma_start3A_36] : memref<32x125x80xi32, #tpu.memory_space<hbm>> -> memref<1x125x80xi32, #tpu.memory_space<hbm>>
      %dma_start3A_38 = tpu.memref_squeeze %dma_start3A_37 : memref<1x125x80xi32, #tpu.memory_space<hbm>> -> memref<125x80xi32, #tpu.memory_space<hbm>>
      tpu.enqueue_dma source(%dma_start3A_38 : memref<125x80xi32, #tpu.memory_space<hbm>>) target(%arg6 : memref<125x80xi32, #tpu.memory_space<vmem>>) target_semaphore(%run_scoped3A_30 : memref<!tpu.dma_semaphore, #tpu.memory_space<semaphore_mem>>)
      %dma_wait3A_39 = arith.constant 0 : i32
      %dma_wait3A_40 = arith.constant 0 : i32
      %dma_wait3A_41 = tpu.memref_slice %arg3[%add3A, %dma_wait3A_39, %dma_wait3A_40] : memref<32x125x80xi32, #tpu.memory_space<hbm>> -> memref<1x125x80xi32, #tpu.memory_space<hbm>>
      %dma_wait3A_42 = tpu.memref_squeeze %dma_wait3A_41 : memref<1x125x80xi32, #tpu.memory_space<hbm>> -> memref<125x80xi32, #tpu.memory_space<hbm>>
      %dma_wait3A_43 = arith.constant 0 : i32
      %dma_wait3A_44 = arith.constant 0 : i32
      %dma_wait3A_45 = tpu.memref_slice %arg3[%add3A, %dma_wait3A_43, %dma_wait3A_44] : memref<32x125x80xi32, #tpu.memory_space<hbm>> -> memref<1x125x80xi32, #tpu.memory_space<hbm>>
      %dma_wait3A_46 = tpu.memref_squeeze %dma_wait3A_45 : memref<1x125x80xi32, #tpu.memory_space<hbm>> -> memref<125x80xi32, #tpu.memory_space<hbm>>
      tpu.wait_dma2 semaphore(%run_scoped3A_30 : memref<!tpu.dma_semaphore, #tpu.memory_space<semaphore_mem>>) src(%dma_wait3A_46 : memref<125x80xi32, #tpu.memory_space<hbm>>) dst(%arg6 : memref<125x80xi32, #tpu.memory_space<vmem>>)
      tpu.yield
    }) : () -> ()
    %barrier3A = arith.constant 0 : index
    tpu.barrier barrier_id(%barrier3A)
    %mul3A_5 = arith.constant 10000 : i32
    %mul3A_6 = arith.muli %add3A, %mul3A_5 : i32
    %add3A_7 = arith.constant 0 : i32
    %add3A_8 = arith.addi %mul3A_6, %add3A_7 : i32
    %dma_start3A = arith.constant 0 : i32
    %dma_start3A_9 = tpu.memref_slice %arg2[%add3A_8, %dma_start3A] : memref<320000x128xf32, #tpu.memory_space<hbm>> -> memref<80x128xf32, #tpu.memory_space<hbm>>
    %dma_start3A_10 = arith.constant 0 : i32
    %dma_start3A_11 = tpu.memref_slice %arg2[%add3A_8, %dma_start3A_10] : memref<320000x128xf32, #tpu.memory_space<hbm>> -> memref<80x128xf32, #tpu.memory_space<hbm>>
    tpu.enqueue_dma source(%dma_start3A_11 : memref<80x128xf32, #tpu.memory_space<hbm>>) target(%arg7 : memref<80x128xf32, #tpu.memory_space<vmem>>) target_semaphore(%arg10 : memref<!tpu.dma_semaphore, #tpu.memory_space<semaphore_mem>>)
    %scan3A = arith.constant 0 : i32
    %scan3A_12 = arith.constant 0 : i32
    %scan3A_13 = arith.constant 62 : i32
    %scan3A_14 = arith.addi %scan3A_12, %scan3A_13 : i32
    %scan3A_15 = arith.constant 1 : i32
    scf.for %scan3A_30 = %scan3A_12 to %scan3A_14 step %scan3A_15  : i32 {
      %mul3A_31 = arith.constant 2 : i32
      %mul3A_32 = arith.muli %mul3A_31, %scan3A_30 : i32
      %add3A_33 = arith.constant 1 : i32
      %add3A_34 = arith.addi %mul3A_32, %add3A_33 : i32
      %mul3A_35 = arith.constant 10000 : i32
      %mul3A_36 = arith.muli %add3A, %mul3A_35 : i32
      %mul3A_37 = arith.constant 80 : i32
      %mul3A_38 = arith.muli %add3A_34, %mul3A_37 : i32
      %add3A_39 = arith.addi %mul3A_36, %mul3A_38 : i32
      %dma_start3A_40 = arith.constant 0 : i32
      %dma_start3A_41 = tpu.memref_slice %arg2[%add3A_39, %dma_start3A_40] : memref<320000x128xf32, #tpu.memory_space<hbm>> -> memref<80x128xf32, #tpu.memory_space<hbm>>
      %dma_start3A_42 = arith.constant 0 : i32
      %dma_start3A_43 = tpu.memref_slice %arg2[%add3A_39, %dma_start3A_42] : memref<320000x128xf32, #tpu.memory_space<hbm>> -> memref<80x128xf32, #tpu.memory_space<hbm>>
      tpu.enqueue_dma source(%dma_start3A_43 : memref<80x128xf32, #tpu.memory_space<hbm>>) target(%arg8 : memref<80x128xf32, #tpu.memory_space<vmem>>) target_semaphore(%arg11 : memref<!tpu.dma_semaphore, #tpu.memory_space<semaphore_mem>>)
      %dma_wait3A_44 = arith.constant 0 : i32
      %dma_wait3A_45 = arith.constant 0 : i32
      %dma_wait3A_46 = tpu.memref_slice %arg2[%dma_wait3A_44, %dma_wait3A_45] : memref<320000x128xf32, #tpu.memory_space<hbm>> -> memref<80x128xf32, #tpu.memory_space<hbm>>
      %dma_wait3A_47 = arith.constant 0 : i32
      %dma_wait3A_48 = arith.constant 0 : i32
      %dma_wait3A_49 = tpu.memref_slice %arg2[%dma_wait3A_47, %dma_wait3A_48] : memref<320000x128xf32, #tpu.memory_space<hbm>> -> memref<80x128xf32, #tpu.memory_space<hbm>>
      tpu.wait_dma2 semaphore(%arg10 : memref<!tpu.dma_semaphore, #tpu.memory_space<semaphore_mem>>) src(%dma_wait3A_49 : memref<80x128xf32, #tpu.memory_space<hbm>>) dst(%arg7 : memref<80x128xf32, #tpu.memory_space<vmem>>)
      "tpu.region"() ({
        %run_scoped3A_69 = tpu.sem_alloc : memref<!tpu.dma_semaphore, #tpu.memory_space<semaphore_mem>>
        %dma_start3A_70 = arith.constant 0 : i32
        %dma_start3A_71 = tpu.memref_slice %arg6[%mul3A_32, %dma_start3A_70] : memref<125x80xi32, #tpu.memory_space<vmem>> -> memref<1x80xi32, #tpu.memory_space<vmem>>
        %dma_start3A_72 = tpu.memref_squeeze %dma_start3A_71 : memref<1x80xi32, #tpu.memory_space<vmem>> -> memref<80xi32, #tpu.memory_space<vmem>>
        %dma_start3A_73 = arith.constant 0 : i32
        %dma_start3A_74 = arith.constant 0 : i32
        %dma_start3A_75 = tpu.memref_slice %arg9[%dma_start3A_73, %dma_start3A_74] : memref<10240x128xf32, #tpu.memory_space<vmem_shared>> -> memref<10240x128xf32, #tpu.memory_space<vmem_shared>>
        tpu.enqueue_indirect_dma source(%arg7 : memref<80x128xf32, #tpu.memory_space<vmem>>) target(%dma_start3A_75 : memref<10240x128xf32, #tpu.memory_space<vmem_shared>>) offsets(%dma_start3A_72 : memref<80xi32, #tpu.memory_space<vmem>>) semaphore(%run_scoped3A_69 : memref<!tpu.dma_semaphore, #tpu.memory_space<semaphore_mem>>) {add = true}
        %dma_wait3A_76 = arith.constant 0 : i32
        %dma_wait3A_77 = tpu.memref_slice %arg6[%mul3A_32, %dma_wait3A_76] : memref<125x80xi32, #tpu.memory_space<vmem>> -> memref<1x80xi32, #tpu.memory_space<vmem>>
        %dma_wait3A_78 = tpu.memref_squeeze %dma_wait3A_77 : memref<1x80xi32, #tpu.memory_space<vmem>> -> memref<80xi32, #tpu.memory_space<vmem>>
        %dma_wait3A_79 = arith.constant 0 : i32
        %dma_wait3A_80 = arith.constant 0 : i32
        %dma_wait3A_81 = tpu.memref_slice %arg9[%dma_wait3A_79, %dma_wait3A_80] : memref<10240x128xf32, #tpu.memory_space<vmem_shared>> -> memref<10240x128xf32, #tpu.memory_space<vmem_shared>>
        tpu.wait_indirect_dma semaphore(%run_scoped3A_69 : memref<!tpu.dma_semaphore, #tpu.memory_space<semaphore_mem>>) src(%arg7 : memref<80x128xf32, #tpu.memory_space<vmem>>) dst(%dma_wait3A_81 : memref<10240x128xf32, #tpu.memory_space<vmem_shared>>)
        tpu.yield
      }) : () -> ()
      %add3A_50 = arith.constant 2 : i32
      %add3A_51 = arith.addi %mul3A_32, %add3A_50 : i32
      %mul3A_52 = arith.constant 10000 : i32
      %mul3A_53 = arith.muli %add3A, %mul3A_52 : i32
      %mul3A_54 = arith.constant 80 : i32
      %mul3A_55 = arith.muli %add3A_51, %mul3A_54 : i32
      %add3A_56 = arith.addi %mul3A_53, %mul3A_55 : i32
      %dma_start3A_57 = arith.constant 0 : i32
      %dma_start3A_58 = tpu.memref_slice %arg2[%add3A_56, %dma_start3A_57] : memref<320000x128xf32, #tpu.memory_space<hbm>> -> memref<80x128xf32, #tpu.memory_space<hbm>>
      %dma_start3A_59 = arith.constant 0 : i32
      %dma_start3A_60 = tpu.memref_slice %arg2[%add3A_56, %dma_start3A_59] : memref<320000x128xf32, #tpu.memory_space<hbm>> -> memref<80x128xf32, #tpu.memory_space<hbm>>
      tpu.enqueue_dma source(%dma_start3A_60 : memref<80x128xf32, #tpu.memory_space<hbm>>) target(%arg7 : memref<80x128xf32, #tpu.memory_space<vmem>>) target_semaphore(%arg10 : memref<!tpu.dma_semaphore, #tpu.memory_space<semaphore_mem>>)
      %dma_wait3A_61 = arith.constant 0 : i32
      %dma_wait3A_62 = arith.constant 0 : i32
      %dma_wait3A_63 = tpu.memref_slice %arg2[%dma_wait3A_61, %dma_wait3A_62] : memref<320000x128xf32, #tpu.memory_space<hbm>> -> memref<80x128xf32, #tpu.memory_space<hbm>>
      %dma_wait3A_64 = arith.constant 0 : i32
      %dma_wait3A_65 = arith.constant 0 : i32
      %dma_wait3A_66 = tpu.memref_slice %arg2[%dma_wait3A_64, %dma_wait3A_65] : memref<320000x128xf32, #tpu.memory_space<hbm>> -> memref<80x128xf32, #tpu.memory_space<hbm>>
      tpu.wait_dma2 semaphore(%arg11 : memref<!tpu.dma_semaphore, #tpu.memory_space<semaphore_mem>>) src(%dma_wait3A_66 : memref<80x128xf32, #tpu.memory_space<hbm>>) dst(%arg8 : memref<80x128xf32, #tpu.memory_space<vmem>>)
      %add3A_67 = arith.constant 1 : i32
      %add3A_68 = arith.addi %mul3A_32, %add3A_67 : i32
      "tpu.region"() ({
        %run_scoped3A_69 = tpu.sem_alloc : memref<!tpu.dma_semaphore, #tpu.memory_space<semaphore_mem>>
        %dma_start3A_70 = arith.constant 0 : i32
        %dma_start3A_71 = tpu.memref_slice %arg6[%add3A_68, %dma_start3A_70] : memref<125x80xi32, #tpu.memory_space<vmem>> -> memref<1x80xi32, #tpu.memory_space<vmem>>
        %dma_start3A_72 = tpu.memref_squeeze %dma_start3A_71 : memref<1x80xi32, #tpu.memory_space<vmem>> -> memref<80xi32, #tpu.memory_space<vmem>>
        %dma_start3A_73 = arith.constant 0 : i32
        %dma_start3A_74 = arith.constant 0 : i32
        %dma_start3A_75 = tpu.memref_slice %arg9[%dma_start3A_73, %dma_start3A_74] : memref<10240x128xf32, #tpu.memory_space<vmem_shared>> -> memref<10240x128xf32, #tpu.memory_space<vmem_shared>>
        tpu.enqueue_indirect_dma source(%arg8 : memref<80x128xf32, #tpu.memory_space<vmem>>) target(%dma_start3A_75 : memref<10240x128xf32, #tpu.memory_space<vmem_shared>>) offsets(%dma_start3A_72 : memref<80xi32, #tpu.memory_space<vmem>>) semaphore(%run_scoped3A_69 : memref<!tpu.dma_semaphore, #tpu.memory_space<semaphore_mem>>) {add = true}
        %dma_wait3A_76 = arith.constant 0 : i32
        %dma_wait3A_77 = tpu.memref_slice %arg6[%add3A_68, %dma_wait3A_76] : memref<125x80xi32, #tpu.memory_space<vmem>> -> memref<1x80xi32, #tpu.memory_space<vmem>>
        %dma_wait3A_78 = tpu.memref_squeeze %dma_wait3A_77 : memref<1x80xi32, #tpu.memory_space<vmem>> -> memref<80xi32, #tpu.memory_space<vmem>>
        %dma_wait3A_79 = arith.constant 0 : i32
        %dma_wait3A_80 = arith.constant 0 : i32
        %dma_wait3A_81 = tpu.memref_slice %arg9[%dma_wait3A_79, %dma_wait3A_80] : memref<10240x128xf32, #tpu.memory_space<vmem_shared>> -> memref<10240x128xf32, #tpu.memory_space<vmem_shared>>
        tpu.wait_indirect_dma semaphore(%run_scoped3A_69 : memref<!tpu.dma_semaphore, #tpu.memory_space<semaphore_mem>>) src(%arg8 : memref<80x128xf32, #tpu.memory_space<vmem>>) dst(%dma_wait3A_81 : memref<10240x128xf32, #tpu.memory_space<vmem_shared>>)
        tpu.yield
      }) : () -> ()
    }
    %scan3A_16 = arith.constant 62 : i32
    %dma_wait3A = arith.constant 0 : i32
    %dma_wait3A_17 = arith.constant 0 : i32
    %dma_wait3A_18 = tpu.memref_slice %arg2[%dma_wait3A, %dma_wait3A_17] : memref<320000x128xf32, #tpu.memory_space<hbm>> -> memref<80x128xf32, #tpu.memory_space<hbm>>
    %dma_wait3A_19 = arith.constant 0 : i32
    %dma_wait3A_20 = arith.constant 0 : i32
    %dma_wait3A_21 = tpu.memref_slice %arg2[%dma_wait3A_19, %dma_wait3A_20] : memref<320000x128xf32, #tpu.memory_space<hbm>> -> memref<80x128xf32, #tpu.memory_space<hbm>>
    tpu.wait_dma2 semaphore(%arg10 : memref<!tpu.dma_semaphore, #tpu.memory_space<semaphore_mem>>) src(%dma_wait3A_21 : memref<80x128xf32, #tpu.memory_space<hbm>>) dst(%arg7 : memref<80x128xf32, #tpu.memory_space<vmem>>)
    %run_scoped3A = arith.constant 124 : i32
    "tpu.region"() ({
      %run_scoped3A_30 = tpu.sem_alloc : memref<!tpu.dma_semaphore, #tpu.memory_space<semaphore_mem>>
      %dma_start3A_31 = arith.constant 0 : i32
      %dma_start3A_32 = tpu.memref_slice %arg6[%run_scoped3A, %dma_start3A_31] : memref<125x80xi32, #tpu.memory_space<vmem>> -> memref<1x80xi32, #tpu.memory_space<vmem>>
      %dma_start3A_33 = tpu.memref_squeeze %dma_start3A_32 : memref<1x80xi32, #tpu.memory_space<vmem>> -> memref<80xi32, #tpu.memory_space<vmem>>
      %dma_start3A_34 = arith.constant 0 : i32
      %dma_start3A_35 = arith.constant 0 : i32
      %dma_start3A_36 = tpu.memref_slice %arg9[%dma_start3A_34, %dma_start3A_35] : memref<10240x128xf32, #tpu.memory_space<vmem_shared>> -> memref<10240x128xf32, #tpu.memory_space<vmem_shared>>
      tpu.enqueue_indirect_dma source(%arg7 : memref<80x128xf32, #tpu.memory_space<vmem>>) target(%dma_start3A_36 : memref<10240x128xf32, #tpu.memory_space<vmem_shared>>) offsets(%dma_start3A_33 : memref<80xi32, #tpu.memory_space<vmem>>) semaphore(%run_scoped3A_30 : memref<!tpu.dma_semaphore, #tpu.memory_space<semaphore_mem>>) {add = true}
      %dma_wait3A_37 = arith.constant 0 : i32
      %dma_wait3A_38 = tpu.memref_slice %arg6[%run_scoped3A, %dma_wait3A_37] : memref<125x80xi32, #tpu.memory_space<vmem>> -> memref<1x80xi32, #tpu.memory_space<vmem>>
      %dma_wait3A_39 = tpu.memref_squeeze %dma_wait3A_38 : memref<1x80xi32, #tpu.memory_space<vmem>> -> memref<80xi32, #tpu.memory_space<vmem>>
      %dma_wait3A_40 = arith.constant 0 : i32
      %dma_wait3A_41 = arith.constant 0 : i32
      %dma_wait3A_42 = tpu.memref_slice %arg9[%dma_wait3A_40, %dma_wait3A_41] : memref<10240x128xf32, #tpu.memory_space<vmem_shared>> -> memref<10240x128xf32, #tpu.memory_space<vmem_shared>>
      tpu.wait_indirect_dma semaphore(%run_scoped3A_30 : memref<!tpu.dma_semaphore, #tpu.memory_space<semaphore_mem>>) src(%arg7 : memref<80x128xf32, #tpu.memory_space<vmem>>) dst(%dma_wait3A_42 : memref<10240x128xf32, #tpu.memory_space<vmem_shared>>)
      tpu.yield
    }) : () -> ()
    %barrier3A_22 = arith.constant 0 : index
    tpu.barrier barrier_id(%barrier3A_22)
    %mul3A_23 = arith.constant 640 : i32
    %mul3A_24 = arith.muli %arg1, %mul3A_23 : i32
    %mul3A_25 = arith.constant 10240 : i32
    %mul3A_26 = arith.muli %arg0, %mul3A_25 : i32
    %mul3A_27 = arith.constant 640 : i32
    %mul3A_28 = arith.muli %arg1, %mul3A_27 : i32
    %add3A_29 = arith.addi %mul3A_26, %mul3A_28 : i32
    "tpu.region"() ({
      %run_scoped3A_30 = tpu.sem_alloc : memref<!tpu.dma_semaphore, #tpu.memory_space<semaphore_mem>>
      %dma_start3A_31 = arith.constant 0 : i32
      %dma_start3A_32 = tpu.memref_slice %arg5[%add3A_29, %dma_start3A_31] : memref<20480x128xf32, #tpu.memory_space<hbm>> -> memref<640x128xf32, #tpu.memory_space<hbm>>
      %dma_start3A_33 = arith.constant 0 : i32
      %dma_start3A_34 = tpu.memref_slice %arg9[%mul3A_24, %dma_start3A_33] : memref<10240x128xf32, #tpu.memory_space<vmem_shared>> -> memref<640x128xf32, #tpu.memory_space<vmem_shared>>
      tpu.enqueue_dma source(%dma_start3A_34 : memref<640x128xf32, #tpu.memory_space<vmem_shared>>) target(%dma_start3A_32 : memref<640x128xf32, #tpu.memory_space<hbm>>) target_semaphore(%run_scoped3A_30 : memref<!tpu.dma_semaphore, #tpu.memory_space<semaphore_mem>>)
      %dma_wait3A_35 = arith.constant 0 : i32
      %dma_wait3A_36 = tpu.memref_slice %arg5[%add3A_29, %dma_wait3A_35] : memref<20480x128xf32, #tpu.memory_space<hbm>> -> memref<640x128xf32, #tpu.memory_space<hbm>>
      %dma_wait3A_37 = arith.constant 0 : i32
      %dma_wait3A_38 = tpu.memref_slice %arg9[%mul3A_24, %dma_wait3A_37] : memref<10240x128xf32, #tpu.memory_space<vmem_shared>> -> memref<640x128xf32, #tpu.memory_space<vmem_shared>>
      tpu.wait_dma2 semaphore(%run_scoped3A_30 : memref<!tpu.dma_semaphore, #tpu.memory_space<semaphore_mem>>) src(%dma_wait3A_38 : memref<640x128xf32, #tpu.memory_space<vmem_shared>>) dst(%dma_wait3A_36 : memref<640x128xf32, #tpu.memory_space<hbm>>)
      tpu.yield
    }) : () -> ()
    return
  }
}

#map = affine_map<(d0, d1) -> (0)>
#map1 = affine_map<(d0, d1) -> (0, 0)>
module attributes {stable_mosaic.version = 14 : i64} {
  func.func @k(%arg0: i32, %arg1: i32, %arg2: memref<320000xi32, #tpu.memory_space<hbm>>, %arg3: memref<320000xi32, #tpu.memory_space<hbm>>, %arg4: memref<10000x256xf32, #tpu.memory_space<hbm>>, %arg5: memref<10000x128xf32, #tpu.memory_space<hbm>>, %arg6: memref<320000x256xf32, #tpu.memory_space<hbm>>, %arg7: memref<320000x128xf32, #tpu.memory_space<hbm>>, %arg8: memref<10000xi32, #tpu.memory_space<vmem>>, %arg9: memref<10000xi32, #tpu.memory_space<vmem>>, %arg10: memref<80x256xf32, #tpu.memory_space<vmem>>, %arg11: memref<80x256xf32, #tpu.memory_space<vmem>>, %arg12: memref<80x128xf32, #tpu.memory_space<vmem>>, %arg13: memref<80x128xf32, #tpu.memory_space<vmem>>, %arg14: memref<!tpu.dma_semaphore, #tpu.memory_space<semaphore_mem>>, %arg15: memref<!tpu.dma_semaphore, #tpu.memory_space<semaphore_mem>>, %arg16: memref<!tpu.dma_semaphore, #tpu.memory_space<semaphore_mem>>, %arg17: memref<!tpu.dma_semaphore, #tpu.memory_space<semaphore_mem>>) attributes {dimension_semantics = [#tpu.dimension_semantics<core_parallel>, #tpu.dimension_semantics<subcore_parallel>], iteration_bounds = array<i64: 2, 16>, scalar_prefetch = 0 : i64, scratch_operands = 10 : i64, tpu.core_type = #tpu.core_type<sc_vector_subcore>, window_params = [{transform_indices = #map}, {transform_indices = #map}, {transform_indices = #map1}, {transform_indices = #map1}, {transform_indices = #map1}, {transform_indices = #map1}]} {
    %mul3A = arith.constant 2 : i32
    %mul3A_0 = arith.muli %arg1, %mul3A : i32
    %add3A = arith.addi %mul3A_0, %arg0 : i32
    %mul3A_1 = arith.constant 10000 : i32
    %mul3A_2 = arith.muli %add3A, %mul3A_1 : i32
    "tpu.region"() ({
      %run_scoped3A = tpu.sem_alloc : memref<!tpu.dma_semaphore, #tpu.memory_space<semaphore_mem>>
      %dma_start3A_28 = tpu.memref_slice %arg2[%mul3A_2] : memref<320000xi32, #tpu.memory_space<hbm>> -> memref<10000xi32, #tpu.memory_space<hbm>>
      %dma_start3A_29 = tpu.memref_slice %arg2[%mul3A_2] : memref<320000xi32, #tpu.memory_space<hbm>> -> memref<10000xi32, #tpu.memory_space<hbm>>
      tpu.enqueue_dma source(%dma_start3A_29 : memref<10000xi32, #tpu.memory_space<hbm>>) target(%arg8 : memref<10000xi32, #tpu.memory_space<vmem>>) target_semaphore(%run_scoped3A : memref<!tpu.dma_semaphore, #tpu.memory_space<semaphore_mem>>)
      %dma_wait3A_30 = tpu.memref_slice %arg2[%mul3A_2] : memref<320000xi32, #tpu.memory_space<hbm>> -> memref<10000xi32, #tpu.memory_space<hbm>>
      %dma_wait3A_31 = tpu.memref_slice %arg2[%mul3A_2] : memref<320000xi32, #tpu.memory_space<hbm>> -> memref<10000xi32, #tpu.memory_space<hbm>>
      tpu.wait_dma2 semaphore(%run_scoped3A : memref<!tpu.dma_semaphore, #tpu.memory_space<semaphore_mem>>) src(%dma_wait3A_31 : memref<10000xi32, #tpu.memory_space<hbm>>) dst(%arg8 : memref<10000xi32, #tpu.memory_space<vmem>>)
      tpu.yield
    }) : () -> ()
    "tpu.region"() ({
      %run_scoped3A = tpu.sem_alloc : memref<!tpu.dma_semaphore, #tpu.memory_space<semaphore_mem>>
      %dma_start3A_28 = tpu.memref_slice %arg3[%mul3A_2] : memref<320000xi32, #tpu.memory_space<hbm>> -> memref<10000xi32, #tpu.memory_space<hbm>>
      %dma_start3A_29 = tpu.memref_slice %arg3[%mul3A_2] : memref<320000xi32, #tpu.memory_space<hbm>> -> memref<10000xi32, #tpu.memory_space<hbm>>
      tpu.enqueue_dma source(%dma_start3A_29 : memref<10000xi32, #tpu.memory_space<hbm>>) target(%arg9 : memref<10000xi32, #tpu.memory_space<vmem>>) target_semaphore(%run_scoped3A : memref<!tpu.dma_semaphore, #tpu.memory_space<semaphore_mem>>)
      %dma_wait3A_30 = tpu.memref_slice %arg3[%mul3A_2] : memref<320000xi32, #tpu.memory_space<hbm>> -> memref<10000xi32, #tpu.memory_space<hbm>>
      %dma_wait3A_31 = tpu.memref_slice %arg3[%mul3A_2] : memref<320000xi32, #tpu.memory_space<hbm>> -> memref<10000xi32, #tpu.memory_space<hbm>>
      tpu.wait_dma2 semaphore(%run_scoped3A : memref<!tpu.dma_semaphore, #tpu.memory_space<semaphore_mem>>) src(%dma_wait3A_31 : memref<10000xi32, #tpu.memory_space<hbm>>) dst(%arg9 : memref<10000xi32, #tpu.memory_space<vmem>>)
      tpu.yield
    }) : () -> ()
    %dma_start3A = arith.constant 0 : i32
    %dma_start3A_3 = tpu.memref_slice %arg8[%dma_start3A] : memref<10000xi32, #tpu.memory_space<vmem>> -> memref<80xi32, #tpu.memory_space<vmem>>
    %dma_start3A_4 = arith.constant 0 : i32
    %dma_start3A_5 = arith.constant 0 : i32
    %dma_start3A_6 = tpu.memref_slice %arg4[%dma_start3A_4, %dma_start3A_5] : memref<10000x256xf32, #tpu.memory_space<hbm>> -> memref<10000x256xf32, #tpu.memory_space<hbm>>
    tpu.enqueue_indirect_dma source(%dma_start3A_6 : memref<10000x256xf32, #tpu.memory_space<hbm>>) target(%arg10 : memref<80x256xf32, #tpu.memory_space<vmem>>) offsets(%dma_start3A_3 : memref<80xi32, #tpu.memory_space<vmem>>) semaphore(%arg14 : memref<!tpu.dma_semaphore, #tpu.memory_space<semaphore_mem>>)
    %dma_start3A_7 = arith.constant 0 : i32
    %dma_start3A_8 = tpu.memref_slice %arg9[%dma_start3A_7] : memref<10000xi32, #tpu.memory_space<vmem>> -> memref<80xi32, #tpu.memory_space<vmem>>
    %dma_start3A_9 = arith.constant 0 : i32
    %dma_start3A_10 = arith.constant 0 : i32
    %dma_start3A_11 = tpu.memref_slice %arg5[%dma_start3A_9, %dma_start3A_10] : memref<10000x128xf32, #tpu.memory_space<hbm>> -> memref<10000x128xf32, #tpu.memory_space<hbm>>
    tpu.enqueue_indirect_dma source(%dma_start3A_11 : memref<10000x128xf32, #tpu.memory_space<hbm>>) target(%arg12 : memref<80x128xf32, #tpu.memory_space<vmem>>) offsets(%dma_start3A_8 : memref<80xi32, #tpu.memory_space<vmem>>) semaphore(%arg16 : memref<!tpu.dma_semaphore, #tpu.memory_space<semaphore_mem>>)
    %scan3A = arith.constant 0 : i32
    %scan3A_12 = arith.constant 0 : i32
    %scan3A_13 = arith.constant 62 : i32
    %scan3A_14 = arith.addi %scan3A_12, %scan3A_13 : i32
    %scan3A_15 = arith.constant 1 : i32
    scf.for %scan3A_28 = %scan3A_12 to %scan3A_14 step %scan3A_15  : i32 {
      %mul3A_29 = arith.constant 2 : i32
      %mul3A_30 = arith.muli %mul3A_29, %scan3A_28 : i32
      %add3A_31 = arith.constant 1 : i32
      %add3A_32 = arith.addi %mul3A_30, %add3A_31 : i32
      %mul3A_33 = arith.constant 80 : i32
      %mul3A_34 = arith.muli %add3A_32, %mul3A_33 : i32
      %dma_start3A_35 = tpu.memref_slice %arg8[%mul3A_34] : memref<10000xi32, #tpu.memory_space<vmem>> -> memref<80xi32, #tpu.memory_space<vmem>>
      %dma_start3A_36 = arith.constant 0 : i32
      %dma_start3A_37 = arith.constant 0 : i32
      %dma_start3A_38 = tpu.memref_slice %arg4[%dma_start3A_36, %dma_start3A_37] : memref<10000x256xf32, #tpu.memory_space<hbm>> -> memref<10000x256xf32, #tpu.memory_space<hbm>>
      tpu.enqueue_indirect_dma source(%dma_start3A_38 : memref<10000x256xf32, #tpu.memory_space<hbm>>) target(%arg11 : memref<80x256xf32, #tpu.memory_space<vmem>>) offsets(%dma_start3A_35 : memref<80xi32, #tpu.memory_space<vmem>>) semaphore(%arg15 : memref<!tpu.dma_semaphore, #tpu.memory_space<semaphore_mem>>)
      %mul3A_39 = arith.constant 80 : i32
      %mul3A_40 = arith.muli %add3A_32, %mul3A_39 : i32
      %dma_start3A_41 = tpu.memref_slice %arg9[%mul3A_40] : memref<10000xi32, #tpu.memory_space<vmem>> -> memref<80xi32, #tpu.memory_space<vmem>>
      %dma_start3A_42 = arith.constant 0 : i32
      %dma_start3A_43 = arith.constant 0 : i32
      %dma_start3A_44 = tpu.memref_slice %arg5[%dma_start3A_42, %dma_start3A_43] : memref<10000x128xf32, #tpu.memory_space<hbm>> -> memref<10000x128xf32, #tpu.memory_space<hbm>>
      tpu.enqueue_indirect_dma source(%dma_start3A_44 : memref<10000x128xf32, #tpu.memory_space<hbm>>) target(%arg13 : memref<80x128xf32, #tpu.memory_space<vmem>>) offsets(%dma_start3A_41 : memref<80xi32, #tpu.memory_space<vmem>>) semaphore(%arg17 : memref<!tpu.dma_semaphore, #tpu.memory_space<semaphore_mem>>)
      %dma_wait3A_45 = arith.constant 0 : i32
      %dma_wait3A_46 = tpu.memref_slice %arg8[%dma_wait3A_45] : memref<10000xi32, #tpu.memory_space<vmem>> -> memref<80xi32, #tpu.memory_space<vmem>>
      %dma_wait3A_47 = arith.constant 0 : i32
      %dma_wait3A_48 = arith.constant 0 : i32
      %dma_wait3A_49 = tpu.memref_slice %arg4[%dma_wait3A_47, %dma_wait3A_48] : memref<10000x256xf32, #tpu.memory_space<hbm>> -> memref<10000x256xf32, #tpu.memory_space<hbm>>
      tpu.wait_indirect_dma semaphore(%arg14 : memref<!tpu.dma_semaphore, #tpu.memory_space<semaphore_mem>>) src(%dma_wait3A_49 : memref<10000x256xf32, #tpu.memory_space<hbm>>) dst(%arg10 : memref<80x256xf32, #tpu.memory_space<vmem>>)
      %dma_wait3A_50 = arith.constant 0 : i32
      %dma_wait3A_51 = tpu.memref_slice %arg9[%dma_wait3A_50] : memref<10000xi32, #tpu.memory_space<vmem>> -> memref<80xi32, #tpu.memory_space<vmem>>
      %dma_wait3A_52 = arith.constant 0 : i32
      %dma_wait3A_53 = arith.constant 0 : i32
      %dma_wait3A_54 = tpu.memref_slice %arg5[%dma_wait3A_52, %dma_wait3A_53] : memref<10000x128xf32, #tpu.memory_space<hbm>> -> memref<10000x128xf32, #tpu.memory_space<hbm>>
      tpu.wait_indirect_dma semaphore(%arg16 : memref<!tpu.dma_semaphore, #tpu.memory_space<semaphore_mem>>) src(%dma_wait3A_54 : memref<10000x128xf32, #tpu.memory_space<hbm>>) dst(%arg12 : memref<80x128xf32, #tpu.memory_space<vmem>>)
      %mul3A_55 = arith.constant 80 : i32
      %mul3A_56 = arith.muli %mul3A_30, %mul3A_55 : i32
      %add3A_57 = arith.addi %mul3A_2, %mul3A_56 : i32
      "tpu.region"() ({
        %run_scoped3A = tpu.sem_alloc : memref<!tpu.dma_semaphore, #tpu.memory_space<semaphore_mem>>
        %dma_start3A_87 = arith.constant 0 : i32
        %dma_start3A_88 = tpu.memref_slice %arg6[%add3A_57, %dma_start3A_87] : memref<320000x256xf32, #tpu.memory_space<hbm>> -> memref<80x256xf32, #tpu.memory_space<hbm>>
        %dma_start3A_89 = arith.constant 0 : i32
        %dma_start3A_90 = tpu.memref_slice %arg6[%add3A_57, %dma_start3A_89] : memref<320000x256xf32, #tpu.memory_space<hbm>> -> memref<80x256xf32, #tpu.memory_space<hbm>>
        tpu.enqueue_dma source(%arg10 : memref<80x256xf32, #tpu.memory_space<vmem>>) target(%dma_start3A_90 : memref<80x256xf32, #tpu.memory_space<hbm>>) target_semaphore(%run_scoped3A : memref<!tpu.dma_semaphore, #tpu.memory_space<semaphore_mem>>)
        %dma_wait3A_91 = arith.constant 0 : i32
        %dma_wait3A_92 = tpu.memref_slice %arg6[%add3A_57, %dma_wait3A_91] : memref<320000x256xf32, #tpu.memory_space<hbm>> -> memref<80x256xf32, #tpu.memory_space<hbm>>
        %dma_wait3A_93 = arith.constant 0 : i32
        %dma_wait3A_94 = tpu.memref_slice %arg6[%add3A_57, %dma_wait3A_93] : memref<320000x256xf32, #tpu.memory_space<hbm>> -> memref<80x256xf32, #tpu.memory_space<hbm>>
        tpu.wait_dma2 semaphore(%run_scoped3A : memref<!tpu.dma_semaphore, #tpu.memory_space<semaphore_mem>>) src(%arg10 : memref<80x256xf32, #tpu.memory_space<vmem>>) dst(%dma_wait3A_94 : memref<80x256xf32, #tpu.memory_space<hbm>>)
        tpu.yield
      }) : () -> ()
      "tpu.region"() ({
        %run_scoped3A = tpu.sem_alloc : memref<!tpu.dma_semaphore, #tpu.memory_space<semaphore_mem>>
        %dma_start3A_87 = arith.constant 0 : i32
        %dma_start3A_88 = tpu.memref_slice %arg7[%add3A_57, %dma_start3A_87] : memref<320000x128xf32, #tpu.memory_space<hbm>> -> memref<80x128xf32, #tpu.memory_space<hbm>>
        %dma_start3A_89 = arith.constant 0 : i32
        %dma_start3A_90 = tpu.memref_slice %arg7[%add3A_57, %dma_start3A_89] : memref<320000x128xf32, #tpu.memory_space<hbm>> -> memref<80x128xf32, #tpu.memory_space<hbm>>
        tpu.enqueue_dma source(%arg12 : memref<80x128xf32, #tpu.memory_space<vmem>>) target(%dma_start3A_90 : memref<80x128xf32, #tpu.memory_space<hbm>>) target_semaphore(%run_scoped3A : memref<!tpu.dma_semaphore, #tpu.memory_space<semaphore_mem>>)
        %dma_wait3A_91 = arith.constant 0 : i32
        %dma_wait3A_92 = tpu.memref_slice %arg7[%add3A_57, %dma_wait3A_91] : memref<320000x128xf32, #tpu.memory_space<hbm>> -> memref<80x128xf32, #tpu.memory_space<hbm>>
        %dma_wait3A_93 = arith.constant 0 : i32
        %dma_wait3A_94 = tpu.memref_slice %arg7[%add3A_57, %dma_wait3A_93] : memref<320000x128xf32, #tpu.memory_space<hbm>> -> memref<80x128xf32, #tpu.memory_space<hbm>>
        tpu.wait_dma2 semaphore(%run_scoped3A : memref<!tpu.dma_semaphore, #tpu.memory_space<semaphore_mem>>) src(%arg12 : memref<80x128xf32, #tpu.memory_space<vmem>>) dst(%dma_wait3A_94 : memref<80x128xf32, #tpu.memory_space<hbm>>)
        tpu.yield
      }) : () -> ()
      %add3A_58 = arith.constant 2 : i32
      %add3A_59 = arith.addi %mul3A_30, %add3A_58 : i32
      %mul3A_60 = arith.constant 80 : i32
      %mul3A_61 = arith.muli %add3A_59, %mul3A_60 : i32
      %dma_start3A_62 = tpu.memref_slice %arg8[%mul3A_61] : memref<10000xi32, #tpu.memory_space<vmem>> -> memref<80xi32, #tpu.memory_space<vmem>>
      %dma_start3A_63 = arith.constant 0 : i32
      %dma_start3A_64 = arith.constant 0 : i32
      %dma_start3A_65 = tpu.memref_slice %arg4[%dma_start3A_63, %dma_start3A_64] : memref<10000x256xf32, #tpu.memory_space<hbm>> -> memref<10000x256xf32, #tpu.memory_space<hbm>>
      tpu.enqueue_indirect_dma source(%dma_start3A_65 : memref<10000x256xf32, #tpu.memory_space<hbm>>) target(%arg10 : memref<80x256xf32, #tpu.memory_space<vmem>>) offsets(%dma_start3A_62 : memref<80xi32, #tpu.memory_space<vmem>>) semaphore(%arg14 : memref<!tpu.dma_semaphore, #tpu.memory_space<semaphore_mem>>)
      %mul3A_66 = arith.constant 80 : i32
      %mul3A_67 = arith.muli %add3A_59, %mul3A_66 : i32
      %dma_start3A_68 = tpu.memref_slice %arg9[%mul3A_67] : memref<10000xi32, #tpu.memory_space<vmem>> -> memref<80xi32, #tpu.memory_space<vmem>>
      %dma_start3A_69 = arith.constant 0 : i32
      %dma_start3A_70 = arith.constant 0 : i32
      %dma_start3A_71 = tpu.memref_slice %arg5[%dma_start3A_69, %dma_start3A_70] : memref<10000x128xf32, #tpu.memory_space<hbm>> -> memref<10000x128xf32, #tpu.memory_space<hbm>>
      tpu.enqueue_indirect_dma source(%dma_start3A_71 : memref<10000x128xf32, #tpu.memory_space<hbm>>) target(%arg12 : memref<80x128xf32, #tpu.memory_space<vmem>>) offsets(%dma_start3A_68 : memref<80xi32, #tpu.memory_space<vmem>>) semaphore(%arg16 : memref<!tpu.dma_semaphore, #tpu.memory_space<semaphore_mem>>)
      %dma_wait3A_72 = arith.constant 0 : i32
      %dma_wait3A_73 = tpu.memref_slice %arg8[%dma_wait3A_72] : memref<10000xi32, #tpu.memory_space<vmem>> -> memref<80xi32, #tpu.memory_space<vmem>>
      %dma_wait3A_74 = arith.constant 0 : i32
      %dma_wait3A_75 = arith.constant 0 : i32
      %dma_wait3A_76 = tpu.memref_slice %arg4[%dma_wait3A_74, %dma_wait3A_75] : memref<10000x256xf32, #tpu.memory_space<hbm>> -> memref<10000x256xf32, #tpu.memory_space<hbm>>
      tpu.wait_indirect_dma semaphore(%arg15 : memref<!tpu.dma_semaphore, #tpu.memory_space<semaphore_mem>>) src(%dma_wait3A_76 : memref<10000x256xf32, #tpu.memory_space<hbm>>) dst(%arg11 : memref<80x256xf32, #tpu.memory_space<vmem>>)
      %dma_wait3A_77 = arith.constant 0 : i32
      %dma_wait3A_78 = tpu.memref_slice %arg9[%dma_wait3A_77] : memref<10000xi32, #tpu.memory_space<vmem>> -> memref<80xi32, #tpu.memory_space<vmem>>
      %dma_wait3A_79 = arith.constant 0 : i32
      %dma_wait3A_80 = arith.constant 0 : i32
      %dma_wait3A_81 = tpu.memref_slice %arg5[%dma_wait3A_79, %dma_wait3A_80] : memref<10000x128xf32, #tpu.memory_space<hbm>> -> memref<10000x128xf32, #tpu.memory_space<hbm>>
      tpu.wait_indirect_dma semaphore(%arg17 : memref<!tpu.dma_semaphore, #tpu.memory_space<semaphore_mem>>) src(%dma_wait3A_81 : memref<10000x128xf32, #tpu.memory_space<hbm>>) dst(%arg13 : memref<80x128xf32, #tpu.memory_space<vmem>>)
      %add3A_82 = arith.constant 1 : i32
      %add3A_83 = arith.addi %mul3A_30, %add3A_82 : i32
      %mul3A_84 = arith.constant 80 : i32
      %mul3A_85 = arith.muli %add3A_83, %mul3A_84 : i32
      %add3A_86 = arith.addi %mul3A_2, %mul3A_85 : i32
      "tpu.region"() ({
        %run_scoped3A = tpu.sem_alloc : memref<!tpu.dma_semaphore, #tpu.memory_space<semaphore_mem>>
        %dma_start3A_87 = arith.constant 0 : i32
        %dma_start3A_88 = tpu.memref_slice %arg6[%add3A_86, %dma_start3A_87] : memref<320000x256xf32, #tpu.memory_space<hbm>> -> memref<80x256xf32, #tpu.memory_space<hbm>>
        %dma_start3A_89 = arith.constant 0 : i32
        %dma_start3A_90 = tpu.memref_slice %arg6[%add3A_86, %dma_start3A_89] : memref<320000x256xf32, #tpu.memory_space<hbm>> -> memref<80x256xf32, #tpu.memory_space<hbm>>
        tpu.enqueue_dma source(%arg11 : memref<80x256xf32, #tpu.memory_space<vmem>>) target(%dma_start3A_90 : memref<80x256xf32, #tpu.memory_space<hbm>>) target_semaphore(%run_scoped3A : memref<!tpu.dma_semaphore, #tpu.memory_space<semaphore_mem>>)
        %dma_wait3A_91 = arith.constant 0 : i32
        %dma_wait3A_92 = tpu.memref_slice %arg6[%add3A_86, %dma_wait3A_91] : memref<320000x256xf32, #tpu.memory_space<hbm>> -> memref<80x256xf32, #tpu.memory_space<hbm>>
        %dma_wait3A_93 = arith.constant 0 : i32
        %dma_wait3A_94 = tpu.memref_slice %arg6[%add3A_86, %dma_wait3A_93] : memref<320000x256xf32, #tpu.memory_space<hbm>> -> memref<80x256xf32, #tpu.memory_space<hbm>>
        tpu.wait_dma2 semaphore(%run_scoped3A : memref<!tpu.dma_semaphore, #tpu.memory_space<semaphore_mem>>) src(%arg11 : memref<80x256xf32, #tpu.memory_space<vmem>>) dst(%dma_wait3A_94 : memref<80x256xf32, #tpu.memory_space<hbm>>)
        tpu.yield
      }) : () -> ()
      "tpu.region"() ({
        %run_scoped3A = tpu.sem_alloc : memref<!tpu.dma_semaphore, #tpu.memory_space<semaphore_mem>>
        %dma_start3A_87 = arith.constant 0 : i32
        %dma_start3A_88 = tpu.memref_slice %arg7[%add3A_86, %dma_start3A_87] : memref<320000x128xf32, #tpu.memory_space<hbm>> -> memref<80x128xf32, #tpu.memory_space<hbm>>
        %dma_start3A_89 = arith.constant 0 : i32
        %dma_start3A_90 = tpu.memref_slice %arg7[%add3A_86, %dma_start3A_89] : memref<320000x128xf32, #tpu.memory_space<hbm>> -> memref<80x128xf32, #tpu.memory_space<hbm>>
        tpu.enqueue_dma source(%arg13 : memref<80x128xf32, #tpu.memory_space<vmem>>) target(%dma_start3A_90 : memref<80x128xf32, #tpu.memory_space<hbm>>) target_semaphore(%run_scoped3A : memref<!tpu.dma_semaphore, #tpu.memory_space<semaphore_mem>>)
        %dma_wait3A_91 = arith.constant 0 : i32
        %dma_wait3A_92 = tpu.memref_slice %arg7[%add3A_86, %dma_wait3A_91] : memref<320000x128xf32, #tpu.memory_space<hbm>> -> memref<80x128xf32, #tpu.memory_space<hbm>>
        %dma_wait3A_93 = arith.constant 0 : i32
        %dma_wait3A_94 = tpu.memref_slice %arg7[%add3A_86, %dma_wait3A_93] : memref<320000x128xf32, #tpu.memory_space<hbm>> -> memref<80x128xf32, #tpu.memory_space<hbm>>
        tpu.wait_dma2 semaphore(%run_scoped3A : memref<!tpu.dma_semaphore, #tpu.memory_space<semaphore_mem>>) src(%arg13 : memref<80x128xf32, #tpu.memory_space<vmem>>) dst(%dma_wait3A_94 : memref<80x128xf32, #tpu.memory_space<hbm>>)
        tpu.yield
      }) : () -> ()
    }
    %scan3A_16 = arith.constant 62 : i32
    %dma_wait3A = arith.constant 0 : i32
    %dma_wait3A_17 = tpu.memref_slice %arg8[%dma_wait3A] : memref<10000xi32, #tpu.memory_space<vmem>> -> memref<80xi32, #tpu.memory_space<vmem>>
    %dma_wait3A_18 = arith.constant 0 : i32
    %dma_wait3A_19 = arith.constant 0 : i32
    %dma_wait3A_20 = tpu.memref_slice %arg4[%dma_wait3A_18, %dma_wait3A_19] : memref<10000x256xf32, #tpu.memory_space<hbm>> -> memref<10000x256xf32, #tpu.memory_space<hbm>>
    tpu.wait_indirect_dma semaphore(%arg14 : memref<!tpu.dma_semaphore, #tpu.memory_space<semaphore_mem>>) src(%dma_wait3A_20 : memref<10000x256xf32, #tpu.memory_space<hbm>>) dst(%arg10 : memref<80x256xf32, #tpu.memory_space<vmem>>)
    %dma_wait3A_21 = arith.constant 0 : i32
    %dma_wait3A_22 = tpu.memref_slice %arg9[%dma_wait3A_21] : memref<10000xi32, #tpu.memory_space<vmem>> -> memref<80xi32, #tpu.memory_space<vmem>>
    %dma_wait3A_23 = arith.constant 0 : i32
    %dma_wait3A_24 = arith.constant 0 : i32
    %dma_wait3A_25 = tpu.memref_slice %arg5[%dma_wait3A_23, %dma_wait3A_24] : memref<10000x128xf32, #tpu.memory_space<hbm>> -> memref<10000x128xf32, #tpu.memory_space<hbm>>
    tpu.wait_indirect_dma semaphore(%arg16 : memref<!tpu.dma_semaphore, #tpu.memory_space<semaphore_mem>>) src(%dma_wait3A_25 : memref<10000x128xf32, #tpu.memory_space<hbm>>) dst(%arg12 : memref<80x128xf32, #tpu.memory_space<vmem>>)
    %add3A_26 = arith.constant 9920 : i32
    %add3A_27 = arith.addi %mul3A_2, %add3A_26 : i32
    "tpu.region"() ({
      %run_scoped3A = tpu.sem_alloc : memref<!tpu.dma_semaphore, #tpu.memory_space<semaphore_mem>>
      %dma_start3A_28 = arith.constant 0 : i32
      %dma_start3A_29 = tpu.memref_slice %arg6[%add3A_27, %dma_start3A_28] : memref<320000x256xf32, #tpu.memory_space<hbm>> -> memref<80x256xf32, #tpu.memory_space<hbm>>
      %dma_start3A_30 = arith.constant 0 : i32
      %dma_start3A_31 = tpu.memref_slice %arg6[%add3A_27, %dma_start3A_30] : memref<320000x256xf32, #tpu.memory_space<hbm>> -> memref<80x256xf32, #tpu.memory_space<hbm>>
      tpu.enqueue_dma source(%arg10 : memref<80x256xf32, #tpu.memory_space<vmem>>) target(%dma_start3A_31 : memref<80x256xf32, #tpu.memory_space<hbm>>) target_semaphore(%run_scoped3A : memref<!tpu.dma_semaphore, #tpu.memory_space<semaphore_mem>>)
      %dma_wait3A_32 = arith.constant 0 : i32
      %dma_wait3A_33 = tpu.memref_slice %arg6[%add3A_27, %dma_wait3A_32] : memref<320000x256xf32, #tpu.memory_space<hbm>> -> memref<80x256xf32, #tpu.memory_space<hbm>>
      %dma_wait3A_34 = arith.constant 0 : i32
      %dma_wait3A_35 = tpu.memref_slice %arg6[%add3A_27, %dma_wait3A_34] : memref<320000x256xf32, #tpu.memory_space<hbm>> -> memref<80x256xf32, #tpu.memory_space<hbm>>
      tpu.wait_dma2 semaphore(%run_scoped3A : memref<!tpu.dma_semaphore, #tpu.memory_space<semaphore_mem>>) src(%arg10 : memref<80x256xf32, #tpu.memory_space<vmem>>) dst(%dma_wait3A_35 : memref<80x256xf32, #tpu.memory_space<hbm>>)
      tpu.yield
    }) : () -> ()
    "tpu.region"() ({
      %run_scoped3A = tpu.sem_alloc : memref<!tpu.dma_semaphore, #tpu.memory_space<semaphore_mem>>
      %dma_start3A_28 = arith.constant 0 : i32
      %dma_start3A_29 = tpu.memref_slice %arg7[%add3A_27, %dma_start3A_28] : memref<320000x128xf32, #tpu.memory_space<hbm>> -> memref<80x128xf32, #tpu.memory_space<hbm>>
      %dma_start3A_30 = arith.constant 0 : i32
      %dma_start3A_31 = tpu.memref_slice %arg7[%add3A_27, %dma_start3A_30] : memref<320000x128xf32, #tpu.memory_space<hbm>> -> memref<80x128xf32, #tpu.memory_space<hbm>>
      tpu.enqueue_dma source(%arg12 : memref<80x128xf32, #tpu.memory_space<vmem>>) target(%dma_start3A_31 : memref<80x128xf32, #tpu.memory_space<hbm>>) target_semaphore(%run_scoped3A : memref<!tpu.dma_semaphore, #tpu.memory_space<semaphore_mem>>)
      %dma_wait3A_32 = arith.constant 0 : i32
      %dma_wait3A_33 = tpu.memref_slice %arg7[%add3A_27, %dma_wait3A_32] : memref<320000x128xf32, #tpu.memory_space<hbm>> -> memref<80x128xf32, #tpu.memory_space<hbm>>
      %dma_wait3A_34 = arith.constant 0 : i32
      %dma_wait3A_35 = tpu.memref_slice %arg7[%add3A_27, %dma_wait3A_34] : memref<320000x128xf32, #tpu.memory_space<hbm>> -> memref<80x128xf32, #tpu.memory_space<hbm>>
      tpu.wait_dma2 semaphore(%run_scoped3A : memref<!tpu.dma_semaphore, #tpu.memory_space<semaphore_mem>>) src(%arg12 : memref<80x128xf32, #tpu.memory_space<vmem>>) dst(%dma_wait3A_35 : memref<80x128xf32, #tpu.memory_space<hbm>>)
      tpu.yield
    }) : () -> ()
    return
  }
}

#map = affine_map<(d0, d1) -> (0)>
#map1 = affine_map<(d0, d1) -> (0, 0)>
module attributes {stable_mosaic.version = 14 : i64} {
  func.func @k(%arg0: i32, %arg1: i32, %arg2: memref<320000xi32, #tpu.memory_space<hbm>>, %arg3: memref<320000xi32, #tpu.memory_space<hbm>>, %arg4: memref<10000x256xf32, #tpu.memory_space<hbm>>, %arg5: memref<10000x128xf32, #tpu.memory_space<hbm>>, %arg6: memref<320000x256xf32, #tpu.memory_space<hbm>>, %arg7: memref<320000x128xf32, #tpu.memory_space<hbm>>, %arg8: memref<10000xi32, #tpu.memory_space<vmem>>, %arg9: memref<10000xi32, #tpu.memory_space<vmem>>, %arg10: memref<80x256xf32, #tpu.memory_space<vmem>>, %arg11: memref<80x256xf32, #tpu.memory_space<vmem>>, %arg12: memref<80x128xf32, #tpu.memory_space<vmem>>, %arg13: memref<80x128xf32, #tpu.memory_space<vmem>>, %arg14: memref<!tpu.dma_semaphore, #tpu.memory_space<semaphore_mem>>, %arg15: memref<!tpu.dma_semaphore, #tpu.memory_space<semaphore_mem>>, %arg16: memref<!tpu.dma_semaphore, #tpu.memory_space<semaphore_mem>>, %arg17: memref<!tpu.dma_semaphore, #tpu.memory_space<semaphore_mem>>) attributes {dimension_semantics = [#tpu.dimension_semantics<core_parallel>, #tpu.dimension_semantics<subcore_parallel>], iteration_bounds = array<i64: 2, 16>, scalar_prefetch = 0 : i64, scratch_operands = 10 : i64, tpu.core_type = #tpu.core_type<sc_vector_subcore>, window_params = [{transform_indices = #map}, {transform_indices = #map}, {transform_indices = #map1}, {transform_indices = #map1}, {transform_indices = #map1}, {transform_indices = #map1}]} {
    %mul3A = arith.constant 2 : i32
    %mul3A_0 = arith.muli %arg1, %mul3A : i32
    %add3A = arith.addi %mul3A_0, %arg0 : i32
    %mul3A_1 = arith.constant 10000 : i32
    %mul3A_2 = arith.muli %add3A, %mul3A_1 : i32
    "tpu.region"() ({
      %run_scoped3A = tpu.sem_alloc : memref<!tpu.dma_semaphore, #tpu.memory_space<semaphore_mem>>
      %dma_start3A_28 = tpu.memref_slice %arg2[%mul3A_2] : memref<320000xi32, #tpu.memory_space<hbm>> -> memref<10000xi32, #tpu.memory_space<hbm>>
      %dma_start3A_29 = tpu.memref_slice %arg2[%mul3A_2] : memref<320000xi32, #tpu.memory_space<hbm>> -> memref<10000xi32, #tpu.memory_space<hbm>>
      tpu.enqueue_dma source(%dma_start3A_29 : memref<10000xi32, #tpu.memory_space<hbm>>) target(%arg8 : memref<10000xi32, #tpu.memory_space<vmem>>) target_semaphore(%run_scoped3A : memref<!tpu.dma_semaphore, #tpu.memory_space<semaphore_mem>>)
      %dma_wait3A_30 = tpu.memref_slice %arg2[%mul3A_2] : memref<320000xi32, #tpu.memory_space<hbm>> -> memref<10000xi32, #tpu.memory_space<hbm>>
      %dma_wait3A_31 = tpu.memref_slice %arg2[%mul3A_2] : memref<320000xi32, #tpu.memory_space<hbm>> -> memref<10000xi32, #tpu.memory_space<hbm>>
      tpu.wait_dma2 semaphore(%run_scoped3A : memref<!tpu.dma_semaphore, #tpu.memory_space<semaphore_mem>>) src(%dma_wait3A_31 : memref<10000xi32, #tpu.memory_space<hbm>>) dst(%arg8 : memref<10000xi32, #tpu.memory_space<vmem>>)
      tpu.yield
    }) : () -> ()
    "tpu.region"() ({
      %run_scoped3A = tpu.sem_alloc : memref<!tpu.dma_semaphore, #tpu.memory_space<semaphore_mem>>
      %dma_start3A_28 = tpu.memref_slice %arg3[%mul3A_2] : memref<320000xi32, #tpu.memory_space<hbm>> -> memref<10000xi32, #tpu.memory_space<hbm>>
      %dma_start3A_29 = tpu.memref_slice %arg3[%mul3A_2] : memref<320000xi32, #tpu.memory_space<hbm>> -> memref<10000xi32, #tpu.memory_space<hbm>>
      tpu.enqueue_dma source(%dma_start3A_29 : memref<10000xi32, #tpu.memory_space<hbm>>) target(%arg9 : memref<10000xi32, #tpu.memory_space<vmem>>) target_semaphore(%run_scoped3A : memref<!tpu.dma_semaphore, #tpu.memory_space<semaphore_mem>>)
      %dma_wait3A_30 = tpu.memref_slice %arg3[%mul3A_2] : memref<320000xi32, #tpu.memory_space<hbm>> -> memref<10000xi32, #tpu.memory_space<hbm>>
      %dma_wait3A_31 = tpu.memref_slice %arg3[%mul3A_2] : memref<320000xi32, #tpu.memory_space<hbm>> -> memref<10000xi32, #tpu.memory_space<hbm>>
      tpu.wait_dma2 semaphore(%run_scoped3A : memref<!tpu.dma_semaphore, #tpu.memory_space<semaphore_mem>>) src(%dma_wait3A_31 : memref<10000xi32, #tpu.memory_space<hbm>>) dst(%arg9 : memref<10000xi32, #tpu.memory_space<vmem>>)
      tpu.yield
    }) : () -> ()
    %dma_start3A = arith.constant 0 : i32
    %dma_start3A_3 = tpu.memref_slice %arg8[%dma_start3A] : memref<10000xi32, #tpu.memory_space<vmem>> -> memref<80xi32, #tpu.memory_space<vmem>>
    %dma_start3A_4 = arith.constant 0 : i32
    %dma_start3A_5 = arith.constant 0 : i32
    %dma_start3A_6 = tpu.memref_slice %arg4[%dma_start3A_4, %dma_start3A_5] : memref<10000x256xf32, #tpu.memory_space<hbm>> -> memref<10000x256xf32, #tpu.memory_space<hbm>>
    tpu.enqueue_indirect_dma source(%dma_start3A_6 : memref<10000x256xf32, #tpu.memory_space<hbm>>) target(%arg10 : memref<80x256xf32, #tpu.memory_space<vmem>>) offsets(%dma_start3A_3 : memref<80xi32, #tpu.memory_space<vmem>>) semaphore(%arg14 : memref<!tpu.dma_semaphore, #tpu.memory_space<semaphore_mem>>)
    %dma_start3A_7 = arith.constant 0 : i32
    %dma_start3A_8 = tpu.memref_slice %arg9[%dma_start3A_7] : memref<10000xi32, #tpu.memory_space<vmem>> -> memref<80xi32, #tpu.memory_space<vmem>>
    %dma_start3A_9 = arith.constant 0 : i32
    %dma_start3A_10 = arith.constant 0 : i32
    %dma_start3A_11 = tpu.memref_slice %arg5[%dma_start3A_9, %dma_start3A_10] : memref<10000x128xf32, #tpu.memory_space<hbm>> -> memref<10000x128xf32, #tpu.memory_space<hbm>>
    tpu.enqueue_indirect_dma source(%dma_start3A_11 : memref<10000x128xf32, #tpu.memory_space<hbm>>) target(%arg12 : memref<80x128xf32, #tpu.memory_space<vmem>>) offsets(%dma_start3A_8 : memref<80xi32, #tpu.memory_space<vmem>>) semaphore(%arg16 : memref<!tpu.dma_semaphore, #tpu.memory_space<semaphore_mem>>)
    %scan3A = arith.constant 0 : i32
    %scan3A_12 = arith.constant 0 : i32
    %scan3A_13 = arith.constant 62 : i32
    %scan3A_14 = arith.addi %scan3A_12, %scan3A_13 : i32
    %scan3A_15 = arith.constant 1 : i32
    scf.for %scan3A_28 = %scan3A_12 to %scan3A_14 step %scan3A_15  : i32 {
      %mul3A_29 = arith.constant 2 : i32
      %mul3A_30 = arith.muli %mul3A_29, %scan3A_28 : i32
      %add3A_31 = arith.constant 1 : i32
      %add3A_32 = arith.addi %mul3A_30, %add3A_31 : i32
      %mul3A_33 = arith.constant 80 : i32
      %mul3A_34 = arith.muli %add3A_32, %mul3A_33 : i32
      %dma_start3A_35 = tpu.memref_slice %arg8[%mul3A_34] : memref<10000xi32, #tpu.memory_space<vmem>> -> memref<80xi32, #tpu.memory_space<vmem>>
      %dma_start3A_36 = arith.constant 0 : i32
      %dma_start3A_37 = arith.constant 0 : i32
      %dma_start3A_38 = tpu.memref_slice %arg4[%dma_start3A_36, %dma_start3A_37] : memref<10000x256xf32, #tpu.memory_space<hbm>> -> memref<10000x256xf32, #tpu.memory_space<hbm>>
      tpu.enqueue_indirect_dma source(%dma_start3A_38 : memref<10000x256xf32, #tpu.memory_space<hbm>>) target(%arg11 : memref<80x256xf32, #tpu.memory_space<vmem>>) offsets(%dma_start3A_35 : memref<80xi32, #tpu.memory_space<vmem>>) semaphore(%arg15 : memref<!tpu.dma_semaphore, #tpu.memory_space<semaphore_mem>>)
      %mul3A_39 = arith.constant 80 : i32
      %mul3A_40 = arith.muli %add3A_32, %mul3A_39 : i32
      %dma_start3A_41 = tpu.memref_slice %arg9[%mul3A_40] : memref<10000xi32, #tpu.memory_space<vmem>> -> memref<80xi32, #tpu.memory_space<vmem>>
      %dma_start3A_42 = arith.constant 0 : i32
      %dma_start3A_43 = arith.constant 0 : i32
      %dma_start3A_44 = tpu.memref_slice %arg5[%dma_start3A_42, %dma_start3A_43] : memref<10000x128xf32, #tpu.memory_space<hbm>> -> memref<10000x128xf32, #tpu.memory_space<hbm>>
      tpu.enqueue_indirect_dma source(%dma_start3A_44 : memref<10000x128xf32, #tpu.memory_space<hbm>>) target(%arg13 : memref<80x128xf32, #tpu.memory_space<vmem>>) offsets(%dma_start3A_41 : memref<80xi32, #tpu.memory_space<vmem>>) semaphore(%arg17 : memref<!tpu.dma_semaphore, #tpu.memory_space<semaphore_mem>>)
      %dma_wait3A_45 = arith.constant 0 : i32
      %dma_wait3A_46 = tpu.memref_slice %arg8[%dma_wait3A_45] : memref<10000xi32, #tpu.memory_space<vmem>> -> memref<80xi32, #tpu.memory_space<vmem>>
      %dma_wait3A_47 = arith.constant 0 : i32
      %dma_wait3A_48 = arith.constant 0 : i32
      %dma_wait3A_49 = tpu.memref_slice %arg4[%dma_wait3A_47, %dma_wait3A_48] : memref<10000x256xf32, #tpu.memory_space<hbm>> -> memref<10000x256xf32, #tpu.memory_space<hbm>>
      tpu.wait_indirect_dma semaphore(%arg14 : memref<!tpu.dma_semaphore, #tpu.memory_space<semaphore_mem>>) src(%dma_wait3A_49 : memref<10000x256xf32, #tpu.memory_space<hbm>>) dst(%arg10 : memref<80x256xf32, #tpu.memory_space<vmem>>)
      %dma_wait3A_50 = arith.constant 0 : i32
      %dma_wait3A_51 = tpu.memref_slice %arg9[%dma_wait3A_50] : memref<10000xi32, #tpu.memory_space<vmem>> -> memref<80xi32, #tpu.memory_space<vmem>>
      %dma_wait3A_52 = arith.constant 0 : i32
      %dma_wait3A_53 = arith.constant 0 : i32
      %dma_wait3A_54 = tpu.memref_slice %arg5[%dma_wait3A_52, %dma_wait3A_53] : memref<10000x128xf32, #tpu.memory_space<hbm>> -> memref<10000x128xf32, #tpu.memory_space<hbm>>
      tpu.wait_indirect_dma semaphore(%arg16 : memref<!tpu.dma_semaphore, #tpu.memory_space<semaphore_mem>>) src(%dma_wait3A_54 : memref<10000x128xf32, #tpu.memory_space<hbm>>) dst(%arg12 : memref<80x128xf32, #tpu.memory_space<vmem>>)
      %mul3A_55 = arith.constant 80 : i32
      %mul3A_56 = arith.muli %mul3A_30, %mul3A_55 : i32
      %add3A_57 = arith.addi %mul3A_2, %mul3A_56 : i32
      "tpu.region"() ({
        %run_scoped3A = tpu.sem_alloc : memref<!tpu.dma_semaphore, #tpu.memory_space<semaphore_mem>>
        %dma_start3A_87 = arith.constant 0 : i32
        %dma_start3A_88 = tpu.memref_slice %arg6[%add3A_57, %dma_start3A_87] : memref<320000x256xf32, #tpu.memory_space<hbm>> -> memref<80x256xf32, #tpu.memory_space<hbm>>
        %dma_start3A_89 = arith.constant 0 : i32
        %dma_start3A_90 = tpu.memref_slice %arg6[%add3A_57, %dma_start3A_89] : memref<320000x256xf32, #tpu.memory_space<hbm>> -> memref<80x256xf32, #tpu.memory_space<hbm>>
        tpu.enqueue_dma source(%arg10 : memref<80x256xf32, #tpu.memory_space<vmem>>) target(%dma_start3A_90 : memref<80x256xf32, #tpu.memory_space<hbm>>) target_semaphore(%run_scoped3A : memref<!tpu.dma_semaphore, #tpu.memory_space<semaphore_mem>>)
        %dma_wait3A_91 = arith.constant 0 : i32
        %dma_wait3A_92 = tpu.memref_slice %arg6[%add3A_57, %dma_wait3A_91] : memref<320000x256xf32, #tpu.memory_space<hbm>> -> memref<80x256xf32, #tpu.memory_space<hbm>>
        %dma_wait3A_93 = arith.constant 0 : i32
        %dma_wait3A_94 = tpu.memref_slice %arg6[%add3A_57, %dma_wait3A_93] : memref<320000x256xf32, #tpu.memory_space<hbm>> -> memref<80x256xf32, #tpu.memory_space<hbm>>
        tpu.wait_dma2 semaphore(%run_scoped3A : memref<!tpu.dma_semaphore, #tpu.memory_space<semaphore_mem>>) src(%arg10 : memref<80x256xf32, #tpu.memory_space<vmem>>) dst(%dma_wait3A_94 : memref<80x256xf32, #tpu.memory_space<hbm>>)
        tpu.yield
      }) : () -> ()
      "tpu.region"() ({
        %run_scoped3A = tpu.sem_alloc : memref<!tpu.dma_semaphore, #tpu.memory_space<semaphore_mem>>
        %dma_start3A_87 = arith.constant 0 : i32
        %dma_start3A_88 = tpu.memref_slice %arg7[%add3A_57, %dma_start3A_87] : memref<320000x128xf32, #tpu.memory_space<hbm>> -> memref<80x128xf32, #tpu.memory_space<hbm>>
        %dma_start3A_89 = arith.constant 0 : i32
        %dma_start3A_90 = tpu.memref_slice %arg7[%add3A_57, %dma_start3A_89] : memref<320000x128xf32, #tpu.memory_space<hbm>> -> memref<80x128xf32, #tpu.memory_space<hbm>>
        tpu.enqueue_dma source(%arg12 : memref<80x128xf32, #tpu.memory_space<vmem>>) target(%dma_start3A_90 : memref<80x128xf32, #tpu.memory_space<hbm>>) target_semaphore(%run_scoped3A : memref<!tpu.dma_semaphore, #tpu.memory_space<semaphore_mem>>)
        %dma_wait3A_91 = arith.constant 0 : i32
        %dma_wait3A_92 = tpu.memref_slice %arg7[%add3A_57, %dma_wait3A_91] : memref<320000x128xf32, #tpu.memory_space<hbm>> -> memref<80x128xf32, #tpu.memory_space<hbm>>
        %dma_wait3A_93 = arith.constant 0 : i32
        %dma_wait3A_94 = tpu.memref_slice %arg7[%add3A_57, %dma_wait3A_93] : memref<320000x128xf32, #tpu.memory_space<hbm>> -> memref<80x128xf32, #tpu.memory_space<hbm>>
        tpu.wait_dma2 semaphore(%run_scoped3A : memref<!tpu.dma_semaphore, #tpu.memory_space<semaphore_mem>>) src(%arg12 : memref<80x128xf32, #tpu.memory_space<vmem>>) dst(%dma_wait3A_94 : memref<80x128xf32, #tpu.memory_space<hbm>>)
        tpu.yield
      }) : () -> ()
      %add3A_58 = arith.constant 2 : i32
      %add3A_59 = arith.addi %mul3A_30, %add3A_58 : i32
      %mul3A_60 = arith.constant 80 : i32
      %mul3A_61 = arith.muli %add3A_59, %mul3A_60 : i32
      %dma_start3A_62 = tpu.memref_slice %arg8[%mul3A_61] : memref<10000xi32, #tpu.memory_space<vmem>> -> memref<80xi32, #tpu.memory_space<vmem>>
      %dma_start3A_63 = arith.constant 0 : i32
      %dma_start3A_64 = arith.constant 0 : i32
      %dma_start3A_65 = tpu.memref_slice %arg4[%dma_start3A_63, %dma_start3A_64] : memref<10000x256xf32, #tpu.memory_space<hbm>> -> memref<10000x256xf32, #tpu.memory_space<hbm>>
      tpu.enqueue_indirect_dma source(%dma_start3A_65 : memref<10000x256xf32, #tpu.memory_space<hbm>>) target(%arg10 : memref<80x256xf32, #tpu.memory_space<vmem>>) offsets(%dma_start3A_62 : memref<80xi32, #tpu.memory_space<vmem>>) semaphore(%arg14 : memref<!tpu.dma_semaphore, #tpu.memory_space<semaphore_mem>>)
      %mul3A_66 = arith.constant 80 : i32
      %mul3A_67 = arith.muli %add3A_59, %mul3A_66 : i32
      %dma_start3A_68 = tpu.memref_slice %arg9[%mul3A_67] : memref<10000xi32, #tpu.memory_space<vmem>> -> memref<80xi32, #tpu.memory_space<vmem>>
      %dma_start3A_69 = arith.constant 0 : i32
      %dma_start3A_70 = arith.constant 0 : i32
      %dma_start3A_71 = tpu.memref_slice %arg5[%dma_start3A_69, %dma_start3A_70] : memref<10000x128xf32, #tpu.memory_space<hbm>> -> memref<10000x128xf32, #tpu.memory_space<hbm>>
      tpu.enqueue_indirect_dma source(%dma_start3A_71 : memref<10000x128xf32, #tpu.memory_space<hbm>>) target(%arg12 : memref<80x128xf32, #tpu.memory_space<vmem>>) offsets(%dma_start3A_68 : memref<80xi32, #tpu.memory_space<vmem>>) semaphore(%arg16 : memref<!tpu.dma_semaphore, #tpu.memory_space<semaphore_mem>>)
      %dma_wait3A_72 = arith.constant 0 : i32
      %dma_wait3A_73 = tpu.memref_slice %arg8[%dma_wait3A_72] : memref<10000xi32, #tpu.memory_space<vmem>> -> memref<80xi32, #tpu.memory_space<vmem>>
      %dma_wait3A_74 = arith.constant 0 : i32
      %dma_wait3A_75 = arith.constant 0 : i32
      %dma_wait3A_76 = tpu.memref_slice %arg4[%dma_wait3A_74, %dma_wait3A_75] : memref<10000x256xf32, #tpu.memory_space<hbm>> -> memref<10000x256xf32, #tpu.memory_space<hbm>>
      tpu.wait_indirect_dma semaphore(%arg15 : memref<!tpu.dma_semaphore, #tpu.memory_space<semaphore_mem>>) src(%dma_wait3A_76 : memref<10000x256xf32, #tpu.memory_space<hbm>>) dst(%arg11 : memref<80x256xf32, #tpu.memory_space<vmem>>)
      %dma_wait3A_77 = arith.constant 0 : i32
      %dma_wait3A_78 = tpu.memref_slice %arg9[%dma_wait3A_77] : memref<10000xi32, #tpu.memory_space<vmem>> -> memref<80xi32, #tpu.memory_space<vmem>>
      %dma_wait3A_79 = arith.constant 0 : i32
      %dma_wait3A_80 = arith.constant 0 : i32
      %dma_wait3A_81 = tpu.memref_slice %arg5[%dma_wait3A_79, %dma_wait3A_80] : memref<10000x128xf32, #tpu.memory_space<hbm>> -> memref<10000x128xf32, #tpu.memory_space<hbm>>
      tpu.wait_indirect_dma semaphore(%arg17 : memref<!tpu.dma_semaphore, #tpu.memory_space<semaphore_mem>>) src(%dma_wait3A_81 : memref<10000x128xf32, #tpu.memory_space<hbm>>) dst(%arg13 : memref<80x128xf32, #tpu.memory_space<vmem>>)
      %add3A_82 = arith.constant 1 : i32
      %add3A_83 = arith.addi %mul3A_30, %add3A_82 : i32
      %mul3A_84 = arith.constant 80 : i32
      %mul3A_85 = arith.muli %add3A_83, %mul3A_84 : i32
      %add3A_86 = arith.addi %mul3A_2, %mul3A_85 : i32
      "tpu.region"() ({
        %run_scoped3A = tpu.sem_alloc : memref<!tpu.dma_semaphore, #tpu.memory_space<semaphore_mem>>
        %dma_start3A_87 = arith.constant 0 : i32
        %dma_start3A_88 = tpu.memref_slice %arg6[%add3A_86, %dma_start3A_87] : memref<320000x256xf32, #tpu.memory_space<hbm>> -> memref<80x256xf32, #tpu.memory_space<hbm>>
        %dma_start3A_89 = arith.constant 0 : i32
        %dma_start3A_90 = tpu.memref_slice %arg6[%add3A_86, %dma_start3A_89] : memref<320000x256xf32, #tpu.memory_space<hbm>> -> memref<80x256xf32, #tpu.memory_space<hbm>>
        tpu.enqueue_dma source(%arg11 : memref<80x256xf32, #tpu.memory_space<vmem>>) target(%dma_start3A_90 : memref<80x256xf32, #tpu.memory_space<hbm>>) target_semaphore(%run_scoped3A : memref<!tpu.dma_semaphore, #tpu.memory_space<semaphore_mem>>)
        %dma_wait3A_91 = arith.constant 0 : i32
        %dma_wait3A_92 = tpu.memref_slice %arg6[%add3A_86, %dma_wait3A_91] : memref<320000x256xf32, #tpu.memory_space<hbm>> -> memref<80x256xf32, #tpu.memory_space<hbm>>
        %dma_wait3A_93 = arith.constant 0 : i32
        %dma_wait3A_94 = tpu.memref_slice %arg6[%add3A_86, %dma_wait3A_93] : memref<320000x256xf32, #tpu.memory_space<hbm>> -> memref<80x256xf32, #tpu.memory_space<hbm>>
        tpu.wait_dma2 semaphore(%run_scoped3A : memref<!tpu.dma_semaphore, #tpu.memory_space<semaphore_mem>>) src(%arg11 : memref<80x256xf32, #tpu.memory_space<vmem>>) dst(%dma_wait3A_94 : memref<80x256xf32, #tpu.memory_space<hbm>>)
        tpu.yield
      }) : () -> ()
      "tpu.region"() ({
        %run_scoped3A = tpu.sem_alloc : memref<!tpu.dma_semaphore, #tpu.memory_space<semaphore_mem>>
        %dma_start3A_87 = arith.constant 0 : i32
        %dma_start3A_88 = tpu.memref_slice %arg7[%add3A_86, %dma_start3A_87] : memref<320000x128xf32, #tpu.memory_space<hbm>> -> memref<80x128xf32, #tpu.memory_space<hbm>>
        %dma_start3A_89 = arith.constant 0 : i32
        %dma_start3A_90 = tpu.memref_slice %arg7[%add3A_86, %dma_start3A_89] : memref<320000x128xf32, #tpu.memory_space<hbm>> -> memref<80x128xf32, #tpu.memory_space<hbm>>
        tpu.enqueue_dma source(%arg13 : memref<80x128xf32, #tpu.memory_space<vmem>>) target(%dma_start3A_90 : memref<80x128xf32, #tpu.memory_space<hbm>>) target_semaphore(%run_scoped3A : memref<!tpu.dma_semaphore, #tpu.memory_space<semaphore_mem>>)
        %dma_wait3A_91 = arith.constant 0 : i32
        %dma_wait3A_92 = tpu.memref_slice %arg7[%add3A_86, %dma_wait3A_91] : memref<320000x128xf32, #tpu.memory_space<hbm>> -> memref<80x128xf32, #tpu.memory_space<hbm>>
        %dma_wait3A_93 = arith.constant 0 : i32
        %dma_wait3A_94 = tpu.memref_slice %arg7[%add3A_86, %dma_wait3A_93] : memref<320000x128xf32, #tpu.memory_space<hbm>> -> memref<80x128xf32, #tpu.memory_space<hbm>>
        tpu.wait_dma2 semaphore(%run_scoped3A : memref<!tpu.dma_semaphore, #tpu.memory_space<semaphore_mem>>) src(%arg13 : memref<80x128xf32, #tpu.memory_space<vmem>>) dst(%dma_wait3A_94 : memref<80x128xf32, #tpu.memory_space<hbm>>)
        tpu.yield
      }) : () -> ()
    }
    %scan3A_16 = arith.constant 62 : i32
    %dma_wait3A = arith.constant 0 : i32
    %dma_wait3A_17 = tpu.memref_slice %arg8[%dma_wait3A] : memref<10000xi32, #tpu.memory_space<vmem>> -> memref<80xi32, #tpu.memory_space<vmem>>
    %dma_wait3A_18 = arith.constant 0 : i32
    %dma_wait3A_19 = arith.constant 0 : i32
    %dma_wait3A_20 = tpu.memref_slice %arg4[%dma_wait3A_18, %dma_wait3A_19] : memref<10000x256xf32, #tpu.memory_space<hbm>> -> memref<10000x256xf32, #tpu.memory_space<hbm>>
    tpu.wait_indirect_dma semaphore(%arg14 : memref<!tpu.dma_semaphore, #tpu.memory_space<semaphore_mem>>) src(%dma_wait3A_20 : memref<10000x256xf32, #tpu.memory_space<hbm>>) dst(%arg10 : memref<80x256xf32, #tpu.memory_space<vmem>>)
    %dma_wait3A_21 = arith.constant 0 : i32
    %dma_wait3A_22 = tpu.memref_slice %arg9[%dma_wait3A_21] : memref<10000xi32, #tpu.memory_space<vmem>> -> memref<80xi32, #tpu.memory_space<vmem>>
    %dma_wait3A_23 = arith.constant 0 : i32
    %dma_wait3A_24 = arith.constant 0 : i32
    %dma_wait3A_25 = tpu.memref_slice %arg5[%dma_wait3A_23, %dma_wait3A_24] : memref<10000x128xf32, #tpu.memory_space<hbm>> -> memref<10000x128xf32, #tpu.memory_space<hbm>>
    tpu.wait_indirect_dma semaphore(%arg16 : memref<!tpu.dma_semaphore, #tpu.memory_space<semaphore_mem>>) src(%dma_wait3A_25 : memref<10000x128xf32, #tpu.memory_space<hbm>>) dst(%arg12 : memref<80x128xf32, #tpu.memory_space<vmem>>)
    %add3A_26 = arith.constant 9920 : i32
    %add3A_27 = arith.addi %mul3A_2, %add3A_26 : i32
    "tpu.region"() ({
      %run_scoped3A = tpu.sem_alloc : memref<!tpu.dma_semaphore, #tpu.memory_space<semaphore_mem>>
      %dma_start3A_28 = arith.constant 0 : i32
      %dma_start3A_29 = tpu.memref_slice %arg6[%add3A_27, %dma_start3A_28] : memref<320000x256xf32, #tpu.memory_space<hbm>> -> memref<80x256xf32, #tpu.memory_space<hbm>>
      %dma_start3A_30 = arith.constant 0 : i32
      %dma_start3A_31 = tpu.memref_slice %arg6[%add3A_27, %dma_start3A_30] : memref<320000x256xf32, #tpu.memory_space<hbm>> -> memref<80x256xf32, #tpu.memory_space<hbm>>
      tpu.enqueue_dma source(%arg10 : memref<80x256xf32, #tpu.memory_space<vmem>>) target(%dma_start3A_31 : memref<80x256xf32, #tpu.memory_space<hbm>>) target_semaphore(%run_scoped3A : memref<!tpu.dma_semaphore, #tpu.memory_space<semaphore_mem>>)
      %dma_wait3A_32 = arith.constant 0 : i32
      %dma_wait3A_33 = tpu.memref_slice %arg6[%add3A_27, %dma_wait3A_32] : memref<320000x256xf32, #tpu.memory_space<hbm>> -> memref<80x256xf32, #tpu.memory_space<hbm>>
      %dma_wait3A_34 = arith.constant 0 : i32
      %dma_wait3A_35 = tpu.memref_slice %arg6[%add3A_27, %dma_wait3A_34] : memref<320000x256xf32, #tpu.memory_space<hbm>> -> memref<80x256xf32, #tpu.memory_space<hbm>>
      tpu.wait_dma2 semaphore(%run_scoped3A : memref<!tpu.dma_semaphore, #tpu.memory_space<semaphore_mem>>) src(%arg10 : memref<80x256xf32, #tpu.memory_space<vmem>>) dst(%dma_wait3A_35 : memref<80x256xf32, #tpu.memory_space<hbm>>)
      tpu.yield
    }) : () -> ()
    "tpu.region"() ({
      %run_scoped3A = tpu.sem_alloc : memref<!tpu.dma_semaphore, #tpu.memory_space<semaphore_mem>>
      %dma_start3A_28 = arith.constant 0 : i32
      %dma_start3A_29 = tpu.memref_slice %arg7[%add3A_27, %dma_start3A_28] : memref<320000x128xf32, #tpu.memory_space<hbm>> -> memref<80x128xf32, #tpu.memory_space<hbm>>
      %dma_start3A_30 = arith.constant 0 : i32
      %dma_start3A_31 = tpu.memref_slice %arg7[%add3A_27, %dma_start3A_30] : memref<320000x128xf32, #tpu.memory_space<hbm>> -> memref<80x128xf32, #tpu.memory_space<hbm>>
      tpu.enqueue_dma source(%arg12 : memref<80x128xf32, #tpu.memory_space<vmem>>) target(%dma_start3A_31 : memref<80x128xf32, #tpu.memory_space<hbm>>) target_semaphore(%run_scoped3A : memref<!tpu.dma_semaphore, #tpu.memory_space<semaphore_mem>>)
      %dma_wait3A_32 = arith.constant 0 : i32
      %dma_wait3A_33 = tpu.memref_slice %arg7[%add3A_27, %dma_wait3A_32] : memref<320000x128xf32, #tpu.memory_space<hbm>> -> memref<80x128xf32, #tpu.memory_space<hbm>>
      %dma_wait3A_34 = arith.constant 0 : i32
      %dma_wait3A_35 = tpu.memref_slice %arg7[%add3A_27, %dma_wait3A_34] : memref<320000x128xf32, #tpu.memory_space<hbm>> -> memref<80x128xf32, #tpu.memory_space<hbm>>
      tpu.wait_dma2 semaphore(%run_scoped3A : memref<!tpu.dma_semaphore, #tpu.memory_space<semaphore_mem>>) src(%arg12 : memref<80x128xf32, #tpu.memory_space<vmem>>) dst(%dma_wait3A_35 : memref<80x128xf32, #tpu.memory_space<hbm>>)
      tpu.yield
    }) : () -> ()
    return
  }
}

#map = affine_map<(d0, d1) -> (0, 0)>
#map1 = affine_map<(d0, d1) -> (0, 0, 0)>
module attributes {stable_mosaic.version = 14 : i64} {
  func.func @k(%arg0: i32, %arg1: i32, %arg2: memref<320000x128xf32, #tpu.memory_space<hbm>>, %arg3: memref<32x125x80xi32, #tpu.memory_space<hbm>>, %arg4: memref<10240x128xf32, #tpu.memory_space<hbm>>, %arg5: memref<20480x128xf32, #tpu.memory_space<hbm>>, %arg6: memref<125x80xi32, #tpu.memory_space<vmem>>, %arg7: memref<80x128xf32, #tpu.memory_space<vmem>>, %arg8: memref<80x128xf32, #tpu.memory_space<vmem>>, %arg9: memref<10240x128xf32, #tpu.memory_space<vmem_shared>>, %arg10: memref<!tpu.dma_semaphore, #tpu.memory_space<semaphore_mem>>, %arg11: memref<!tpu.dma_semaphore, #tpu.memory_space<semaphore_mem>>) attributes {dimension_semantics = [#tpu.dimension_semantics<core_parallel>, #tpu.dimension_semantics<subcore_parallel>], iteration_bounds = array<i64: 2, 16>, scalar_prefetch = 0 : i64, scratch_operands = 6 : i64, tpu.core_type = #tpu.core_type<sc_vector_subcore>, window_params = [{transform_indices = #map}, {transform_indices = #map1}, {transform_indices = #map}, {transform_indices = #map}]} {
    %mul3A = arith.constant 2 : i32
    %mul3A_0 = arith.muli %arg1, %mul3A : i32
    %add3A = arith.addi %mul3A_0, %arg0 : i32
    %mul3A_1 = arith.constant 640 : i32
    %mul3A_2 = arith.muli %arg1, %mul3A_1 : i32
    %mul3A_3 = arith.constant 640 : i32
    %mul3A_4 = arith.muli %arg1, %mul3A_3 : i32
    "tpu.region"() ({
      %run_scoped3A_30 = tpu.sem_alloc : memref<!tpu.dma_semaphore, #tpu.memory_space<semaphore_mem>>
      %dma_start3A_31 = arith.constant 0 : i32
      %dma_start3A_32 = tpu.memref_slice %arg9[%mul3A_4, %dma_start3A_31] : memref<10240x128xf32, #tpu.memory_space<vmem_shared>> -> memref<640x128xf32, #tpu.memory_space<vmem_shared>>
      %dma_start3A_33 = arith.constant 0 : i32
      %dma_start3A_34 = tpu.memref_slice %arg4[%mul3A_2, %dma_start3A_33] : memref<10240x128xf32, #tpu.memory_space<hbm>> -> memref<640x128xf32, #tpu.memory_space<hbm>>
      tpu.enqueue_dma source(%dma_start3A_34 : memref<640x128xf32, #tpu.memory_space<hbm>>) target(%dma_start3A_32 : memref<640x128xf32, #tpu.memory_space<vmem_shared>>) target_semaphore(%run_scoped3A_30 : memref<!tpu.dma_semaphore, #tpu.memory_space<semaphore_mem>>)
      %dma_wait3A_35 = arith.constant 0 : i32
      %dma_wait3A_36 = tpu.memref_slice %arg9[%mul3A_4, %dma_wait3A_35] : memref<10240x128xf32, #tpu.memory_space<vmem_shared>> -> memref<640x128xf32, #tpu.memory_space<vmem_shared>>
      %dma_wait3A_37 = arith.constant 0 : i32
      %dma_wait3A_38 = tpu.memref_slice %arg4[%mul3A_2, %dma_wait3A_37] : memref<10240x128xf32, #tpu.memory_space<hbm>> -> memref<640x128xf32, #tpu.memory_space<hbm>>
      tpu.wait_dma2 semaphore(%run_scoped3A_30 : memref<!tpu.dma_semaphore, #tpu.memory_space<semaphore_mem>>) src(%dma_wait3A_38 : memref<640x128xf32, #tpu.memory_space<hbm>>) dst(%dma_wait3A_36 : memref<640x128xf32, #tpu.memory_space<vmem_shared>>)
      tpu.yield
    }) : () -> ()
    "tpu.region"() ({
      %run_scoped3A_30 = tpu.sem_alloc : memref<!tpu.dma_semaphore, #tpu.memory_space<semaphore_mem>>
      %dma_start3A_31 = arith.constant 0 : i32
      %dma_start3A_32 = arith.constant 0 : i32
      %dma_start3A_33 = tpu.memref_slice %arg3[%add3A, %dma_start3A_31, %dma_start3A_32] : memref<32x125x80xi32, #tpu.memory_space<hbm>> -> memref<1x125x80xi32, #tpu.memory_space<hbm>>
      %dma_start3A_34 = tpu.memref_squeeze %dma_start3A_33 : memref<1x125x80xi32, #tpu.memory_space<hbm>> -> memref<125x80xi32, #tpu.memory_space<hbm>>
      %dma_start3A_35 = arith.constant 0 : i32
      %dma_start3A_36 = arith.constant 0 : i32
      %dma_start3A_37 = tpu.memref_slice %arg3[%add3A, %dma_start3A_35, %dma_start3A_36] : memref<32x125x80xi32, #tpu.memory_space<hbm>> -> memref<1x125x80xi32, #tpu.memory_space<hbm>>
      %dma_start3A_38 = tpu.memref_squeeze %dma_start3A_37 : memref<1x125x80xi32, #tpu.memory_space<hbm>> -> memref<125x80xi32, #tpu.memory_space<hbm>>
      tpu.enqueue_dma source(%dma_start3A_38 : memref<125x80xi32, #tpu.memory_space<hbm>>) target(%arg6 : memref<125x80xi32, #tpu.memory_space<vmem>>) target_semaphore(%run_scoped3A_30 : memref<!tpu.dma_semaphore, #tpu.memory_space<semaphore_mem>>)
      %dma_wait3A_39 = arith.constant 0 : i32
      %dma_wait3A_40 = arith.constant 0 : i32
      %dma_wait3A_41 = tpu.memref_slice %arg3[%add3A, %dma_wait3A_39, %dma_wait3A_40] : memref<32x125x80xi32, #tpu.memory_space<hbm>> -> memref<1x125x80xi32, #tpu.memory_space<hbm>>
      %dma_wait3A_42 = tpu.memref_squeeze %dma_wait3A_41 : memref<1x125x80xi32, #tpu.memory_space<hbm>> -> memref<125x80xi32, #tpu.memory_space<hbm>>
      %dma_wait3A_43 = arith.constant 0 : i32
      %dma_wait3A_44 = arith.constant 0 : i32
      %dma_wait3A_45 = tpu.memref_slice %arg3[%add3A, %dma_wait3A_43, %dma_wait3A_44] : memref<32x125x80xi32, #tpu.memory_space<hbm>> -> memref<1x125x80xi32, #tpu.memory_space<hbm>>
      %dma_wait3A_46 = tpu.memref_squeeze %dma_wait3A_45 : memref<1x125x80xi32, #tpu.memory_space<hbm>> -> memref<125x80xi32, #tpu.memory_space<hbm>>
      tpu.wait_dma2 semaphore(%run_scoped3A_30 : memref<!tpu.dma_semaphore, #tpu.memory_space<semaphore_mem>>) src(%dma_wait3A_46 : memref<125x80xi32, #tpu.memory_space<hbm>>) dst(%arg6 : memref<125x80xi32, #tpu.memory_space<vmem>>)
      tpu.yield
    }) : () -> ()
    %barrier3A = arith.constant 0 : index
    tpu.barrier barrier_id(%barrier3A)
    %mul3A_5 = arith.constant 10000 : i32
    %mul3A_6 = arith.muli %add3A, %mul3A_5 : i32
    %add3A_7 = arith.constant 0 : i32
    %add3A_8 = arith.addi %mul3A_6, %add3A_7 : i32
    %dma_start3A = arith.constant 0 : i32
    %dma_start3A_9 = tpu.memref_slice %arg2[%add3A_8, %dma_start3A] : memref<320000x128xf32, #tpu.memory_space<hbm>> -> memref<80x128xf32, #tpu.memory_space<hbm>>
    %dma_start3A_10 = arith.constant 0 : i32
    %dma_start3A_11 = tpu.memref_slice %arg2[%add3A_8, %dma_start3A_10] : memref<320000x128xf32, #tpu.memory_space<hbm>> -> memref<80x128xf32, #tpu.memory_space<hbm>>
    tpu.enqueue_dma source(%dma_start3A_11 : memref<80x128xf32, #tpu.memory_space<hbm>>) target(%arg7 : memref<80x128xf32, #tpu.memory_space<vmem>>) target_semaphore(%arg10 : memref<!tpu.dma_semaphore, #tpu.memory_space<semaphore_mem>>)
    %scan3A = arith.constant 0 : i32
    %scan3A_12 = arith.constant 0 : i32
    %scan3A_13 = arith.constant 62 : i32
    %scan3A_14 = arith.addi %scan3A_12, %scan3A_13 : i32
    %scan3A_15 = arith.constant 1 : i32
    scf.for %scan3A_30 = %scan3A_12 to %scan3A_14 step %scan3A_15  : i32 {
      %mul3A_31 = arith.constant 2 : i32
      %mul3A_32 = arith.muli %mul3A_31, %scan3A_30 : i32
      %add3A_33 = arith.constant 1 : i32
      %add3A_34 = arith.addi %mul3A_32, %add3A_33 : i32
      %mul3A_35 = arith.constant 10000 : i32
      %mul3A_36 = arith.muli %add3A, %mul3A_35 : i32
      %mul3A_37 = arith.constant 80 : i32
      %mul3A_38 = arith.muli %add3A_34, %mul3A_37 : i32
      %add3A_39 = arith.addi %mul3A_36, %mul3A_38 : i32
      %dma_start3A_40 = arith.constant 0 : i32
      %dma_start3A_41 = tpu.memref_slice %arg2[%add3A_39, %dma_start3A_40] : memref<320000x128xf32, #tpu.memory_space<hbm>> -> memref<80x128xf32, #tpu.memory_space<hbm>>
      %dma_start3A_42 = arith.constant 0 : i32
      %dma_start3A_43 = tpu.memref_slice %arg2[%add3A_39, %dma_start3A_42] : memref<320000x128xf32, #tpu.memory_space<hbm>> -> memref<80x128xf32, #tpu.memory_space<hbm>>
      tpu.enqueue_dma source(%dma_start3A_43 : memref<80x128xf32, #tpu.memory_space<hbm>>) target(%arg8 : memref<80x128xf32, #tpu.memory_space<vmem>>) target_semaphore(%arg11 : memref<!tpu.dma_semaphore, #tpu.memory_space<semaphore_mem>>)
      %dma_wait3A_44 = arith.constant 0 : i32
      %dma_wait3A_45 = arith.constant 0 : i32
      %dma_wait3A_46 = tpu.memref_slice %arg2[%dma_wait3A_44, %dma_wait3A_45] : memref<320000x128xf32, #tpu.memory_space<hbm>> -> memref<80x128xf32, #tpu.memory_space<hbm>>
      %dma_wait3A_47 = arith.constant 0 : i32
      %dma_wait3A_48 = arith.constant 0 : i32
      %dma_wait3A_49 = tpu.memref_slice %arg2[%dma_wait3A_47, %dma_wait3A_48] : memref<320000x128xf32, #tpu.memory_space<hbm>> -> memref<80x128xf32, #tpu.memory_space<hbm>>
      tpu.wait_dma2 semaphore(%arg10 : memref<!tpu.dma_semaphore, #tpu.memory_space<semaphore_mem>>) src(%dma_wait3A_49 : memref<80x128xf32, #tpu.memory_space<hbm>>) dst(%arg7 : memref<80x128xf32, #tpu.memory_space<vmem>>)
      "tpu.region"() ({
        %run_scoped3A_69 = tpu.sem_alloc : memref<!tpu.dma_semaphore, #tpu.memory_space<semaphore_mem>>
        %dma_start3A_70 = arith.constant 0 : i32
        %dma_start3A_71 = tpu.memref_slice %arg6[%mul3A_32, %dma_start3A_70] : memref<125x80xi32, #tpu.memory_space<vmem>> -> memref<1x80xi32, #tpu.memory_space<vmem>>
        %dma_start3A_72 = tpu.memref_squeeze %dma_start3A_71 : memref<1x80xi32, #tpu.memory_space<vmem>> -> memref<80xi32, #tpu.memory_space<vmem>>
        %dma_start3A_73 = arith.constant 0 : i32
        %dma_start3A_74 = arith.constant 0 : i32
        %dma_start3A_75 = tpu.memref_slice %arg9[%dma_start3A_73, %dma_start3A_74] : memref<10240x128xf32, #tpu.memory_space<vmem_shared>> -> memref<10240x128xf32, #tpu.memory_space<vmem_shared>>
        tpu.enqueue_indirect_dma source(%arg7 : memref<80x128xf32, #tpu.memory_space<vmem>>) target(%dma_start3A_75 : memref<10240x128xf32, #tpu.memory_space<vmem_shared>>) offsets(%dma_start3A_72 : memref<80xi32, #tpu.memory_space<vmem>>) semaphore(%run_scoped3A_69 : memref<!tpu.dma_semaphore, #tpu.memory_space<semaphore_mem>>) {add = true}
        %dma_wait3A_76 = arith.constant 0 : i32
        %dma_wait3A_77 = tpu.memref_slice %arg6[%mul3A_32, %dma_wait3A_76] : memref<125x80xi32, #tpu.memory_space<vmem>> -> memref<1x80xi32, #tpu.memory_space<vmem>>
        %dma_wait3A_78 = tpu.memref_squeeze %dma_wait3A_77 : memref<1x80xi32, #tpu.memory_space<vmem>> -> memref<80xi32, #tpu.memory_space<vmem>>
        %dma_wait3A_79 = arith.constant 0 : i32
        %dma_wait3A_80 = arith.constant 0 : i32
        %dma_wait3A_81 = tpu.memref_slice %arg9[%dma_wait3A_79, %dma_wait3A_80] : memref<10240x128xf32, #tpu.memory_space<vmem_shared>> -> memref<10240x128xf32, #tpu.memory_space<vmem_shared>>
        tpu.wait_indirect_dma semaphore(%run_scoped3A_69 : memref<!tpu.dma_semaphore, #tpu.memory_space<semaphore_mem>>) src(%arg7 : memref<80x128xf32, #tpu.memory_space<vmem>>) dst(%dma_wait3A_81 : memref<10240x128xf32, #tpu.memory_space<vmem_shared>>)
        tpu.yield
      }) : () -> ()
      %add3A_50 = arith.constant 2 : i32
      %add3A_51 = arith.addi %mul3A_32, %add3A_50 : i32
      %mul3A_52 = arith.constant 10000 : i32
      %mul3A_53 = arith.muli %add3A, %mul3A_52 : i32
      %mul3A_54 = arith.constant 80 : i32
      %mul3A_55 = arith.muli %add3A_51, %mul3A_54 : i32
      %add3A_56 = arith.addi %mul3A_53, %mul3A_55 : i32
      %dma_start3A_57 = arith.constant 0 : i32
      %dma_start3A_58 = tpu.memref_slice %arg2[%add3A_56, %dma_start3A_57] : memref<320000x128xf32, #tpu.memory_space<hbm>> -> memref<80x128xf32, #tpu.memory_space<hbm>>
      %dma_start3A_59 = arith.constant 0 : i32
      %dma_start3A_60 = tpu.memref_slice %arg2[%add3A_56, %dma_start3A_59] : memref<320000x128xf32, #tpu.memory_space<hbm>> -> memref<80x128xf32, #tpu.memory_space<hbm>>
      tpu.enqueue_dma source(%dma_start3A_60 : memref<80x128xf32, #tpu.memory_space<hbm>>) target(%arg7 : memref<80x128xf32, #tpu.memory_space<vmem>>) target_semaphore(%arg10 : memref<!tpu.dma_semaphore, #tpu.memory_space<semaphore_mem>>)
      %dma_wait3A_61 = arith.constant 0 : i32
      %dma_wait3A_62 = arith.constant 0 : i32
      %dma_wait3A_63 = tpu.memref_slice %arg2[%dma_wait3A_61, %dma_wait3A_62] : memref<320000x128xf32, #tpu.memory_space<hbm>> -> memref<80x128xf32, #tpu.memory_space<hbm>>
      %dma_wait3A_64 = arith.constant 0 : i32
      %dma_wait3A_65 = arith.constant 0 : i32
      %dma_wait3A_66 = tpu.memref_slice %arg2[%dma_wait3A_64, %dma_wait3A_65] : memref<320000x128xf32, #tpu.memory_space<hbm>> -> memref<80x128xf32, #tpu.memory_space<hbm>>
      tpu.wait_dma2 semaphore(%arg11 : memref<!tpu.dma_semaphore, #tpu.memory_space<semaphore_mem>>) src(%dma_wait3A_66 : memref<80x128xf32, #tpu.memory_space<hbm>>) dst(%arg8 : memref<80x128xf32, #tpu.memory_space<vmem>>)
      %add3A_67 = arith.constant 1 : i32
      %add3A_68 = arith.addi %mul3A_32, %add3A_67 : i32
      "tpu.region"() ({
        %run_scoped3A_69 = tpu.sem_alloc : memref<!tpu.dma_semaphore, #tpu.memory_space<semaphore_mem>>
        %dma_start3A_70 = arith.constant 0 : i32
        %dma_start3A_71 = tpu.memref_slice %arg6[%add3A_68, %dma_start3A_70] : memref<125x80xi32, #tpu.memory_space<vmem>> -> memref<1x80xi32, #tpu.memory_space<vmem>>
        %dma_start3A_72 = tpu.memref_squeeze %dma_start3A_71 : memref<1x80xi32, #tpu.memory_space<vmem>> -> memref<80xi32, #tpu.memory_space<vmem>>
        %dma_start3A_73 = arith.constant 0 : i32
        %dma_start3A_74 = arith.constant 0 : i32
        %dma_start3A_75 = tpu.memref_slice %arg9[%dma_start3A_73, %dma_start3A_74] : memref<10240x128xf32, #tpu.memory_space<vmem_shared>> -> memref<10240x128xf32, #tpu.memory_space<vmem_shared>>
        tpu.enqueue_indirect_dma source(%arg8 : memref<80x128xf32, #tpu.memory_space<vmem>>) target(%dma_start3A_75 : memref<10240x128xf32, #tpu.memory_space<vmem_shared>>) offsets(%dma_start3A_72 : memref<80xi32, #tpu.memory_space<vmem>>) semaphore(%run_scoped3A_69 : memref<!tpu.dma_semaphore, #tpu.memory_space<semaphore_mem>>) {add = true}
        %dma_wait3A_76 = arith.constant 0 : i32
        %dma_wait3A_77 = tpu.memref_slice %arg6[%add3A_68, %dma_wait3A_76] : memref<125x80xi32, #tpu.memory_space<vmem>> -> memref<1x80xi32, #tpu.memory_space<vmem>>
        %dma_wait3A_78 = tpu.memref_squeeze %dma_wait3A_77 : memref<1x80xi32, #tpu.memory_space<vmem>> -> memref<80xi32, #tpu.memory_space<vmem>>
        %dma_wait3A_79 = arith.constant 0 : i32
        %dma_wait3A_80 = arith.constant 0 : i32
        %dma_wait3A_81 = tpu.memref_slice %arg9[%dma_wait3A_79, %dma_wait3A_80] : memref<10240x128xf32, #tpu.memory_space<vmem_shared>> -> memref<10240x128xf32, #tpu.memory_space<vmem_shared>>
        tpu.wait_indirect_dma semaphore(%run_scoped3A_69 : memref<!tpu.dma_semaphore, #tpu.memory_space<semaphore_mem>>) src(%arg8 : memref<80x128xf32, #tpu.memory_space<vmem>>) dst(%dma_wait3A_81 : memref<10240x128xf32, #tpu.memory_space<vmem_shared>>)
        tpu.yield
      }) : () -> ()
    }
    %scan3A_16 = arith.constant 62 : i32
    %dma_wait3A = arith.constant 0 : i32
    %dma_wait3A_17 = arith.constant 0 : i32
    %dma_wait3A_18 = tpu.memref_slice %arg2[%dma_wait3A, %dma_wait3A_17] : memref<320000x128xf32, #tpu.memory_space<hbm>> -> memref<80x128xf32, #tpu.memory_space<hbm>>
    %dma_wait3A_19 = arith.constant 0 : i32
    %dma_wait3A_20 = arith.constant 0 : i32
    %dma_wait3A_21 = tpu.memref_slice %arg2[%dma_wait3A_19, %dma_wait3A_20] : memref<320000x128xf32, #tpu.memory_space<hbm>> -> memref<80x128xf32, #tpu.memory_space<hbm>>
    tpu.wait_dma2 semaphore(%arg10 : memref<!tpu.dma_semaphore, #tpu.memory_space<semaphore_mem>>) src(%dma_wait3A_21 : memref<80x128xf32, #tpu.memory_space<hbm>>) dst(%arg7 : memref<80x128xf32, #tpu.memory_space<vmem>>)
    %run_scoped3A = arith.constant 124 : i32
    "tpu.region"() ({
      %run_scoped3A_30 = tpu.sem_alloc : memref<!tpu.dma_semaphore, #tpu.memory_space<semaphore_mem>>
      %dma_start3A_31 = arith.constant 0 : i32
      %dma_start3A_32 = tpu.memref_slice %arg6[%run_scoped3A, %dma_start3A_31] : memref<125x80xi32, #tpu.memory_space<vmem>> -> memref<1x80xi32, #tpu.memory_space<vmem>>
      %dma_start3A_33 = tpu.memref_squeeze %dma_start3A_32 : memref<1x80xi32, #tpu.memory_space<vmem>> -> memref<80xi32, #tpu.memory_space<vmem>>
      %dma_start3A_34 = arith.constant 0 : i32
      %dma_start3A_35 = arith.constant 0 : i32
      %dma_start3A_36 = tpu.memref_slice %arg9[%dma_start3A_34, %dma_start3A_35] : memref<10240x128xf32, #tpu.memory_space<vmem_shared>> -> memref<10240x128xf32, #tpu.memory_space<vmem_shared>>
      tpu.enqueue_indirect_dma source(%arg7 : memref<80x128xf32, #tpu.memory_space<vmem>>) target(%dma_start3A_36 : memref<10240x128xf32, #tpu.memory_space<vmem_shared>>) offsets(%dma_start3A_33 : memref<80xi32, #tpu.memory_space<vmem>>) semaphore(%run_scoped3A_30 : memref<!tpu.dma_semaphore, #tpu.memory_space<semaphore_mem>>) {add = true}
      %dma_wait3A_37 = arith.constant 0 : i32
      %dma_wait3A_38 = tpu.memref_slice %arg6[%run_scoped3A, %dma_wait3A_37] : memref<125x80xi32, #tpu.memory_space<vmem>> -> memref<1x80xi32, #tpu.memory_space<vmem>>
      %dma_wait3A_39 = tpu.memref_squeeze %dma_wait3A_38 : memref<1x80xi32, #tpu.memory_space<vmem>> -> memref<80xi32, #tpu.memory_space<vmem>>
      %dma_wait3A_40 = arith.constant 0 : i32
      %dma_wait3A_41 = arith.constant 0 : i32
      %dma_wait3A_42 = tpu.memref_slice %arg9[%dma_wait3A_40, %dma_wait3A_41] : memref<10240x128xf32, #tpu.memory_space<vmem_shared>> -> memref<10240x128xf32, #tpu.memory_space<vmem_shared>>
      tpu.wait_indirect_dma semaphore(%run_scoped3A_30 : memref<!tpu.dma_semaphore, #tpu.memory_space<semaphore_mem>>) src(%arg7 : memref<80x128xf32, #tpu.memory_space<vmem>>) dst(%dma_wait3A_42 : memref<10240x128xf32, #tpu.memory_space<vmem_shared>>)
      tpu.yield
    }) : () -> ()
    %barrier3A_22 = arith.constant 0 : index
    tpu.barrier barrier_id(%barrier3A_22)
    %mul3A_23 = arith.constant 640 : i32
    %mul3A_24 = arith.muli %arg1, %mul3A_23 : i32
    %mul3A_25 = arith.constant 10240 : i32
    %mul3A_26 = arith.muli %arg0, %mul3A_25 : i32
    %mul3A_27 = arith.constant 640 : i32
    %mul3A_28 = arith.muli %arg1, %mul3A_27 : i32
    %add3A_29 = arith.addi %mul3A_26, %mul3A_28 : i32
    "tpu.region"() ({
      %run_scoped3A_30 = tpu.sem_alloc : memref<!tpu.dma_semaphore, #tpu.memory_space<semaphore_mem>>
      %dma_start3A_31 = arith.constant 0 : i32
      %dma_start3A_32 = tpu.memref_slice %arg5[%add3A_29, %dma_start3A_31] : memref<20480x128xf32, #tpu.memory_space<hbm>> -> memref<640x128xf32, #tpu.memory_space<hbm>>
      %dma_start3A_33 = arith.constant 0 : i32
      %dma_start3A_34 = tpu.memref_slice %arg9[%mul3A_24, %dma_start3A_33] : memref<10240x128xf32, #tpu.memory_space<vmem_shared>> -> memref<640x128xf32, #tpu.memory_space<vmem_shared>>
      tpu.enqueue_dma source(%dma_start3A_34 : memref<640x128xf32, #tpu.memory_space<vmem_shared>>) target(%dma_start3A_32 : memref<640x128xf32, #tpu.memory_space<hbm>>) target_semaphore(%run_scoped3A_30 : memref<!tpu.dma_semaphore, #tpu.memory_space<semaphore_mem>>)
      %dma_wait3A_35 = arith.constant 0 : i32
      %dma_wait3A_36 = tpu.memref_slice %arg5[%add3A_29, %dma_wait3A_35] : memref<20480x128xf32, #tpu.memory_space<hbm>> -> memref<640x128xf32, #tpu.memory_space<hbm>>
      %dma_wait3A_37 = arith.constant 0 : i32
      %dma_wait3A_38 = tpu.memref_slice %arg9[%mul3A_24, %dma_wait3A_37] : memref<10240x128xf32, #tpu.memory_space<vmem_shared>> -> memref<640x128xf32, #tpu.memory_space<vmem_shared>>
      tpu.wait_dma2 semaphore(%run_scoped3A_30 : memref<!tpu.dma_semaphore, #tpu.memory_space<semaphore_mem>>) src(%dma_wait3A_38 : memref<640x128xf32, #tpu.memory_space<vmem_shared>>) dst(%dma_wait3A_36 : memref<640x128xf32, #tpu.memory_space<hbm>>)
      tpu.yield
    }) : () -> ()
    return
  }
}

#map = affine_map<(d0, d1) -> (0)>
#map1 = affine_map<(d0, d1) -> (0, 0)>
module attributes {stable_mosaic.version = 14 : i64} {
  func.func @k(%arg0: i32, %arg1: i32, %arg2: memref<320000xi32, #tpu.memory_space<hbm>>, %arg3: memref<320000xi32, #tpu.memory_space<hbm>>, %arg4: memref<10000x256xf32, #tpu.memory_space<hbm>>, %arg5: memref<10000x128xf32, #tpu.memory_space<hbm>>, %arg6: memref<320000x256xf32, #tpu.memory_space<hbm>>, %arg7: memref<320000x128xf32, #tpu.memory_space<hbm>>, %arg8: memref<10000xi32, #tpu.memory_space<vmem>>, %arg9: memref<10000xi32, #tpu.memory_space<vmem>>, %arg10: memref<80x256xf32, #tpu.memory_space<vmem>>, %arg11: memref<80x256xf32, #tpu.memory_space<vmem>>, %arg12: memref<80x128xf32, #tpu.memory_space<vmem>>, %arg13: memref<80x128xf32, #tpu.memory_space<vmem>>, %arg14: memref<!tpu.dma_semaphore, #tpu.memory_space<semaphore_mem>>, %arg15: memref<!tpu.dma_semaphore, #tpu.memory_space<semaphore_mem>>, %arg16: memref<!tpu.dma_semaphore, #tpu.memory_space<semaphore_mem>>, %arg17: memref<!tpu.dma_semaphore, #tpu.memory_space<semaphore_mem>>) attributes {dimension_semantics = [#tpu.dimension_semantics<core_parallel>, #tpu.dimension_semantics<subcore_parallel>], iteration_bounds = array<i64: 2, 16>, scalar_prefetch = 0 : i64, scratch_operands = 10 : i64, tpu.core_type = #tpu.core_type<sc_vector_subcore>, window_params = [{transform_indices = #map}, {transform_indices = #map}, {transform_indices = #map1}, {transform_indices = #map1}, {transform_indices = #map1}, {transform_indices = #map1}]} {
    %mul3A = arith.constant 2 : i32
    %mul3A_0 = arith.muli %arg1, %mul3A : i32
    %add3A = arith.addi %mul3A_0, %arg0 : i32
    %mul3A_1 = arith.constant 10000 : i32
    %mul3A_2 = arith.muli %add3A, %mul3A_1 : i32
    "tpu.region"() ({
      %run_scoped3A = tpu.sem_alloc : memref<!tpu.dma_semaphore, #tpu.memory_space<semaphore_mem>>
      %dma_start3A_28 = tpu.memref_slice %arg2[%mul3A_2] : memref<320000xi32, #tpu.memory_space<hbm>> -> memref<10000xi32, #tpu.memory_space<hbm>>
      %dma_start3A_29 = tpu.memref_slice %arg2[%mul3A_2] : memref<320000xi32, #tpu.memory_space<hbm>> -> memref<10000xi32, #tpu.memory_space<hbm>>
      tpu.enqueue_dma source(%dma_start3A_29 : memref<10000xi32, #tpu.memory_space<hbm>>) target(%arg8 : memref<10000xi32, #tpu.memory_space<vmem>>) target_semaphore(%run_scoped3A : memref<!tpu.dma_semaphore, #tpu.memory_space<semaphore_mem>>)
      %dma_wait3A_30 = tpu.memref_slice %arg2[%mul3A_2] : memref<320000xi32, #tpu.memory_space<hbm>> -> memref<10000xi32, #tpu.memory_space<hbm>>
      %dma_wait3A_31 = tpu.memref_slice %arg2[%mul3A_2] : memref<320000xi32, #tpu.memory_space<hbm>> -> memref<10000xi32, #tpu.memory_space<hbm>>
      tpu.wait_dma2 semaphore(%run_scoped3A : memref<!tpu.dma_semaphore, #tpu.memory_space<semaphore_mem>>) src(%dma_wait3A_31 : memref<10000xi32, #tpu.memory_space<hbm>>) dst(%arg8 : memref<10000xi32, #tpu.memory_space<vmem>>)
      tpu.yield
    }) : () -> ()
    "tpu.region"() ({
      %run_scoped3A = tpu.sem_alloc : memref<!tpu.dma_semaphore, #tpu.memory_space<semaphore_mem>>
      %dma_start3A_28 = tpu.memref_slice %arg3[%mul3A_2] : memref<320000xi32, #tpu.memory_space<hbm>> -> memref<10000xi32, #tpu.memory_space<hbm>>
      %dma_start3A_29 = tpu.memref_slice %arg3[%mul3A_2] : memref<320000xi32, #tpu.memory_space<hbm>> -> memref<10000xi32, #tpu.memory_space<hbm>>
      tpu.enqueue_dma source(%dma_start3A_29 : memref<10000xi32, #tpu.memory_space<hbm>>) target(%arg9 : memref<10000xi32, #tpu.memory_space<vmem>>) target_semaphore(%run_scoped3A : memref<!tpu.dma_semaphore, #tpu.memory_space<semaphore_mem>>)
      %dma_wait3A_30 = tpu.memref_slice %arg3[%mul3A_2] : memref<320000xi32, #tpu.memory_space<hbm>> -> memref<10000xi32, #tpu.memory_space<hbm>>
      %dma_wait3A_31 = tpu.memref_slice %arg3[%mul3A_2] : memref<320000xi32, #tpu.memory_space<hbm>> -> memref<10000xi32, #tpu.memory_space<hbm>>
      tpu.wait_dma2 semaphore(%run_scoped3A : memref<!tpu.dma_semaphore, #tpu.memory_space<semaphore_mem>>) src(%dma_wait3A_31 : memref<10000xi32, #tpu.memory_space<hbm>>) dst(%arg9 : memref<10000xi32, #tpu.memory_space<vmem>>)
      tpu.yield
    }) : () -> ()
    %dma_start3A = arith.constant 0 : i32
    %dma_start3A_3 = tpu.memref_slice %arg8[%dma_start3A] : memref<10000xi32, #tpu.memory_space<vmem>> -> memref<80xi32, #tpu.memory_space<vmem>>
    %dma_start3A_4 = arith.constant 0 : i32
    %dma_start3A_5 = arith.constant 0 : i32
    %dma_start3A_6 = tpu.memref_slice %arg4[%dma_start3A_4, %dma_start3A_5] : memref<10000x256xf32, #tpu.memory_space<hbm>> -> memref<10000x256xf32, #tpu.memory_space<hbm>>
    tpu.enqueue_indirect_dma source(%dma_start3A_6 : memref<10000x256xf32, #tpu.memory_space<hbm>>) target(%arg10 : memref<80x256xf32, #tpu.memory_space<vmem>>) offsets(%dma_start3A_3 : memref<80xi32, #tpu.memory_space<vmem>>) semaphore(%arg14 : memref<!tpu.dma_semaphore, #tpu.memory_space<semaphore_mem>>)
    %dma_start3A_7 = arith.constant 0 : i32
    %dma_start3A_8 = tpu.memref_slice %arg9[%dma_start3A_7] : memref<10000xi32, #tpu.memory_space<vmem>> -> memref<80xi32, #tpu.memory_space<vmem>>
    %dma_start3A_9 = arith.constant 0 : i32
    %dma_start3A_10 = arith.constant 0 : i32
    %dma_start3A_11 = tpu.memref_slice %arg5[%dma_start3A_9, %dma_start3A_10] : memref<10000x128xf32, #tpu.memory_space<hbm>> -> memref<10000x128xf32, #tpu.memory_space<hbm>>
    tpu.enqueue_indirect_dma source(%dma_start3A_11 : memref<10000x128xf32, #tpu.memory_space<hbm>>) target(%arg12 : memref<80x128xf32, #tpu.memory_space<vmem>>) offsets(%dma_start3A_8 : memref<80xi32, #tpu.memory_space<vmem>>) semaphore(%arg16 : memref<!tpu.dma_semaphore, #tpu.memory_space<semaphore_mem>>)
    %scan3A = arith.constant 0 : i32
    %scan3A_12 = arith.constant 0 : i32
    %scan3A_13 = arith.constant 62 : i32
    %scan3A_14 = arith.addi %scan3A_12, %scan3A_13 : i32
    %scan3A_15 = arith.constant 1 : i32
    scf.for %scan3A_28 = %scan3A_12 to %scan3A_14 step %scan3A_15  : i32 {
      %mul3A_29 = arith.constant 2 : i32
      %mul3A_30 = arith.muli %mul3A_29, %scan3A_28 : i32
      %add3A_31 = arith.constant 1 : i32
      %add3A_32 = arith.addi %mul3A_30, %add3A_31 : i32
      %mul3A_33 = arith.constant 80 : i32
      %mul3A_34 = arith.muli %add3A_32, %mul3A_33 : i32
      %dma_start3A_35 = tpu.memref_slice %arg8[%mul3A_34] : memref<10000xi32, #tpu.memory_space<vmem>> -> memref<80xi32, #tpu.memory_space<vmem>>
      %dma_start3A_36 = arith.constant 0 : i32
      %dma_start3A_37 = arith.constant 0 : i32
      %dma_start3A_38 = tpu.memref_slice %arg4[%dma_start3A_36, %dma_start3A_37] : memref<10000x256xf32, #tpu.memory_space<hbm>> -> memref<10000x256xf32, #tpu.memory_space<hbm>>
      tpu.enqueue_indirect_dma source(%dma_start3A_38 : memref<10000x256xf32, #tpu.memory_space<hbm>>) target(%arg11 : memref<80x256xf32, #tpu.memory_space<vmem>>) offsets(%dma_start3A_35 : memref<80xi32, #tpu.memory_space<vmem>>) semaphore(%arg15 : memref<!tpu.dma_semaphore, #tpu.memory_space<semaphore_mem>>)
      %mul3A_39 = arith.constant 80 : i32
      %mul3A_40 = arith.muli %add3A_32, %mul3A_39 : i32
      %dma_start3A_41 = tpu.memref_slice %arg9[%mul3A_40] : memref<10000xi32, #tpu.memory_space<vmem>> -> memref<80xi32, #tpu.memory_space<vmem>>
      %dma_start3A_42 = arith.constant 0 : i32
      %dma_start3A_43 = arith.constant 0 : i32
      %dma_start3A_44 = tpu.memref_slice %arg5[%dma_start3A_42, %dma_start3A_43] : memref<10000x128xf32, #tpu.memory_space<hbm>> -> memref<10000x128xf32, #tpu.memory_space<hbm>>
      tpu.enqueue_indirect_dma source(%dma_start3A_44 : memref<10000x128xf32, #tpu.memory_space<hbm>>) target(%arg13 : memref<80x128xf32, #tpu.memory_space<vmem>>) offsets(%dma_start3A_41 : memref<80xi32, #tpu.memory_space<vmem>>) semaphore(%arg17 : memref<!tpu.dma_semaphore, #tpu.memory_space<semaphore_mem>>)
      %dma_wait3A_45 = arith.constant 0 : i32
      %dma_wait3A_46 = tpu.memref_slice %arg8[%dma_wait3A_45] : memref<10000xi32, #tpu.memory_space<vmem>> -> memref<80xi32, #tpu.memory_space<vmem>>
      %dma_wait3A_47 = arith.constant 0 : i32
      %dma_wait3A_48 = arith.constant 0 : i32
      %dma_wait3A_49 = tpu.memref_slice %arg4[%dma_wait3A_47, %dma_wait3A_48] : memref<10000x256xf32, #tpu.memory_space<hbm>> -> memref<10000x256xf32, #tpu.memory_space<hbm>>
      tpu.wait_indirect_dma semaphore(%arg14 : memref<!tpu.dma_semaphore, #tpu.memory_space<semaphore_mem>>) src(%dma_wait3A_49 : memref<10000x256xf32, #tpu.memory_space<hbm>>) dst(%arg10 : memref<80x256xf32, #tpu.memory_space<vmem>>)
      %dma_wait3A_50 = arith.constant 0 : i32
      %dma_wait3A_51 = tpu.memref_slice %arg9[%dma_wait3A_50] : memref<10000xi32, #tpu.memory_space<vmem>> -> memref<80xi32, #tpu.memory_space<vmem>>
      %dma_wait3A_52 = arith.constant 0 : i32
      %dma_wait3A_53 = arith.constant 0 : i32
      %dma_wait3A_54 = tpu.memref_slice %arg5[%dma_wait3A_52, %dma_wait3A_53] : memref<10000x128xf32, #tpu.memory_space<hbm>> -> memref<10000x128xf32, #tpu.memory_space<hbm>>
      tpu.wait_indirect_dma semaphore(%arg16 : memref<!tpu.dma_semaphore, #tpu.memory_space<semaphore_mem>>) src(%dma_wait3A_54 : memref<10000x128xf32, #tpu.memory_space<hbm>>) dst(%arg12 : memref<80x128xf32, #tpu.memory_space<vmem>>)
      %mul3A_55 = arith.constant 80 : i32
      %mul3A_56 = arith.muli %mul3A_30, %mul3A_55 : i32
      %add3A_57 = arith.addi %mul3A_2, %mul3A_56 : i32
      "tpu.region"() ({
        %run_scoped3A = tpu.sem_alloc : memref<!tpu.dma_semaphore, #tpu.memory_space<semaphore_mem>>
        %dma_start3A_87 = arith.constant 0 : i32
        %dma_start3A_88 = tpu.memref_slice %arg6[%add3A_57, %dma_start3A_87] : memref<320000x256xf32, #tpu.memory_space<hbm>> -> memref<80x256xf32, #tpu.memory_space<hbm>>
        %dma_start3A_89 = arith.constant 0 : i32
        %dma_start3A_90 = tpu.memref_slice %arg6[%add3A_57, %dma_start3A_89] : memref<320000x256xf32, #tpu.memory_space<hbm>> -> memref<80x256xf32, #tpu.memory_space<hbm>>
        tpu.enqueue_dma source(%arg10 : memref<80x256xf32, #tpu.memory_space<vmem>>) target(%dma_start3A_90 : memref<80x256xf32, #tpu.memory_space<hbm>>) target_semaphore(%run_scoped3A : memref<!tpu.dma_semaphore, #tpu.memory_space<semaphore_mem>>)
        %dma_wait3A_91 = arith.constant 0 : i32
        %dma_wait3A_92 = tpu.memref_slice %arg6[%add3A_57, %dma_wait3A_91] : memref<320000x256xf32, #tpu.memory_space<hbm>> -> memref<80x256xf32, #tpu.memory_space<hbm>>
        %dma_wait3A_93 = arith.constant 0 : i32
        %dma_wait3A_94 = tpu.memref_slice %arg6[%add3A_57, %dma_wait3A_93] : memref<320000x256xf32, #tpu.memory_space<hbm>> -> memref<80x256xf32, #tpu.memory_space<hbm>>
        tpu.wait_dma2 semaphore(%run_scoped3A : memref<!tpu.dma_semaphore, #tpu.memory_space<semaphore_mem>>) src(%arg10 : memref<80x256xf32, #tpu.memory_space<vmem>>) dst(%dma_wait3A_94 : memref<80x256xf32, #tpu.memory_space<hbm>>)
        tpu.yield
      }) : () -> ()
      "tpu.region"() ({
        %run_scoped3A = tpu.sem_alloc : memref<!tpu.dma_semaphore, #tpu.memory_space<semaphore_mem>>
        %dma_start3A_87 = arith.constant 0 : i32
        %dma_start3A_88 = tpu.memref_slice %arg7[%add3A_57, %dma_start3A_87] : memref<320000x128xf32, #tpu.memory_space<hbm>> -> memref<80x128xf32, #tpu.memory_space<hbm>>
        %dma_start3A_89 = arith.constant 0 : i32
        %dma_start3A_90 = tpu.memref_slice %arg7[%add3A_57, %dma_start3A_89] : memref<320000x128xf32, #tpu.memory_space<hbm>> -> memref<80x128xf32, #tpu.memory_space<hbm>>
        tpu.enqueue_dma source(%arg12 : memref<80x128xf32, #tpu.memory_space<vmem>>) target(%dma_start3A_90 : memref<80x128xf32, #tpu.memory_space<hbm>>) target_semaphore(%run_scoped3A : memref<!tpu.dma_semaphore, #tpu.memory_space<semaphore_mem>>)
        %dma_wait3A_91 = arith.constant 0 : i32
        %dma_wait3A_92 = tpu.memref_slice %arg7[%add3A_57, %dma_wait3A_91] : memref<320000x128xf32, #tpu.memory_space<hbm>> -> memref<80x128xf32, #tpu.memory_space<hbm>>
        %dma_wait3A_93 = arith.constant 0 : i32
        %dma_wait3A_94 = tpu.memref_slice %arg7[%add3A_57, %dma_wait3A_93] : memref<320000x128xf32, #tpu.memory_space<hbm>> -> memref<80x128xf32, #tpu.memory_space<hbm>>
        tpu.wait_dma2 semaphore(%run_scoped3A : memref<!tpu.dma_semaphore, #tpu.memory_space<semaphore_mem>>) src(%arg12 : memref<80x128xf32, #tpu.memory_space<vmem>>) dst(%dma_wait3A_94 : memref<80x128xf32, #tpu.memory_space<hbm>>)
        tpu.yield
      }) : () -> ()
      %add3A_58 = arith.constant 2 : i32
      %add3A_59 = arith.addi %mul3A_30, %add3A_58 : i32
      %mul3A_60 = arith.constant 80 : i32
      %mul3A_61 = arith.muli %add3A_59, %mul3A_60 : i32
      %dma_start3A_62 = tpu.memref_slice %arg8[%mul3A_61] : memref<10000xi32, #tpu.memory_space<vmem>> -> memref<80xi32, #tpu.memory_space<vmem>>
      %dma_start3A_63 = arith.constant 0 : i32
      %dma_start3A_64 = arith.constant 0 : i32
      %dma_start3A_65 = tpu.memref_slice %arg4[%dma_start3A_63, %dma_start3A_64] : memref<10000x256xf32, #tpu.memory_space<hbm>> -> memref<10000x256xf32, #tpu.memory_space<hbm>>
      tpu.enqueue_indirect_dma source(%dma_start3A_65 : memref<10000x256xf32, #tpu.memory_space<hbm>>) target(%arg10 : memref<80x256xf32, #tpu.memory_space<vmem>>) offsets(%dma_start3A_62 : memref<80xi32, #tpu.memory_space<vmem>>) semaphore(%arg14 : memref<!tpu.dma_semaphore, #tpu.memory_space<semaphore_mem>>)
      %mul3A_66 = arith.constant 80 : i32
      %mul3A_67 = arith.muli %add3A_59, %mul3A_66 : i32
      %dma_start3A_68 = tpu.memref_slice %arg9[%mul3A_67] : memref<10000xi32, #tpu.memory_space<vmem>> -> memref<80xi32, #tpu.memory_space<vmem>>
      %dma_start3A_69 = arith.constant 0 : i32
      %dma_start3A_70 = arith.constant 0 : i32
      %dma_start3A_71 = tpu.memref_slice %arg5[%dma_start3A_69, %dma_start3A_70] : memref<10000x128xf32, #tpu.memory_space<hbm>> -> memref<10000x128xf32, #tpu.memory_space<hbm>>
      tpu.enqueue_indirect_dma source(%dma_start3A_71 : memref<10000x128xf32, #tpu.memory_space<hbm>>) target(%arg12 : memref<80x128xf32, #tpu.memory_space<vmem>>) offsets(%dma_start3A_68 : memref<80xi32, #tpu.memory_space<vmem>>) semaphore(%arg16 : memref<!tpu.dma_semaphore, #tpu.memory_space<semaphore_mem>>)
      %dma_wait3A_72 = arith.constant 0 : i32
      %dma_wait3A_73 = tpu.memref_slice %arg8[%dma_wait3A_72] : memref<10000xi32, #tpu.memory_space<vmem>> -> memref<80xi32, #tpu.memory_space<vmem>>
      %dma_wait3A_74 = arith.constant 0 : i32
      %dma_wait3A_75 = arith.constant 0 : i32
      %dma_wait3A_76 = tpu.memref_slice %arg4[%dma_wait3A_74, %dma_wait3A_75] : memref<10000x256xf32, #tpu.memory_space<hbm>> -> memref<10000x256xf32, #tpu.memory_space<hbm>>
      tpu.wait_indirect_dma semaphore(%arg15 : memref<!tpu.dma_semaphore, #tpu.memory_space<semaphore_mem>>) src(%dma_wait3A_76 : memref<10000x256xf32, #tpu.memory_space<hbm>>) dst(%arg11 : memref<80x256xf32, #tpu.memory_space<vmem>>)
      %dma_wait3A_77 = arith.constant 0 : i32
      %dma_wait3A_78 = tpu.memref_slice %arg9[%dma_wait3A_77] : memref<10000xi32, #tpu.memory_space<vmem>> -> memref<80xi32, #tpu.memory_space<vmem>>
      %dma_wait3A_79 = arith.constant 0 : i32
      %dma_wait3A_80 = arith.constant 0 : i32
      %dma_wait3A_81 = tpu.memref_slice %arg5[%dma_wait3A_79, %dma_wait3A_80] : memref<10000x128xf32, #tpu.memory_space<hbm>> -> memref<10000x128xf32, #tpu.memory_space<hbm>>
      tpu.wait_indirect_dma semaphore(%arg17 : memref<!tpu.dma_semaphore, #tpu.memory_space<semaphore_mem>>) src(%dma_wait3A_81 : memref<10000x128xf32, #tpu.memory_space<hbm>>) dst(%arg13 : memref<80x128xf32, #tpu.memory_space<vmem>>)
      %add3A_82 = arith.constant 1 : i32
      %add3A_83 = arith.addi %mul3A_30, %add3A_82 : i32
      %mul3A_84 = arith.constant 80 : i32
      %mul3A_85 = arith.muli %add3A_83, %mul3A_84 : i32
      %add3A_86 = arith.addi %mul3A_2, %mul3A_85 : i32
      "tpu.region"() ({
        %run_scoped3A = tpu.sem_alloc : memref<!tpu.dma_semaphore, #tpu.memory_space<semaphore_mem>>
        %dma_start3A_87 = arith.constant 0 : i32
        %dma_start3A_88 = tpu.memref_slice %arg6[%add3A_86, %dma_start3A_87] : memref<320000x256xf32, #tpu.memory_space<hbm>> -> memref<80x256xf32, #tpu.memory_space<hbm>>
        %dma_start3A_89 = arith.constant 0 : i32
        %dma_start3A_90 = tpu.memref_slice %arg6[%add3A_86, %dma_start3A_89] : memref<320000x256xf32, #tpu.memory_space<hbm>> -> memref<80x256xf32, #tpu.memory_space<hbm>>
        tpu.enqueue_dma source(%arg11 : memref<80x256xf32, #tpu.memory_space<vmem>>) target(%dma_start3A_90 : memref<80x256xf32, #tpu.memory_space<hbm>>) target_semaphore(%run_scoped3A : memref<!tpu.dma_semaphore, #tpu.memory_space<semaphore_mem>>)
        %dma_wait3A_91 = arith.constant 0 : i32
        %dma_wait3A_92 = tpu.memref_slice %arg6[%add3A_86, %dma_wait3A_91] : memref<320000x256xf32, #tpu.memory_space<hbm>> -> memref<80x256xf32, #tpu.memory_space<hbm>>
        %dma_wait3A_93 = arith.constant 0 : i32
        %dma_wait3A_94 = tpu.memref_slice %arg6[%add3A_86, %dma_wait3A_93] : memref<320000x256xf32, #tpu.memory_space<hbm>> -> memref<80x256xf32, #tpu.memory_space<hbm>>
        tpu.wait_dma2 semaphore(%run_scoped3A : memref<!tpu.dma_semaphore, #tpu.memory_space<semaphore_mem>>) src(%arg11 : memref<80x256xf32, #tpu.memory_space<vmem>>) dst(%dma_wait3A_94 : memref<80x256xf32, #tpu.memory_space<hbm>>)
        tpu.yield
      }) : () -> ()
      "tpu.region"() ({
        %run_scoped3A = tpu.sem_alloc : memref<!tpu.dma_semaphore, #tpu.memory_space<semaphore_mem>>
        %dma_start3A_87 = arith.constant 0 : i32
        %dma_start3A_88 = tpu.memref_slice %arg7[%add3A_86, %dma_start3A_87] : memref<320000x128xf32, #tpu.memory_space<hbm>> -> memref<80x128xf32, #tpu.memory_space<hbm>>
        %dma_start3A_89 = arith.constant 0 : i32
        %dma_start3A_90 = tpu.memref_slice %arg7[%add3A_86, %dma_start3A_89] : memref<320000x128xf32, #tpu.memory_space<hbm>> -> memref<80x128xf32, #tpu.memory_space<hbm>>
        tpu.enqueue_dma source(%arg13 : memref<80x128xf32, #tpu.memory_space<vmem>>) target(%dma_start3A_90 : memref<80x128xf32, #tpu.memory_space<hbm>>) target_semaphore(%run_scoped3A : memref<!tpu.dma_semaphore, #tpu.memory_space<semaphore_mem>>)
        %dma_wait3A_91 = arith.constant 0 : i32
        %dma_wait3A_92 = tpu.memref_slice %arg7[%add3A_86, %dma_wait3A_91] : memref<320000x128xf32, #tpu.memory_space<hbm>> -> memref<80x128xf32, #tpu.memory_space<hbm>>
        %dma_wait3A_93 = arith.constant 0 : i32
        %dma_wait3A_94 = tpu.memref_slice %arg7[%add3A_86, %dma_wait3A_93] : memref<320000x128xf32, #tpu.memory_space<hbm>> -> memref<80x128xf32, #tpu.memory_space<hbm>>
        tpu.wait_dma2 semaphore(%run_scoped3A : memref<!tpu.dma_semaphore, #tpu.memory_space<semaphore_mem>>) src(%arg13 : memref<80x128xf32, #tpu.memory_space<vmem>>) dst(%dma_wait3A_94 : memref<80x128xf32, #tpu.memory_space<hbm>>)
        tpu.yield
      }) : () -> ()
    }
    %scan3A_16 = arith.constant 62 : i32
    %dma_wait3A = arith.constant 0 : i32
    %dma_wait3A_17 = tpu.memref_slice %arg8[%dma_wait3A] : memref<10000xi32, #tpu.memory_space<vmem>> -> memref<80xi32, #tpu.memory_space<vmem>>
    %dma_wait3A_18 = arith.constant 0 : i32
    %dma_wait3A_19 = arith.constant 0 : i32
    %dma_wait3A_20 = tpu.memref_slice %arg4[%dma_wait3A_18, %dma_wait3A_19] : memref<10000x256xf32, #tpu.memory_space<hbm>> -> memref<10000x256xf32, #tpu.memory_space<hbm>>
    tpu.wait_indirect_dma semaphore(%arg14 : memref<!tpu.dma_semaphore, #tpu.memory_space<semaphore_mem>>) src(%dma_wait3A_20 : memref<10000x256xf32, #tpu.memory_space<hbm>>) dst(%arg10 : memref<80x256xf32, #tpu.memory_space<vmem>>)
    %dma_wait3A_21 = arith.constant 0 : i32
    %dma_wait3A_22 = tpu.memref_slice %arg9[%dma_wait3A_21] : memref<10000xi32, #tpu.memory_space<vmem>> -> memref<80xi32, #tpu.memory_space<vmem>>
    %dma_wait3A_23 = arith.constant 0 : i32
    %dma_wait3A_24 = arith.constant 0 : i32
    %dma_wait3A_25 = tpu.memref_slice %arg5[%dma_wait3A_23, %dma_wait3A_24] : memref<10000x128xf32, #tpu.memory_space<hbm>> -> memref<10000x128xf32, #tpu.memory_space<hbm>>
    tpu.wait_indirect_dma semaphore(%arg16 : memref<!tpu.dma_semaphore, #tpu.memory_space<semaphore_mem>>) src(%dma_wait3A_25 : memref<10000x128xf32, #tpu.memory_space<hbm>>) dst(%arg12 : memref<80x128xf32, #tpu.memory_space<vmem>>)
    %add3A_26 = arith.constant 9920 : i32
    %add3A_27 = arith.addi %mul3A_2, %add3A_26 : i32
    "tpu.region"() ({
      %run_scoped3A = tpu.sem_alloc : memref<!tpu.dma_semaphore, #tpu.memory_space<semaphore_mem>>
      %dma_start3A_28 = arith.constant 0 : i32
      %dma_start3A_29 = tpu.memref_slice %arg6[%add3A_27, %dma_start3A_28] : memref<320000x256xf32, #tpu.memory_space<hbm>> -> memref<80x256xf32, #tpu.memory_space<hbm>>
      %dma_start3A_30 = arith.constant 0 : i32
      %dma_start3A_31 = tpu.memref_slice %arg6[%add3A_27, %dma_start3A_30] : memref<320000x256xf32, #tpu.memory_space<hbm>> -> memref<80x256xf32, #tpu.memory_space<hbm>>
      tpu.enqueue_dma source(%arg10 : memref<80x256xf32, #tpu.memory_space<vmem>>) target(%dma_start3A_31 : memref<80x256xf32, #tpu.memory_space<hbm>>) target_semaphore(%run_scoped3A : memref<!tpu.dma_semaphore, #tpu.memory_space<semaphore_mem>>)
      %dma_wait3A_32 = arith.constant 0 : i32
      %dma_wait3A_33 = tpu.memref_slice %arg6[%add3A_27, %dma_wait3A_32] : memref<320000x256xf32, #tpu.memory_space<hbm>> -> memref<80x256xf32, #tpu.memory_space<hbm>>
      %dma_wait3A_34 = arith.constant 0 : i32
      %dma_wait3A_35 = tpu.memref_slice %arg6[%add3A_27, %dma_wait3A_34] : memref<320000x256xf32, #tpu.memory_space<hbm>> -> memref<80x256xf32, #tpu.memory_space<hbm>>
      tpu.wait_dma2 semaphore(%run_scoped3A : memref<!tpu.dma_semaphore, #tpu.memory_space<semaphore_mem>>) src(%arg10 : memref<80x256xf32, #tpu.memory_space<vmem>>) dst(%dma_wait3A_35 : memref<80x256xf32, #tpu.memory_space<hbm>>)
      tpu.yield
    }) : () -> ()
    "tpu.region"() ({
      %run_scoped3A = tpu.sem_alloc : memref<!tpu.dma_semaphore, #tpu.memory_space<semaphore_mem>>
      %dma_start3A_28 = arith.constant 0 : i32
      %dma_start3A_29 = tpu.memref_slice %arg7[%add3A_27, %dma_start3A_28] : memref<320000x128xf32, #tpu.memory_space<hbm>> -> memref<80x128xf32, #tpu.memory_space<hbm>>
      %dma_start3A_30 = arith.constant 0 : i32
      %dma_start3A_31 = tpu.memref_slice %arg7[%add3A_27, %dma_start3A_30] : memref<320000x128xf32, #tpu.memory_space<hbm>> -> memref<80x128xf32, #tpu.memory_space<hbm>>
      tpu.enqueue_dma source(%arg12 : memref<80x128xf32, #tpu.memory_space<vmem>>) target(%dma_start3A_31 : memref<80x128xf32, #tpu.memory_space<hbm>>) target_semaphore(%run_scoped3A : memref<!tpu.dma_semaphore, #tpu.memory_space<semaphore_mem>>)
      %dma_wait3A_32 = arith.constant 0 : i32
      %dma_wait3A_33 = tpu.memref_slice %arg7[%add3A_27, %dma_wait3A_32] : memref<320000x128xf32, #tpu.memory_space<hbm>> -> memref<80x128xf32, #tpu.memory_space<hbm>>
      %dma_wait3A_34 = arith.constant 0 : i32
      %dma_wait3A_35 = tpu.memref_slice %arg7[%add3A_27, %dma_wait3A_34] : memref<320000x128xf32, #tpu.memory_space<hbm>> -> memref<80x128xf32, #tpu.memory_space<hbm>>
      tpu.wait_dma2 semaphore(%run_scoped3A : memref<!tpu.dma_semaphore, #tpu.memory_space<semaphore_mem>>) src(%arg12 : memref<80x128xf32, #tpu.memory_space<vmem>>) dst(%dma_wait3A_35 : memref<80x128xf32, #tpu.memory_space<hbm>>)
      tpu.yield
    }) : () -> ()
    return
  }
}

#map = affine_map<(d0, d1) -> (0, 0)>
#map1 = affine_map<(d0, d1) -> (0, 0, 0)>
module attributes {stable_mosaic.version = 14 : i64} {
  func.func @k(%arg0: i32, %arg1: i32, %arg2: memref<320000x128xf32, #tpu.memory_space<hbm>>, %arg3: memref<32x125x80xi32, #tpu.memory_space<hbm>>, %arg4: memref<10240x128xf32, #tpu.memory_space<hbm>>, %arg5: memref<20480x128xf32, #tpu.memory_space<hbm>>, %arg6: memref<125x80xi32, #tpu.memory_space<vmem>>, %arg7: memref<80x128xf32, #tpu.memory_space<vmem>>, %arg8: memref<80x128xf32, #tpu.memory_space<vmem>>, %arg9: memref<10240x128xf32, #tpu.memory_space<vmem_shared>>, %arg10: memref<!tpu.dma_semaphore, #tpu.memory_space<semaphore_mem>>, %arg11: memref<!tpu.dma_semaphore, #tpu.memory_space<semaphore_mem>>) attributes {dimension_semantics = [#tpu.dimension_semantics<core_parallel>, #tpu.dimension_semantics<subcore_parallel>], iteration_bounds = array<i64: 2, 16>, scalar_prefetch = 0 : i64, scratch_operands = 6 : i64, tpu.core_type = #tpu.core_type<sc_vector_subcore>, window_params = [{transform_indices = #map}, {transform_indices = #map1}, {transform_indices = #map}, {transform_indices = #map}]} {
    %mul3A = arith.constant 2 : i32
    %mul3A_0 = arith.muli %arg1, %mul3A : i32
    %add3A = arith.addi %mul3A_0, %arg0 : i32
    %mul3A_1 = arith.constant 640 : i32
    %mul3A_2 = arith.muli %arg1, %mul3A_1 : i32
    %mul3A_3 = arith.constant 640 : i32
    %mul3A_4 = arith.muli %arg1, %mul3A_3 : i32
    "tpu.region"() ({
      %run_scoped3A_30 = tpu.sem_alloc : memref<!tpu.dma_semaphore, #tpu.memory_space<semaphore_mem>>
      %dma_start3A_31 = arith.constant 0 : i32
      %dma_start3A_32 = tpu.memref_slice %arg9[%mul3A_4, %dma_start3A_31] : memref<10240x128xf32, #tpu.memory_space<vmem_shared>> -> memref<640x128xf32, #tpu.memory_space<vmem_shared>>
      %dma_start3A_33 = arith.constant 0 : i32
      %dma_start3A_34 = tpu.memref_slice %arg4[%mul3A_2, %dma_start3A_33] : memref<10240x128xf32, #tpu.memory_space<hbm>> -> memref<640x128xf32, #tpu.memory_space<hbm>>
      tpu.enqueue_dma source(%dma_start3A_34 : memref<640x128xf32, #tpu.memory_space<hbm>>) target(%dma_start3A_32 : memref<640x128xf32, #tpu.memory_space<vmem_shared>>) target_semaphore(%run_scoped3A_30 : memref<!tpu.dma_semaphore, #tpu.memory_space<semaphore_mem>>)
      %dma_wait3A_35 = arith.constant 0 : i32
      %dma_wait3A_36 = tpu.memref_slice %arg9[%mul3A_4, %dma_wait3A_35] : memref<10240x128xf32, #tpu.memory_space<vmem_shared>> -> memref<640x128xf32, #tpu.memory_space<vmem_shared>>
      %dma_wait3A_37 = arith.constant 0 : i32
      %dma_wait3A_38 = tpu.memref_slice %arg4[%mul3A_2, %dma_wait3A_37] : memref<10240x128xf32, #tpu.memory_space<hbm>> -> memref<640x128xf32, #tpu.memory_space<hbm>>
      tpu.wait_dma2 semaphore(%run_scoped3A_30 : memref<!tpu.dma_semaphore, #tpu.memory_space<semaphore_mem>>) src(%dma_wait3A_38 : memref<640x128xf32, #tpu.memory_space<hbm>>) dst(%dma_wait3A_36 : memref<640x128xf32, #tpu.memory_space<vmem_shared>>)
      tpu.yield
    }) : () -> ()
    "tpu.region"() ({
      %run_scoped3A_30 = tpu.sem_alloc : memref<!tpu.dma_semaphore, #tpu.memory_space<semaphore_mem>>
      %dma_start3A_31 = arith.constant 0 : i32
      %dma_start3A_32 = arith.constant 0 : i32
      %dma_start3A_33 = tpu.memref_slice %arg3[%add3A, %dma_start3A_31, %dma_start3A_32] : memref<32x125x80xi32, #tpu.memory_space<hbm>> -> memref<1x125x80xi32, #tpu.memory_space<hbm>>
      %dma_start3A_34 = tpu.memref_squeeze %dma_start3A_33 : memref<1x125x80xi32, #tpu.memory_space<hbm>> -> memref<125x80xi32, #tpu.memory_space<hbm>>
      %dma_start3A_35 = arith.constant 0 : i32
      %dma_start3A_36 = arith.constant 0 : i32
      %dma_start3A_37 = tpu.memref_slice %arg3[%add3A, %dma_start3A_35, %dma_start3A_36] : memref<32x125x80xi32, #tpu.memory_space<hbm>> -> memref<1x125x80xi32, #tpu.memory_space<hbm>>
      %dma_start3A_38 = tpu.memref_squeeze %dma_start3A_37 : memref<1x125x80xi32, #tpu.memory_space<hbm>> -> memref<125x80xi32, #tpu.memory_space<hbm>>
      tpu.enqueue_dma source(%dma_start3A_38 : memref<125x80xi32, #tpu.memory_space<hbm>>) target(%arg6 : memref<125x80xi32, #tpu.memory_space<vmem>>) target_semaphore(%run_scoped3A_30 : memref<!tpu.dma_semaphore, #tpu.memory_space<semaphore_mem>>)
      %dma_wait3A_39 = arith.constant 0 : i32
      %dma_wait3A_40 = arith.constant 0 : i32
      %dma_wait3A_41 = tpu.memref_slice %arg3[%add3A, %dma_wait3A_39, %dma_wait3A_40] : memref<32x125x80xi32, #tpu.memory_space<hbm>> -> memref<1x125x80xi32, #tpu.memory_space<hbm>>
      %dma_wait3A_42 = tpu.memref_squeeze %dma_wait3A_41 : memref<1x125x80xi32, #tpu.memory_space<hbm>> -> memref<125x80xi32, #tpu.memory_space<hbm>>
      %dma_wait3A_43 = arith.constant 0 : i32
      %dma_wait3A_44 = arith.constant 0 : i32
      %dma_wait3A_45 = tpu.memref_slice %arg3[%add3A, %dma_wait3A_43, %dma_wait3A_44] : memref<32x125x80xi32, #tpu.memory_space<hbm>> -> memref<1x125x80xi32, #tpu.memory_space<hbm>>
      %dma_wait3A_46 = tpu.memref_squeeze %dma_wait3A_45 : memref<1x125x80xi32, #tpu.memory_space<hbm>> -> memref<125x80xi32, #tpu.memory_space<hbm>>
      tpu.wait_dma2 semaphore(%run_scoped3A_30 : memref<!tpu.dma_semaphore, #tpu.memory_space<semaphore_mem>>) src(%dma_wait3A_46 : memref<125x80xi32, #tpu.memory_space<hbm>>) dst(%arg6 : memref<125x80xi32, #tpu.memory_space<vmem>>)
      tpu.yield
    }) : () -> ()
    %barrier3A = arith.constant 0 : index
    tpu.barrier barrier_id(%barrier3A)
    %mul3A_5 = arith.constant 10000 : i32
    %mul3A_6 = arith.muli %add3A, %mul3A_5 : i32
    %add3A_7 = arith.constant 0 : i32
    %add3A_8 = arith.addi %mul3A_6, %add3A_7 : i32
    %dma_start3A = arith.constant 0 : i32
    %dma_start3A_9 = tpu.memref_slice %arg2[%add3A_8, %dma_start3A] : memref<320000x128xf32, #tpu.memory_space<hbm>> -> memref<80x128xf32, #tpu.memory_space<hbm>>
    %dma_start3A_10 = arith.constant 0 : i32
    %dma_start3A_11 = tpu.memref_slice %arg2[%add3A_8, %dma_start3A_10] : memref<320000x128xf32, #tpu.memory_space<hbm>> -> memref<80x128xf32, #tpu.memory_space<hbm>>
    tpu.enqueue_dma source(%dma_start3A_11 : memref<80x128xf32, #tpu.memory_space<hbm>>) target(%arg7 : memref<80x128xf32, #tpu.memory_space<vmem>>) target_semaphore(%arg10 : memref<!tpu.dma_semaphore, #tpu.memory_space<semaphore_mem>>)
    %scan3A = arith.constant 0 : i32
    %scan3A_12 = arith.constant 0 : i32
    %scan3A_13 = arith.constant 62 : i32
    %scan3A_14 = arith.addi %scan3A_12, %scan3A_13 : i32
    %scan3A_15 = arith.constant 1 : i32
    scf.for %scan3A_30 = %scan3A_12 to %scan3A_14 step %scan3A_15  : i32 {
      %mul3A_31 = arith.constant 2 : i32
      %mul3A_32 = arith.muli %mul3A_31, %scan3A_30 : i32
      %add3A_33 = arith.constant 1 : i32
      %add3A_34 = arith.addi %mul3A_32, %add3A_33 : i32
      %mul3A_35 = arith.constant 10000 : i32
      %mul3A_36 = arith.muli %add3A, %mul3A_35 : i32
      %mul3A_37 = arith.constant 80 : i32
      %mul3A_38 = arith.muli %add3A_34, %mul3A_37 : i32
      %add3A_39 = arith.addi %mul3A_36, %mul3A_38 : i32
      %dma_start3A_40 = arith.constant 0 : i32
      %dma_start3A_41 = tpu.memref_slice %arg2[%add3A_39, %dma_start3A_40] : memref<320000x128xf32, #tpu.memory_space<hbm>> -> memref<80x128xf32, #tpu.memory_space<hbm>>
      %dma_start3A_42 = arith.constant 0 : i32
      %dma_start3A_43 = tpu.memref_slice %arg2[%add3A_39, %dma_start3A_42] : memref<320000x128xf32, #tpu.memory_space<hbm>> -> memref<80x128xf32, #tpu.memory_space<hbm>>
      tpu.enqueue_dma source(%dma_start3A_43 : memref<80x128xf32, #tpu.memory_space<hbm>>) target(%arg8 : memref<80x128xf32, #tpu.memory_space<vmem>>) target_semaphore(%arg11 : memref<!tpu.dma_semaphore, #tpu.memory_space<semaphore_mem>>)
      %dma_wait3A_44 = arith.constant 0 : i32
      %dma_wait3A_45 = arith.constant 0 : i32
      %dma_wait3A_46 = tpu.memref_slice %arg2[%dma_wait3A_44, %dma_wait3A_45] : memref<320000x128xf32, #tpu.memory_space<hbm>> -> memref<80x128xf32, #tpu.memory_space<hbm>>
      %dma_wait3A_47 = arith.constant 0 : i32
      %dma_wait3A_48 = arith.constant 0 : i32
      %dma_wait3A_49 = tpu.memref_slice %arg2[%dma_wait3A_47, %dma_wait3A_48] : memref<320000x128xf32, #tpu.memory_space<hbm>> -> memref<80x128xf32, #tpu.memory_space<hbm>>
      tpu.wait_dma2 semaphore(%arg10 : memref<!tpu.dma_semaphore, #tpu.memory_space<semaphore_mem>>) src(%dma_wait3A_49 : memref<80x128xf32, #tpu.memory_space<hbm>>) dst(%arg7 : memref<80x128xf32, #tpu.memory_space<vmem>>)
      "tpu.region"() ({
        %run_scoped3A_69 = tpu.sem_alloc : memref<!tpu.dma_semaphore, #tpu.memory_space<semaphore_mem>>
        %dma_start3A_70 = arith.constant 0 : i32
        %dma_start3A_71 = tpu.memref_slice %arg6[%mul3A_32, %dma_start3A_70] : memref<125x80xi32, #tpu.memory_space<vmem>> -> memref<1x80xi32, #tpu.memory_space<vmem>>
        %dma_start3A_72 = tpu.memref_squeeze %dma_start3A_71 : memref<1x80xi32, #tpu.memory_space<vmem>> -> memref<80xi32, #tpu.memory_space<vmem>>
        %dma_start3A_73 = arith.constant 0 : i32
        %dma_start3A_74 = arith.constant 0 : i32
        %dma_start3A_75 = tpu.memref_slice %arg9[%dma_start3A_73, %dma_start3A_74] : memref<10240x128xf32, #tpu.memory_space<vmem_shared>> -> memref<10240x128xf32, #tpu.memory_space<vmem_shared>>
        tpu.enqueue_indirect_dma source(%arg7 : memref<80x128xf32, #tpu.memory_space<vmem>>) target(%dma_start3A_75 : memref<10240x128xf32, #tpu.memory_space<vmem_shared>>) offsets(%dma_start3A_72 : memref<80xi32, #tpu.memory_space<vmem>>) semaphore(%run_scoped3A_69 : memref<!tpu.dma_semaphore, #tpu.memory_space<semaphore_mem>>) {add = true}
        %dma_wait3A_76 = arith.constant 0 : i32
        %dma_wait3A_77 = tpu.memref_slice %arg6[%mul3A_32, %dma_wait3A_76] : memref<125x80xi32, #tpu.memory_space<vmem>> -> memref<1x80xi32, #tpu.memory_space<vmem>>
        %dma_wait3A_78 = tpu.memref_squeeze %dma_wait3A_77 : memref<1x80xi32, #tpu.memory_space<vmem>> -> memref<80xi32, #tpu.memory_space<vmem>>
        %dma_wait3A_79 = arith.constant 0 : i32
        %dma_wait3A_80 = arith.constant 0 : i32
        %dma_wait3A_81 = tpu.memref_slice %arg9[%dma_wait3A_79, %dma_wait3A_80] : memref<10240x128xf32, #tpu.memory_space<vmem_shared>> -> memref<10240x128xf32, #tpu.memory_space<vmem_shared>>
        tpu.wait_indirect_dma semaphore(%run_scoped3A_69 : memref<!tpu.dma_semaphore, #tpu.memory_space<semaphore_mem>>) src(%arg7 : memref<80x128xf32, #tpu.memory_space<vmem>>) dst(%dma_wait3A_81 : memref<10240x128xf32, #tpu.memory_space<vmem_shared>>)
        tpu.yield
      }) : () -> ()
      %add3A_50 = arith.constant 2 : i32
      %add3A_51 = arith.addi %mul3A_32, %add3A_50 : i32
      %mul3A_52 = arith.constant 10000 : i32
      %mul3A_53 = arith.muli %add3A, %mul3A_52 : i32
      %mul3A_54 = arith.constant 80 : i32
      %mul3A_55 = arith.muli %add3A_51, %mul3A_54 : i32
      %add3A_56 = arith.addi %mul3A_53, %mul3A_55 : i32
      %dma_start3A_57 = arith.constant 0 : i32
      %dma_start3A_58 = tpu.memref_slice %arg2[%add3A_56, %dma_start3A_57] : memref<320000x128xf32, #tpu.memory_space<hbm>> -> memref<80x128xf32, #tpu.memory_space<hbm>>
      %dma_start3A_59 = arith.constant 0 : i32
      %dma_start3A_60 = tpu.memref_slice %arg2[%add3A_56, %dma_start3A_59] : memref<320000x128xf32, #tpu.memory_space<hbm>> -> memref<80x128xf32, #tpu.memory_space<hbm>>
      tpu.enqueue_dma source(%dma_start3A_60 : memref<80x128xf32, #tpu.memory_space<hbm>>) target(%arg7 : memref<80x128xf32, #tpu.memory_space<vmem>>) target_semaphore(%arg10 : memref<!tpu.dma_semaphore, #tpu.memory_space<semaphore_mem>>)
      %dma_wait3A_61 = arith.constant 0 : i32
      %dma_wait3A_62 = arith.constant 0 : i32
      %dma_wait3A_63 = tpu.memref_slice %arg2[%dma_wait3A_61, %dma_wait3A_62] : memref<320000x128xf32, #tpu.memory_space<hbm>> -> memref<80x128xf32, #tpu.memory_space<hbm>>
      %dma_wait3A_64 = arith.constant 0 : i32
      %dma_wait3A_65 = arith.constant 0 : i32
      %dma_wait3A_66 = tpu.memref_slice %arg2[%dma_wait3A_64, %dma_wait3A_65] : memref<320000x128xf32, #tpu.memory_space<hbm>> -> memref<80x128xf32, #tpu.memory_space<hbm>>
      tpu.wait_dma2 semaphore(%arg11 : memref<!tpu.dma_semaphore, #tpu.memory_space<semaphore_mem>>) src(%dma_wait3A_66 : memref<80x128xf32, #tpu.memory_space<hbm>>) dst(%arg8 : memref<80x128xf32, #tpu.memory_space<vmem>>)
      %add3A_67 = arith.constant 1 : i32
      %add3A_68 = arith.addi %mul3A_32, %add3A_67 : i32
      "tpu.region"() ({
        %run_scoped3A_69 = tpu.sem_alloc : memref<!tpu.dma_semaphore, #tpu.memory_space<semaphore_mem>>
        %dma_start3A_70 = arith.constant 0 : i32
        %dma_start3A_71 = tpu.memref_slice %arg6[%add3A_68, %dma_start3A_70] : memref<125x80xi32, #tpu.memory_space<vmem>> -> memref<1x80xi32, #tpu.memory_space<vmem>>
        %dma_start3A_72 = tpu.memref_squeeze %dma_start3A_71 : memref<1x80xi32, #tpu.memory_space<vmem>> -> memref<80xi32, #tpu.memory_space<vmem>>
        %dma_start3A_73 = arith.constant 0 : i32
        %dma_start3A_74 = arith.constant 0 : i32
        %dma_start3A_75 = tpu.memref_slice %arg9[%dma_start3A_73, %dma_start3A_74] : memref<10240x128xf32, #tpu.memory_space<vmem_shared>> -> memref<10240x128xf32, #tpu.memory_space<vmem_shared>>
        tpu.enqueue_indirect_dma source(%arg8 : memref<80x128xf32, #tpu.memory_space<vmem>>) target(%dma_start3A_75 : memref<10240x128xf32, #tpu.memory_space<vmem_shared>>) offsets(%dma_start3A_72 : memref<80xi32, #tpu.memory_space<vmem>>) semaphore(%run_scoped3A_69 : memref<!tpu.dma_semaphore, #tpu.memory_space<semaphore_mem>>) {add = true}
        %dma_wait3A_76 = arith.constant 0 : i32
        %dma_wait3A_77 = tpu.memref_slice %arg6[%add3A_68, %dma_wait3A_76] : memref<125x80xi32, #tpu.memory_space<vmem>> -> memref<1x80xi32, #tpu.memory_space<vmem>>
        %dma_wait3A_78 = tpu.memref_squeeze %dma_wait3A_77 : memref<1x80xi32, #tpu.memory_space<vmem>> -> memref<80xi32, #tpu.memory_space<vmem>>
        %dma_wait3A_79 = arith.constant 0 : i32
        %dma_wait3A_80 = arith.constant 0 : i32
        %dma_wait3A_81 = tpu.memref_slice %arg9[%dma_wait3A_79, %dma_wait3A_80] : memref<10240x128xf32, #tpu.memory_space<vmem_shared>> -> memref<10240x128xf32, #tpu.memory_space<vmem_shared>>
        tpu.wait_indirect_dma semaphore(%run_scoped3A_69 : memref<!tpu.dma_semaphore, #tpu.memory_space<semaphore_mem>>) src(%arg8 : memref<80x128xf32, #tpu.memory_space<vmem>>) dst(%dma_wait3A_81 : memref<10240x128xf32, #tpu.memory_space<vmem_shared>>)
        tpu.yield
      }) : () -> ()
    }
    %scan3A_16 = arith.constant 62 : i32
    %dma_wait3A = arith.constant 0 : i32
    %dma_wait3A_17 = arith.constant 0 : i32
    %dma_wait3A_18 = tpu.memref_slice %arg2[%dma_wait3A, %dma_wait3A_17] : memref<320000x128xf32, #tpu.memory_space<hbm>> -> memref<80x128xf32, #tpu.memory_space<hbm>>
    %dma_wait3A_19 = arith.constant 0 : i32
    %dma_wait3A_20 = arith.constant 0 : i32
    %dma_wait3A_21 = tpu.memref_slice %arg2[%dma_wait3A_19, %dma_wait3A_20] : memref<320000x128xf32, #tpu.memory_space<hbm>> -> memref<80x128xf32, #tpu.memory_space<hbm>>
    tpu.wait_dma2 semaphore(%arg10 : memref<!tpu.dma_semaphore, #tpu.memory_space<semaphore_mem>>) src(%dma_wait3A_21 : memref<80x128xf32, #tpu.memory_space<hbm>>) dst(%arg7 : memref<80x128xf32, #tpu.memory_space<vmem>>)
    %run_scoped3A = arith.constant 124 : i32
    "tpu.region"() ({
      %run_scoped3A_30 = tpu.sem_alloc : memref<!tpu.dma_semaphore, #tpu.memory_space<semaphore_mem>>
      %dma_start3A_31 = arith.constant 0 : i32
      %dma_start3A_32 = tpu.memref_slice %arg6[%run_scoped3A, %dma_start3A_31] : memref<125x80xi32, #tpu.memory_space<vmem>> -> memref<1x80xi32, #tpu.memory_space<vmem>>
      %dma_start3A_33 = tpu.memref_squeeze %dma_start3A_32 : memref<1x80xi32, #tpu.memory_space<vmem>> -> memref<80xi32, #tpu.memory_space<vmem>>
      %dma_start3A_34 = arith.constant 0 : i32
      %dma_start3A_35 = arith.constant 0 : i32
      %dma_start3A_36 = tpu.memref_slice %arg9[%dma_start3A_34, %dma_start3A_35] : memref<10240x128xf32, #tpu.memory_space<vmem_shared>> -> memref<10240x128xf32, #tpu.memory_space<vmem_shared>>
      tpu.enqueue_indirect_dma source(%arg7 : memref<80x128xf32, #tpu.memory_space<vmem>>) target(%dma_start3A_36 : memref<10240x128xf32, #tpu.memory_space<vmem_shared>>) offsets(%dma_start3A_33 : memref<80xi32, #tpu.memory_space<vmem>>) semaphore(%run_scoped3A_30 : memref<!tpu.dma_semaphore, #tpu.memory_space<semaphore_mem>>) {add = true}
      %dma_wait3A_37 = arith.constant 0 : i32
      %dma_wait3A_38 = tpu.memref_slice %arg6[%run_scoped3A, %dma_wait3A_37] : memref<125x80xi32, #tpu.memory_space<vmem>> -> memref<1x80xi32, #tpu.memory_space<vmem>>
      %dma_wait3A_39 = tpu.memref_squeeze %dma_wait3A_38 : memref<1x80xi32, #tpu.memory_space<vmem>> -> memref<80xi32, #tpu.memory_space<vmem>>
      %dma_wait3A_40 = arith.constant 0 : i32
      %dma_wait3A_41 = arith.constant 0 : i32
      %dma_wait3A_42 = tpu.memref_slice %arg9[%dma_wait3A_40, %dma_wait3A_41] : memref<10240x128xf32, #tpu.memory_space<vmem_shared>> -> memref<10240x128xf32, #tpu.memory_space<vmem_shared>>
      tpu.wait_indirect_dma semaphore(%run_scoped3A_30 : memref<!tpu.dma_semaphore, #tpu.memory_space<semaphore_mem>>) src(%arg7 : memref<80x128xf32, #tpu.memory_space<vmem>>) dst(%dma_wait3A_42 : memref<10240x128xf32, #tpu.memory_space<vmem_shared>>)
      tpu.yield
    }) : () -> ()
    %barrier3A_22 = arith.constant 0 : index
    tpu.barrier barrier_id(%barrier3A_22)
    %mul3A_23 = arith.constant 640 : i32
    %mul3A_24 = arith.muli %arg1, %mul3A_23 : i32
    %mul3A_25 = arith.constant 10240 : i32
    %mul3A_26 = arith.muli %arg0, %mul3A_25 : i32
    %mul3A_27 = arith.constant 640 : i32
    %mul3A_28 = arith.muli %arg1, %mul3A_27 : i32
    %add3A_29 = arith.addi %mul3A_26, %mul3A_28 : i32
    "tpu.region"() ({
      %run_scoped3A_30 = tpu.sem_alloc : memref<!tpu.dma_semaphore, #tpu.memory_space<semaphore_mem>>
      %dma_start3A_31 = arith.constant 0 : i32
      %dma_start3A_32 = tpu.memref_slice %arg5[%add3A_29, %dma_start3A_31] : memref<20480x128xf32, #tpu.memory_space<hbm>> -> memref<640x128xf32, #tpu.memory_space<hbm>>
      %dma_start3A_33 = arith.constant 0 : i32
      %dma_start3A_34 = tpu.memref_slice %arg9[%mul3A_24, %dma_start3A_33] : memref<10240x128xf32, #tpu.memory_space<vmem_shared>> -> memref<640x128xf32, #tpu.memory_space<vmem_shared>>
      tpu.enqueue_dma source(%dma_start3A_34 : memref<640x128xf32, #tpu.memory_space<vmem_shared>>) target(%dma_start3A_32 : memref<640x128xf32, #tpu.memory_space<hbm>>) target_semaphore(%run_scoped3A_30 : memref<!tpu.dma_semaphore, #tpu.memory_space<semaphore_mem>>)
      %dma_wait3A_35 = arith.constant 0 : i32
      %dma_wait3A_36 = tpu.memref_slice %arg5[%add3A_29, %dma_wait3A_35] : memref<20480x128xf32, #tpu.memory_space<hbm>> -> memref<640x128xf32, #tpu.memory_space<hbm>>
      %dma_wait3A_37 = arith.constant 0 : i32
      %dma_wait3A_38 = tpu.memref_slice %arg9[%mul3A_24, %dma_wait3A_37] : memref<10240x128xf32, #tpu.memory_space<vmem_shared>> -> memref<640x128xf32, #tpu.memory_space<vmem_shared>>
      tpu.wait_dma2 semaphore(%run_scoped3A_30 : memref<!tpu.dma_semaphore, #tpu.memory_space<semaphore_mem>>) src(%dma_wait3A_38 : memref<640x128xf32, #tpu.memory_space<vmem_shared>>) dst(%dma_wait3A_36 : memref<640x128xf32, #tpu.memory_space<hbm>>)
      tpu.yield
    }) : () -> ()
    return
  }
}

module attributes {stable_mosaic.version = 14 : i64} {
  func.func @_node0_body(%arg0: i32, %arg1: memref<2000x128xf32, #tpu.memory_space<vmem>>, %arg2: memref<128x128xf32, #tpu.memory_space<vmem>>, %arg3: memref<1x128xf32, #tpu.memory_space<vmem>>, %arg4: memref<128x256xf32, #tpu.memory_space<vmem>>, %arg5: memref<128x128xf32, #tpu.memory_space<vmem>>, %arg6: memref<2000x128xf32, #tpu.memory_space<vmem>>, %arg7: memref<2000x256xf32, #tpu.memory_space<vmem>>, %arg8: memref<2000x128xf32, #tpu.memory_space<vmem>>) attributes {dimension_semantics = [#tpu.dimension_semantics<arbitrary>], iteration_bounds = array<i64: 5>, scalar_prefetch = 0 : i64, scratch_operands = 0 : i64, tpu.core_type = #tpu.core_type<tc>, window_params = [{transform_indices = @transform_0, window_bounds = array<i64: 2000, 128>}, {pipeline_mode = #tpu.pipeline_mode<synchronous>, transform_indices = @transform_1, window_bounds = array<i64: 128, 128>}, {pipeline_mode = #tpu.pipeline_mode<synchronous>, transform_indices = @transform_2, window_bounds = array<i64: 1, 128>}, {pipeline_mode = #tpu.pipeline_mode<synchronous>, transform_indices = @transform_3, window_bounds = array<i64: 128, 256>}, {pipeline_mode = #tpu.pipeline_mode<synchronous>, transform_indices = @transform_4, window_bounds = array<i64: 128, 128>}, {transform_indices = @transform_5, window_bounds = array<i64: 2000, 128>}, {transform_indices = @transform_6, window_bounds = array<i64: 2000, 256>}, {transform_indices = @transform_7, window_bounds = array<i64: 2000, 128>}]} {
    %get3A = arith.constant 0 : index
    %get3A_0 = arith.constant 0 : index
    %get3A_1 = vector.load %arg1[%get3A, %get3A_0] : memref<2000x128xf32, #tpu.memory_space<vmem>>, vector<2000x128xf32>
    %get3A_2 = arith.constant 0 : index
    %get3A_3 = arith.constant 0 : index
    %get3A_4 = vector.load %arg2[%get3A_2, %get3A_3] : memref<128x128xf32, #tpu.memory_space<vmem>>, vector<128x128xf32>
    %dot_general3A = arith.constant dense<0.000000e+00> : vector<2000x128xf32>
    %dot_general3A_5 = tpu.matmul %get3A_1, %get3A_4, %dot_general3A {dimension_numbers = #tpu.dot_dimension_numbers<[1], [0], [0], [1], [0, 0, 1, 1], [], []>, precision = #tpu.contract_precision<fp32>, transpose_lhs_hint = false} : vector<2000x128xf32>, vector<128x128xf32>, vector<2000x128xf32> -> vector<2000x128xf32>
    %get3A_6 = arith.constant 0 : index
    %get3A_7 = arith.constant 0 : index
    %get3A_8 = vector.load %arg3[%get3A_6, %get3A_7] : memref<1x128xf32, #tpu.memory_space<vmem>>, vector<1x128xf32>
    %add3A = vector.broadcast %get3A_8 : vector<1x128xf32> to vector<2000x128xf32>
    %add3A_9 = arith.addf %dot_general3A_5, %add3A : vector<2000x128xf32>
    %max3A = arith.constant 0.000000e+00 : f32
    %max3A_10 = vector.broadcast %max3A : f32 to vector<2000x128xf32>
    %max3A_11 = arith.maximumf %add3A_9, %max3A_10 : vector<2000x128xf32>
    %swap3A = arith.constant 0 : index
    %swap3A_12 = arith.constant 0 : index
    %swap3A_13 = vector.load %arg6[%swap3A, %swap3A_12] : memref<2000x128xf32, #tpu.memory_space<vmem>>, vector<2000x128xf32>
    tpu.vector_store %arg6[%swap3A, %swap3A_12], %max3A_11 {strides = array<i32>} : memref<2000x128xf32, #tpu.memory_space<vmem>>, vector<2000x128xf32>,
    %get3A_14 = arith.constant 0 : index
    %get3A_15 = arith.constant 0 : index
    %get3A_16 = vector.load %arg4[%get3A_14, %get3A_15] : memref<128x256xf32, #tpu.memory_space<vmem>>, vector<128x256xf32>
    %dot_general3A_17 = arith.constant dense<0.000000e+00> : vector<2000x256xf32>
    %dot_general3A_18 = tpu.matmul %max3A_11, %get3A_16, %dot_general3A_17 {dimension_numbers = #tpu.dot_dimension_numbers<[1], [0], [0], [1], [0, 0, 1, 1], [], []>, precision = #tpu.contract_precision<fp32>, transpose_lhs_hint = false} : vector<2000x128xf32>, vector<128x256xf32>, vector<2000x256xf32> -> vector<2000x256xf32>
    %swap3A_19 = arith.constant 0 : index
    %swap3A_20 = arith.constant 0 : index
    %swap3A_21 = vector.load %arg7[%swap3A_19, %swap3A_20] : memref<2000x256xf32, #tpu.memory_space<vmem>>, vector<2000x256xf32>
    tpu.vector_store %arg7[%swap3A_19, %swap3A_20], %dot_general3A_18 {strides = array<i32>} : memref<2000x256xf32, #tpu.memory_space<vmem>>, vector<2000x256xf32>,
    %get3A_22 = arith.constant 0 : index
    %get3A_23 = arith.constant 0 : index
    %get3A_24 = vector.load %arg5[%get3A_22, %get3A_23] : memref<128x128xf32, #tpu.memory_space<vmem>>, vector<128x128xf32>
    %dot_general3A_25 = arith.constant dense<0.000000e+00> : vector<2000x128xf32>
    %dot_general3A_26 = tpu.matmul %max3A_11, %get3A_24, %dot_general3A_25 {dimension_numbers = #tpu.dot_dimension_numbers<[1], [0], [0], [1], [0, 0, 1, 1], [], []>, precision = #tpu.contract_precision<fp32>, transpose_lhs_hint = false} : vector<2000x128xf32>, vector<128x128xf32>, vector<2000x128xf32> -> vector<2000x128xf32>
    %swap3A_27 = arith.constant 0 : index
    %swap3A_28 = arith.constant 0 : index
    %swap3A_29 = vector.load %arg8[%swap3A_27, %swap3A_28] : memref<2000x128xf32, #tpu.memory_space<vmem>>, vector<2000x128xf32>
    tpu.vector_store %arg8[%swap3A_27, %swap3A_28], %dot_general3A_26 {strides = array<i32>} : memref<2000x128xf32, #tpu.memory_space<vmem>>, vector<2000x128xf32>,
    return
  }
  func.func @transform_0(%arg0: i32) -> (i32, i32) {
    %c0_i32 = arith.constant 0 : i32
    %c0_i32_0 = arith.constant 0 : i32
    return %arg0, %c0_i32 : i32, i32
  }
  func.func @transform_1(%arg0: i32) -> (i32, i32) {
    %c0_i32 = arith.constant 0 : i32
    %c0_i32_0 = arith.constant 0 : i32
    %c0_i32_1 = arith.constant 0 : i32
    return %c0_i32, %c0_i32_0 : i32, i32
  }
  func.func @transform_2(%arg0: i32) -> (i32, i32) {
    %c0_i32 = arith.constant 0 : i32
    %c0_i32_0 = arith.constant 0 : i32
    %c0_i32_1 = arith.constant 0 : i32
    return %c0_i32, %c0_i32_0 : i32, i32
  }
  func.func @transform_3(%arg0: i32) -> (i32, i32) {
    %c0_i32 = arith.constant 0 : i32
    %c0_i32_0 = arith.constant 0 : i32
    %c0_i32_1 = arith.constant 0 : i32
    return %c0_i32, %c0_i32_0 : i32, i32
  }
  func.func @transform_4(%arg0: i32) -> (i32, i32) {
    %c0_i32 = arith.constant 0 : i32
    %c0_i32_0 = arith.constant 0 : i32
    %c0_i32_1 = arith.constant 0 : i32
    return %c0_i32, %c0_i32_0 : i32, i32
  }
  func.func @transform_5(%arg0: i32) -> (i32, i32) {
    %c0_i32 = arith.constant 0 : i32
    %c0_i32_0 = arith.constant 0 : i32
    return %arg0, %c0_i32 : i32, i32
  }
  func.func @transform_6(%arg0: i32) -> (i32, i32) {
    %c0_i32 = arith.constant 0 : i32
    %c0_i32_0 = arith.constant 0 : i32
    return %arg0, %c0_i32 : i32, i32
  }
  func.func @transform_7(%arg0: i32) -> (i32, i32) {
    %c0_i32 = arith.constant 0 : i32
    %c0_i32_0 = arith.constant 0 : i32
    return %arg0, %c0_i32 : i32, i32
  }
}

module attributes {stable_mosaic.version = 14 : i64} {
  func.func @_edge_body(%arg0: i32, %arg1: memref<4000x16xf32, #tpu.memory_space<vmem>>, %arg2: memref<4000x256xf32, #tpu.memory_space<vmem>>, %arg3: memref<4000x128xf32, #tpu.memory_space<vmem>>, %arg4: memref<16x128xf32, #tpu.memory_space<vmem>>, %arg5: memref<1x128xf32, #tpu.memory_space<vmem>>, %arg6: memref<128x128xf32, #tpu.memory_space<vmem>>, %arg7: memref<1x128xf32, #tpu.memory_space<vmem>>, %arg8: memref<128x128xf32, #tpu.memory_space<vmem>>, %arg9: memref<1x128xf32, #tpu.memory_space<vmem>>, %arg10: memref<4000x128xf32, #tpu.memory_space<vmem>>, %arg11: memref<4000x128xf32, #tpu.memory_space<vmem>>, %arg12: memref<2x128xf32, #tpu.memory_space<vmem>>) attributes {dimension_semantics = [#tpu.dimension_semantics<arbitrary>], iteration_bounds = array<i64: 80>, scalar_prefetch = 0 : i64, scratch_operands = 0 : i64, tpu.core_type = #tpu.core_type<tc>, window_params = [{transform_indices = @transform_0, window_bounds = array<i64: 4000, 16>}, {transform_indices = @transform_1, window_bounds = array<i64: 4000, 256>}, {transform_indices = @transform_2, window_bounds = array<i64: 4000, 128>}, {pipeline_mode = #tpu.pipeline_mode<synchronous>, transform_indices = @transform_3, window_bounds = array<i64: 16, 128>}, {pipeline_mode = #tpu.pipeline_mode<synchronous>, transform_indices = @transform_4, window_bounds = array<i64: 1, 128>}, {pipeline_mode = #tpu.pipeline_mode<synchronous>, transform_indices = @transform_5, window_bounds = array<i64: 128, 128>}, {pipeline_mode = #tpu.pipeline_mode<synchronous>, transform_indices = @transform_6, window_bounds = array<i64: 1, 128>}, {pipeline_mode = #tpu.pipeline_mode<synchronous>, transform_indices = @transform_7, window_bounds = array<i64: 128, 128>}, {pipeline_mode = #tpu.pipeline_mode<synchronous>, transform_indices = @transform_8, window_bounds = array<i64: 1, 128>}, {transform_indices = @transform_9, window_bounds = array<i64: 4000, 128>}, {transform_indices = @transform_10, window_bounds = array<i64: 4000, 128>}, {pipeline_mode = #tpu.pipeline_mode<synchronous>, transform_indices = @transform_11, window_bounds = array<i64: 2, 128>}]} {
    %eq3A = arith.constant 0 : i32
    %eq3A_0 = arith.cmpi eq, %arg0, %eq3A : i32
    %convert_element_type3A = arith.extui %eq3A_0 : i1 to i32
    %cond3A = arith.constant 0 : i32
    %cond3A_1 = arith.cmpi ne, %convert_element_type3A, %cond3A : i32
    scf.if %cond3A_1 {
      %broadcast_in_dim3A_107 = arith.constant 0.000000e+00 : f32
      %broadcast_in_dim3A_108 = vector.broadcast %broadcast_in_dim3A_107 : f32 to vector<2x128xf32>
      %swap3A_109 = arith.constant 0 : index
      %swap3A_110 = arith.constant 0 : index
      %swap3A_111 = vector.load %arg12[%swap3A_109, %swap3A_110] : memref<2x128xf32, #tpu.memory_space<vmem>>, vector<2x128xf32>
      tpu.vector_store %arg12[%swap3A_109, %swap3A_110], %broadcast_in_dim3A_108 {strides = array<i32>} : memref<2x128xf32, #tpu.memory_space<vmem>>, vector<2x128xf32>,
    } else {
    }
    %get3A = arith.constant 0 : index
    %get3A_2 = arith.constant 0 : index
    %get3A_3 = vector.load %arg1[%get3A, %get3A_2] : memref<4000x16xf32, #tpu.memory_space<vmem>>, vector<4000x16xf32>
    %get3A_4 = arith.constant 0 : index
    %get3A_5 = arith.constant 0 : index
    %get3A_6 = vector.load %arg4[%get3A_4, %get3A_5] : memref<16x128xf32, #tpu.memory_space<vmem>>, vector<16x128xf32>
    %convert_element_type3A_7 = arith.truncf %get3A_3 : vector<4000x16xf32> to vector<4000x16xbf16>
    %convert_element_type3A_8 = arith.extf %convert_element_type3A_7 : vector<4000x16xbf16> to vector<4000x16xf32>
    %sub3A = arith.subf %get3A_3, %convert_element_type3A_8 : vector<4000x16xf32>
    %convert_element_type3A_9 = arith.truncf %sub3A : vector<4000x16xf32> to vector<4000x16xbf16>
    %convert_element_type3A_10 = arith.truncf %get3A_6 : vector<16x128xf32> to vector<16x128xbf16>
    %convert_element_type3A_11 = arith.extf %convert_element_type3A_10 : vector<16x128xbf16> to vector<16x128xf32>
    %sub3A_12 = arith.subf %get3A_6, %convert_element_type3A_11 : vector<16x128xf32>
    %convert_element_type3A_13 = arith.truncf %sub3A_12 : vector<16x128xf32> to vector<16x128xbf16>
    %dot_general3A = arith.constant dense<0.000000e+00> : vector<4000x128xf32>
    %dot_general3A_14 = tpu.matmul %convert_element_type3A_7, %convert_element_type3A_10, %dot_general3A {dimension_numbers = #tpu.dot_dimension_numbers<[1], [0], [0], [1], [0, 0, 1, 1], [], []>, transpose_lhs_hint = false} : vector<4000x16xbf16>, vector<16x128xbf16>, vector<4000x128xf32> -> vector<4000x128xf32>
    %dot_general3A_15 = arith.constant dense<0.000000e+00> : vector<4000x128xf32>
    %dot_general3A_16 = tpu.matmul %convert_element_type3A_7, %convert_element_type3A_13, %dot_general3A_15 {dimension_numbers = #tpu.dot_dimension_numbers<[1], [0], [0], [1], [0, 0, 1, 1], [], []>, transpose_lhs_hint = false} : vector<4000x16xbf16>, vector<16x128xbf16>, vector<4000x128xf32> -> vector<4000x128xf32>
    %dot_general3A_17 = arith.constant dense<0.000000e+00> : vector<4000x128xf32>
    %dot_general3A_18 = tpu.matmul %convert_element_type3A_9, %convert_element_type3A_10, %dot_general3A_17 {dimension_numbers = #tpu.dot_dimension_numbers<[1], [0], [0], [1], [0, 0, 1, 1], [], []>, transpose_lhs_hint = false} : vector<4000x16xbf16>, vector<16x128xbf16>, vector<4000x128xf32> -> vector<4000x128xf32>
    %add3A = arith.addf %dot_general3A_16, %dot_general3A_18 : vector<4000x128xf32>
    %add3A_19 = arith.addf %dot_general3A_14, %add3A : vector<4000x128xf32>
    %get3A_20 = arith.constant 0 : index
    %get3A_21 = arith.constant 0 : index
    %get3A_22 = vector.load %arg5[%get3A_20, %get3A_21] : memref<1x128xf32, #tpu.memory_space<vmem>>, vector<1x128xf32>
    %add3A_23 = vector.broadcast %get3A_22 : vector<1x128xf32> to vector<4000x128xf32>
    %add3A_24 = arith.addf %add3A_19, %add3A_23 : vector<4000x128xf32>
    %max3A = arith.constant 0.000000e+00 : f32
    %max3A_25 = vector.broadcast %max3A : f32 to vector<4000x128xf32>
    %max3A_26 = arith.maximumf %add3A_24, %max3A_25 : vector<4000x128xf32>
    %get3A_27 = arith.constant 0 : index
    %get3A_28 = arith.constant 0 : index
    %get3A_29 = vector.load %arg2[%get3A_27, %get3A_28] : memref<4000x256xf32, #tpu.memory_space<vmem>>, vector<4000x256xf32>
    %slice3A = vector.extract_strided_slice %get3A_29 {offsets = [0, 0], sizes = [4000, 128], strides = [1, 1]} : vector<4000x256xf32> to vector<4000x128xf32>
    %get3A_30 = arith.constant 0 : index
    %get3A_31 = arith.constant 0 : index
    %get3A_32 = vector.load %arg3[%get3A_30, %get3A_31] : memref<4000x128xf32, #tpu.memory_space<vmem>>, vector<4000x128xf32>
    %add3A_33 = arith.addf %slice3A, %get3A_32 : vector<4000x128xf32>
    %get3A_34 = arith.constant 0 : index
    %get3A_35 = arith.constant 0 : index
    %get3A_36 = vector.load %arg6[%get3A_34, %get3A_35] : memref<128x128xf32, #tpu.memory_space<vmem>>, vector<128x128xf32>
    %convert_element_type3A_37 = arith.truncf %max3A_26 : vector<4000x128xf32> to vector<4000x128xbf16>
    %convert_element_type3A_38 = arith.extf %convert_element_type3A_37 : vector<4000x128xbf16> to vector<4000x128xf32>
    %sub3A_39 = arith.subf %max3A_26, %convert_element_type3A_38 : vector<4000x128xf32>
    %convert_element_type3A_40 = arith.truncf %sub3A_39 : vector<4000x128xf32> to vector<4000x128xbf16>
    %convert_element_type3A_41 = arith.truncf %get3A_36 : vector<128x128xf32> to vector<128x128xbf16>
    %convert_element_type3A_42 = arith.extf %convert_element_type3A_41 : vector<128x128xbf16> to vector<128x128xf32>
    %sub3A_43 = arith.subf %get3A_36, %convert_element_type3A_42 : vector<128x128xf32>
    %convert_element_type3A_44 = arith.truncf %sub3A_43 : vector<128x128xf32> to vector<128x128xbf16>
    %dot_general3A_45 = arith.constant dense<0.000000e+00> : vector<4000x128xf32>
    %dot_general3A_46 = tpu.matmul %convert_element_type3A_37, %convert_element_type3A_41, %dot_general3A_45 {dimension_numbers = #tpu.dot_dimension_numbers<[1], [0], [0], [1], [0, 0, 1, 1], [], []>, transpose_lhs_hint = false} : vector<4000x128xbf16>, vector<128x128xbf16>, vector<4000x128xf32> -> vector<4000x128xf32>
    %dot_general3A_47 = arith.constant dense<0.000000e+00> : vector<4000x128xf32>
    %dot_general3A_48 = tpu.matmul %convert_element_type3A_37, %convert_element_type3A_44, %dot_general3A_47 {dimension_numbers = #tpu.dot_dimension_numbers<[1], [0], [0], [1], [0, 0, 1, 1], [], []>, transpose_lhs_hint = false} : vector<4000x128xbf16>, vector<128x128xbf16>, vector<4000x128xf32> -> vector<4000x128xf32>
    %dot_general3A_49 = arith.constant dense<0.000000e+00> : vector<4000x128xf32>
    %dot_general3A_50 = tpu.matmul %convert_element_type3A_40, %convert_element_type3A_41, %dot_general3A_49 {dimension_numbers = #tpu.dot_dimension_numbers<[1], [0], [0], [1], [0, 0, 1, 1], [], []>, transpose_lhs_hint = false} : vector<4000x128xbf16>, vector<128x128xbf16>, vector<4000x128xf32> -> vector<4000x128xf32>
    %add3A_51 = arith.addf %dot_general3A_48, %dot_general3A_50 : vector<4000x128xf32>
    %add3A_52 = arith.addf %dot_general3A_46, %add3A_51 : vector<4000x128xf32>
    %add3A_53 = arith.addf %add3A_33, %add3A_52 : vector<4000x128xf32>
    %get3A_54 = arith.constant 0 : index
    %get3A_55 = arith.constant 0 : index
    %get3A_56 = vector.load %arg7[%get3A_54, %get3A_55] : memref<1x128xf32, #tpu.memory_space<vmem>>, vector<1x128xf32>
    %add3A_57 = vector.broadcast %get3A_56 : vector<1x128xf32> to vector<4000x128xf32>
    %add3A_58 = arith.addf %add3A_53, %add3A_57 : vector<4000x128xf32>
    %max3A_59 = arith.constant 0.000000e+00 : f32
    %max3A_60 = vector.broadcast %max3A_59 : f32 to vector<4000x128xf32>
    %max3A_61 = arith.maximumf %add3A_58, %max3A_60 : vector<4000x128xf32>
    %slice3A_62 = vector.extract_strided_slice %get3A_29 {offsets = [0, 128], sizes = [4000, 128], strides = [1, 1]} : vector<4000x256xf32> to vector<4000x128xf32>
    %get3A_63 = arith.constant 0 : index
    %get3A_64 = arith.constant 0 : index
    %get3A_65 = vector.load %arg8[%get3A_63, %get3A_64] : memref<128x128xf32, #tpu.memory_space<vmem>>, vector<128x128xf32>
    %convert_element_type3A_66 = arith.truncf %max3A_61 : vector<4000x128xf32> to vector<4000x128xbf16>
    %convert_element_type3A_67 = arith.extf %convert_element_type3A_66 : vector<4000x128xbf16> to vector<4000x128xf32>
    %sub3A_68 = arith.subf %max3A_61, %convert_element_type3A_67 : vector<4000x128xf32>
    %convert_element_type3A_69 = arith.truncf %sub3A_68 : vector<4000x128xf32> to vector<4000x128xbf16>
    %convert_element_type3A_70 = arith.truncf %get3A_65 : vector<128x128xf32> to vector<128x128xbf16>
    %convert_element_type3A_71 = arith.extf %convert_element_type3A_70 : vector<128x128xbf16> to vector<128x128xf32>
    %sub3A_72 = arith.subf %get3A_65, %convert_element_type3A_71 : vector<128x128xf32>
    %convert_element_type3A_73 = arith.truncf %sub3A_72 : vector<128x128xf32> to vector<128x128xbf16>
    %dot_general3A_74 = arith.constant dense<0.000000e+00> : vector<4000x128xf32>
    %dot_general3A_75 = tpu.matmul %convert_element_type3A_66, %convert_element_type3A_70, %dot_general3A_74 {dimension_numbers = #tpu.dot_dimension_numbers<[1], [0], [0], [1], [0, 0, 1, 1], [], []>, transpose_lhs_hint = false} : vector<4000x128xbf16>, vector<128x128xbf16>, vector<4000x128xf32> -> vector<4000x128xf32>
    %dot_general3A_76 = arith.constant dense<0.000000e+00> : vector<4000x128xf32>
    %dot_general3A_77 = tpu.matmul %convert_element_type3A_66, %convert_element_type3A_73, %dot_general3A_76 {dimension_numbers = #tpu.dot_dimension_numbers<[1], [0], [0], [1], [0, 0, 1, 1], [], []>, transpose_lhs_hint = false} : vector<4000x128xbf16>, vector<128x128xbf16>, vector<4000x128xf32> -> vector<4000x128xf32>
    %dot_general3A_78 = arith.constant dense<0.000000e+00> : vector<4000x128xf32>
    %dot_general3A_79 = tpu.matmul %convert_element_type3A_69, %convert_element_type3A_70, %dot_general3A_78 {dimension_numbers = #tpu.dot_dimension_numbers<[1], [0], [0], [1], [0, 0, 1, 1], [], []>, transpose_lhs_hint = false} : vector<4000x128xbf16>, vector<128x128xbf16>, vector<4000x128xf32> -> vector<4000x128xf32>
    %add3A_80 = arith.addf %dot_general3A_77, %dot_general3A_79 : vector<4000x128xf32>
    %add3A_81 = arith.addf %dot_general3A_75, %add3A_80 : vector<4000x128xf32>
    %add3A_82 = arith.addf %slice3A_62, %add3A_81 : vector<4000x128xf32>
    %get3A_83 = arith.constant 0 : index
    %get3A_84 = arith.constant 0 : index
    %get3A_85 = vector.load %arg9[%get3A_83, %get3A_84] : memref<1x128xf32, #tpu.memory_space<vmem>>, vector<1x128xf32>
    %add3A_86 = vector.broadcast %get3A_85 : vector<1x128xf32> to vector<4000x128xf32>
    %add3A_87 = arith.addf %add3A_82, %add3A_86 : vector<4000x128xf32>
    %max3A_88 = arith.constant 0.000000e+00 : f32
    %max3A_89 = vector.broadcast %max3A_88 : f32 to vector<4000x128xf32>
    %max3A_90 = arith.maximumf %add3A_87, %max3A_89 : vector<4000x128xf32>
    %swap3A = arith.constant 0 : index
    %swap3A_91 = arith.constant 0 : index
    %swap3A_92 = vector.load %arg10[%swap3A, %swap3A_91] : memref<4000x128xf32, #tpu.memory_space<vmem>>, vector<4000x128xf32>
    tpu.vector_store %arg10[%swap3A, %swap3A_91], %max3A_61 {strides = array<i32>} : memref<4000x128xf32, #tpu.memory_space<vmem>>, vector<4000x128xf32>,
    %swap3A_93 = arith.constant 0 : index
    %swap3A_94 = arith.constant 0 : index
    %swap3A_95 = vector.load %arg11[%swap3A_93, %swap3A_94] : memref<4000x128xf32, #tpu.memory_space<vmem>>, vector<4000x128xf32>
    tpu.vector_store %arg11[%swap3A_93, %swap3A_94], %max3A_90 {strides = array<i32>} : memref<4000x128xf32, #tpu.memory_space<vmem>>, vector<4000x128xf32>,
    %get3A_96 = arith.constant 0 : index
    %get3A_97 = arith.constant 0 : index
    %get3A_98 = vector.load %arg12[%get3A_96, %get3A_97] : memref<2x128xf32, #tpu.memory_space<vmem>>, vector<2x128xf32>
    %reduce_sum3A = arith.constant dense<0.000000e+00> : vector<128xf32>
    %reduce_sum3A_99 = vector.multi_reduction <add>, %max3A_61, %reduce_sum3A [0] : vector<4000x128xf32> to vector<128xf32>
    %broadcast_in_dim3A = vector.shape_cast %reduce_sum3A_99 : vector<128xf32> to vector<1x128xf32>
    %mul3A = arith.mulf %max3A_61, %max3A_61 : vector<4000x128xf32>
    %reduce_sum3A_100 = arith.constant dense<0.000000e+00> : vector<128xf32>
    %reduce_sum3A_101 = vector.multi_reduction <add>, %mul3A, %reduce_sum3A_100 [0] : vector<4000x128xf32> to vector<128xf32>
    %broadcast_in_dim3A_102 = vector.shape_cast %reduce_sum3A_101 : vector<128xf32> to vector<1x128xf32>
    %concatenate3A = tpu.concatenate %broadcast_in_dim3A, %broadcast_in_dim3A_102 in 0 : vector<1x128xf32>, vector<1x128xf32> -> vector<2x128xf32>
    %add3A_103 = arith.addf %get3A_98, %concatenate3A : vector<2x128xf32>
    %swap3A_104 = arith.constant 0 : index
    %swap3A_105 = arith.constant 0 : index
    %swap3A_106 = vector.load %arg12[%swap3A_104, %swap3A_105] : memref<2x128xf32, #tpu.memory_space<vmem>>, vector<2x128xf32>
    tpu.vector_store %arg12[%swap3A_104, %swap3A_105], %add3A_103 {strides = array<i32>} : memref<2x128xf32, #tpu.memory_space<vmem>>, vector<2x128xf32>,
    return
  }
  func.func @transform_0(%arg0: i32) -> (i32, i32) {
    %c0_i32 = arith.constant 0 : i32
    %c0_i32_0 = arith.constant 0 : i32
    return %arg0, %c0_i32 : i32, i32
  }
  func.func @transform_1(%arg0: i32) -> (i32, i32) {
    %c0_i32 = arith.constant 0 : i32
    %c0_i32_0 = arith.constant 0 : i32
    return %arg0, %c0_i32 : i32, i32
  }
  func.func @transform_2(%arg0: i32) -> (i32, i32) {
    %c0_i32 = arith.constant 0 : i32
    %c0_i32_0 = arith.constant 0 : i32
    return %arg0, %c0_i32 : i32, i32
  }
  func.func @transform_3(%arg0: i32) -> (i32, i32) {
    %c0_i32 = arith.constant 0 : i32
    %c0_i32_0 = arith.constant 0 : i32
    %c0_i32_1 = arith.constant 0 : i32
    return %c0_i32, %c0_i32_0 : i32, i32
  }
  func.func @transform_4(%arg0: i32) -> (i32, i32) {
    %c0_i32 = arith.constant 0 : i32
    %c0_i32_0 = arith.constant 0 : i32
    %c0_i32_1 = arith.constant 0 : i32
    return %c0_i32, %c0_i32_0 : i32, i32
  }
  func.func @transform_5(%arg0: i32) -> (i32, i32) {
    %c0_i32 = arith.constant 0 : i32
    %c0_i32_0 = arith.constant 0 : i32
    %c0_i32_1 = arith.constant 0 : i32
    return %c0_i32, %c0_i32_0 : i32, i32
  }
  func.func @transform_6(%arg0: i32) -> (i32, i32) {
    %c0_i32 = arith.constant 0 : i32
    %c0_i32_0 = arith.constant 0 : i32
    %c0_i32_1 = arith.constant 0 : i32
    return %c0_i32, %c0_i32_0 : i32, i32
  }
  func.func @transform_7(%arg0: i32) -> (i32, i32) {
    %c0_i32 = arith.constant 0 : i32
    %c0_i32_0 = arith.constant 0 : i32
    %c0_i32_1 = arith.constant 0 : i32
    return %c0_i32, %c0_i32_0 : i32, i32
  }
  func.func @transform_8(%arg0: i32) -> (i32, i32) {
    %c0_i32 = arith.constant 0 : i32
    %c0_i32_0 = arith.constant 0 : i32
    %c0_i32_1 = arith.constant 0 : i32
    return %c0_i32, %c0_i32_0 : i32, i32
  }
  func.func @transform_9(%arg0: i32) -> (i32, i32) {
    %c0_i32 = arith.constant 0 : i32
    %c0_i32_0 = arith.constant 0 : i32
    return %arg0, %c0_i32 : i32, i32
  }
  func.func @transform_10(%arg0: i32) -> (i32, i32) {
    %c0_i32 = arith.constant 0 : i32
    %c0_i32_0 = arith.constant 0 : i32
    return %arg0, %c0_i32 : i32, i32
  }
  func.func @transform_11(%arg0: i32) -> (i32, i32) {
    %c0_i32 = arith.constant 0 : i32
    %c0_i32_0 = arith.constant 0 : i32
    %c0_i32_1 = arith.constant 0 : i32
    return %c0_i32, %c0_i32_0 : i32, i32
  }
}

module attributes {stable_mosaic.version = 14 : i64} {
  func.func @_node_mid_body(%arg0: i32, %arg1: i32, %arg2: memref<2000x128xf32, #tpu.memory_space<vmem>>, %arg3: memref<2000x128xf32, #tpu.memory_space<vmem>>, %arg4: memref<2000x128xf32, #tpu.memory_space<vmem>>, %arg5: memref<2000x1xf32, #tpu.memory_space<vmem>>, %arg6: memref<2000x1xf32, #tpu.memory_space<vmem>>, %arg7: memref<128x128xf32, #tpu.memory_space<vmem>>, %arg8: memref<128x128xf32, #tpu.memory_space<vmem>>, %arg9: memref<1x128xf32, #tpu.memory_space<vmem>>, %arg10: memref<1x128xf32, #tpu.memory_space<vmem>>, %arg11: memref<1x128xf32, #tpu.memory_space<vmem>>, %arg12: memref<128x256xf32, #tpu.memory_space<vmem>>, %arg13: memref<128x128xf32, #tpu.memory_space<vmem>>, %arg14: memref<2000x128xf32, #tpu.memory_space<vmem>>, %arg15: memref<2000x256xf32, #tpu.memory_space<vmem>>, %arg16: memref<2000x128xf32, #tpu.memory_space<vmem>>, %arg17: memref<10000x128xf32, #tpu.memory_space<vmem>>, %arg18: memref<2x128xf32, #tpu.memory_space<vmem>>) attributes {dimension_semantics = [#tpu.dimension_semantics<arbitrary>, #tpu.dimension_semantics<arbitrary>], iteration_bounds = array<i64: 2, 5>, scalar_prefetch = 0 : i64, scratch_operands = 2 : i64, tpu.core_type = #tpu.core_type<tc>, window_params = [{transform_indices = @transform_0, window_bounds = array<i64: 2000, 128>}, {transform_indices = @transform_1, window_bounds = array<i64: 2000, 128>}, {transform_indices = @transform_2, window_bounds = array<i64: 2000, 128>}, {transform_indices = @transform_3, window_bounds = array<i64: 2000, 1>}, {transform_indices = @transform_4, window_bounds = array<i64: 2000, 1>}, {pipeline_mode = #tpu.pipeline_mode<synchronous>, transform_indices = @transform_5, window_bounds = array<i64: 128, 128>}, {pipeline_mode = #tpu.pipeline_mode<synchronous>, transform_indices = @transform_6, window_bounds = array<i64: 128, 128>}, {pipeline_mode = #tpu.pipeline_mode<synchronous>, transform_indices = @transform_7, window_bounds = array<i64: 1, 128>}, {pipeline_mode = #tpu.pipeline_mode<synchronous>, transform_indices = @transform_8, window_bounds = array<i64: 1, 128>}, {pipeline_mode = #tpu.pipeline_mode<synchronous>, transform_indices = @transform_9, window_bounds = array<i64: 1, 128>}, {pipeline_mode = #tpu.pipeline_mode<synchronous>, transform_indices = @transform_10, window_bounds = array<i64: 128, 256>}, {pipeline_mode = #tpu.pipeline_mode<synchronous>, transform_indices = @transform_11, window_bounds = array<i64: 128, 128>}, {transform_indices = @transform_12, window_bounds = array<i64: 2000, 128>}, {transform_indices = @transform_13, window_bounds = array<i64: 2000, 256>}, {transform_indices = @transform_14, window_bounds = array<i64: 2000, 128>}]} {
    %eq3A = arith.constant 0 : i32
    %eq3A_0 = arith.cmpi eq, %arg0, %eq3A : i32
    %convert_element_type3A = arith.extui %eq3A_0 : i1 to i32
    %cond3A = arith.constant 0 : i32
    %cond3A_1 = arith.cmpi ne, %convert_element_type3A, %cond3A : i32
    scf.if %cond3A_1 {
      %eq3A_7 = arith.constant 0 : i32
      %eq3A_8 = arith.cmpi eq, %arg1, %eq3A_7 : i32
      %convert_element_type3A_9 = arith.extui %eq3A_8 : i1 to i32
      %cond3A_10 = arith.constant 0 : i32
      %cond3A_11 = arith.cmpi ne, %convert_element_type3A_9, %cond3A_10 : i32
      scf.if %cond3A_11 {
        %broadcast_in_dim3A_63 = arith.constant 0.000000e+00 : f32
        %broadcast_in_dim3A_64 = vector.broadcast %broadcast_in_dim3A_63 : f32 to vector<2x128xf32>
        %swap3A_65 = arith.constant 0 : index
        %swap3A_66 = arith.constant 0 : index
        %swap3A_67 = vector.load %arg18[%swap3A_65, %swap3A_66] : memref<2x128xf32, #tpu.memory_space<vmem>>, vector<2x128xf32>
        tpu.vector_store %arg18[%swap3A_65, %swap3A_66], %broadcast_in_dim3A_64 {strides = array<i32>} : memref<2x128xf32, #tpu.memory_space<vmem>>, vector<2x128xf32>,
      } else {
      }
      %get3A = arith.constant 0 : index
      %get3A_12 = arith.constant 0 : index
      %get3A_13 = vector.load %arg5[%get3A, %get3A_12] : memref<2000x1xf32, #tpu.memory_space<vmem>>, vector<2000x1xf32>
      %get3A_14 = arith.constant 0 : index
      %get3A_15 = arith.constant 0 : index
      %get3A_16 = vector.load %arg6[%get3A_14, %get3A_15] : memref<2000x1xf32, #tpu.memory_space<vmem>>, vector<2000x1xf32>
      %add3A = arith.addf %get3A_13, %get3A_16 : vector<2000x1xf32>
      %get3A_17 = arith.constant 0 : index
      %get3A_18 = arith.constant 0 : index
      %get3A_19 = vector.load %arg3[%get3A_17, %get3A_18] : memref<2000x128xf32, #tpu.memory_space<vmem>>, vector<2000x128xf32>
      %get3A_20 = arith.constant 0 : index
      %get3A_21 = arith.constant 0 : index
      %get3A_22 = vector.load %arg4[%get3A_20, %get3A_21] : memref<2000x128xf32, #tpu.memory_space<vmem>>, vector<2000x128xf32>
      %add3A_23 = arith.addf %get3A_19, %get3A_22 : vector<2000x128xf32>
      %max3A = arith.constant 1.000000e+00 : f32
      %max3A_24 = vector.broadcast %max3A : f32 to vector<2000x1xf32>
      %max3A_25 = arith.maximumf %add3A, %max3A_24 : vector<2000x1xf32>
      %div3A = vector.broadcast %max3A_25 : vector<2000x1xf32> to vector<2000x128xf32>
      %div3A_26 = arith.divf %add3A_23, %div3A : vector<2000x128xf32>
      %get3A_27 = arith.constant 0 : index
      %get3A_28 = arith.constant 0 : index
      %get3A_29 = vector.load %arg2[%get3A_27, %get3A_28] : memref<2000x128xf32, #tpu.memory_space<vmem>>, vector<2000x128xf32>
      %get3A_30 = arith.constant 0 : index
      %get3A_31 = arith.constant 0 : index
      %get3A_32 = vector.load %arg7[%get3A_30, %get3A_31] : memref<128x128xf32, #tpu.memory_space<vmem>>, vector<128x128xf32>
      %dot_general3A = arith.constant dense<0.000000e+00> : vector<2000x128xf32>
      %dot_general3A_33 = tpu.matmul %get3A_29, %get3A_32, %dot_general3A {dimension_numbers = #tpu.dot_dimension_numbers<[1], [0], [0], [1], [0, 0, 1, 1], [], []>, precision = #tpu.contract_precision<fp32>, transpose_lhs_hint = false} : vector<2000x128xf32>, vector<128x128xf32>, vector<2000x128xf32> -> vector<2000x128xf32>
      %get3A_34 = arith.constant 0 : index
      %get3A_35 = arith.constant 0 : index
      %get3A_36 = vector.load %arg8[%get3A_34, %get3A_35] : memref<128x128xf32, #tpu.memory_space<vmem>>, vector<128x128xf32>
      %dot_general3A_37 = arith.constant dense<0.000000e+00> : vector<2000x128xf32>
      %dot_general3A_38 = tpu.matmul %div3A_26, %get3A_36, %dot_general3A_37 {dimension_numbers = #tpu.dot_dimension_numbers<[1], [0], [0], [1], [0, 0, 1, 1], [], []>, precision = #tpu.contract_precision<fp32>, transpose_lhs_hint = false} : vector<2000x128xf32>, vector<128x128xf32>, vector<2000x128xf32> -> vector<2000x128xf32>
      %add3A_39 = arith.addf %dot_general3A_33, %dot_general3A_38 : vector<2000x128xf32>
      %get3A_40 = arith.constant 0 : index
      %get3A_41 = arith.constant 0 : index
      %get3A_42 = vector.load %arg9[%get3A_40, %get3A_41] : memref<1x128xf32, #tpu.memory_space<vmem>>, vector<1x128xf32>
      %add3A_43 = vector.broadcast %get3A_42 : vector<1x128xf32> to vector<2000x128xf32>
      %add3A_44 = arith.addf %add3A_39, %add3A_43 : vector<2000x128xf32>
      %max3A_45 = arith.constant 0.000000e+00 : f32
      %max3A_46 = vector.broadcast %max3A_45 : f32 to vector<2000x128xf32>
      %max3A_47 = arith.maximumf %add3A_44, %max3A_46 : vector<2000x128xf32>
      %mul3A = arith.constant 2000 : i32
      %mul3A_48 = arith.muli %arg1, %mul3A : i32
      %swap3A = arith.index_cast %mul3A_48 : i32 to index
      %swap3A_49 = arith.constant 0 : index
      %swap3A_50 = vector.load %arg17[%swap3A, %swap3A_49] : memref<10000x128xf32, #tpu.memory_space<vmem>>, vector<2000x128xf32>
      tpu.vector_store %arg17[%swap3A, %swap3A_49], %max3A_47 {strides = array<i32>} : memref<10000x128xf32, #tpu.memory_space<vmem>>, vector<2000x128xf32>,
      %get3A_51 = arith.constant 0 : index
      %get3A_52 = arith.constant 0 : index
      %get3A_53 = vector.load %arg18[%get3A_51, %get3A_52] : memref<2x128xf32, #tpu.memory_space<vmem>>, vector<2x128xf32>
      %reduce_sum3A = arith.constant dense<0.000000e+00> : vector<128xf32>
      %reduce_sum3A_54 = vector.multi_reduction <add>, %max3A_47, %reduce_sum3A [0] : vector<2000x128xf32> to vector<128xf32>
      %broadcast_in_dim3A = vector.shape_cast %reduce_sum3A_54 : vector<128xf32> to vector<1x128xf32>
      %mul3A_55 = arith.mulf %max3A_47, %max3A_47 : vector<2000x128xf32>
      %reduce_sum3A_56 = arith.constant dense<0.000000e+00> : vector<128xf32>
      %reduce_sum3A_57 = vector.multi_reduction <add>, %mul3A_55, %reduce_sum3A_56 [0] : vector<2000x128xf32> to vector<128xf32>
      %broadcast_in_dim3A_58 = vector.shape_cast %reduce_sum3A_57 : vector<128xf32> to vector<1x128xf32>
      %concatenate3A = tpu.concatenate %broadcast_in_dim3A, %broadcast_in_dim3A_58 in 0 : vector<1x128xf32>, vector<1x128xf32> -> vector<2x128xf32>
      %add3A_59 = arith.addf %get3A_53, %concatenate3A : vector<2x128xf32>
      %swap3A_60 = arith.constant 0 : index
      %swap3A_61 = arith.constant 0 : index
      %swap3A_62 = vector.load %arg18[%swap3A_60, %swap3A_61] : memref<2x128xf32, #tpu.memory_space<vmem>>, vector<2x128xf32>
      tpu.vector_store %arg18[%swap3A_60, %swap3A_61], %add3A_59 {strides = array<i32>} : memref<2x128xf32, #tpu.memory_space<vmem>>, vector<2x128xf32>,
    } else {
    }
    %eq3A_2 = arith.constant 1 : i32
    %eq3A_3 = arith.cmpi eq, %arg0, %eq3A_2 : i32
    %convert_element_type3A_4 = arith.extui %eq3A_3 : i1 to i32
    %cond3A_5 = arith.constant 0 : i32
    %cond3A_6 = arith.cmpi ne, %convert_element_type3A_4, %cond3A_5 : i32
    scf.if %cond3A_6 {
      %get3A = arith.constant 0 : index
      %get3A_7 = arith.constant 0 : index
      %get3A_8 = vector.load %arg18[%get3A, %get3A_7] : memref<2x128xf32, #tpu.memory_space<vmem>>, vector<2x128xf32>
      %slice3A = vector.extract_strided_slice %get3A_8 {offsets = [0, 0], sizes = [1, 128], strides = [1, 1]} : vector<2x128xf32> to vector<1x128xf32>
      %div3A = arith.constant 1.000000e+04 : f32
      %div3A_9 = vector.broadcast %div3A : f32 to vector<1x128xf32>
      %div3A_10 = arith.divf %slice3A, %div3A_9 : vector<1x128xf32>
      %slice3A_11 = vector.extract_strided_slice %get3A_8 {offsets = [1, 0], sizes = [1, 128], strides = [1, 1]} : vector<2x128xf32> to vector<1x128xf32>
      %div3A_12 = arith.constant 1.000000e+04 : f32
      %div3A_13 = vector.broadcast %div3A_12 : f32 to vector<1x128xf32>
      %div3A_14 = arith.divf %slice3A_11, %div3A_13 : vector<1x128xf32>
      %mul3A = arith.mulf %div3A_10, %div3A_10 : vector<1x128xf32>
      %sub3A = arith.subf %div3A_14, %mul3A : vector<1x128xf32>
      %mul3A_15 = arith.constant 2000 : i32
      %mul3A_16 = arith.muli %arg1, %mul3A_15 : i32
      %get3A_17 = arith.index_cast %mul3A_16 : i32 to index
      %get3A_18 = arith.constant 0 : index
      %get3A_19 = vector.load %arg17[%get3A_17, %get3A_18] : memref<10000x128xf32, #tpu.memory_space<vmem>>, vector<2000x128xf32>
      %sub3A_20 = vector.broadcast %div3A_10 : vector<1x128xf32> to vector<2000x128xf32>
      %sub3A_21 = arith.subf %get3A_19, %sub3A_20 : vector<2000x128xf32>
      %get3A_22 = arith.constant 0 : index
      %get3A_23 = arith.constant 0 : index
      %get3A_24 = vector.load %arg10[%get3A_22, %get3A_23] : memref<1x128xf32, #tpu.memory_space<vmem>>, vector<1x128xf32>
      %add3A = arith.constant 9.99999974E-6 : f32
      %add3A_25 = vector.broadcast %add3A : f32 to vector<1x128xf32>
      %add3A_26 = arith.addf %sub3A, %add3A_25 : vector<1x128xf32>
      %rsqrt3A = math.rsqrt %add3A_26 : vector<1x128xf32>
      %mul3A_27 = arith.mulf %get3A_24, %rsqrt3A : vector<1x128xf32>
      %mul3A_28 = vector.broadcast %mul3A_27 : vector<1x128xf32> to vector<2000x128xf32>
      %mul3A_29 = arith.mulf %sub3A_21, %mul3A_28 : vector<2000x128xf32>
      %get3A_30 = arith.constant 0 : index
      %get3A_31 = arith.constant 0 : index
      %get3A_32 = vector.load %arg11[%get3A_30, %get3A_31] : memref<1x128xf32, #tpu.memory_space<vmem>>, vector<1x128xf32>
      %add3A_33 = vector.broadcast %get3A_32 : vector<1x128xf32> to vector<2000x128xf32>
      %add3A_34 = arith.addf %mul3A_29, %add3A_33 : vector<2000x128xf32>
      %swap3A = arith.constant 0 : index
      %swap3A_35 = arith.constant 0 : index
      %swap3A_36 = vector.load %arg14[%swap3A, %swap3A_35] : memref<2000x128xf32, #tpu.memory_space<vmem>>, vector<2000x128xf32>
      tpu.vector_store %arg14[%swap3A, %swap3A_35], %add3A_34 {strides = array<i32>} : memref<2000x128xf32, #tpu.memory_space<vmem>>, vector<2000x128xf32>,
      %get3A_37 = arith.constant 0 : index
      %get3A_38 = arith.constant 0 : index
      %get3A_39 = vector.load %arg12[%get3A_37, %get3A_38] : memref<128x256xf32, #tpu.memory_space<vmem>>, vector<128x256xf32>
      %dot_general3A = arith.constant dense<0.000000e+00> : vector<2000x256xf32>
      %dot_general3A_40 = tpu.matmul %add3A_34, %get3A_39, %dot_general3A {dimension_numbers = #tpu.dot_dimension_numbers<[1], [0], [0], [1], [0, 0, 1, 1], [], []>, precision = #tpu.contract_precision<fp32>, transpose_lhs_hint = false} : vector<2000x128xf32>, vector<128x256xf32>, vector<2000x256xf32> -> vector<2000x256xf32>
      %swap3A_41 = arith.constant 0 : index
      %swap3A_42 = arith.constant 0 : index
      %swap3A_43 = vector.load %arg15[%swap3A_41, %swap3A_42] : memref<2000x256xf32, #tpu.memory_space<vmem>>, vector<2000x256xf32>
      tpu.vector_store %arg15[%swap3A_41, %swap3A_42], %dot_general3A_40 {strides = array<i32>} : memref<2000x256xf32, #tpu.memory_space<vmem>>, vector<2000x256xf32>,
      %get3A_44 = arith.constant 0 : index
      %get3A_45 = arith.constant 0 : index
      %get3A_46 = vector.load %arg13[%get3A_44, %get3A_45] : memref<128x128xf32, #tpu.memory_space<vmem>>, vector<128x128xf32>
      %dot_general3A_47 = arith.constant dense<0.000000e+00> : vector<2000x128xf32>
      %dot_general3A_48 = tpu.matmul %add3A_34, %get3A_46, %dot_general3A_47 {dimension_numbers = #tpu.dot_dimension_numbers<[1], [0], [0], [1], [0, 0, 1, 1], [], []>, precision = #tpu.contract_precision<fp32>, transpose_lhs_hint = false} : vector<2000x128xf32>, vector<128x128xf32>, vector<2000x128xf32> -> vector<2000x128xf32>
      %swap3A_49 = arith.constant 0 : index
      %swap3A_50 = arith.constant 0 : index
      %swap3A_51 = vector.load %arg16[%swap3A_49, %swap3A_50] : memref<2000x128xf32, #tpu.memory_space<vmem>>, vector<2000x128xf32>
      tpu.vector_store %arg16[%swap3A_49, %swap3A_50], %dot_general3A_48 {strides = array<i32>} : memref<2000x128xf32, #tpu.memory_space<vmem>>, vector<2000x128xf32>,
    } else {
    }
    return
  }
  func.func @transform_0(%arg0: i32, %arg1: i32) -> (i32, i32) {
    %c0_i32 = arith.constant 0 : i32
    %c0_i32_0 = arith.constant 0 : i32
    return %arg1, %c0_i32 : i32, i32
  }
  func.func @transform_1(%arg0: i32, %arg1: i32) -> (i32, i32) {
    %c0_i32 = arith.constant 0 : i32
    %c0_i32_0 = arith.constant 0 : i32
    return %arg1, %c0_i32 : i32, i32
  }
  func.func @transform_2(%arg0: i32, %arg1: i32) -> (i32, i32) {
    %c0_i32 = arith.constant 0 : i32
    %c0_i32_0 = arith.constant 0 : i32
    return %arg1, %c0_i32 : i32, i32
  }
  func.func @transform_3(%arg0: i32, %arg1: i32) -> (i32, i32) {
    %c0_i32 = arith.constant 0 : i32
    %c0_i32_0 = arith.constant 0 : i32
    return %arg1, %c0_i32 : i32, i32
  }
  func.func @transform_4(%arg0: i32, %arg1: i32) -> (i32, i32) {
    %c0_i32 = arith.constant 0 : i32
    %c0_i32_0 = arith.constant 0 : i32
    return %arg1, %c0_i32 : i32, i32
  }
  func.func @transform_5(%arg0: i32, %arg1: i32) -> (i32, i32) {
    %c0_i32 = arith.constant 0 : i32
    %c0_i32_0 = arith.constant 0 : i32
    %c0_i32_1 = arith.constant 0 : i32
    return %c0_i32, %c0_i32_0 : i32, i32
  }
  func.func @transform_6(%arg0: i32, %arg1: i32) -> (i32, i32) {
    %c0_i32 = arith.constant 0 : i32
    %c0_i32_0 = arith.constant 0 : i32
    %c0_i32_1 = arith.constant 0 : i32
    return %c0_i32, %c0_i32_0 : i32, i32
  }
  func.func @transform_7(%arg0: i32, %arg1: i32) -> (i32, i32) {
    %c0_i32 = arith.constant 0 : i32
    %c0_i32_0 = arith.constant 0 : i32
    %c0_i32_1 = arith.constant 0 : i32
    return %c0_i32, %c0_i32_0 : i32, i32
  }
  func.func @transform_8(%arg0: i32, %arg1: i32) -> (i32, i32) {
    %c0_i32 = arith.constant 0 : i32
    %c0_i32_0 = arith.constant 0 : i32
    %c0_i32_1 = arith.constant 0 : i32
    return %c0_i32, %c0_i32_0 : i32, i32
  }
  func.func @transform_9(%arg0: i32, %arg1: i32) -> (i32, i32) {
    %c0_i32 = arith.constant 0 : i32
    %c0_i32_0 = arith.constant 0 : i32
    %c0_i32_1 = arith.constant 0 : i32
    return %c0_i32, %c0_i32_0 : i32, i32
  }
  func.func @transform_10(%arg0: i32, %arg1: i32) -> (i32, i32) {
    %c0_i32 = arith.constant 0 : i32
    %c0_i32_0 = arith.constant 0 : i32
    %c0_i32_1 = arith.constant 0 : i32
    return %c0_i32, %c0_i32_0 : i32, i32
  }
  func.func @transform_11(%arg0: i32, %arg1: i32) -> (i32, i32) {
    %c0_i32 = arith.constant 0 : i32
    %c0_i32_0 = arith.constant 0 : i32
    %c0_i32_1 = arith.constant 0 : i32
    return %c0_i32, %c0_i32_0 : i32, i32
  }
  func.func @transform_12(%arg0: i32, %arg1: i32) -> (i32, i32) {
    %eq3A = arith.constant 0 : i32
    %eq3A_0 = arith.cmpi eq, %arg0, %eq3A : i32
    %jit3A = arith.constant 5 : i32
    %select_n3A = arith.select %eq3A_0, %jit3A, %arg1 : i32
    %c0_i32 = arith.constant 0 : i32
    %c0_i32_1 = arith.constant 0 : i32
    return %select_n3A, %c0_i32 : i32, i32
  }
  func.func @transform_13(%arg0: i32, %arg1: i32) -> (i32, i32) {
    %eq3A = arith.constant 0 : i32
    %eq3A_0 = arith.cmpi eq, %arg0, %eq3A : i32
    %jit3A = arith.constant 5 : i32
    %select_n3A = arith.select %eq3A_0, %jit3A, %arg1 : i32
    %c0_i32 = arith.constant 0 : i32
    %c0_i32_1 = arith.constant 0 : i32
    return %select_n3A, %c0_i32 : i32, i32
  }
  func.func @transform_14(%arg0: i32, %arg1: i32) -> (i32, i32) {
    %eq3A = arith.constant 0 : i32
    %eq3A_0 = arith.cmpi eq, %arg0, %eq3A : i32
    %jit3A = arith.constant 5 : i32
    %select_n3A = arith.select %eq3A_0, %jit3A, %arg1 : i32
    %c0_i32 = arith.constant 0 : i32
    %c0_i32_1 = arith.constant 0 : i32
    return %select_n3A, %c0_i32 : i32, i32
  }
}

module attributes {stable_mosaic.version = 14 : i64} {
  func.func @_edge_body(%arg0: i32, %arg1: memref<4000x128xf32, #tpu.memory_space<vmem>>, %arg2: memref<4000x256xf32, #tpu.memory_space<vmem>>, %arg3: memref<4000x128xf32, #tpu.memory_space<vmem>>, %arg4: memref<3x128xf32, #tpu.memory_space<vmem>>, %arg5: memref<1x128xf32, #tpu.memory_space<vmem>>, %arg6: memref<128x128xf32, #tpu.memory_space<vmem>>, %arg7: memref<1x128xf32, #tpu.memory_space<vmem>>, %arg8: memref<128x128xf32, #tpu.memory_space<vmem>>, %arg9: memref<1x128xf32, #tpu.memory_space<vmem>>, %arg10: memref<4000x128xf32, #tpu.memory_space<vmem>>, %arg11: memref<4000x128xf32, #tpu.memory_space<vmem>>, %arg12: memref<2x128xf32, #tpu.memory_space<vmem>>) attributes {dimension_semantics = [#tpu.dimension_semantics<arbitrary>], iteration_bounds = array<i64: 80>, scalar_prefetch = 0 : i64, scratch_operands = 0 : i64, tpu.core_type = #tpu.core_type<tc>, window_params = [{transform_indices = @transform_0, window_bounds = array<i64: 4000, 128>}, {transform_indices = @transform_1, window_bounds = array<i64: 4000, 256>}, {transform_indices = @transform_2, window_bounds = array<i64: 4000, 128>}, {pipeline_mode = #tpu.pipeline_mode<synchronous>, transform_indices = @transform_3, window_bounds = array<i64: 3, 128>}, {pipeline_mode = #tpu.pipeline_mode<synchronous>, transform_indices = @transform_4, window_bounds = array<i64: 1, 128>}, {pipeline_mode = #tpu.pipeline_mode<synchronous>, transform_indices = @transform_5, window_bounds = array<i64: 128, 128>}, {pipeline_mode = #tpu.pipeline_mode<synchronous>, transform_indices = @transform_6, window_bounds = array<i64: 1, 128>}, {pipeline_mode = #tpu.pipeline_mode<synchronous>, transform_indices = @transform_7, window_bounds = array<i64: 128, 128>}, {pipeline_mode = #tpu.pipeline_mode<synchronous>, transform_indices = @transform_8, window_bounds = array<i64: 1, 128>}, {transform_indices = @transform_9, window_bounds = array<i64: 4000, 128>}, {transform_indices = @transform_10, window_bounds = array<i64: 4000, 128>}, {pipeline_mode = #tpu.pipeline_mode<synchronous>, transform_indices = @transform_11, window_bounds = array<i64: 2, 128>}]} {
    %eq3A = arith.constant 0 : i32
    %eq3A_0 = arith.cmpi eq, %arg0, %eq3A : i32
    %convert_element_type3A = arith.extui %eq3A_0 : i1 to i32
    %cond3A = arith.constant 0 : i32
    %cond3A_1 = arith.cmpi ne, %convert_element_type3A, %cond3A : i32
    scf.if %cond3A_1 {
      %broadcast_in_dim3A_106 = arith.constant 0.000000e+00 : f32
      %broadcast_in_dim3A_107 = vector.broadcast %broadcast_in_dim3A_106 : f32 to vector<2x128xf32>
      %swap3A_108 = arith.constant 0 : index
      %swap3A_109 = arith.constant 0 : index
      %swap3A_110 = vector.load %arg12[%swap3A_108, %swap3A_109] : memref<2x128xf32, #tpu.memory_space<vmem>>, vector<2x128xf32>
      tpu.vector_store %arg12[%swap3A_108, %swap3A_109], %broadcast_in_dim3A_107 {strides = array<i32>} : memref<2x128xf32, #tpu.memory_space<vmem>>, vector<2x128xf32>,
    } else {
    }
    %get3A = arith.constant 0 : index
    %get3A_2 = arith.constant 0 : index
    %get3A_3 = vector.load %arg4[%get3A, %get3A_2] : memref<3x128xf32, #tpu.memory_space<vmem>>, vector<3x128xf32>
    %slice3A = vector.extract_strided_slice %get3A_3 {offsets = [0, 0], sizes = [1, 128], strides = [1, 1]} : vector<3x128xf32> to vector<1x128xf32>
    %div3A = arith.constant 3.200000e+05 : f32
    %div3A_4 = vector.broadcast %div3A : f32 to vector<1x128xf32>
    %div3A_5 = arith.divf %slice3A, %div3A_4 : vector<1x128xf32>
    %slice3A_6 = vector.extract_strided_slice %get3A_3 {offsets = [1, 0], sizes = [1, 128], strides = [1, 1]} : vector<3x128xf32> to vector<1x128xf32>
    %div3A_7 = arith.constant 3.200000e+05 : f32
    %div3A_8 = vector.broadcast %div3A_7 : f32 to vector<1x128xf32>
    %div3A_9 = arith.divf %slice3A_6, %div3A_8 : vector<1x128xf32>
    %mul3A = arith.mulf %div3A_5, %div3A_5 : vector<1x128xf32>
    %sub3A = arith.subf %div3A_9, %mul3A : vector<1x128xf32>
    %slice3A_10 = vector.extract_strided_slice %get3A_3 {offsets = [2, 0], sizes = [1, 128], strides = [1, 1]} : vector<3x128xf32> to vector<1x128xf32>
    %add3A = arith.constant 9.99999974E-6 : f32
    %add3A_11 = vector.broadcast %add3A : f32 to vector<1x128xf32>
    %add3A_12 = arith.addf %sub3A, %add3A_11 : vector<1x128xf32>
    %rsqrt3A = math.rsqrt %add3A_12 : vector<1x128xf32>
    %mul3A_13 = arith.mulf %slice3A_10, %rsqrt3A : vector<1x128xf32>
    %get3A_14 = arith.constant 0 : index
    %get3A_15 = arith.constant 0 : index
    %get3A_16 = vector.load %arg5[%get3A_14, %get3A_15] : memref<1x128xf32, #tpu.memory_space<vmem>>, vector<1x128xf32>
    %mul3A_17 = arith.mulf %div3A_5, %mul3A_13 : vector<1x128xf32>
    %sub3A_18 = arith.subf %get3A_16, %mul3A_17 : vector<1x128xf32>
    %get3A_19 = arith.constant 0 : index
    %get3A_20 = arith.constant 0 : index
    %get3A_21 = vector.load %arg1[%get3A_19, %get3A_20] : memref<4000x128xf32, #tpu.memory_space<vmem>>, vector<4000x128xf32>
    %mul3A_22 = vector.broadcast %mul3A_13 : vector<1x128xf32> to vector<4000x128xf32>
    %mul3A_23 = arith.mulf %get3A_21, %mul3A_22 : vector<4000x128xf32>
    %add3A_24 = vector.broadcast %sub3A_18 : vector<1x128xf32> to vector<4000x128xf32>
    %add3A_25 = arith.addf %mul3A_23, %add3A_24 : vector<4000x128xf32>
    %get3A_26 = arith.constant 0 : index
    %get3A_27 = arith.constant 0 : index
    %get3A_28 = vector.load %arg2[%get3A_26, %get3A_27] : memref<4000x256xf32, #tpu.memory_space<vmem>>, vector<4000x256xf32>
    %slice3A_29 = vector.extract_strided_slice %get3A_28 {offsets = [0, 0], sizes = [4000, 128], strides = [1, 1]} : vector<4000x256xf32> to vector<4000x128xf32>
    %get3A_30 = arith.constant 0 : index
    %get3A_31 = arith.constant 0 : index
    %get3A_32 = vector.load %arg3[%get3A_30, %get3A_31] : memref<4000x128xf32, #tpu.memory_space<vmem>>, vector<4000x128xf32>
    %add3A_33 = arith.addf %slice3A_29, %get3A_32 : vector<4000x128xf32>
    %get3A_34 = arith.constant 0 : index
    %get3A_35 = arith.constant 0 : index
    %get3A_36 = vector.load %arg6[%get3A_34, %get3A_35] : memref<128x128xf32, #tpu.memory_space<vmem>>, vector<128x128xf32>
    %convert_element_type3A_37 = arith.truncf %add3A_25 : vector<4000x128xf32> to vector<4000x128xbf16>
    %convert_element_type3A_38 = arith.extf %convert_element_type3A_37 : vector<4000x128xbf16> to vector<4000x128xf32>
    %sub3A_39 = arith.subf %add3A_25, %convert_element_type3A_38 : vector<4000x128xf32>
    %convert_element_type3A_40 = arith.truncf %sub3A_39 : vector<4000x128xf32> to vector<4000x128xbf16>
    %convert_element_type3A_41 = arith.truncf %get3A_36 : vector<128x128xf32> to vector<128x128xbf16>
    %convert_element_type3A_42 = arith.extf %convert_element_type3A_41 : vector<128x128xbf16> to vector<128x128xf32>
    %sub3A_43 = arith.subf %get3A_36, %convert_element_type3A_42 : vector<128x128xf32>
    %convert_element_type3A_44 = arith.truncf %sub3A_43 : vector<128x128xf32> to vector<128x128xbf16>
    %dot_general3A = arith.constant dense<0.000000e+00> : vector<4000x128xf32>
    %dot_general3A_45 = tpu.matmul %convert_element_type3A_37, %convert_element_type3A_41, %dot_general3A {dimension_numbers = #tpu.dot_dimension_numbers<[1], [0], [0], [1], [0, 0, 1, 1], [], []>, transpose_lhs_hint = false} : vector<4000x128xbf16>, vector<128x128xbf16>, vector<4000x128xf32> -> vector<4000x128xf32>
    %dot_general3A_46 = arith.constant dense<0.000000e+00> : vector<4000x128xf32>
    %dot_general3A_47 = tpu.matmul %convert_element_type3A_37, %convert_element_type3A_44, %dot_general3A_46 {dimension_numbers = #tpu.dot_dimension_numbers<[1], [0], [0], [1], [0, 0, 1, 1], [], []>, transpose_lhs_hint = false} : vector<4000x128xbf16>, vector<128x128xbf16>, vector<4000x128xf32> -> vector<4000x128xf32>
    %dot_general3A_48 = arith.constant dense<0.000000e+00> : vector<4000x128xf32>
    %dot_general3A_49 = tpu.matmul %convert_element_type3A_40, %convert_element_type3A_41, %dot_general3A_48 {dimension_numbers = #tpu.dot_dimension_numbers<[1], [0], [0], [1], [0, 0, 1, 1], [], []>, transpose_lhs_hint = false} : vector<4000x128xbf16>, vector<128x128xbf16>, vector<4000x128xf32> -> vector<4000x128xf32>
    %add3A_50 = arith.addf %dot_general3A_47, %dot_general3A_49 : vector<4000x128xf32>
    %add3A_51 = arith.addf %dot_general3A_45, %add3A_50 : vector<4000x128xf32>
    %add3A_52 = arith.addf %add3A_33, %add3A_51 : vector<4000x128xf32>
    %get3A_53 = arith.constant 0 : index
    %get3A_54 = arith.constant 0 : index
    %get3A_55 = vector.load %arg7[%get3A_53, %get3A_54] : memref<1x128xf32, #tpu.memory_space<vmem>>, vector<1x128xf32>
    %add3A_56 = vector.broadcast %get3A_55 : vector<1x128xf32> to vector<4000x128xf32>
    %add3A_57 = arith.addf %add3A_52, %add3A_56 : vector<4000x128xf32>
    %max3A = arith.constant 0.000000e+00 : f32
    %max3A_58 = vector.broadcast %max3A : f32 to vector<4000x128xf32>
    %max3A_59 = arith.maximumf %add3A_57, %max3A_58 : vector<4000x128xf32>
    %slice3A_60 = vector.extract_strided_slice %get3A_28 {offsets = [0, 128], sizes = [4000, 128], strides = [1, 1]} : vector<4000x256xf32> to vector<4000x128xf32>
    %get3A_61 = arith.constant 0 : index
    %get3A_62 = arith.constant 0 : index
    %get3A_63 = vector.load %arg8[%get3A_61, %get3A_62] : memref<128x128xf32, #tpu.memory_space<vmem>>, vector<128x128xf32>
    %convert_element_type3A_64 = arith.truncf %max3A_59 : vector<4000x128xf32> to vector<4000x128xbf16>
    %convert_element_type3A_65 = arith.extf %convert_element_type3A_64 : vector<4000x128xbf16> to vector<4000x128xf32>
    %sub3A_66 = arith.subf %max3A_59, %convert_element_type3A_65 : vector<4000x128xf32>
    %convert_element_type3A_67 = arith.truncf %sub3A_66 : vector<4000x128xf32> to vector<4000x128xbf16>
    %convert_element_type3A_68 = arith.truncf %get3A_63 : vector<128x128xf32> to vector<128x128xbf16>
    %convert_element_type3A_69 = arith.extf %convert_element_type3A_68 : vector<128x128xbf16> to vector<128x128xf32>
    %sub3A_70 = arith.subf %get3A_63, %convert_element_type3A_69 : vector<128x128xf32>
    %convert_element_type3A_71 = arith.truncf %sub3A_70 : vector<128x128xf32> to vector<128x128xbf16>
    %dot_general3A_72 = arith.constant dense<0.000000e+00> : vector<4000x128xf32>
    %dot_general3A_73 = tpu.matmul %convert_element_type3A_64, %convert_element_type3A_68, %dot_general3A_72 {dimension_numbers = #tpu.dot_dimension_numbers<[1], [0], [0], [1], [0, 0, 1, 1], [], []>, transpose_lhs_hint = false} : vector<4000x128xbf16>, vector<128x128xbf16>, vector<4000x128xf32> -> vector<4000x128xf32>
    %dot_general3A_74 = arith.constant dense<0.000000e+00> : vector<4000x128xf32>
    %dot_general3A_75 = tpu.matmul %convert_element_type3A_64, %convert_element_type3A_71, %dot_general3A_74 {dimension_numbers = #tpu.dot_dimension_numbers<[1], [0], [0], [1], [0, 0, 1, 1], [], []>, transpose_lhs_hint = false} : vector<4000x128xbf16>, vector<128x128xbf16>, vector<4000x128xf32> -> vector<4000x128xf32>
    %dot_general3A_76 = arith.constant dense<0.000000e+00> : vector<4000x128xf32>
    %dot_general3A_77 = tpu.matmul %convert_element_type3A_67, %convert_element_type3A_68, %dot_general3A_76 {dimension_numbers = #tpu.dot_dimension_numbers<[1], [0], [0], [1], [0, 0, 1, 1], [], []>, transpose_lhs_hint = false} : vector<4000x128xbf16>, vector<128x128xbf16>, vector<4000x128xf32> -> vector<4000x128xf32>
    %add3A_78 = arith.addf %dot_general3A_75, %dot_general3A_77 : vector<4000x128xf32>
    %add3A_79 = arith.addf %dot_general3A_73, %add3A_78 : vector<4000x128xf32>
    %add3A_80 = arith.addf %slice3A_60, %add3A_79 : vector<4000x128xf32>
    %get3A_81 = arith.constant 0 : index
    %get3A_82 = arith.constant 0 : index
    %get3A_83 = vector.load %arg9[%get3A_81, %get3A_82] : memref<1x128xf32, #tpu.memory_space<vmem>>, vector<1x128xf32>
    %add3A_84 = vector.broadcast %get3A_83 : vector<1x128xf32> to vector<4000x128xf32>
    %add3A_85 = arith.addf %add3A_80, %add3A_84 : vector<4000x128xf32>
    %max3A_86 = arith.constant 0.000000e+00 : f32
    %max3A_87 = vector.broadcast %max3A_86 : f32 to vector<4000x128xf32>
    %max3A_88 = arith.maximumf %add3A_85, %max3A_87 : vector<4000x128xf32>
    %swap3A = arith.constant 0 : index
    %swap3A_89 = arith.constant 0 : index
    %swap3A_90 = vector.load %arg10[%swap3A, %swap3A_89] : memref<4000x128xf32, #tpu.memory_space<vmem>>, vector<4000x128xf32>
    tpu.vector_store %arg10[%swap3A, %swap3A_89], %max3A_59 {strides = array<i32>} : memref<4000x128xf32, #tpu.memory_space<vmem>>, vector<4000x128xf32>,
    %swap3A_91 = arith.constant 0 : index
    %swap3A_92 = arith.constant 0 : index
    %swap3A_93 = vector.load %arg11[%swap3A_91, %swap3A_92] : memref<4000x128xf32, #tpu.memory_space<vmem>>, vector<4000x128xf32>
    tpu.vector_store %arg11[%swap3A_91, %swap3A_92], %max3A_88 {strides = array<i32>} : memref<4000x128xf32, #tpu.memory_space<vmem>>, vector<4000x128xf32>,
    %get3A_94 = arith.constant 0 : index
    %get3A_95 = arith.constant 0 : index
    %get3A_96 = vector.load %arg12[%get3A_94, %get3A_95] : memref<2x128xf32, #tpu.memory_space<vmem>>, vector<2x128xf32>
    %reduce_sum3A = arith.constant dense<0.000000e+00> : vector<128xf32>
    %reduce_sum3A_97 = vector.multi_reduction <add>, %max3A_59, %reduce_sum3A [0] : vector<4000x128xf32> to vector<128xf32>
    %broadcast_in_dim3A = vector.shape_cast %reduce_sum3A_97 : vector<128xf32> to vector<1x128xf32>
    %mul3A_98 = arith.mulf %max3A_59, %max3A_59 : vector<4000x128xf32>
    %reduce_sum3A_99 = arith.constant dense<0.000000e+00> : vector<128xf32>
    %reduce_sum3A_100 = vector.multi_reduction <add>, %mul3A_98, %reduce_sum3A_99 [0] : vector<4000x128xf32> to vector<128xf32>
    %broadcast_in_dim3A_101 = vector.shape_cast %reduce_sum3A_100 : vector<128xf32> to vector<1x128xf32>
    %concatenate3A = tpu.concatenate %broadcast_in_dim3A, %broadcast_in_dim3A_101 in 0 : vector<1x128xf32>, vector<1x128xf32> -> vector<2x128xf32>
    %add3A_102 = arith.addf %get3A_96, %concatenate3A : vector<2x128xf32>
    %swap3A_103 = arith.constant 0 : index
    %swap3A_104 = arith.constant 0 : index
    %swap3A_105 = vector.load %arg12[%swap3A_103, %swap3A_104] : memref<2x128xf32, #tpu.memory_space<vmem>>, vector<2x128xf32>
    tpu.vector_store %arg12[%swap3A_103, %swap3A_104], %add3A_102 {strides = array<i32>} : memref<2x128xf32, #tpu.memory_space<vmem>>, vector<2x128xf32>,
    return
  }
  func.func @transform_0(%arg0: i32) -> (i32, i32) {
    %c0_i32 = arith.constant 0 : i32
    %c0_i32_0 = arith.constant 0 : i32
    return %arg0, %c0_i32 : i32, i32
  }
  func.func @transform_1(%arg0: i32) -> (i32, i32) {
    %c0_i32 = arith.constant 0 : i32
    %c0_i32_0 = arith.constant 0 : i32
    return %arg0, %c0_i32 : i32, i32
  }
  func.func @transform_2(%arg0: i32) -> (i32, i32) {
    %c0_i32 = arith.constant 0 : i32
    %c0_i32_0 = arith.constant 0 : i32
    return %arg0, %c0_i32 : i32, i32
  }
  func.func @transform_3(%arg0: i32) -> (i32, i32) {
    %c0_i32 = arith.constant 0 : i32
    %c0_i32_0 = arith.constant 0 : i32
    %c0_i32_1 = arith.constant 0 : i32
    return %c0_i32, %c0_i32_0 : i32, i32
  }
  func.func @transform_4(%arg0: i32) -> (i32, i32) {
    %c0_i32 = arith.constant 0 : i32
    %c0_i32_0 = arith.constant 0 : i32
    %c0_i32_1 = arith.constant 0 : i32
    return %c0_i32, %c0_i32_0 : i32, i32
  }
  func.func @transform_5(%arg0: i32) -> (i32, i32) {
    %c0_i32 = arith.constant 0 : i32
    %c0_i32_0 = arith.constant 0 : i32
    %c0_i32_1 = arith.constant 0 : i32
    return %c0_i32, %c0_i32_0 : i32, i32
  }
  func.func @transform_6(%arg0: i32) -> (i32, i32) {
    %c0_i32 = arith.constant 0 : i32
    %c0_i32_0 = arith.constant 0 : i32
    %c0_i32_1 = arith.constant 0 : i32
    return %c0_i32, %c0_i32_0 : i32, i32
  }
  func.func @transform_7(%arg0: i32) -> (i32, i32) {
    %c0_i32 = arith.constant 0 : i32
    %c0_i32_0 = arith.constant 0 : i32
    %c0_i32_1 = arith.constant 0 : i32
    return %c0_i32, %c0_i32_0 : i32, i32
  }
  func.func @transform_8(%arg0: i32) -> (i32, i32) {
    %c0_i32 = arith.constant 0 : i32
    %c0_i32_0 = arith.constant 0 : i32
    %c0_i32_1 = arith.constant 0 : i32
    return %c0_i32, %c0_i32_0 : i32, i32
  }
  func.func @transform_9(%arg0: i32) -> (i32, i32) {
    %c0_i32 = arith.constant 0 : i32
    %c0_i32_0 = arith.constant 0 : i32
    return %arg0, %c0_i32 : i32, i32
  }
  func.func @transform_10(%arg0: i32) -> (i32, i32) {
    %c0_i32 = arith.constant 0 : i32
    %c0_i32_0 = arith.constant 0 : i32
    return %arg0, %c0_i32 : i32, i32
  }
  func.func @transform_11(%arg0: i32) -> (i32, i32) {
    %c0_i32 = arith.constant 0 : i32
    %c0_i32_0 = arith.constant 0 : i32
    %c0_i32_1 = arith.constant 0 : i32
    return %c0_i32, %c0_i32_0 : i32, i32
  }
}

module attributes {stable_mosaic.version = 14 : i64} {
  func.func @_node_fin_body(%arg0: i32, %arg1: memref<2000x128xf32, #tpu.memory_space<vmem>>, %arg2: memref<2000x128xf32, #tpu.memory_space<vmem>>, %arg3: memref<2000x128xf32, #tpu.memory_space<vmem>>, %arg4: memref<2000x1xf32, #tpu.memory_space<vmem>>, %arg5: memref<2000x1xf32, #tpu.memory_space<vmem>>, %arg6: memref<128x128xf32, #tpu.memory_space<vmem>>, %arg7: memref<128x128xf32, #tpu.memory_space<vmem>>, %arg8: memref<1x128xf32, #tpu.memory_space<vmem>>, %arg9: memref<2x128xf32, #tpu.memory_space<vmem>>, %arg10: memref<256x1xf32, #tpu.memory_space<vmem>>, %arg11: memref<1x1xf32, #tpu.memory_space<vmem>>, %arg12: memref<1x1xf32, #tpu.memory_space<vmem>>, %arg13: memref<1x128xf32, #tpu.memory_space<vmem>>) attributes {dimension_semantics = [#tpu.dimension_semantics<arbitrary>], iteration_bounds = array<i64: 5>, scalar_prefetch = 0 : i64, scratch_operands = 1 : i64, tpu.core_type = #tpu.core_type<tc>, window_params = [{transform_indices = @transform_0, window_bounds = array<i64: 2000, 128>}, {transform_indices = @transform_1, window_bounds = array<i64: 2000, 128>}, {transform_indices = @transform_2, window_bounds = array<i64: 2000, 128>}, {transform_indices = @transform_3, window_bounds = array<i64: 2000, 1>}, {transform_indices = @transform_4, window_bounds = array<i64: 2000, 1>}, {pipeline_mode = #tpu.pipeline_mode<synchronous>, transform_indices = @transform_5, window_bounds = array<i64: 128, 128>}, {pipeline_mode = #tpu.pipeline_mode<synchronous>, transform_indices = @transform_6, window_bounds = array<i64: 128, 128>}, {pipeline_mode = #tpu.pipeline_mode<synchronous>, transform_indices = @transform_7, window_bounds = array<i64: 1, 128>}, {pipeline_mode = #tpu.pipeline_mode<synchronous>, transform_indices = @transform_8, window_bounds = array<i64: 2, 128>}, {pipeline_mode = #tpu.pipeline_mode<synchronous>, transform_indices = @transform_9, window_bounds = array<i64: 256, 1>}, {pipeline_mode = #tpu.pipeline_mode<synchronous>, transform_indices = @transform_10, window_bounds = array<i64: 1, 1>}, {pipeline_mode = #tpu.pipeline_mode<synchronous>, transform_indices = @transform_11, window_bounds = array<i64: 1, 1>}]} {
    %eq3A = arith.constant 0 : i32
    %eq3A_0 = arith.cmpi eq, %arg0, %eq3A : i32
    %convert_element_type3A = arith.extui %eq3A_0 : i1 to i32
    %cond3A = arith.constant 0 : i32
    %cond3A_1 = arith.cmpi ne, %convert_element_type3A, %cond3A : i32
    scf.if %cond3A_1 {
      %broadcast_in_dim3A_50 = arith.constant 0.000000e+00 : f32
      %broadcast_in_dim3A_51 = vector.broadcast %broadcast_in_dim3A_50 : f32 to vector<1x128xf32>
      %swap3A_52 = arith.constant 0 : index
      %swap3A_53 = arith.constant 0 : index
      %swap3A_54 = vector.load %arg13[%swap3A_52, %swap3A_53] : memref<1x128xf32, #tpu.memory_space<vmem>>, vector<1x128xf32>
      tpu.vector_store %arg13[%swap3A_52, %swap3A_53], %broadcast_in_dim3A_51 {strides = array<i32>} : memref<1x128xf32, #tpu.memory_space<vmem>>, vector<1x128xf32>,
    } else {
    }
    %get3A = arith.constant 0 : index
    %get3A_2 = arith.constant 0 : index
    %get3A_3 = vector.load %arg4[%get3A, %get3A_2] : memref<2000x1xf32, #tpu.memory_space<vmem>>, vector<2000x1xf32>
    %get3A_4 = arith.constant 0 : index
    %get3A_5 = arith.constant 0 : index
    %get3A_6 = vector.load %arg5[%get3A_4, %get3A_5] : memref<2000x1xf32, #tpu.memory_space<vmem>>, vector<2000x1xf32>
    %add3A = arith.addf %get3A_3, %get3A_6 : vector<2000x1xf32>
    %get3A_7 = arith.constant 0 : index
    %get3A_8 = arith.constant 0 : index
    %get3A_9 = vector.load %arg2[%get3A_7, %get3A_8] : memref<2000x128xf32, #tpu.memory_space<vmem>>, vector<2000x128xf32>
    %get3A_10 = arith.constant 0 : index
    %get3A_11 = arith.constant 0 : index
    %get3A_12 = vector.load %arg3[%get3A_10, %get3A_11] : memref<2000x128xf32, #tpu.memory_space<vmem>>, vector<2000x128xf32>
    %add3A_13 = arith.addf %get3A_9, %get3A_12 : vector<2000x128xf32>
    %max3A = arith.constant 1.000000e+00 : f32
    %max3A_14 = vector.broadcast %max3A : f32 to vector<2000x1xf32>
    %max3A_15 = arith.maximumf %add3A, %max3A_14 : vector<2000x1xf32>
    %div3A = vector.broadcast %max3A_15 : vector<2000x1xf32> to vector<2000x128xf32>
    %div3A_16 = arith.divf %add3A_13, %div3A : vector<2000x128xf32>
    %get3A_17 = arith.constant 0 : index
    %get3A_18 = arith.constant 0 : index
    %get3A_19 = vector.load %arg1[%get3A_17, %get3A_18] : memref<2000x128xf32, #tpu.memory_space<vmem>>, vector<2000x128xf32>
    %get3A_20 = arith.constant 0 : index
    %get3A_21 = arith.constant 0 : index
    %get3A_22 = vector.load %arg6[%get3A_20, %get3A_21] : memref<128x128xf32, #tpu.memory_space<vmem>>, vector<128x128xf32>
    %dot_general3A = arith.constant dense<0.000000e+00> : vector<2000x128xf32>
    %dot_general3A_23 = tpu.matmul %get3A_19, %get3A_22, %dot_general3A {dimension_numbers = #tpu.dot_dimension_numbers<[1], [0], [0], [1], [0, 0, 1, 1], [], []>, precision = #tpu.contract_precision<fp32>, transpose_lhs_hint = false} : vector<2000x128xf32>, vector<128x128xf32>, vector<2000x128xf32> -> vector<2000x128xf32>
    %get3A_24 = arith.constant 0 : index
    %get3A_25 = arith.constant 0 : index
    %get3A_26 = vector.load %arg7[%get3A_24, %get3A_25] : memref<128x128xf32, #tpu.memory_space<vmem>>, vector<128x128xf32>
    %dot_general3A_27 = arith.constant dense<0.000000e+00> : vector<2000x128xf32>
    %dot_general3A_28 = tpu.matmul %div3A_16, %get3A_26, %dot_general3A_27 {dimension_numbers = #tpu.dot_dimension_numbers<[1], [0], [0], [1], [0, 0, 1, 1], [], []>, precision = #tpu.contract_precision<fp32>, transpose_lhs_hint = false} : vector<2000x128xf32>, vector<128x128xf32>, vector<2000x128xf32> -> vector<2000x128xf32>
    %add3A_29 = arith.addf %dot_general3A_23, %dot_general3A_28 : vector<2000x128xf32>
    %get3A_30 = arith.constant 0 : index
    %get3A_31 = arith.constant 0 : index
    %get3A_32 = vector.load %arg8[%get3A_30, %get3A_31] : memref<1x128xf32, #tpu.memory_space<vmem>>, vector<1x128xf32>
    %add3A_33 = vector.broadcast %get3A_32 : vector<1x128xf32> to vector<2000x128xf32>
    %add3A_34 = arith.addf %add3A_29, %add3A_33 : vector<2000x128xf32>
    %max3A_35 = arith.constant 0.000000e+00 : f32
    %max3A_36 = vector.broadcast %max3A_35 : f32 to vector<2000x128xf32>
    %max3A_37 = arith.maximumf %add3A_34, %max3A_36 : vector<2000x128xf32>
    %get3A_38 = arith.constant 0 : index
    %get3A_39 = arith.constant 0 : index
    %get3A_40 = vector.load %arg13[%get3A_38, %get3A_39] : memref<1x128xf32, #tpu.memory_space<vmem>>, vector<1x128xf32>
    %reduce_sum3A = arith.constant dense<0.000000e+00> : vector<128xf32>
    %reduce_sum3A_41 = vector.multi_reduction <add>, %max3A_37, %reduce_sum3A [0] : vector<2000x128xf32> to vector<128xf32>
    %broadcast_in_dim3A = vector.shape_cast %reduce_sum3A_41 : vector<128xf32> to vector<1x128xf32>
    %add3A_42 = arith.addf %get3A_40, %broadcast_in_dim3A : vector<1x128xf32>
    %swap3A = arith.constant 0 : index
    %swap3A_43 = arith.constant 0 : index
    %swap3A_44 = vector.load %arg13[%swap3A, %swap3A_43] : memref<1x128xf32, #tpu.memory_space<vmem>>, vector<1x128xf32>
    tpu.vector_store %arg13[%swap3A, %swap3A_43], %add3A_42 {strides = array<i32>} : memref<1x128xf32, #tpu.memory_space<vmem>>, vector<1x128xf32>,
    %eq3A_45 = arith.constant 4 : i32
    %eq3A_46 = arith.cmpi eq, %arg0, %eq3A_45 : i32
    %convert_element_type3A_47 = arith.extui %eq3A_46 : i1 to i32
    %cond3A_48 = arith.constant 0 : i32
    %cond3A_49 = arith.cmpi ne, %convert_element_type3A_47, %cond3A_48 : i32
    scf.if %cond3A_49 {
      %get3A_50 = arith.constant 0 : index
      %get3A_51 = arith.constant 0 : index
      %get3A_52 = vector.load %arg13[%get3A_50, %get3A_51] : memref<1x128xf32, #tpu.memory_space<vmem>>, vector<1x128xf32>
      %div3A_53 = arith.constant 1.000000e+04 : f32
      %div3A_54 = vector.broadcast %div3A_53 : f32 to vector<1x128xf32>
      %div3A_55 = arith.divf %get3A_52, %div3A_54 : vector<1x128xf32>
      %get3A_56 = arith.constant 0 : index
      %get3A_57 = arith.constant 0 : index
      %get3A_58 = vector.load %arg9[%get3A_56, %get3A_57] : memref<2x128xf32, #tpu.memory_space<vmem>>, vector<1x128xf32>
      %div3A_59 = arith.constant 3.200000e+05 : f32
      %div3A_60 = vector.broadcast %div3A_59 : f32 to vector<1x128xf32>
      %div3A_61 = arith.divf %get3A_58, %div3A_60 : vector<1x128xf32>
      %get3A_62 = arith.constant 0 : index
      %get3A_63 = arith.constant 0 : index
      %get3A_64 = vector.load %arg10[%get3A_62, %get3A_63] : memref<256x1xf32, #tpu.memory_space<vmem>>, vector<128x1xf32>
      %dot_general3A_65 = arith.constant dense<0.000000e+00> : vector<1x1xf32>
      %dot_general3A_66 = tpu.matmul %div3A_55, %get3A_64, %dot_general3A_65 {dimension_numbers = #tpu.dot_dimension_numbers<[1], [0], [0], [1], [0, 0, 1, 1], [], []>, precision = #tpu.contract_precision<fp32>, transpose_lhs_hint = false} : vector<1x128xf32>, vector<128x1xf32>, vector<1x1xf32> -> vector<1x1xf32>
      %get3A_67 = arith.constant 128 : index
      %get3A_68 = arith.constant 0 : index
      %get3A_69 = vector.load %arg10[%get3A_67, %get3A_68] : memref<256x1xf32, #tpu.memory_space<vmem>>, vector<128x1xf32>
      %dot_general3A_70 = arith.constant dense<0.000000e+00> : vector<1x1xf32>
      %dot_general3A_71 = tpu.matmul %div3A_61, %get3A_69, %dot_general3A_70 {dimension_numbers = #tpu.dot_dimension_numbers<[1], [0], [0], [1], [0, 0, 1, 1], [], []>, precision = #tpu.contract_precision<fp32>, transpose_lhs_hint = false} : vector<1x128xf32>, vector<128x1xf32>, vector<1x1xf32> -> vector<1x1xf32>
      %add3A_72 = arith.addf %dot_general3A_66, %dot_general3A_71 : vector<1x1xf32>
      %get3A_73 = arith.constant 0 : index
      %get3A_74 = arith.constant 0 : index
      %get3A_75 = vector.load %arg11[%get3A_73, %get3A_74] : memref<1x1xf32, #tpu.memory_space<vmem>>, vector<1x1xf32>
      %add3A_76 = arith.addf %add3A_72, %get3A_75 : vector<1x1xf32>
      %swap3A_77 = arith.constant 0 : index
      %swap3A_78 = arith.constant 0 : index
      %swap3A_79 = vector.load %arg12[%swap3A_77, %swap3A_78] : memref<1x1xf32, #tpu.memory_space<vmem>>, vector<1x1xf32>
      tpu.vector_store %arg12[%swap3A_77, %swap3A_78], %add3A_76 {strides = array<i32>} : memref<1x1xf32, #tpu.memory_space<vmem>>, vector<1x1xf32>,
    } else {
    }
    return
  }
  func.func @transform_0(%arg0: i32) -> (i32, i32) {
    %c0_i32 = arith.constant 0 : i32
    %c0_i32_0 = arith.constant 0 : i32
    return %arg0, %c0_i32 : i32, i32
  }
  func.func @transform_1(%arg0: i32) -> (i32, i32) {
    %c0_i32 = arith.constant 0 : i32
    %c0_i32_0 = arith.constant 0 : i32
    return %arg0, %c0_i32 : i32, i32
  }
  func.func @transform_2(%arg0: i32) -> (i32, i32) {
    %c0_i32 = arith.constant 0 : i32
    %c0_i32_0 = arith.constant 0 : i32
    return %arg0, %c0_i32 : i32, i32
  }
  func.func @transform_3(%arg0: i32) -> (i32, i32) {
    %c0_i32 = arith.constant 0 : i32
    %c0_i32_0 = arith.constant 0 : i32
    return %arg0, %c0_i32 : i32, i32
  }
  func.func @transform_4(%arg0: i32) -> (i32, i32) {
    %c0_i32 = arith.constant 0 : i32
    %c0_i32_0 = arith.constant 0 : i32
    return %arg0, %c0_i32 : i32, i32
  }
  func.func @transform_5(%arg0: i32) -> (i32, i32) {
    %c0_i32 = arith.constant 0 : i32
    %c0_i32_0 = arith.constant 0 : i32
    %c0_i32_1 = arith.constant 0 : i32
    return %c0_i32, %c0_i32_0 : i32, i32
  }
  func.func @transform_6(%arg0: i32) -> (i32, i32) {
    %c0_i32 = arith.constant 0 : i32
    %c0_i32_0 = arith.constant 0 : i32
    %c0_i32_1 = arith.constant 0 : i32
    return %c0_i32, %c0_i32_0 : i32, i32
  }
  func.func @transform_7(%arg0: i32) -> (i32, i32) {
    %c0_i32 = arith.constant 0 : i32
    %c0_i32_0 = arith.constant 0 : i32
    %c0_i32_1 = arith.constant 0 : i32
    return %c0_i32, %c0_i32_0 : i32, i32
  }
  func.func @transform_8(%arg0: i32) -> (i32, i32) {
    %c0_i32 = arith.constant 0 : i32
    %c0_i32_0 = arith.constant 0 : i32
    %c0_i32_1 = arith.constant 0 : i32
    return %c0_i32, %c0_i32_0 : i32, i32
  }
  func.func @transform_9(%arg0: i32) -> (i32, i32) {
    %c0_i32 = arith.constant 0 : i32
    %c0_i32_0 = arith.constant 0 : i32
    %c0_i32_1 = arith.constant 0 : i32
    return %c0_i32, %c0_i32_0 : i32, i32
  }
  func.func @transform_10(%arg0: i32) -> (i32, i32) {
    %c0_i32 = arith.constant 0 : i32
    %c0_i32_0 = arith.constant 0 : i32
    %c0_i32_1 = arith.constant 0 : i32
    return %c0_i32, %c0_i32_0 : i32, i32
  }
  func.func @transform_11(%arg0: i32) -> (i32, i32) {
    %c0_i32 = arith.constant 0 : i32
    %c0_i32_0 = arith.constant 0 : i32
    %c0_i32_1 = arith.constant 0 : i32
    return %c0_i32, %c0_i32_0 : i32, i32
  }
}

</mosaic_0001>

<sc_bundles>
// kernel: kernel.16.cloned.1.call-start
scs
__scs_entry_jumppad:
0x0: {  	(pc) =	sbr.rel $0x88, $3  }
0x1: {  	(tag) =	ssettag $0x0;
	lr =	simm.s32 $0x1  }
0x2: {  	[smem:$0x3F82] =	sst lr;
	_ =	strace $0xD0000000  }
0x3: {  	_ = 	snop  }
0x4: {  	_ = 	snop  }
0x5: {  	_ = 	snop  }
0x6: {  	_ = 	snop  }
0x7: {  	_ = 	snop  }
__scs_overlays_trampoline_lowered:
0x8: {  	[smem:$0x3F91] =	sst s0  }
0x9: {  	[smem:$0x3F92] =	sst s1  }
0xa: {  	[smem:$0x3F93] =	sst s2  }
0xb: {  	[smem:$0x3F94] =	sst s3  }
0xc: {  	[smem:$0x3F95] =	sst s4  }
0xd: {  	[smem:$0x3F96] =	sst s5  }
0xe: {  	[smem:$0x3F97] =	sst s6  }
0xf: {  	[smem:$0x3F98] =	sst s7  }
0x10: {  	[smem:$0x3F99] =	sst s8  }
0x11: {  	[smem:$0x3F9A] =	sst s9;
	s0 =	simm.s32 @!p0 $0x0  }
0x12: {  	s1 =	sld [smem:$0x3F80];
	s0 =	simm.s32 @p0 $0x1  }
0x13: {  	[smem:$0x3F9B] =	sst s0;
	s0 =	simm.s32 @!p1 $0x0  }
0x14: {  	s2 =	sld [smem:$0x3F7F];
	s0 =	simm.s32 @p1 $0x1  }
0x15: {  	[smem:$0x3F9C] =	sst s0;
	s0 =	simm.s32 @!p2 $0x0  }
0x16: {  	s3 =	sld [smem:$0x3FDB];
	s0 =	simm.s32 @p2 $0x1  }
0x17: {  	s4 =	simm.s32 $0x1BF5;
	[smem:$0x3F9E] =	sst s0  }
0x18: {  	s0 =	sld [smem:$0x3F81];
	_ =	swait.ge [sflag:s4], $0x0  }
0x19: {  	s7 =	sld [smem:$0x3F82]  }
0x1a: {  	s8 =	sadd.s32 $0xFFFFE003, lr  }
0x1b: {  	s9 =	sadd.s32 $0xFFFFFEF7, lr;
	s5 =	simm.s32 $0xFFFFFFFF;
	p2 =	slt.u32 s8, $0xFFFFF086  }
0x1c: {  	p1 =	slt.u32 s9, $0xF7A;
	s5 =	simm.s32 @!p2 $0x0  }
0x1d: {  	s5 =	simm.s32 @p1 $0x1;
	p0 =	seq.s32 s7, s2  }
0x1e: {  	s7 =	smul.u32 @!p0 $0xF7A, s2;
	p2 =	seq.s32 @!p0 s5, $0x0  }
0x1f: {  	s9 =	smul.u32 $0xF7A, s1;
	s8 =	simm.s32 @!p0 $0x1BF5;
	p2 =	por !p2, p0  }
0x20: {  	[sflag:s8] =	ssyncset.s32 @!p0 $0xFFFFF086;
	s6 =	sadd.s32 @!p0 s3, s7;
	s7 =	simm.s32 @!p0 $0x108  }
0x21: {  	s3 =	sadd.s32 s3, s9;
	s6 =	sadd.s32 @!p0 $0x88, s6;
	s7 =	simm.s32 @p2 $0x1082  }
0x22: {  	[simem:s7], [sflag:s8] =	dma.local @!p0 [hbm:s6], $0xF7A  }
0x23: {  	s9 =	sor.u32 $0xD0000000, s2;
	s6 =	simm.s32 $0x108;
	_ =	swait.ge @!p0 [sflag:s8], $0x0  }
0x24: {  	s3 =	sadd.s32 $0x88, s3;
	s6 =	simm.s32 @!p1 $0x1082;
	[sflag:s4] =	ssyncset.s32 $0xFFFFF086  }
0x25: {  	[simem:s6], [sflag:s4] =	dma.local [hbm:s3], $0xF7A  }
0x26: {  	[smem:$0x3F82] =	sst s1;
	(tag) =	ssettag s2;
	_ =	strace s9  }
0x27: {  	s1 =	sld [smem:$0x3F92]  }
0x28: {  	s2 =	sld [smem:$0x3F93]  }
0x29: {  	s4 =	sld [smem:$0x3F95]  }
0x2a: {  	p0 =	seq.s32 s5, $0x0;
	s5 =	sld [smem:$0x3F96]  }
0x2b: {  	s6 =	sld [smem:$0x3F97]  }
0x2c: {  	s7 =	sld [smem:$0x3F98]  }
0x2d: {  	s3 =	simm.s32 $0x108;
	s8 =	sld [smem:$0x3F99]  }
0x2e: {  	s3 =	simm.s32 @!p0 $0x1082;
	s9 =	sld [smem:$0x3F9A]  }
0x2f: {  	lr =	sadd.s32 s0, s3;
	s0 =	sld [smem:$0x3F91]  }
0x30: {  	s3 =	sld [smem:$0x3F94]  }
0x31: {  	[smem:$0x3F9D] =	sst s10  }
0x32: {  	s10 =	sld [smem:$0x3F9B];
	_ =	sdelay $0x3  }
0x33: {  	p0 =	seq.s32 s10, $0x1;
	s10 =	sld [smem:$0x3F9D];
	_ =	sdelay $0x3  }
0x34: {  	[smem:$0x3F9D] =	sst s10  }
0x35: {  	s10 =	sld [smem:$0x3F9C];
	_ =	sdelay $0x3  }
0x36: {  	p1 =	seq.s32 s10, $0x1;
	s10 =	sld [smem:$0x3F9D];
	_ =	sdelay $0x3  }
0x37: {  	[smem:$0x3F9D] =	sst s10  }
0x38: {  	s10 =	sld [smem:$0x3F9E]  }
0x39: {  	_ = 	snop;
	(pc) =	sbr.ind lr, $3  }
0x3a: {  	_ = 	snop  }
0x3b: {  	_ = 	snop  }
0x3c: {  	p2 =	seq.s32 s10, $0x1;
	s10 =	sld [smem:$0x3F9D]  }
0x3d: {  	_ =	shalt  }
0x3e: {  	_ =	shalt  }
0x3f: {  	_ =	shalt  }
0x40: {  	_ =	shalt  }
0x41: {  	_ =	shalt  }
0x42: {  	_ =	shalt  }
0x43: {  	_ =	shalt  }
0x44: {  	_ =	shalt  }
0x45: {  	_ =	shalt  }
0x46: {  	_ =	shalt  }
0x47: {  	_ =	shalt  }
0x48: {  	_ =	shalt  }
0x49: {  	_ =	shalt  }
0x4a: {  	_ =	shalt  }
0x4b: {  	_ =	shalt  }
0x4c: {  	_ =	shalt  }
0x4d: {  	_ =	shalt  }
0x4e: {  	_ =	shalt  }
0x4f: {  	_ =	shalt  }
0x50: {  	_ =	shalt  }
0x51: {  	_ =	shalt  }
0x52: {  	_ =	shalt  }
0x53: {  	_ =	shalt  }
0x54: {  	_ =	shalt  }
0x55: {  	_ =	shalt  }
0x56: {  	_ =	shalt  }
0x57: {  	_ =	shalt  }
0x58: {  	_ =	shalt  }
0x59: {  	_ =	shalt  }
0x5a: {  	_ =	shalt  }
0x5b: {  	_ =	shalt  }
0x5c: {  	_ =	shalt  }
0x5d: {  	_ =	shalt  }
0x5e: {  	_ =	shalt  }
0x5f: {  	_ =	shalt  }
0x60: {  	_ =	shalt  }
0x61: {  	_ =	shalt  }
0x62: {  	_ =	shalt  }
0x63: {  	_ =	shalt  }
0x64: {  	_ =	shalt  }
0x65: {  	_ =	shalt  }
0x66: {  	_ =	shalt  }
0x67: {  	_ =	shalt  }
0x68: {  	_ =	shalt  }
0x69: {  	_ =	shalt  }
0x6a: {  	_ =	shalt  }
0x6b: {  	_ =	shalt  }
0x6c: {  	_ =	shalt  }
0x6d: {  	_ =	shalt  }
0x6e: {  	_ =	shalt  }
0x6f: {  	_ =	shalt  }
0x70: {  	_ =	shalt  }
0x71: {  	_ =	shalt  }
0x72: {  	_ =	shalt  }
0x73: {  	_ =	shalt  }
0x74: {  	_ =	shalt  }
0x75: {  	_ =	shalt  }
0x76: {  	_ =	shalt  }
0x77: {  	_ =	shalt  }
0x78: {  	_ =	shalt  }
0x79: {  	_ =	shalt  }
0x7a: {  	_ =	shalt  }
0x7b: {  	_ =	shalt  }
0x7c: {  	_ =	shalt  }
0x7d: {  	_ =	shalt  }
0x7e: {  	_ =	shalt  }
0x7f: {  	_ =	shalt  }
0x80: {  	_ =	shalt  }
0x81: {  	_ =	shalt  }
0x82: {  	_ =	shalt  }
0x83: {  	_ =	shalt  }
0x84: {  	_ =	shalt  }
0x85: {  	_ =	shalt  }
0x86: {  	_ =	shalt  }
0x87: {  	_ =	shalt  }
.Lfunc_end0:
.L_simem_size_0:
called_computation_lowered:
.L_overlay_start_0:
0x88: {  	s2 =	sld [smem:$0x3FD9]  }
0x89: {  	s3 =	sld [smem:$0x3FFE];
	_ =	sdelay $0x1  }
0x8a: {  	s1 =	srdreg.scid  }
0x8b: {  	s0 =	sand.u32 $0x1, s1  }
0x8c: {  	s17 =	sshll.u32 s0, $0xA;
	s2 =	sadd.s32 s3, s2  }
0x8d: {  	s2 =	sadd.s32 s2, s17  }
0x8e: {  	[smem:$0x3FA9] =	sst s2  }
0x8f: {  	_ = 	snop  }
0x90: {  	(tm) =	ssettm $0x1  }
0x91: {  	s18 =	sld [smem:$0x3FFB];
	_ =	sdelay $0x3  }
0x92: {  	_ =	strace s18  }
0x93: {  	s2 =	sld [smem:$0x3FFC];
	_ =	sdelay $0x3  }
0x94: {  	_ =	strace s2  }
0x95: {  	s2 =	sld [smem:$0x3FFD];
	_ =	sdelay $0x3  }
0x96: {  	_ =	strace s2  }
0x97: {  	_ =	strace $0x8FFFFFFF  }
0x98: {  	s19 =	sld [smem:$0x3FDB];
	_ =	sdelay $0x1  }
0x99: {  	s20 =	simm.s32 $_scs_section_size  }
0x9a: {  	s4 =	simm.s32 $_size__tile_overlayer_lowered;
	s5 =	simm.s32 $_tile_overlayer_lowered  }
0x9b: {  	s6 =	simm.s32 $0x1BFF;
	s21 =	sshll.u32 s5, $0x1;
	s3 =	sadd.s32 s20, s19  }
0x9c: {  	s22 =	simm.s32 $0x0;
	s4 =	sshll.u32 s4, $0x1;
	s5 =	sadd.s32 s21, s3  }
0x9d: {  	[timem:s22], [sflag:s6] =	dma.local [hbm:s5], s4  }
0x9e: {  	_ =	swait.ge [sflag:s6], s4  }
0x9f: {  	s4 =	ssub.s32 $0x0, s4;
	[sflag:s6] =	ssyncset.done $0x0  }
0xa0: {  	[sflag:s6] =	ssyncadd.s32 s4;
	_ =	sdelay $0x1  }
0xa1: {  	s23 =	simm.s32 $0x1B8B  }
0xa2: {  	_ =	swait.ge [sflag:s23], $0x1  }
0xa3: {  	[sflag:s23] =	ssyncset.done $0x0  }
0xa4: {  	[sflag:s23] =	ssyncadd.s32 $0xFFFFFFFF  }
0xa5: {  	s4 =	sld [smem:$0x0]  }
0xa6: {  	s5 =	sand.u32 $0xFFFFFFFE, s1  }
0xa7: {  	p0 =	sne.s32 s1, s5  }
0xa8: {  	s5 =	sshll.u32 @p0 s5, $0xE  }
0xa9: {  	s5 =	sadd.s32 @p0 $0x11B8D, s5;
	s6 =	sshll.u32 @p0 s4, $0x11  }
0xaa: {  	s5 =	sor.u32 @p0 s6, s5  }
0xab: {  	[sflag:s5] =	ssyncadd.remote.s32 @p0 $0x1;
	_ =	sdelay $0x1  }
0xac: {  	s5 =	simm.s32 @p0 $0x1B8D  }
0xad: {  	_ =	swait.eq @p0 [sflag:s5], $0x1  }
0xae: {  	[sflag:s5] =	ssyncadd.s32 @p0 $0xFFFFFFFF  }
0xaf: {  	s6 =	sshll.u32 @!p0 s1, $0xE  }
0xb0: {  	s6 =	sor.u32 @!p0 $0x4000, s6;
	s5 =	simm.s32 @!p0 $0x1B8D  }
0xb1: {  	s4 =	sshll.u32 @!p0 s4, $0x11;
	s6 =	sadd.s32 @!p0 $0x11B8D, s6;
	_ =	swait.eq @!p0 [sflag:s5], $0x1  }
0xb2: {  	s4 =	sor.u32 @!p0 s4, s6;
	[sflag:s5] =	ssyncadd.s32 @!p0 $0xFFFFFFFF  }
0xb3: {  	s25 =	simm.s32 $0x1B8E;
	s24 =	sld [smem:$0x3FFE];
	[sflag:s4] =	ssyncadd.remote.s32 @!p0 $0x1  }
0xb4: {  	s26 =	simm.s32 $execute0_lowered;
	[smem:$0x3FD2] =	sst s25  }
0xb5: {  	s5 =	sshll.u32 s26, $0x1;
	_ =	strace $0x80000049;
	[dreg:$0x1] =	wrdreg $0xFFFFFFFF  }
0xb6: {  	s28 =	simm.s32 $_size_execute0_lowered;
	s3 =	sadd.s32 s3, s5;
	[dreg:$0x0] =	wrdreg $0x0  }
0xb7: {  	s5 =	sshll.u32 s28, $0x1;
	[dreg:$0x2] =	wrdreg s3  }
0xb8: {  	[dreg:$0x3] =	wrdreg s5  }
0xb9: {  	[dreg:$0x4] =	wrdreg $0xC0  }
0xba: {  	_ =	task [dreg:s22], $0x5FFFF  }
0xbb: {  	[dreg:$0x1] =	wrdreg $0xFFFFFFFF  }
0xbc: {  	[dreg:$0x0] =	wrdreg $0x60  }
0xbd: {  	[dreg:$0x2] =	wrdreg s24  }
0xbe: {  	[dreg:$0x3] =	wrdreg $0x68000  }
0xbf: {  	[dreg:$0x4] =	wrdreg $0x9  }
0xc0: {  	_ =	task.clear_ibuf [dreg:s22], $0x5FFFF;
	_ =	strace $0x90000049  }
0xc1: {  	s29 =	simm.s32 $0x9;
	_ =	strace $0x8000004B  }
0xc2: {  	_ =	swait.ge [sflag:s29], $0x1  }
0xc3: {  	[sflag:s29] =	ssyncadd.s32 $0xFFFFFFFF  }
0xc4: {  	_ =	strace $0x9000004B  }
0xc5: {  	_ =	sfence  }
0xc6: {  	s30 =	sld [smem:$0x0];
	_ =	sdelay $0x2  }
0xc7: {  	s31 =	sshll.u32 s1, $0xD;
	s1 =	sshrl.u32 s1, $0x2  }
0xc8: {  	s4 =	sand.u32 $0x4000, s31;
	s1 =	sadd.s32 s1, s30  }
0xc9: {  	s0 =	sor.u32 s4, s0;
	s1 =	sshll.u32 s1, $0x11  }
0xca: {  	s0 =	sor.u32 s1, s0  }
0xcb: {  	s0 =	sadd.s32 $0x8F2B, s0  }
0xcc: {  	[sflag:s0] =	ssyncadd.remote.s32 $0x1  }
0xcd: {  	_ =	sfence.sel $0xFFFF  }
0xce: {  	[dreg:$0x0] =	wrdreg $0xFFFFFFFF;
	(pc) =	sbr.abs _section_cstart, $3  }
0xcf: {  	[dreg:$0x1] =	wrdreg $0xFFFFFFFF  }
0xd0: {  	_ =	task.clear_ibuf [dreg:s22], $0x2FFFF;
	_ =	strace $0x9FFFFFFF  }
0xd1: {  	(tm) =	ssettm $0x7FFFFFFF  }
tec
execute0_lowered:
.L_overlay_start_1:
0x0: {  	(tag) =	ssettag $0x1  }
0x1: {  	s5 =	rddreg [dreg:$0x0]  }
0x2: {  	s2 =	rddreg [dreg:$0x1]  }
0x3: {  	s0 =	rddreg [dreg:$0x2]  }
0x4: {  	s3 =	simm.s32 $0x0;
	s4 =	srdreg.scid;
	s1 =	stileid.u32  }
0x5: {  	s13 =	simm.s32 $0x50;
	s14 =	simm.s32 $0x0;
	s6 =	smul.u32 $0x2800, s1  }
0x6: {  	[smem:$0x7FF] =	sst s3;
	s4 =	sand.u32 $0x1, s4;
	s11 =	smul.u32 $0x50000, s1  }
0x7: {  	s29 =	sshll.u32 s1, $0x6;
	s30 =	sshll.u32 s1, $0xC;
	_ =	strace $0x8000004A  }
0x8: {  	s7 =	sshll.u32 s4, $0xB;
	s8 =	smul.u32 $0x28000, s4;
	s10 =	ssub.s32 $0x2, s4  }
0x9: {  	s4 =	sadd.s32 $0xF9A800, s5;
	s7 =	sadd.s32 s7, s5;
	s9 =	sadd.s32 s6, s5  }
0xa: {  	s26 =	sshrl.u32 s10, $0x1;
	s28 =	sshrl.u32 s11, $0x2;
	s11 =	simm.s32 $0x1  }
0xb: {  	s6 =	sadd.s32 s6, s8;
	s10 =	ssub.s32 s10, s26;
	s7 =	sadd.s32 s30, s7  }
0xc: {  	s31 =	sadd.s32 s28, s2;
	s12 =	sadd.s32 s6, s5;
	s5 =	sadd.s32 $0xF72800, s9  }
0xd: {  	s6 =	sor.u32 $0x1C01, s29;
	s7 =	sadd.s32 $0xF62800, s7;
	s9 =	smax.u32 s10, $0x1  }
0xe: {  	s10 =	sshrl.u32 s31, $0x3;
	s8 =	sadd.s32 $0xF9AE00, s12;
	s12 =	simm.s32 $0x4000  }
.LBB2_1:
0xf: {  	[spmem:s10], [sflag:s6] =	dma.local [hbm:s5], $0x2800  }
0x10: {  	_ =	swait.ge [sflag:s11], $0x2800  }
0x11: {  	[sflag:s11] =	ssyncset.done $0x0  }
0x12: {  	[sflag:s11] =	ssyncadd.s32 $0xFFFFD800  }
0x13: {  	[tilespmem:s3], [sflag:$0x1] =	stream.linear.gather [hbm4b:s7+s3], $0x3E80, $0x38;
	[tilespmem:$0x1A800] =	vst v63  }
0x14: {  	_ =	swait.ge [sflag:s11], $0x3E80  }
0x15: {  	[sflag:s11] =	ssyncset.done $0x0  }
0x16: {  	[sflag:s11] =	ssyncadd.s32 $0xFFFFC180  }
0x17: {  	[tilespmem:s12], [sflag:$0x1] =	stream.linear.gather [hbm4b:s4+s3], $0x2800, $0x38;
	[tilespmem:$0x1A800] =	vst v63  }
0x18: {  	_ =	swait.ge [sflag:s11], $0x2800  }
0x19: {  	[sflag:s11] =	ssyncset.done $0x0  }
0x1a: {  	[sflag:s11] =	ssyncadd.s32 $0xFFFFD800  }
0x1b: {  	s15 =	simm.s32 $0x0;
	[bflag:$0x0] =	sbarrier.arrive $0xFFFF  }
0x1c: {  	[spmem:s2] =	stream.indirect.scatter.add.f32 [tilespmem:s12], [sflag:$0x1], $0x80, s15, s13, $0xb8;
	[tilespmem:$0x1A800] =	vst v63  }
0x1d: {  	_ =	swait.ge [sflag:s11], $0x2800  }
0x1e: {  	s15 =	simm.s32 $0x200;
	[sflag:s11] =	ssyncset.done $0x0  }
.LBB2_2:
0x1f: {  	s16 =	sshra.s32 s15, $0x2;
	[sflag:s11] =	ssyncadd.s32 $0xFFFFD800;
	p0 =	sne.s32 s15, $0xF800  }
0x20: {  	[spmem:s2] =	stream.indirect.scatter.add.f32 [tilespmem:s12], [sflag:$0x1], $0x80, s16, s13, $0xb8;
	[tilespmem:$0x1A800] =	vst v63  }
.Ltmp0:
0x21: {  	_ = 	snop;
	(pc) =	sbr.rel @p0 .LBB2_2-.Ltmp0, $4  }
0x22: {  	_ = 	snop  }
0x23: {  	s15 =	sadd.s32 $0x200, s15  }
0x24: {  	_ =	swait.ge [sflag:s11], $0x2800  }
0x25: {  	[sflag:s11] =	ssyncset.done $0x0  }
0x26: {  	s14 =	sadd.s32 $0x1, s14  }
0x27: {  	[sflag:s11] =	ssyncadd.s32 $0xFFFFD800;
	p0 =	sne.s32 s14, s9  }
.Ltmp1:
0x28: {  	[bflag:$0x0] =	sbarrier.arrive $0xFFFF;
	(pc) =	sbr.rel @p0 .LBB2_1-.Ltmp1, $4  }
0x29: {  	[hbm:s8], [sflag:s6] =	dma.local [spmem:s10], $0x2800  }
0x2a: {  	_ =	swait.ge [sflag:s11], $0x2800  }
0x2b: {  	[sflag:s11] =	ssyncset.done $0x0  }
0x2c: {  	[sflag:s11] =	ssyncadd.s32 $0xFFFFD800  }
0x2d: {  	_ =	sfence.sel $0x180000  }
0x2e: {  	[bflag:$0x0] =	sbarrier.arrive $0xFFFF  }
0x2f: {  	p0 =	sne.s32 s1, $0x0;
	_ =	strace $0x9000004A  }
0x30: {  	s0 =	sadd.s32 @!p0 $0x100000, s0;
	[bflag:$0x2] =	sbarrier.arrive $0xFFFF  }
0x31: {  	[sflag:s0] =	ssyncadd.tile.s32 @!p0 $0x1;
	_ =	shalt  }
.Lfunc_end2:
_tile_overlayer_lowered:
.L_overlay_start_2:
0x32: {  	(tag) =	ssettag $0x2  }
0x33: {  	s0 =	rddreg [dreg:$0x0];
	s2 =	stileid.u32  }
0x34: {  	s1 =	rddreg [dreg:$0x1];
	p0 =	sne.s32 s2, $0x0  }
0x35: {  	s3 =	rddreg [dreg:$0x2];
	[bflag:$0x3] =	sbarrier.arrive $0xFFFF;
	s2 =	simm.s32 @!p0 $0x1C01  }
0x36: {  	[timem:s3], [sflag:s2] =	dma.local @!p0 [hbm:s0], s1  }
0x37: {  	s0 =	simm.s32 @!p0 $0x1  }
0x38: {  	_ =	swait.ge @!p0 [sflag:s0], s1  }
0x39: {  	s1 =	ssub.s32 @!p0 $0x0, s1;
	[sflag:s0] =	ssyncset.done @!p0 $0x0  }
0x3a: {  	[sflag:s0] =	ssyncadd.s32 @!p0 s1  }
0x3b: {  	[bflag:$0x3] =	sbarrier.arrive $0xFFFF  }
0x3c: {  	_ =	shalt  }

// kernel: kernel.19.cloned.1.call-start
scs
__scs_entry_jumppad:
0x0: {  	(pc) =	sbr.rel $0x88, $3  }
0x1: {  	(tag) =	ssettag $0x0;
	lr =	simm.s32 $0x1  }
0x2: {  	[smem:$0x3F82] =	sst lr;
	_ =	strace $0xD0000000  }
0x3: {  	_ = 	snop  }
0x4: {  	_ = 	snop  }
0x5: {  	_ = 	snop  }
0x6: {  	_ = 	snop  }
0x7: {  	_ = 	snop  }
__scs_overlays_trampoline_lowered:
0x8: {  	[smem:$0x3F91] =	sst s0  }
0x9: {  	[smem:$0x3F92] =	sst s1  }
0xa: {  	[smem:$0x3F93] =	sst s2  }
0xb: {  	[smem:$0x3F94] =	sst s3  }
0xc: {  	[smem:$0x3F95] =	sst s4  }
0xd: {  	[smem:$0x3F96] =	sst s5  }
0xe: {  	[smem:$0x3F97] =	sst s6  }
0xf: {  	[smem:$0x3F98] =	sst s7  }
0x10: {  	[smem:$0x3F99] =	sst s8  }
0x11: {  	[smem:$0x3F9A] =	sst s9;
	s0 =	simm.s32 @!p0 $0x0  }
0x12: {  	s1 =	sld [smem:$0x3F80];
	s0 =	simm.s32 @p0 $0x1  }
0x13: {  	[smem:$0x3F9B] =	sst s0;
	s0 =	simm.s32 @!p1 $0x0  }
0x14: {  	s2 =	sld [smem:$0x3F7F];
	s0 =	simm.s32 @p1 $0x1  }
0x15: {  	[smem:$0x3F9C] =	sst s0;
	s0 =	simm.s32 @!p2 $0x0  }
0x16: {  	s3 =	sld [smem:$0x3FDB];
	s0 =	simm.s32 @p2 $0x1  }
0x17: {  	s4 =	simm.s32 $0x1BF5;
	[smem:$0x3F9E] =	sst s0  }
0x18: {  	s0 =	sld [smem:$0x3F81];
	_ =	swait.ge [sflag:s4], $0x0  }
0x19: {  	s7 =	sld [smem:$0x3F82]  }
0x1a: {  	s8 =	sadd.s32 $0xFFFFE003, lr  }
0x1b: {  	s9 =	sadd.s32 $0xFFFFFEF7, lr;
	s5 =	simm.s32 $0xFFFFFFFF;
	p2 =	slt.u32 s8, $0xFFFFF086  }
0x1c: {  	p1 =	slt.u32 s9, $0xF7A;
	s5 =	simm.s32 @!p2 $0x0  }
0x1d: {  	s5 =	simm.s32 @p1 $0x1;
	p0 =	seq.s32 s7, s2  }
0x1e: {  	s7 =	smul.u32 @!p0 $0xF7A, s2;
	p2 =	seq.s32 @!p0 s5, $0x0  }
0x1f: {  	s9 =	smul.u32 $0xF7A, s1;
	s8 =	simm.s32 @!p0 $0x1BF5;
	p2 =	por !p2, p0  }
0x20: {  	[sflag:s8] =	ssyncset.s32 @!p0 $0xFFFFF086;
	s6 =	sadd.s32 @!p0 s3, s7;
	s7 =	simm.s32 @!p0 $0x108  }
0x21: {  	s3 =	sadd.s32 s3, s9;
	s6 =	sadd.s32 @!p0 $0x88, s6;
	s7 =	simm.s32 @p2 $0x1082  }
0x22: {  	[simem:s7], [sflag:s8] =	dma.local @!p0 [hbm:s6], $0xF7A  }
0x23: {  	s9 =	sor.u32 $0xD0000000, s2;
	s6 =	simm.s32 $0x108;
	_ =	swait.ge @!p0 [sflag:s8], $0x0  }
0x24: {  	s3 =	sadd.s32 $0x88, s3;
	s6 =	simm.s32 @!p1 $0x1082;
	[sflag:s4] =	ssyncset.s32 $0xFFFFF086  }
0x25: {  	[simem:s6], [sflag:s4] =	dma.local [hbm:s3], $0xF7A  }
0x26: {  	[smem:$0x3F82] =	sst s1;
	(tag) =	ssettag s2;
	_ =	strace s9  }
0x27: {  	s1 =	sld [smem:$0x3F92]  }
0x28: {  	s2 =	sld [smem:$0x3F93]  }
0x29: {  	s4 =	sld [smem:$0x3F95]  }
0x2a: {  	p0 =	seq.s32 s5, $0x0;
	s5 =	sld [smem:$0x3F96]  }
0x2b: {  	s6 =	sld [smem:$0x3F97]  }
0x2c: {  	s7 =	sld [smem:$0x3F98]  }
0x2d: {  	s3 =	simm.s32 $0x108;
	s8 =	sld [smem:$0x3F99]  }
0x2e: {  	s3 =	simm.s32 @!p0 $0x1082;
	s9 =	sld [smem:$0x3F9A]  }
0x2f: {  	lr =	sadd.s32 s0, s3;
	s0 =	sld [smem:$0x3F91]  }
0x30: {  	s3 =	sld [smem:$0x3F94]  }
0x31: {  	[smem:$0x3F9D] =	sst s10  }
0x32: {  	s10 =	sld [smem:$0x3F9B];
	_ =	sdelay $0x3  }
0x33: {  	p0 =	seq.s32 s10, $0x1;
	s10 =	sld [smem:$0x3F9D];
	_ =	sdelay $0x3  }
0x34: {  	[smem:$0x3F9D] =	sst s10  }
0x35: {  	s10 =	sld [smem:$0x3F9C];
	_ =	sdelay $0x3  }
0x36: {  	p1 =	seq.s32 s10, $0x1;
	s10 =	sld [smem:$0x3F9D];
	_ =	sdelay $0x3  }
0x37: {  	[smem:$0x3F9D] =	sst s10  }
0x38: {  	s10 =	sld [smem:$0x3F9E]  }
0x39: {  	_ = 	snop;
	(pc) =	sbr.ind lr, $3  }
0x3a: {  	_ = 	snop  }
0x3b: {  	_ = 	snop  }
0x3c: {  	p2 =	seq.s32 s10, $0x1;
	s10 =	sld [smem:$0x3F9D]  }
0x3d: {  	_ =	shalt  }
0x3e: {  	_ =	shalt  }
0x3f: {  	_ =	shalt  }
0x40: {  	_ =	shalt  }
0x41: {  	_ =	shalt  }
0x42: {  	_ =	shalt  }
0x43: {  	_ =	shalt  }
0x44: {  	_ =	shalt  }
0x45: {  	_ =	shalt  }
0x46: {  	_ =	shalt  }
0x47: {  	_ =	shalt  }
0x48: {  	_ =	shalt  }
0x49: {  	_ =	shalt  }
0x4a: {  	_ =	shalt  }
0x4b: {  	_ =	shalt  }
0x4c: {  	_ =	shalt  }
0x4d: {  	_ =	shalt  }
0x4e: {  	_ =	shalt  }
0x4f: {  	_ =	shalt  }
0x50: {  	_ =	shalt  }
0x51: {  	_ =	shalt  }
0x52: {  	_ =	shalt  }
0x53: {  	_ =	shalt  }
0x54: {  	_ =	shalt  }
0x55: {  	_ =	shalt  }
0x56: {  	_ =	shalt  }
0x57: {  	_ =	shalt  }
0x58: {  	_ =	shalt  }
0x59: {  	_ =	shalt  }
0x5a: {  	_ =	shalt  }
0x5b: {  	_ =	shalt  }
0x5c: {  	_ =	shalt  }
0x5d: {  	_ =	shalt  }
0x5e: {  	_ =	shalt  }
0x5f: {  	_ =	shalt  }
0x60: {  	_ =	shalt  }
0x61: {  	_ =	shalt  }
0x62: {  	_ =	shalt  }
0x63: {  	_ =	shalt  }
0x64: {  	_ =	shalt  }
0x65: {  	_ =	shalt  }
0x66: {  	_ =	shalt  }
0x67: {  	_ =	shalt  }
0x68: {  	_ =	shalt  }
0x69: {  	_ =	shalt  }
0x6a: {  	_ =	shalt  }
0x6b: {  	_ =	shalt  }
0x6c: {  	_ =	shalt  }
0x6d: {  	_ =	shalt  }
0x6e: {  	_ =	shalt  }
0x6f: {  	_ =	shalt  }
0x70: {  	_ =	shalt  }
0x71: {  	_ =	shalt  }
0x72: {  	_ =	shalt  }
0x73: {  	_ =	shalt  }
0x74: {  	_ =	shalt  }
0x75: {  	_ =	shalt  }
0x76: {  	_ =	shalt  }
0x77: {  	_ =	shalt  }
0x78: {  	_ =	shalt  }
0x79: {  	_ =	shalt  }
0x7a: {  	_ =	shalt  }
0x7b: {  	_ =	shalt  }
0x7c: {  	_ =	shalt  }
0x7d: {  	_ =	shalt  }
0x7e: {  	_ =	shalt  }
0x7f: {  	_ =	shalt  }
0x80: {  	_ =	shalt  }
0x81: {  	_ =	shalt  }
0x82: {  	_ =	shalt  }
0x83: {  	_ =	shalt  }
0x84: {  	_ =	shalt  }
0x85: {  	_ =	shalt  }
0x86: {  	_ =	shalt  }
0x87: {  	_ =	shalt  }
.Lfunc_end0:
.L_simem_size_0:
called_computation.1_lowered:
.L_overlay_start_0:
0x88: {  	s2 =	sld [smem:$0x3FD9]  }
0x89: {  	s3 =	sld [smem:$0x3FFE];
	_ =	sdelay $0x1  }
0x8a: {  	s1 =	srdreg.scid  }
0x8b: {  	s0 =	sand.u32 $0x1, s1  }
0x8c: {  	s16 =	sshll.u32 s0, $0xA;
	s2 =	sadd.s32 s3, s2  }
0x8d: {  	s2 =	sadd.s32 s2, s16  }
0x8e: {  	[smem:$0x3FA9] =	sst s2  }
0x8f: {  	_ = 	snop  }
0x90: {  	(tm) =	ssettm $0x1  }
0x91: {  	s17 =	sld [smem:$0x3FFB];
	_ =	sdelay $0x3  }
0x92: {  	_ =	strace s17  }
0x93: {  	s2 =	sld [smem:$0x3FFC];
	_ =	sdelay $0x3  }
0x94: {  	_ =	strace s2  }
0x95: {  	s2 =	sld [smem:$0x3FFD];
	_ =	sdelay $0x3  }
0x96: {  	_ =	strace s2  }
0x97: {  	_ =	strace $0x8FFFFFFF  }
0x98: {  	s18 =	sld [smem:$0x3FDB];
	_ =	sdelay $0x1  }
0x99: {  	s19 =	simm.s32 $_scs_section_size  }
0x9a: {  	s4 =	simm.s32 $_size__tile_overlayer_lowered;
	s5 =	simm.s32 $_tile_overlayer_lowered  }
0x9b: {  	s22 =	simm.s32 $0x1BFF;
	s21 =	sshll.u32 s5, $0x1;
	s2 =	sadd.s32 s19, s18  }
0x9c: {  	s6 =	simm.s32 $0x0;
	s20 =	sshll.u32 s4, $0x1;
	s4 =	sadd.s32 s21, s2  }
0x9d: {  	[timem:s6], [sflag:s22] =	dma.local [hbm:s4], s20  }
0x9e: {  	_ =	swait.ge [sflag:s22], s20  }
0x9f: {  	s3 =	ssub.s32 $0x0, s20;
	[sflag:s22] =	ssyncset.done $0x0  }
0xa0: {  	[sflag:s22] =	ssyncadd.s32 s3;
	_ =	sdelay $0x1  }
0xa1: {  	s23 =	simm.s32 $0x1B8B  }
0xa2: {  	_ =	swait.ge [sflag:s23], $0x1  }
0xa3: {  	[sflag:s23] =	ssyncset.done $0x0  }
0xa4: {  	s25 =	simm.s32 $0x1B8E;
	s24 =	sld [smem:$0x3FFE];
	[sflag:s23] =	ssyncadd.s32 $0xFFFFFFFF  }
0xa5: {  	s26 =	simm.s32 $execute0_lowered;
	[smem:$0x3FD2] =	sst s25  }
0xa6: {  	s4 =	sshll.u32 s26, $0x1;
	_ =	strace $0x80000046;
	[dreg:$0x1] =	wrdreg $0xFFFFFFFF  }
0xa7: {  	s28 =	simm.s32 $_size_execute0_lowered;
	s2 =	sadd.s32 s2, s4;
	[dreg:$0x0] =	wrdreg $0x0  }
0xa8: {  	s4 =	sshll.u32 s28, $0x1;
	[dreg:$0x2] =	wrdreg s2  }
0xa9: {  	[dreg:$0x3] =	wrdreg s4  }
0xaa: {  	[dreg:$0x4] =	wrdreg $0xC0  }
0xab: {  	_ =	task [dreg:s6], $0x5FFFF  }
0xac: {  	[dreg:$0x1] =	wrdreg $0xFFFFFFFF  }
0xad: {  	[dreg:$0x0] =	wrdreg $0x60  }
0xae: {  	[dreg:$0x2] =	wrdreg s24  }
0xaf: {  	[dreg:$0x3] =	wrdreg $0xA  }
0xb0: {  	_ =	task.clear_ibuf [dreg:s6], $0x4FFFF;
	_ =	strace $0x90000046  }
0xb1: {  	s29 =	simm.s32 $0xA;
	_ =	strace $0x80000048  }
0xb2: {  	_ =	swait.ge [sflag:s29], $0x1  }
0xb3: {  	[sflag:s29] =	ssyncadd.s32 $0xFFFFFFFF  }
0xb4: {  	_ =	strace $0x90000048  }
0xb5: {  	_ =	sfence  }
0xb6: {  	s30 =	sld [smem:$0x0];
	_ =	sdelay $0x2  }
0xb7: {  	s31 =	sshll.u32 s1, $0xD;
	s1 =	sshrl.u32 s1, $0x2  }
0xb8: {  	s3 =	sand.u32 $0x4000, s31;
	s1 =	sadd.s32 s1, s30  }
0xb9: {  	s0 =	sor.u32 s3, s0;
	s1 =	sshll.u32 s1, $0x11  }
0xba: {  	s0 =	sor.u32 s1, s0  }
0xbb: {  	s0 =	sadd.s32 $0x8F2B, s0  }
0xbc: {  	[sflag:s0] =	ssyncadd.remote.s32 $0x1  }
0xbd: {  	_ =	sfence.sel $0xFFFF  }
0xbe: {  	[dreg:$0x0] =	wrdreg $0xFFFFFFFF;
	(pc) =	sbr.abs _section_cstart, $3  }
0xbf: {  	[dreg:$0x1] =	wrdreg $0xFFFFFFFF  }
0xc0: {  	_ =	task.clear_ibuf [dreg:s6], $0x2FFFF;
	_ =	strace $0x9FFFFFFF  }
0xc1: {  	(tm) =	ssettm $0x7FFFFFFF  }
tec
execute0_lowered:
.L_overlay_start_1:
0x0: {  	(tag) =	ssettag $0x1  }
0x1: {  	s0 =	srdreg.scid;
	s12 =	stileid.u32  }
0x2: {  	s5 =	rddreg [dreg:$0x0];
	s2 =	simm.s32 $0x0;
	s18 =	simm.s32 $0xA700  }
0x3: {  	s19 =	simm.s32 $0xAF00;
	s20 =	simm.s32 $0xB700;
	s21 =	simm.s32 $0xBF00  }
0x4: {  	s22 =	simm.s32 $0xC700;
	s23 =	simm.s32 $0xCF00;
	s24 =	simm.s32 $0xD700  }
0x5: {  	s28 =	simm.s32 $0x11700;
	s29 =	simm.s32 $0x1;
	s30 =	simm.s32 $0x3  }
0x6: {  	s31 =	simm.s32 $0x2;
	s0 =	sand.u32 $0x1, s0;
	s1 =	sshll.u32 s12, $0x1  }
0x7: {  	[smem:$0x7FF] =	sst s2;
	s4 =	sadd.s32 $0x6E400, s5;
	s7 =	sadd.s32 $0xBC800, s5  }
0x8: {  	s10 =	smul.u32 $0x9C400, s12;
	_ =	strace $0x80000047;
	[dreg:$0x2] =	wrdreg s18  }
0x9: {  	s12 =	smul.u32 $0x4E200, s12;
	s1 =	sor.u32 s0, s1;
	[dreg:$0x3] =	wrdreg s19  }
0xa: {  	s8 =	ssub.s32 $0x2, s0;
	s25 =	smul.u32 $0x4E200, s0;
	[dreg:$0x4] =	wrdreg s20  }
0xb: {  	s0 =	smul.u32 $0x27100, s0;
	s18 =	simm.s32 $0x6F00;
	[dreg:$0x5] =	wrdreg s21  }
0xc: {  	s19 =	simm.s32 $0x7700;
	s20 =	simm.s32 $0x7F00;
	[dreg:$0x6] =	wrdreg s22  }
0xd: {  	s21 =	simm.s32 $0x8700;
	s22 =	simm.s32 $0x8F00;
	[dreg:$0x7] =	wrdreg s23  }
0xe: {  	s23 =	simm.s32 $0x9700;
	[dreg:$0x8] =	wrdreg s24;
	s24 =	simm.s32 $0x50  }
0xf: {  	s1 =	smul.u32 $0x2710, s1;
	s9 =	sshrl.u32 s8, $0x1;
	s14 =	sadd.s32 s10, s7  }
0x10: {  	s8 =	ssub.s32 s8, s9;
	s16 =	sadd.s32 s25, s14;
	s14 =	simm.s32 $0x4F00  }
0x11: {  	s25 =	simm.s32 $0xDF00;
	s3 =	sshrl.u32 s1, $0x3;
	s1 =	sadd.s32 $0x26C0, s1  }
0x12: {  	s17 =	smax.u32 s8, $0x1;
	[dreg:$0x9] =	wrdreg s25;
	s25 =	simm.s32 $0xEF00  }
0x13: {  	s6 =	sadd.s32 s3, s5;
	s3 =	sadd.s32 $0x20200, s5;
	s5 =	sadd.s32 $0xA80800, s5  }
0x14: {  	s26 =	sshll.u32 s1, $0x5;
	[dreg:$0xf] =	wrdreg s17;
	s11 =	sadd.s32 $0x16400, s6  }
0x15: {  	s1 =	sshll.u32 s1, $0x4;
	s6 =	sadd.s32 $0xC600, s6;
	[dreg:$0xb] =	wrdreg s11  }
0x16: {  	s17 =	simm.s32 $0x6700;
	s13 =	sadd.s32 s7, s26;
	[dreg:$0xc] =	wrdreg s6  }
0x17: {  	s15 =	sadd.s32 s12, s5;
	s1 =	sadd.s32 s5, s1;
	[dreg:$0xd] =	wrdreg s13  }
0x18: {  	s12 =	simm.s32 $0x5;
	s26 =	simm.s32 $0xE700;
	[dreg:$0xe] =	wrdreg s1  }
0x19: {  	v2 =	vlaneseq.u32;
	s0 =	sadd.s32 s0, s15;
	s6 =	sadd.s32 $0xA00, s16;
	s15 =	simm.s32 $0x5700  }
0x1a: {  	vm0 =	vmmov $0xffff;
	v1 =	vshrl.u32 v2, $0x3;
	s16 =	simm.s32 $0x5F00;
	[dreg:$0xa] =	wrdreg s26;
	s26 =	simm.s32 $0x9F00  }
0x1b: {  	v0 =	vand.u32 $0x7, v2;
	v2 =	vor.u32 $0x8, v2;
	v1 =	vmul.u32 $0x8, v1;
	s1 =	simm.s32 $0x4;
	s5 =	sadd.s32 $0x500, s0;
	s0 =	simm.s32 $0x0  }
.LBB2_1:
0x1c: {  	s7 =	rddreg [dreg:$0xb]  }
0x1d: {  	[tilespmem:s2], [sflag:$0x5] =	stream.linear.gather [hbm4b:s7+s2], $0x2710, $0x38;
	[tilespmem:$0x13F00] =	vst v63  }
0x1e: {  	_ =	swait.ge [sflag:s12], $0x2710  }
0x1f: {  	[sflag:s12] =	ssyncset.done $0x0  }
0x20: {  	s8 =	simm.s32 $0x2780;
	s13 =	rddreg [dreg:$0xc];
	[sflag:s12] =	ssyncadd.s32 $0xFFFFD8F0  }
0x21: {  	[tilespmem:s8], [sflag:$0x5] =	stream.linear.gather [hbm4b:s13+s2], $0x2710, $0x38;
	[tilespmem:$0x13F00] =	vst v63  }
0x22: {  	_ =	swait.ge [sflag:s12], $0x2710  }
0x23: {  	[sflag:s12] =	ssyncset.done $0x0  }
0x24: {  	[sflag:s12] =	ssyncadd.s32 $0xFFFFD8F0  }
0x25: {  	v3 =	vld [tilespmem:$0x0];
	_ =	sdelay $0x4  }
0x26: {  	v4 =	vshll.u32 v3, $0x1  }
0x27: {  	v3 =	vand.u32 $0x7, v3;
	v4 =	vand.u32 $0xFFFFFFF0, v4  }
0x28: {  	v3 =	vor.u32 v3, v4  }
0x29: {  	v4 =	vperm.xlane v3, v0;
	_ =	sdelay $0x1  }
0x2a: {  	v3 =	vperm.xlane v3, v2;
	v4 =	vadd.s32 v1, v4;
	_ =	sdelay $0x1  }
0x2b: {  	v3 =	vadd.s32 v1, v3;
	_ =	sdelay $0x2  }
0x2c: {  	[tilespmem:s14], [sflag:$0x1] =	stream.indirect_vreg.gather [hbm4b:s3+s2], $0x80, v4, vm0, $0xb8;
	[tilespmem:$0x13F00] =	vst v63  }
0x2d: {  	_ = 	snop  }
0x2e: {  	[tilespmem:s15], [sflag:$0x1] =	stream.indirect_vreg.gather [hbm4b:s3+s2], $0x80, v3, vm0, $0xb8;
	[tilespmem:$0x13F00] =	vst v63  }
0x2f: {  	v3 =	vld [tilespmem:$0x10];
	_ =	sdelay $0x4  }
0x30: {  	v60 =	vshll.u32 v3, $0x1  }
0x31: {  	v3 =	vand.u32 $0x7, v3;
	v4 =	vand.u32 $0xFFFFFFF0, v60  }
0x32: {  	v3 =	vor.u32 v3, v4  }
0x33: {  	v4 =	vperm.xlane v3, v0;
	_ =	sdelay $0x1  }
0x34: {  	v3 =	vperm.xlane v3, v2;
	v4 =	vadd.s32 v1, v4;
	_ =	sdelay $0x1  }
0x35: {  	v3 =	vadd.s32 v1, v3;
	_ =	sdelay $0x2  }
0x36: {  	[tilespmem:s16], [sflag:$0x1] =	stream.indirect_vreg.gather [hbm4b:s3+s2], $0x80, v4, vm0, $0xb8;
	[tilespmem:$0x13F00] =	vst v63  }
0x37: {  	_ = 	snop  }
0x38: {  	[tilespmem:s17], [sflag:$0x1] =	stream.indirect_vreg.gather [hbm4b:s3+s2], $0x80, v3, vm0, $0xb8;
	[tilespmem:$0x13F00] =	vst v63  }
0x39: {  	v3 =	vld [tilespmem:$0x20];
	_ =	sdelay $0x4  }
0x3a: {  	v61 =	vshll.u32 v3, $0x1  }
0x3b: {  	v3 =	vand.u32 $0x7, v3;
	v4 =	vand.u32 $0xFFFFFFF0, v61  }
0x3c: {  	v3 =	vor.u32 v3, v4  }
0x3d: {  	v4 =	vperm.xlane v3, v0;
	_ =	sdelay $0x1  }
0x3e: {  	v3 =	vperm.xlane v3, v2;
	v4 =	vadd.s32 v1, v4;
	_ =	sdelay $0x1  }
0x3f: {  	v3 =	vadd.s32 v1, v3;
	_ =	sdelay $0x2  }
0x40: {  	[tilespmem:s18], [sflag:$0x1] =	stream.indirect_vreg.gather [hbm4b:s3+s2], $0x80, v4, vm0, $0xb8;
	[tilespmem:$0x13F00] =	vst v63  }
0x41: {  	_ = 	snop  }
0x42: {  	[tilespmem:s19], [sflag:$0x1] =	stream.indirect_vreg.gather [hbm4b:s3+s2], $0x80, v3, vm0, $0xb8;
	[tilespmem:$0x13F00] =	vst v63  }
0x43: {  	v3 =	vld [tilespmem:$0x30];
	_ =	sdelay $0x4  }
0x44: {  	v62 =	vshll.u32 v3, $0x1  }
0x45: {  	v3 =	vand.u32 $0x7, v3;
	v4 =	vand.u32 $0xFFFFFFF0, v62  }
0x46: {  	v3 =	vor.u32 v3, v4  }
0x47: {  	v4 =	vperm.xlane v3, v0;
	_ =	sdelay $0x1  }
0x48: {  	v3 =	vperm.xlane v3, v2;
	v4 =	vadd.s32 v1, v4;
	_ =	sdelay $0x1  }
0x49: {  	v3 =	vadd.s32 v1, v3;
	_ =	sdelay $0x2  }
0x4a: {  	[tilespmem:s20], [sflag:$0x1] =	stream.indirect_vreg.gather [hbm4b:s3+s2], $0x80, v4, vm0, $0xb8;
	[tilespmem:$0x13F00] =	vst v63  }
0x4b: {  	_ = 	snop  }
0x4c: {  	[tilespmem:s21], [sflag:$0x1] =	stream.indirect_vreg.gather [hbm4b:s3+s2], $0x80, v3, vm0, $0xb8;
	[tilespmem:$0x13F00] =	vst v63  }
0x4d: {  	v3 =	vld [tilespmem:$0x40];
	_ =	sdelay $0x4  }
0x4e: {  	v63 =	vshll.u32 v3, $0x1  }
0x4f: {  	v3 =	vand.u32 $0x7, v3;
	v4 =	vand.u32 $0xFFFFFFF0, v63  }
0x50: {  	v3 =	vor.u32 v3, v4  }
0x51: {  	v4 =	vperm.xlane v3, v0;
	_ =	sdelay $0x1  }
0x52: {  	v3 =	vperm.xlane v3, v2;
	v4 =	vadd.s32 v1, v4;
	_ =	sdelay $0x1  }
0x53: {  	v3 =	vadd.s32 v1, v3;
	_ =	sdelay $0x2  }
0x54: {  	[tilespmem:s22], [sflag:$0x1] =	stream.indirect_vreg.gather [hbm4b:s3+s2], $0x80, v4, vm0, $0xb8;
	[tilespmem:$0x13F00] =	vst v63  }
0x55: {  	_ = 	snop  }
0x56: {  	[tilespmem:s23], [sflag:$0x1] =	stream.indirect_vreg.gather [hbm4b:s3+s2], $0x80, v3, vm0, $0xb8;
	[tilespmem:$0x13F00] =	vst v63  }
0x57: {  	s11 =	smov.u32 s5;
	s10 =	smov.u32 s6;
	s7 =	simm.s32 $0x0  }
0x58: {  	[tilespmem:s25], [sflag:$0x3] =	stream.indirect.gather [hbm4b:s4+s24], $0x80, s8, s24, $0xb8;
	[tilespmem:$0x13F00] =	vst v63  }
.LBB2_2:
0x59: {  	s8 =	sshra.s32 s7, $0x2  }
0x5a: {  	v3 =	vld [tilespmem:s8+$0x50];
	_ =	sdelay $0x4  }
0x5b: {  	v4 =	vshll.u32 v3, $0x1  }
0x5c: {  	v3 =	vand.u32 $0x7, v3;
	v4 =	vand.u32 $0xFFFFFFF0, v4  }
0x5d: {  	v3 =	vor.u32 v3, v4  }
0x5e: {  	v4 =	vperm.xlane v3, v0;
	_ =	sdelay $0x1  }
0x5f: {  	v3 =	vperm.xlane v3, v2;
	v4 =	vadd.s32 v1, v4;
	_ =	sdelay $0x1  }
0x60: {  	v3 =	vadd.s32 v1, v3;
	_ =	sdelay $0x2  }
0x61: {  	[tilespmem:s26], [sflag:$0x2] =	stream.indirect_vreg.gather [hbm4b:s3+s2], $0x80, v4, vm0, $0xb8;
	[tilespmem:$0x13F00] =	vst v63  }
0x62: {  	s13 =	rddreg [dreg:$0x2]  }
0x63: {  	[tilespmem:s13], [sflag:$0x2] =	stream.indirect_vreg.gather [hbm4b:s3+s2], $0x80, v3, vm0, $0xb8;
	[tilespmem:$0x13F00] =	vst v63  }
0x64: {  	v3 =	vld [tilespmem:s8+$0x60];
	_ =	sdelay $0x4  }
0x65: {  	v55 =	vshll.u32 v3, $0x1  }
0x66: {  	v3 =	vand.u32 $0x7, v3;
	v4 =	vand.u32 $0xFFFFFFF0, v55  }
0x67: {  	v3 =	vor.u32 v3, v4  }
0x68: {  	v4 =	vperm.xlane v3, v0;
	_ =	sdelay $0x1  }
0x69: {  	v3 =	vperm.xlane v3, v2;
	v4 =	vadd.s32 v1, v4;
	_ =	sdelay $0x1  }
0x6a: {  	v3 =	vadd.s32 v1, v3;
	_ =	sdelay $0x1  }
0x6b: {  	s13 =	rddreg [dreg:$0x3]  }
0x6c: {  	[tilespmem:s13], [sflag:$0x2] =	stream.indirect_vreg.gather [hbm4b:s3+s2], $0x80, v4, vm0, $0xb8;
	[tilespmem:$0x13F00] =	vst v63  }
0x6d: {  	s9 =	rddreg [dreg:$0x4]  }
0x6e: {  	[tilespmem:s9], [sflag:$0x2] =	stream.indirect_vreg.gather [hbm4b:s3+s2], $0x80, v3, vm0, $0xb8;
	[tilespmem:$0x13F00] =	vst v63  }
0x6f: {  	v3 =	vld [tilespmem:s8+$0x70];
	_ =	sdelay $0x4  }
0x70: {  	v56 =	vshll.u32 v3, $0x1  }
0x71: {  	v3 =	vand.u32 $0x7, v3;
	v4 =	vand.u32 $0xFFFFFFF0, v56  }
0x72: {  	v3 =	vor.u32 v3, v4  }
0x73: {  	v4 =	vperm.xlane v3, v0;
	_ =	sdelay $0x1  }
0x74: {  	v3 =	vperm.xlane v3, v2;
	v4 =	vadd.s32 v1, v4;
	_ =	sdelay $0x1  }
0x75: {  	v3 =	vadd.s32 v1, v3;
	_ =	sdelay $0x1  }
0x76: {  	s9 =	rddreg [dreg:$0x5]  }
0x77: {  	[tilespmem:s9], [sflag:$0x2] =	stream.indirect_vreg.gather [hbm4b:s3+s2], $0x80, v4, vm0, $0xb8;
	[tilespmem:$0x13F00] =	vst v63  }
0x78: {  	s13 =	rddreg [dreg:$0x6]  }
0x79: {  	[tilespmem:s13], [sflag:$0x2] =	stream.indirect_vreg.gather [hbm4b:s3+s2], $0x80, v3, vm0, $0xb8;
	[tilespmem:$0x13F00] =	vst v63  }
0x7a: {  	v3 =	vld [tilespmem:s8+$0x80];
	_ =	sdelay $0x4  }
0x7b: {  	v57 =	vshll.u32 v3, $0x1  }
0x7c: {  	v3 =	vand.u32 $0x7, v3;
	v4 =	vand.u32 $0xFFFFFFF0, v57  }
0x7d: {  	v3 =	vor.u32 v3, v4  }
0x7e: {  	v4 =	vperm.xlane v3, v0;
	_ =	sdelay $0x1  }
0x7f: {  	v3 =	vperm.xlane v3, v2;
	v4 =	vadd.s32 v1, v4;
	_ =	sdelay $0x1  }
0x80: {  	v3 =	vadd.s32 v1, v3;
	_ =	sdelay $0x1  }
0x81: {  	s9 =	rddreg [dreg:$0x7]  }
0x82: {  	[tilespmem:s9], [sflag:$0x2] =	stream.indirect_vreg.gather [hbm4b:s3+s2], $0x80, v4, vm0, $0xb8;
	[tilespmem:$0x13F00] =	vst v63  }
0x83: {  	s13 =	rddreg [dreg:$0x8]  }
0x84: {  	[tilespmem:s13], [sflag:$0x2] =	stream.indirect_vreg.gather [hbm4b:s3+s2], $0x80, v3, vm0, $0xb8;
	[tilespmem:$0x13F00] =	vst v63  }
0x85: {  	v3 =	vld [tilespmem:s8+$0x90];
	_ =	sdelay $0x4  }
0x86: {  	v58 =	vshll.u32 v3, $0x1  }
0x87: {  	v3 =	vand.u32 $0x7, v3;
	v4 =	vand.u32 $0xFFFFFFF0, v58  }
0x88: {  	v3 =	vor.u32 v3, v4  }
0x89: {  	v4 =	vperm.xlane v3, v0;
	_ =	sdelay $0x1  }
0x8a: {  	v3 =	vperm.xlane v3, v2;
	v4 =	vadd.s32 v1, v4;
	_ =	sdelay $0x1  }
0x8b: {  	v3 =	vadd.s32 v1, v3;
	_ =	sdelay $0x1  }
0x8c: {  	s9 =	rddreg [dreg:$0x9]  }
0x8d: {  	[tilespmem:s9], [sflag:$0x2] =	stream.indirect_vreg.gather [hbm4b:s3+s2], $0x80, v4, vm0, $0xb8;
	[tilespmem:$0x13F00] =	vst v63  }
0x8e: {  	s13 =	rddreg [dreg:$0xa]  }
0x8f: {  	[tilespmem:s13], [sflag:$0x2] =	stream.indirect_vreg.gather [hbm4b:s3+s2], $0x80, v3, vm0, $0xb8;
	[tilespmem:$0x13F00] =	vst v63  }
0x90: {  	s13 =	sadd.s32 $0x27D0, s8  }
0x91: {  	[tilespmem:s28], [sflag:$0x4] =	stream.indirect.gather [hbm4b:s4+s24], $0x80, s13, s24, $0xb8;
	[tilespmem:$0x13F00] =	vst v63  }
0x92: {  	_ =	swait.ge [sflag:s29], $0x5000  }
0x93: {  	[sflag:s29] =	ssyncset.done $0x0  }
0x94: {  	[sflag:s29] =	ssyncadd.s32 $0xFFFFB000  }
0x95: {  	_ =	swait.ge [sflag:s30], $0x2800  }
0x96: {  	[sflag:s30] =	ssyncset.done $0x0  }
0x97: {  	s13 =	sadd.s32 $0xFFFFF600, s10;
	[sflag:s30] =	ssyncadd.s32 $0xFFFFD800  }
0x98: {  	[hbm4b:s13+s2] =	stream.linear.scatter [tilespmem:s14], [sflag:$0x5], $0x5000, $0x38;
	[tilespmem:$0x13F00] =	vst v63  }
0x99: {  	_ =	swait.ge [sflag:s12], $0x5000  }
0x9a: {  	[sflag:s12] =	ssyncset.done $0x0  }
0x9b: {  	s13 =	sadd.s32 $0xFFFFFB00, s11;
	[sflag:s12] =	ssyncadd.s32 $0xFFFFB000  }
0x9c: {  	[hbm4b:s13+s2] =	stream.linear.scatter [tilespmem:s25], [sflag:$0x5], $0x2800, $0x38;
	[tilespmem:$0x13F00] =	vst v63  }
0x9d: {  	_ =	swait.ge [sflag:s12], $0x2800  }
0x9e: {  	[sflag:s12] =	ssyncset.done $0x0  }
0x9f: {  	[sflag:s12] =	ssyncadd.s32 $0xFFFFD800  }
0xa0: {  	v3 =	vld [tilespmem:s8+$0xA0];
	_ =	sdelay $0x4  }
0xa1: {  	v59 =	vshll.u32 v3, $0x1  }
0xa2: {  	v3 =	vand.u32 $0x7, v3;
	v4 =	vand.u32 $0xFFFFFFF0, v59  }
0xa3: {  	v3 =	vor.u32 v3, v4  }
0xa4: {  	v4 =	vperm.xlane v3, v0;
	_ =	sdelay $0x1  }
0xa5: {  	v3 =	vperm.xlane v3, v2;
	v4 =	vadd.s32 v1, v4;
	_ =	sdelay $0x1  }
0xa6: {  	v3 =	vadd.s32 v1, v3;
	_ =	sdelay $0x2  }
0xa7: {  	[tilespmem:s14], [sflag:$0x1] =	stream.indirect_vreg.gather [hbm4b:s3+s2], $0x80, v4, vm0, $0xb8;
	[tilespmem:$0x13F00] =	vst v63  }
0xa8: {  	_ = 	snop  }
0xa9: {  	[tilespmem:s15], [sflag:$0x1] =	stream.indirect_vreg.gather [hbm4b:s3+s2], $0x80, v3, vm0, $0xb8;
	[tilespmem:$0x13F00] =	vst v63  }
0xaa: {  	v3 =	vld [tilespmem:s8+$0xB0];
	_ =	sdelay $0x4  }
0xab: {  	v60 =	vshll.u32 v3, $0x1  }
0xac: {  	v3 =	vand.u32 $0x7, v3;
	v4 =	vand.u32 $0xFFFFFFF0, v60  }
0xad: {  	v3 =	vor.u32 v3, v4  }
0xae: {  	v4 =	vperm.xlane v3, v0;
	_ =	sdelay $0x1  }
0xaf: {  	v3 =	vperm.xlane v3, v2;
	v4 =	vadd.s32 v1, v4;
	_ =	sdelay $0x1  }
0xb0: {  	v3 =	vadd.s32 v1, v3;
	_ =	sdelay $0x2  }
0xb1: {  	[tilespmem:s16], [sflag:$0x1] =	stream.indirect_vreg.gather [hbm4b:s3+s2], $0x80, v4, vm0, $0xb8;
	[tilespmem:$0x13F00] =	vst v63  }
0xb2: {  	_ = 	snop  }
0xb3: {  	[tilespmem:s17], [sflag:$0x1] =	stream.indirect_vreg.gather [hbm4b:s3+s2], $0x80, v3, vm0, $0xb8;
	[tilespmem:$0x13F00] =	vst v63  }
0xb4: {  	v3 =	vld [tilespmem:s8+$0xC0];
	_ =	sdelay $0x4  }
0xb5: {  	v61 =	vshll.u32 v3, $0x1  }
0xb6: {  	v3 =	vand.u32 $0x7, v3;
	v4 =	vand.u32 $0xFFFFFFF0, v61  }
0xb7: {  	v3 =	vor.u32 v3, v4  }
0xb8: {  	v4 =	vperm.xlane v3, v0;
	_ =	sdelay $0x1  }
0xb9: {  	v3 =	vperm.xlane v3, v2;
	v4 =	vadd.s32 v1, v4;
	_ =	sdelay $0x1  }
0xba: {  	v3 =	vadd.s32 v1, v3;
	_ =	sdelay $0x2  }
0xbb: {  	[tilespmem:s18], [sflag:$0x1] =	stream.indirect_vreg.gather [hbm4b:s3+s2], $0x80, v4, vm0, $0xb8;
	[tilespmem:$0x13F00] =	vst v63  }
0xbc: {  	_ = 	snop  }
0xbd: {  	[tilespmem:s19], [sflag:$0x1] =	stream.indirect_vreg.gather [hbm4b:s3+s2], $0x80, v3, vm0, $0xb8;
	[tilespmem:$0x13F00] =	vst v63  }
0xbe: {  	v3 =	vld [tilespmem:s8+$0xD0];
	_ =	sdelay $0x4  }
0xbf: {  	v62 =	vshll.u32 v3, $0x1  }
0xc0: {  	v3 =	vand.u32 $0x7, v3;
	v4 =	vand.u32 $0xFFFFFFF0, v62  }
0xc1: {  	v3 =	vor.u32 v3, v4  }
0xc2: {  	v4 =	vperm.xlane v3, v0;
	_ =	sdelay $0x1  }
0xc3: {  	v3 =	vperm.xlane v3, v2;
	v4 =	vadd.s32 v1, v4;
	_ =	sdelay $0x1  }
0xc4: {  	v3 =	vadd.s32 v1, v3;
	_ =	sdelay $0x2  }
0xc5: {  	[tilespmem:s20], [sflag:$0x1] =	stream.indirect_vreg.gather [hbm4b:s3+s2], $0x80, v4, vm0, $0xb8;
	[tilespmem:$0x13F00] =	vst v63  }
0xc6: {  	_ = 	snop  }
0xc7: {  	[tilespmem:s21], [sflag:$0x1] =	stream.indirect_vreg.gather [hbm4b:s3+s2], $0x80, v3, vm0, $0xb8;
	[tilespmem:$0x13F00] =	vst v63  }
0xc8: {  	v3 =	vld [tilespmem:s8+$0xE0];
	_ =	sdelay $0x4  }
0xc9: {  	v63 =	vshll.u32 v3, $0x1  }
0xca: {  	v3 =	vand.u32 $0x7, v3;
	v4 =	vand.u32 $0xFFFFFFF0, v63  }
0xcb: {  	v3 =	vor.u32 v3, v4  }
0xcc: {  	v4 =	vperm.xlane v3, v0;
	_ =	sdelay $0x1  }
0xcd: {  	v3 =	vperm.xlane v3, v2;
	v4 =	vadd.s32 v1, v4;
	_ =	sdelay $0x1  }
0xce: {  	v3 =	vadd.s32 v1, v3;
	_ =	sdelay $0x2  }
0xcf: {  	[tilespmem:s22], [sflag:$0x1] =	stream.indirect_vreg.gather [hbm4b:s3+s2], $0x80, v4, vm0, $0xb8;
	[tilespmem:$0x13F00] =	vst v63  }
0xd0: {  	_ = 	snop  }
0xd1: {  	[tilespmem:s23], [sflag:$0x1] =	stream.indirect_vreg.gather [hbm4b:s3+s2], $0x80, v3, vm0, $0xb8;
	[tilespmem:$0x13F00] =	vst v63  }
0xd2: {  	s8 =	sadd.s32 $0x2820, s8  }
0xd3: {  	[tilespmem:s25], [sflag:$0x3] =	stream.indirect.gather [hbm4b:s4+s24], $0x80, s8, s24, $0xb8;
	[tilespmem:$0x13F00] =	vst v63  }
0xd4: {  	_ =	swait.ge [sflag:s31], $0x5000  }
0xd5: {  	[sflag:s31] =	ssyncset.done $0x0  }
0xd6: {  	[sflag:s31] =	ssyncadd.s32 $0xFFFFB000  }
0xd7: {  	_ =	swait.ge [sflag:s1], $0x2800  }
0xd8: {  	[sflag:s1] =	ssyncset.done $0x0  }
0xd9: {  	[sflag:s1] =	ssyncadd.s32 $0xFFFFD800  }
0xda: {  	[hbm4b:s10+s2] =	stream.linear.scatter [tilespmem:s26], [sflag:$0x5], $0x5000, $0x38;
	[tilespmem:$0x13F00] =	vst v63  }
0xdb: {  	_ =	swait.ge [sflag:s12], $0x5000  }
0xdc: {  	p0 =	sne.s32 s7, $0x9880;
	[sflag:s12] =	ssyncset.done $0x0  }
.Ltmp0:
0xdd: {  	[sflag:s12] =	ssyncadd.s32 $0xFFFFB000;
	(pc) =	sbr.rel @p0 .LBB2_2-.Ltmp0, $4  }
0xde: {  	[hbm4b:s11+s2] =	stream.linear.scatter [tilespmem:s28], [sflag:$0x5], $0x2800, $0x38;
	[tilespmem:$0x13F00] =	vst v63  }
0xdf: {  	_ =	swait.ge [sflag:s12], $0x2800  }
0xe0: {  	s7 =	sadd.s32 $0x280, s7;
	[sflag:s12] =	ssyncset.done $0x0  }
0xe1: {  	s10 =	sadd.s32 $0x1400, s10;
	s11 =	sadd.s32 $0xA00, s11;
	[sflag:s12] =	ssyncadd.s32 $0xFFFFD800  }
0xe2: {  	_ =	swait.ge [sflag:s29], $0x5000  }
0xe3: {  	[sflag:s29] =	ssyncset.done $0x0  }
0xe4: {  	[sflag:s29] =	ssyncadd.s32 $0xFFFFB000  }
0xe5: {  	_ =	swait.ge [sflag:s30], $0x2800  }
0xe6: {  	[sflag:s30] =	ssyncset.done $0x0  }
0xe7: {  	s7 =	rddreg [dreg:$0xd];
	[sflag:s30] =	ssyncadd.s32 $0xFFFFD800  }
0xe8: {  	[hbm4b:s7+s2] =	stream.linear.scatter [tilespmem:s14], [sflag:$0x5], $0x5000, $0x38;
	[tilespmem:$0x13F00] =	vst v63  }
0xe9: {  	_ =	swait.ge [sflag:s12], $0x5000  }
0xea: {  	[sflag:s12] =	ssyncset.done $0x0  }
0xeb: {  	s11 =	rddreg [dreg:$0xe];
	[sflag:s12] =	ssyncadd.s32 $0xFFFFB000  }
0xec: {  	[hbm4b:s11+s2] =	stream.linear.scatter [tilespmem:s25], [sflag:$0x5], $0x2800, $0x38;
	[tilespmem:$0x13F00] =	vst v63  }
0xed: {  	_ =	swait.ge [sflag:s12], $0x2800  }
0xee: {  	s0 =	sadd.s32 $0x1, s0;
	s13 =	rddreg [dreg:$0xf]  }
0xef: {  	p0 =	sne.s32 s0, s13  }
.Ltmp1:
0xf0: {  	_ = 	snop;
	(pc) =	sbr.rel @p0 .LBB2_1-.Ltmp1, $3  }
0xf1: {  	_ =	sdelay $0x1  }
0xf2: {  	[sflag:s12] =	ssyncset.done $0x0  }
0xf3: {  	[sflag:s12] =	ssyncadd.s32 $0xFFFFD800  }
0xf4: {  	_ =	sfence.sel $0x180000  }
0xf5: {  	[bflag:$0x0] =	sbarrier.arrive $0xFFFF  }
0xf6: {  	_ =	strace $0x90000047  }
0xf7: {  	s0 =	stileid.u32;
	[bflag:$0x2] =	sbarrier.arrive $0xFFFF  }
0xf8: {  	p0 =	sne.s32 s0, $0x0;
	s0 =	rddreg [dreg:$0x1]  }
0xf9: {  	s0 =	sadd.s32 @!p0 $0x100000, s0  }
0xfa: {  	[sflag:s0] =	ssyncadd.tile.s32 @!p0 $0x1;
	_ =	shalt  }
.Lfunc_end2:
_tile_overlayer_lowered:
.L_overlay_start_2:
0xfb: {  	(tag) =	ssettag $0x2  }
0xfc: {  	s0 =	rddreg [dreg:$0x0];
	s2 =	stileid.u32  }
0xfd: {  	s1 =	rddreg [dreg:$0x1];
	p0 =	sne.s32 s2, $0x0  }
0xfe: {  	s3 =	rddreg [dreg:$0x2];
	[bflag:$0x3] =	sbarrier.arrive $0xFFFF;
	s2 =	simm.s32 @!p0 $0x1C05  }
0xff: {  	[timem:s3], [sflag:s2] =	dma.local @!p0 [hbm:s0], s1  }
0x100: {  	s0 =	simm.s32 @!p0 $0x5  }
0x101: {  	_ =	swait.ge @!p0 [sflag:s0], s1  }
0x102: {  	s1 =	ssub.s32 @!p0 $0x0, s1;
	[sflag:s0] =	ssyncset.done @!p0 $0x0  }
0x103: {  	[sflag:s0] =	ssyncadd.s32 @!p0 s1  }
0x104: {  	[bflag:$0x3] =	sbarrier.arrive $0xFFFF  }
0x105: {  	_ =	shalt  }

// kernel: kernel.22.cloned.1.call-start
scs
__scs_entry_jumppad:
0x0: {  	(pc) =	sbr.rel $0x88, $3  }
0x1: {  	(tag) =	ssettag $0x0;
	lr =	simm.s32 $0x1  }
0x2: {  	[smem:$0x3F82] =	sst lr;
	_ =	strace $0xD0000000  }
0x3: {  	_ = 	snop  }
0x4: {  	_ = 	snop  }
0x5: {  	_ = 	snop  }
0x6: {  	_ = 	snop  }
0x7: {  	_ = 	snop  }
__scs_overlays_trampoline_lowered:
0x8: {  	[smem:$0x3F91] =	sst s0  }
0x9: {  	[smem:$0x3F92] =	sst s1  }
0xa: {  	[smem:$0x3F93] =	sst s2  }
0xb: {  	[smem:$0x3F94] =	sst s3  }
0xc: {  	[smem:$0x3F95] =	sst s4  }
0xd: {  	[smem:$0x3F96] =	sst s5  }
0xe: {  	[smem:$0x3F97] =	sst s6  }
0xf: {  	[smem:$0x3F98] =	sst s7  }
0x10: {  	[smem:$0x3F99] =	sst s8  }
0x11: {  	[smem:$0x3F9A] =	sst s9;
	s0 =	simm.s32 @!p0 $0x0  }
0x12: {  	s1 =	sld [smem:$0x3F80];
	s0 =	simm.s32 @p0 $0x1  }
0x13: {  	[smem:$0x3F9B] =	sst s0;
	s0 =	simm.s32 @!p1 $0x0  }
0x14: {  	s2 =	sld [smem:$0x3F7F];
	s0 =	simm.s32 @p1 $0x1  }
0x15: {  	[smem:$0x3F9C] =	sst s0;
	s0 =	simm.s32 @!p2 $0x0  }
0x16: {  	s3 =	sld [smem:$0x3FDB];
	s0 =	simm.s32 @p2 $0x1  }
0x17: {  	s4 =	simm.s32 $0x1BF5;
	[smem:$0x3F9E] =	sst s0  }
0x18: {  	s0 =	sld [smem:$0x3F81];
	_ =	swait.ge [sflag:s4], $0x0  }
0x19: {  	s7 =	sld [smem:$0x3F82]  }
0x1a: {  	s8 =	sadd.s32 $0xFFFFE003, lr  }
0x1b: {  	s9 =	sadd.s32 $0xFFFFFEF7, lr;
	s5 =	simm.s32 $0xFFFFFFFF;
	p2 =	slt.u32 s8, $0xFFFFF086  }
0x1c: {  	p1 =	slt.u32 s9, $0xF7A;
	s5 =	simm.s32 @!p2 $0x0  }
0x1d: {  	s5 =	simm.s32 @p1 $0x1;
	p0 =	seq.s32 s7, s2  }
0x1e: {  	s7 =	smul.u32 @!p0 $0xF7A, s2;
	p2 =	seq.s32 @!p0 s5, $0x0  }
0x1f: {  	s9 =	smul.u32 $0xF7A, s1;
	s8 =	simm.s32 @!p0 $0x1BF5;
	p2 =	por !p2, p0  }
0x20: {  	[sflag:s8] =	ssyncset.s32 @!p0 $0xFFFFF086;
	s6 =	sadd.s32 @!p0 s3, s7;
	s7 =	simm.s32 @!p0 $0x108  }
0x21: {  	s3 =	sadd.s32 s3, s9;
	s6 =	sadd.s32 @!p0 $0x88, s6;
	s7 =	simm.s32 @p2 $0x1082  }
0x22: {  	[simem:s7], [sflag:s8] =	dma.local @!p0 [hbm:s6], $0xF7A  }
0x23: {  	s9 =	sor.u32 $0xD0000000, s2;
	s6 =	simm.s32 $0x108;
	_ =	swait.ge @!p0 [sflag:s8], $0x0  }
0x24: {  	s3 =	sadd.s32 $0x88, s3;
	s6 =	simm.s32 @!p1 $0x1082;
	[sflag:s4] =	ssyncset.s32 $0xFFFFF086  }
0x25: {  	[simem:s6], [sflag:s4] =	dma.local [hbm:s3], $0xF7A  }
0x26: {  	[smem:$0x3F82] =	sst s1;
	(tag) =	ssettag s2;
	_ =	strace s9  }
0x27: {  	s1 =	sld [smem:$0x3F92]  }
0x28: {  	s2 =	sld [smem:$0x3F93]  }
0x29: {  	s4 =	sld [smem:$0x3F95]  }
0x2a: {  	p0 =	seq.s32 s5, $0x0;
	s5 =	sld [smem:$0x3F96]  }
0x2b: {  	s6 =	sld [smem:$0x3F97]  }
0x2c: {  	s7 =	sld [smem:$0x3F98]  }
0x2d: {  	s3 =	simm.s32 $0x108;
	s8 =	sld [smem:$0x3F99]  }
0x2e: {  	s3 =	simm.s32 @!p0 $0x1082;
	s9 =	sld [smem:$0x3F9A]  }
0x2f: {  	lr =	sadd.s32 s0, s3;
	s0 =	sld [smem:$0x3F91]  }
0x30: {  	s3 =	sld [smem:$0x3F94]  }
0x31: {  	[smem:$0x3F9D] =	sst s10  }
0x32: {  	s10 =	sld [smem:$0x3F9B];
	_ =	sdelay $0x3  }
0x33: {  	p0 =	seq.s32 s10, $0x1;
	s10 =	sld [smem:$0x3F9D];
	_ =	sdelay $0x3  }
0x34: {  	[smem:$0x3F9D] =	sst s10  }
0x35: {  	s10 =	sld [smem:$0x3F9C];
	_ =	sdelay $0x3  }
0x36: {  	p1 =	seq.s32 s10, $0x1;
	s10 =	sld [smem:$0x3F9D];
	_ =	sdelay $0x3  }
0x37: {  	[smem:$0x3F9D] =	sst s10  }
0x38: {  	s10 =	sld [smem:$0x3F9E]  }
0x39: {  	_ = 	snop;
	(pc) =	sbr.ind lr, $3  }
0x3a: {  	_ = 	snop  }
0x3b: {  	_ = 	snop  }
0x3c: {  	p2 =	seq.s32 s10, $0x1;
	s10 =	sld [smem:$0x3F9D]  }
0x3d: {  	_ =	shalt  }
0x3e: {  	_ =	shalt  }
0x3f: {  	_ =	shalt  }
0x40: {  	_ =	shalt  }
0x41: {  	_ =	shalt  }
0x42: {  	_ =	shalt  }
0x43: {  	_ =	shalt  }
0x44: {  	_ =	shalt  }
0x45: {  	_ =	shalt  }
0x46: {  	_ =	shalt  }
0x47: {  	_ =	shalt  }
0x48: {  	_ =	shalt  }
0x49: {  	_ =	shalt  }
0x4a: {  	_ =	shalt  }
0x4b: {  	_ =	shalt  }
0x4c: {  	_ =	shalt  }
0x4d: {  	_ =	shalt  }
0x4e: {  	_ =	shalt  }
0x4f: {  	_ =	shalt  }
0x50: {  	_ =	shalt  }
0x51: {  	_ =	shalt  }
0x52: {  	_ =	shalt  }
0x53: {  	_ =	shalt  }
0x54: {  	_ =	shalt  }
0x55: {  	_ =	shalt  }
0x56: {  	_ =	shalt  }
0x57: {  	_ =	shalt  }
0x58: {  	_ =	shalt  }
0x59: {  	_ =	shalt  }
0x5a: {  	_ =	shalt  }
0x5b: {  	_ =	shalt  }
0x5c: {  	_ =	shalt  }
0x5d: {  	_ =	shalt  }
0x5e: {  	_ =	shalt  }
0x5f: {  	_ =	shalt  }
0x60: {  	_ =	shalt  }
0x61: {  	_ =	shalt  }
0x62: {  	_ =	shalt  }
0x63: {  	_ =	shalt  }
0x64: {  	_ =	shalt  }
0x65: {  	_ =	shalt  }
0x66: {  	_ =	shalt  }
0x67: {  	_ =	shalt  }
0x68: {  	_ =	shalt  }
0x69: {  	_ =	shalt  }
0x6a: {  	_ =	shalt  }
0x6b: {  	_ =	shalt  }
0x6c: {  	_ =	shalt  }
0x6d: {  	_ =	shalt  }
0x6e: {  	_ =	shalt  }
0x6f: {  	_ =	shalt  }
0x70: {  	_ =	shalt  }
0x71: {  	_ =	shalt  }
0x72: {  	_ =	shalt  }
0x73: {  	_ =	shalt  }
0x74: {  	_ =	shalt  }
0x75: {  	_ =	shalt  }
0x76: {  	_ =	shalt  }
0x77: {  	_ =	shalt  }
0x78: {  	_ =	shalt  }
0x79: {  	_ =	shalt  }
0x7a: {  	_ =	shalt  }
0x7b: {  	_ =	shalt  }
0x7c: {  	_ =	shalt  }
0x7d: {  	_ =	shalt  }
0x7e: {  	_ =	shalt  }
0x7f: {  	_ =	shalt  }
0x80: {  	_ =	shalt  }
0x81: {  	_ =	shalt  }
0x82: {  	_ =	shalt  }
0x83: {  	_ =	shalt  }
0x84: {  	_ =	shalt  }
0x85: {  	_ =	shalt  }
0x86: {  	_ =	shalt  }
0x87: {  	_ =	shalt  }
.Lfunc_end0:
.L_simem_size_0:
called_computation.2_lowered:
.L_overlay_start_0:
0x88: {  	s2 =	sld [smem:$0x3FD9]  }
0x89: {  	s3 =	sld [smem:$0x3FFE];
	_ =	sdelay $0x1  }
0x8a: {  	s1 =	srdreg.scid  }
0x8b: {  	s0 =	sand.u32 $0x1, s1  }
0x8c: {  	s17 =	sshll.u32 s0, $0xA;
	s2 =	sadd.s32 s3, s2  }
0x8d: {  	s2 =	sadd.s32 s2, s17  }
0x8e: {  	[smem:$0x3FA9] =	sst s2  }
0x8f: {  	_ = 	snop  }
0x90: {  	(tm) =	ssettm $0x1  }
0x91: {  	s18 =	sld [smem:$0x3FFB];
	_ =	sdelay $0x3  }
0x92: {  	_ =	strace s18  }
0x93: {  	s2 =	sld [smem:$0x3FFC];
	_ =	sdelay $0x3  }
0x94: {  	_ =	strace s2  }
0x95: {  	s2 =	sld [smem:$0x3FFD];
	_ =	sdelay $0x3  }
0x96: {  	_ =	strace s2  }
0x97: {  	_ =	strace $0x8FFFFFFF  }
0x98: {  	s19 =	sld [smem:$0x3FDB];
	_ =	sdelay $0x1  }
0x99: {  	s20 =	simm.s32 $_scs_section_size  }
0x9a: {  	s4 =	simm.s32 $_size__tile_overlayer_lowered;
	s5 =	simm.s32 $_tile_overlayer_lowered  }
0x9b: {  	s6 =	simm.s32 $0x1BFF;
	s21 =	sshll.u32 s5, $0x1;
	s3 =	sadd.s32 s20, s19  }
0x9c: {  	s22 =	simm.s32 $0x0;
	s4 =	sshll.u32 s4, $0x1;
	s5 =	sadd.s32 s21, s3  }
0x9d: {  	[timem:s22], [sflag:s6] =	dma.local [hbm:s5], s4  }
0x9e: {  	_ =	swait.ge [sflag:s6], s4  }
0x9f: {  	s4 =	ssub.s32 $0x0, s4;
	[sflag:s6] =	ssyncset.done $0x0  }
0xa0: {  	[sflag:s6] =	ssyncadd.s32 s4;
	_ =	sdelay $0x1  }
0xa1: {  	s23 =	simm.s32 $0x1B8B  }
0xa2: {  	_ =	swait.ge [sflag:s23], $0x1  }
0xa3: {  	[sflag:s23] =	ssyncset.done $0x0  }
0xa4: {  	[sflag:s23] =	ssyncadd.s32 $0xFFFFFFFF  }
0xa5: {  	s4 =	sld [smem:$0x0]  }
0xa6: {  	s5 =	sand.u32 $0xFFFFFFFE, s1  }
0xa7: {  	p0 =	sne.s32 s1, s5  }
0xa8: {  	s5 =	sshll.u32 @p0 s5, $0xE  }
0xa9: {  	s5 =	sadd.s32 @p0 $0x11B8D, s5;
	s6 =	sshll.u32 @p0 s4, $0x11  }
0xaa: {  	s5 =	sor.u32 @p0 s6, s5  }
0xab: {  	[sflag:s5] =	ssyncadd.remote.s32 @p0 $0x1;
	_ =	sdelay $0x1  }
0xac: {  	s5 =	simm.s32 @p0 $0x1B8D  }
0xad: {  	_ =	swait.eq @p0 [sflag:s5], $0x1  }
0xae: {  	[sflag:s5] =	ssyncadd.s32 @p0 $0xFFFFFFFF  }
0xaf: {  	s6 =	sshll.u32 @!p0 s1, $0xE  }
0xb0: {  	s6 =	sor.u32 @!p0 $0x4000, s6;
	s5 =	simm.s32 @!p0 $0x1B8D  }
0xb1: {  	s4 =	sshll.u32 @!p0 s4, $0x11;
	s6 =	sadd.s32 @!p0 $0x11B8D, s6;
	_ =	swait.eq @!p0 [sflag:s5], $0x1  }
0xb2: {  	s4 =	sor.u32 @!p0 s4, s6;
	[sflag:s5] =	ssyncadd.s32 @!p0 $0xFFFFFFFF  }
0xb3: {  	s25 =	simm.s32 $0x1B8E;
	s24 =	sld [smem:$0x3FFE];
	[sflag:s4] =	ssyncadd.remote.s32 @!p0 $0x1  }
0xb4: {  	s26 =	simm.s32 $execute0_lowered;
	[smem:$0x3FD2] =	sst s25  }
0xb5: {  	s5 =	sshll.u32 s26, $0x1;
	_ =	strace $0x8000004C;
	[dreg:$0x1] =	wrdreg $0xFFFFFFFF  }
0xb6: {  	s28 =	simm.s32 $_size_execute0_lowered;
	s3 =	sadd.s32 s3, s5;
	[dreg:$0x0] =	wrdreg $0x0  }
0xb7: {  	s5 =	sshll.u32 s28, $0x1;
	[dreg:$0x2] =	wrdreg s3  }
0xb8: {  	[dreg:$0x3] =	wrdreg s5  }
0xb9: {  	[dreg:$0x4] =	wrdreg $0xC0  }
0xba: {  	_ =	task [dreg:s22], $0x5FFFF  }
0xbb: {  	[dreg:$0x1] =	wrdreg $0xFFFFFFFF  }
0xbc: {  	[dreg:$0x0] =	wrdreg $0x60  }
0xbd: {  	[dreg:$0x2] =	wrdreg s24  }
0xbe: {  	[dreg:$0x3] =	wrdreg $0x90000  }
0xbf: {  	[dreg:$0x4] =	wrdreg $0xA  }
0xc0: {  	_ =	task.clear_ibuf [dreg:s22], $0x5FFFF;
	_ =	strace $0x9000004C  }
0xc1: {  	s29 =	simm.s32 $0xA;
	_ =	strace $0x8000004E  }
0xc2: {  	_ =	swait.ge [sflag:s29], $0x1  }
0xc3: {  	[sflag:s29] =	ssyncadd.s32 $0xFFFFFFFF  }
0xc4: {  	_ =	strace $0x9000004E  }
0xc5: {  	_ =	sfence  }
0xc6: {  	s30 =	sld [smem:$0x0];
	_ =	sdelay $0x2  }
0xc7: {  	s31 =	sshll.u32 s1, $0xD;
	s1 =	sshrl.u32 s1, $0x2  }
0xc8: {  	s4 =	sand.u32 $0x4000, s31;
	s1 =	sadd.s32 s1, s30  }
0xc9: {  	s0 =	sor.u32 s4, s0;
	s1 =	sshll.u32 s1, $0x11  }
0xca: {  	s0 =	sor.u32 s1, s0  }
0xcb: {  	s0 =	sadd.s32 $0x8F2B, s0  }
0xcc: {  	[sflag:s0] =	ssyncadd.remote.s32 $0x1  }
0xcd: {  	_ =	sfence.sel $0xFFFF  }
0xce: {  	[dreg:$0x0] =	wrdreg $0xFFFFFFFF;
	(pc) =	sbr.abs _section_cstart, $3  }
0xcf: {  	[dreg:$0x1] =	wrdreg $0xFFFFFFFF  }
0xd0: {  	_ =	task.clear_ibuf [dreg:s22], $0x2FFFF;
	_ =	strace $0x9FFFFFFF  }
0xd1: {  	(tm) =	ssettm $0x7FFFFFFF  }
tec
execute0_lowered:
.L_overlay_start_1:
0x0: {  	(tag) =	ssettag $0x1  }
0x1: {  	s4 =	rddreg [dreg:$0x0]  }
0x2: {  	s2 =	rddreg [dreg:$0x1]  }
0x3: {  	s0 =	rddreg [dreg:$0x2]  }
0x4: {  	s5 =	srdreg.scid;
	s1 =	stileid.u32  }
0x5: {  	s3 =	simm.s32 $0x0;
	s16 =	simm.s32 $0x50;
	s17 =	simm.s32 $0x2  }
0x6: {  	s18 =	simm.s32 $0x3E00;
	s19 =	simm.s32 $0x0;
	s7 =	smul.u32 $0x2800, s1  }
0x7: {  	s5 =	sand.u32 $0x1, s5;
	s6 =	sshll.u32 s1, $0x1;
	s12 =	smul.u32 $0x50000, s1  }
0x8: {  	[smem:$0x7FF] =	sst s3;
	s10 =	sadd.s32 $0x14CCE00, s4;
	s29 =	smul.u32 $0x4E200, s1  }
0x9: {  	s14 =	sshll.u32 s1, $0x6;
	s6 =	sor.u32 s5, s6;
	s9 =	smul.u32 $0x28000, s5  }
0xa: {  	_ =	strace $0x8000004D;
	s24 =	ssub.s32 $0x2, s5;
	s15 =	smul.u32 $0x27100, s5  }
0xb: {  	s5 =	sor.u32 $0x1C03, s14;
	s14 =	simm.s32 $0x6800;
	s8 =	sshll.u32 s6, $0xB  }
0xc: {  	s11 =	sadd.s32 s7, s4;
	s25 =	sshrl.u32 s24, $0x1;
	s26 =	smul.u32 $0x27100, s6  }
0xd: {  	s28 =	sshrl.u32 s12, $0x2;
	s30 =	sadd.s32 s29, s10;
	s8 =	sadd.s32 s8, s4  }
0xe: {  	s7 =	sadd.s32 s7, s9;
	s9 =	ssub.s32 s24, s25;
	s12 =	sadd.s32 s28, s2  }
0xf: {  	s31 =	sadd.s32 s15, s30;
	s15 =	simm.s32 $0x1;
	s13 =	sadd.s32 s7, s4  }
0x10: {  	s4 =	sadd.s32 $0xF72800, s11;
	s6 =	sadd.s32 $0xF62800, s8;
	s7 =	sadd.s32 s10, s26  }
0x11: {  	s9 =	smax.u32 s9, $0x1;
	s10 =	sadd.s32 $0xA00, s31;
	s11 =	sshrl.u32 s12, $0x3  }
0x12: {  	s12 =	simm.s32 $0x3;
	s8 =	sadd.s32 $0x20400, s13;
	s13 =	simm.s32 $0x4000  }
.LBB2_1:
0x13: {  	[spmem:s11], [sflag:s5] =	dma.local [hbm:s4], $0x2800  }
0x14: {  	_ =	swait.ge [sflag:s12], $0x2800  }
0x15: {  	[sflag:s12] =	ssyncset.done $0x0  }
0x16: {  	[sflag:s12] =	ssyncadd.s32 $0xFFFFD800  }
0x17: {  	[tilespmem:s3], [sflag:$0x3] =	stream.linear.gather [hbm4b:s6+s3], $0x3E80, $0x38;
	[tilespmem:$0x1D000] =	vst v63  }
0x18: {  	_ =	swait.ge [sflag:s12], $0x3E80  }
0x19: {  	[sflag:s12] =	ssyncset.done $0x0  }
0x1a: {  	[sflag:s12] =	ssyncadd.s32 $0xFFFFC180  }
0x1b: {  	[bflag:$0x0] =	sbarrier.arrive $0xFFFF  }
0x1c: {  	[tilespmem:s13], [sflag:$0x1] =	stream.linear.gather [hbm4b:s7+s3], $0x2800, $0x38;
	[tilespmem:$0x1D000] =	vst v63  }
0x1d: {  	s20 =	sadd.s32 $0xFFFFFB00, s10  }
0x1e: {  	[tilespmem:s14], [sflag:$0x2] =	stream.linear.gather [hbm4b:s20+s3], $0x2800, $0x38;
	[tilespmem:$0x1D000] =	vst v63  }
0x1f: {  	_ =	swait.ge [sflag:s15], $0x2800  }
0x20: {  	[sflag:s15] =	ssyncset.done $0x0  }
0x21: {  	s30 =	simm.s32 $0x0;
	[sflag:s15] =	ssyncadd.s32 $0xFFFFD800  }
0x22: {  	[spmem:s2] =	stream.indirect.scatter.add.f32 [tilespmem:s13], [sflag:$0x3], $0x80, s30, s16, $0xb8;
	[tilespmem:$0x1D000] =	vst v63  }
0x23: {  	_ =	swait.ge [sflag:s12], $0x2800  }
0x24: {  	[sflag:s12] =	ssyncset.done $0x0  }
0x25: {  	[sflag:s12] =	ssyncadd.s32 $0xFFFFD800  }
0x26: {  	[tilespmem:s13], [sflag:$0x1] =	stream.linear.gather [hbm4b:s10+s3], $0x2800, $0x38;
	[tilespmem:$0x1D000] =	vst v63  }
0x27: {  	_ =	swait.ge [sflag:s17], $0x2800  }
0x28: {  	[sflag:s17] =	ssyncset.done $0x0  }
0x29: {  	s31 =	simm.s32 $0x80;
	[sflag:s17] =	ssyncadd.s32 $0xFFFFD800  }
0x2a: {  	[spmem:s2] =	stream.indirect.scatter.add.f32 [tilespmem:s14], [sflag:$0x3], $0x80, s31, s16, $0xb8;
	[tilespmem:$0x1D000] =	vst v63  }
0x2b: {  	s21 =	simm.s32 $0x400;
	_ =	swait.ge [sflag:s12], $0x2800  }
0x2c: {  	s22 =	simm.s32 $0x800;
	s20 =	sadd.s32 $0xA00, s10;
	[sflag:s12] =	ssyncset.done $0x0  }
.LBB2_2:
0x2d: {  	p0 =	sne.s32 s22, $0xF400;
	s23 =	sadd.s32 $0xFFFFFB00, s20;
	[sflag:s12] =	ssyncadd.s32 $0xFFFFD800  }
0x2e: {  	[tilespmem:s14], [sflag:$0x2] =	stream.linear.gather [hbm4b:s23+s3], $0x2800, $0x38;
	[tilespmem:$0x1D000] =	vst v63  }
0x2f: {  	s23 =	smov.u32 s22;
	s22 =	sadd.s32 $0x400, s22;
	_ =	swait.ge [sflag:s15], $0x2800  }
0x30: {  	[sflag:s15] =	ssyncset.done $0x0  }
0x31: {  	s24 =	sshra.s32 s21, $0x2;
	s21 =	smov.u32 s23;
	[sflag:s15] =	ssyncadd.s32 $0xFFFFD800  }
0x32: {  	[spmem:s2] =	stream.indirect.scatter.add.f32 [tilespmem:s13], [sflag:$0x3], $0x80, s24, s16, $0xb8;
	[tilespmem:$0x1D000] =	vst v63  }
0x33: {  	_ =	swait.ge [sflag:s12], $0x2800  }
0x34: {  	[sflag:s12] =	ssyncset.done $0x0  }
0x35: {  	[sflag:s12] =	ssyncadd.s32 $0xFFFFD800  }
0x36: {  	[tilespmem:s13], [sflag:$0x1] =	stream.linear.gather [hbm4b:s20+s3], $0x2800, $0x38;
	[tilespmem:$0x1D000] =	vst v63  }
0x37: {  	_ =	swait.ge [sflag:s17], $0x2800  }
.Ltmp0:
0x38: {  	[sflag:s17] =	ssyncset.done $0x0;
	(pc) =	sbr.rel @p0 .LBB2_2-.Ltmp0, $4  }
0x39: {  	s23 =	sadd.s32 $0x80, s24;
	[sflag:s17] =	ssyncadd.s32 $0xFFFFD800  }
0x3a: {  	[spmem:s2] =	stream.indirect.scatter.add.f32 [tilespmem:s14], [sflag:$0x3], $0x80, s23, s16, $0xb8;
	[tilespmem:$0x1D000] =	vst v63  }
0x3b: {  	_ =	swait.ge [sflag:s12], $0x2800  }
0x3c: {  	s20 =	sadd.s32 $0xA00, s20;
	[sflag:s12] =	ssyncset.done $0x0  }
0x3d: {  	s22 =	sadd.s32 $0xFFFFFB00, s20;
	[sflag:s12] =	ssyncadd.s32 $0xFFFFD800  }
0x3e: {  	[tilespmem:s14], [sflag:$0x2] =	stream.linear.gather [hbm4b:s22+s3], $0x2800, $0x38;
	[tilespmem:$0x1D000] =	vst v63  }
0x3f: {  	_ =	swait.ge [sflag:s15], $0x2800  }
0x40: {  	[sflag:s15] =	ssyncset.done $0x0  }
0x41: {  	s21 =	sshra.s32 s21, $0x2;
	[sflag:s15] =	ssyncadd.s32 $0xFFFFD800  }
0x42: {  	[spmem:s2] =	stream.indirect.scatter.add.f32 [tilespmem:s13], [sflag:$0x3], $0x80, s21, s16, $0xb8;
	[tilespmem:$0x1D000] =	vst v63  }
0x43: {  	_ =	swait.ge [sflag:s12], $0x2800  }
0x44: {  	[sflag:s12] =	ssyncset.done $0x0  }
0x45: {  	[sflag:s12] =	ssyncadd.s32 $0xFFFFD800  }
0x46: {  	[tilespmem:s13], [sflag:$0x1] =	stream.linear.gather [hbm4b:s20+s3], $0x2800, $0x38;
	[tilespmem:$0x1D000] =	vst v63  }
0x47: {  	_ =	swait.ge [sflag:s17], $0x2800  }
0x48: {  	[sflag:s17] =	ssyncset.done $0x0  }
0x49: {  	s31 =	sadd.s32 $0x80, s21;
	[sflag:s17] =	ssyncadd.s32 $0xFFFFD800  }
0x4a: {  	[spmem:s2] =	stream.indirect.scatter.add.f32 [tilespmem:s14], [sflag:$0x3], $0x80, s31, s16, $0xb8;
	[tilespmem:$0x1D000] =	vst v63  }
0x4b: {  	_ =	swait.ge [sflag:s12], $0x2800  }
0x4c: {  	[sflag:s12] =	ssyncset.done $0x0  }
0x4d: {  	[sflag:s12] =	ssyncadd.s32 $0xFFFFD800  }
0x4e: {  	_ =	swait.ge [sflag:s15], $0x2800  }
0x4f: {  	[sflag:s15] =	ssyncset.done $0x0  }
0x50: {  	[sflag:s15] =	ssyncadd.s32 $0xFFFFD800  }
0x51: {  	[spmem:s2] =	stream.indirect.scatter.add.f32 [tilespmem:s13], [sflag:$0x3], $0x80, s18, s16, $0xb8;
	[tilespmem:$0x1D000] =	vst v63  }
0x52: {  	_ =	swait.ge [sflag:s12], $0x2800  }
0x53: {  	s19 =	sadd.s32 $0x1, s19;
	[sflag:s12] =	ssyncset.done $0x0  }
0x54: {  	p0 =	sne.s32 s19, s9;
	[sflag:s12] =	ssyncadd.s32 $0xFFFFD800  }
.Ltmp1:
0x55: {  	[bflag:$0x0] =	sbarrier.arrive $0xFFFF;
	(pc) =	sbr.rel @p0 .LBB2_1-.Ltmp1, $4  }
0x56: {  	[hbm:s8], [sflag:s5] =	dma.local [spmem:s11], $0x2800  }
0x57: {  	_ =	swait.ge [sflag:s12], $0x2800  }
0x58: {  	[sflag:s12] =	ssyncset.done $0x0  }
0x59: {  	[sflag:s12] =	ssyncadd.s32 $0xFFFFD800  }
0x5a: {  	_ =	sfence.sel $0x180000  }
0x5b: {  	[bflag:$0x0] =	sbarrier.arrive $0xFFFF  }
0x5c: {  	p0 =	sne.s32 s1, $0x0;
	_ =	strace $0x9000004D  }
0x5d: {  	s0 =	sadd.s32 @!p0 $0x100000, s0;
	[bflag:$0x2] =	sbarrier.arrive $0xFFFF  }
0x5e: {  	[sflag:s0] =	ssyncadd.tile.s32 @!p0 $0x1;
	_ =	shalt  }
.Lfunc_end2:
_tile_overlayer_lowered:
.L_overlay_start_2:
0x5f: {  	(tag) =	ssettag $0x2  }
0x60: {  	s0 =	rddreg [dreg:$0x0];
	s2 =	stileid.u32  }
0x61: {  	s1 =	rddreg [dreg:$0x1];
	p0 =	sne.s32 s2, $0x0  }
0x62: {  	s3 =	rddreg [dreg:$0x2];
	[bflag:$0x3] =	sbarrier.arrive $0xFFFF;
	s2 =	simm.s32 @!p0 $0x1C03  }
0x63: {  	[timem:s3], [sflag:s2] =	dma.local @!p0 [hbm:s0], s1  }
0x64: {  	s0 =	simm.s32 @!p0 $0x3  }
0x65: {  	_ =	swait.ge @!p0 [sflag:s0], s1  }
0x66: {  	s1 =	ssub.s32 @!p0 $0x0, s1;
	[sflag:s0] =	ssyncset.done @!p0 $0x0  }
0x67: {  	[sflag:s0] =	ssyncadd.s32 @!p0 s1  }
0x68: {  	[bflag:$0x3] =	sbarrier.arrive $0xFFFF  }
0x69: {  	_ =	shalt  }

// kernel: kernel.25.cloned.1.call-start
scs
__scs_entry_jumppad:
0x0: {  	(pc) =	sbr.rel $0x88, $3  }
0x1: {  	(tag) =	ssettag $0x0;
	lr =	simm.s32 $0x1  }
0x2: {  	[smem:$0x3F82] =	sst lr;
	_ =	strace $0xD0000000  }
0x3: {  	_ = 	snop  }
0x4: {  	_ = 	snop  }
0x5: {  	_ = 	snop  }
0x6: {  	_ = 	snop  }
0x7: {  	_ = 	snop  }
__scs_overlays_trampoline_lowered:
0x8: {  	[smem:$0x3F91] =	sst s0  }
0x9: {  	[smem:$0x3F92] =	sst s1  }
0xa: {  	[smem:$0x3F93] =	sst s2  }
0xb: {  	[smem:$0x3F94] =	sst s3  }
0xc: {  	[smem:$0x3F95] =	sst s4  }
0xd: {  	[smem:$0x3F96] =	sst s5  }
0xe: {  	[smem:$0x3F97] =	sst s6  }
0xf: {  	[smem:$0x3F98] =	sst s7  }
0x10: {  	[smem:$0x3F99] =	sst s8  }
0x11: {  	[smem:$0x3F9A] =	sst s9;
	s0 =	simm.s32 @!p0 $0x0  }
0x12: {  	s1 =	sld [smem:$0x3F80];
	s0 =	simm.s32 @p0 $0x1  }
0x13: {  	[smem:$0x3F9B] =	sst s0;
	s0 =	simm.s32 @!p1 $0x0  }
0x14: {  	s2 =	sld [smem:$0x3F7F];
	s0 =	simm.s32 @p1 $0x1  }
0x15: {  	[smem:$0x3F9C] =	sst s0;
	s0 =	simm.s32 @!p2 $0x0  }
0x16: {  	s3 =	sld [smem:$0x3FDB];
	s0 =	simm.s32 @p2 $0x1  }
0x17: {  	s4 =	simm.s32 $0x1BF5;
	[smem:$0x3F9E] =	sst s0  }
0x18: {  	s0 =	sld [smem:$0x3F81];
	_ =	swait.ge [sflag:s4], $0x0  }
0x19: {  	s7 =	sld [smem:$0x3F82]  }
0x1a: {  	s8 =	sadd.s32 $0xFFFFE003, lr  }
0x1b: {  	s9 =	sadd.s32 $0xFFFFFEF7, lr;
	s5 =	simm.s32 $0xFFFFFFFF;
	p2 =	slt.u32 s8, $0xFFFFF086  }
0x1c: {  	p1 =	slt.u32 s9, $0xF7A;
	s5 =	simm.s32 @!p2 $0x0  }
0x1d: {  	s5 =	simm.s32 @p1 $0x1;
	p0 =	seq.s32 s7, s2  }
0x1e: {  	s7 =	smul.u32 @!p0 $0xF7A, s2;
	p2 =	seq.s32 @!p0 s5, $0x0  }
0x1f: {  	s9 =	smul.u32 $0xF7A, s1;
	s8 =	simm.s32 @!p0 $0x1BF5;
	p2 =	por !p2, p0  }
0x20: {  	[sflag:s8] =	ssyncset.s32 @!p0 $0xFFFFF086;
	s6 =	sadd.s32 @!p0 s3, s7;
	s7 =	simm.s32 @!p0 $0x108  }
0x21: {  	s3 =	sadd.s32 s3, s9;
	s6 =	sadd.s32 @!p0 $0x88, s6;
	s7 =	simm.s32 @p2 $0x1082  }
0x22: {  	[simem:s7], [sflag:s8] =	dma.local @!p0 [hbm:s6], $0xF7A  }
0x23: {  	s9 =	sor.u32 $0xD0000000, s2;
	s6 =	simm.s32 $0x108;
	_ =	swait.ge @!p0 [sflag:s8], $0x0  }
0x24: {  	s3 =	sadd.s32 $0x88, s3;
	s6 =	simm.s32 @!p1 $0x1082;
	[sflag:s4] =	ssyncset.s32 $0xFFFFF086  }
0x25: {  	[simem:s6], [sflag:s4] =	dma.local [hbm:s3], $0xF7A  }
0x26: {  	[smem:$0x3F82] =	sst s1;
	(tag) =	ssettag s2;
	_ =	strace s9  }
0x27: {  	s1 =	sld [smem:$0x3F92]  }
0x28: {  	s2 =	sld [smem:$0x3F93]  }
0x29: {  	s4 =	sld [smem:$0x3F95]  }
0x2a: {  	p0 =	seq.s32 s5, $0x0;
	s5 =	sld [smem:$0x3F96]  }
0x2b: {  	s6 =	sld [smem:$0x3F97]  }
0x2c: {  	s7 =	sld [smem:$0x3F98]  }
0x2d: {  	s3 =	simm.s32 $0x108;
	s8 =	sld [smem:$0x3F99]  }
0x2e: {  	s3 =	simm.s32 @!p0 $0x1082;
	s9 =	sld [smem:$0x3F9A]  }
0x2f: {  	lr =	sadd.s32 s0, s3;
	s0 =	sld [smem:$0x3F91]  }
0x30: {  	s3 =	sld [smem:$0x3F94]  }
0x31: {  	[smem:$0x3F9D] =	sst s10  }
0x32: {  	s10 =	sld [smem:$0x3F9B];
	_ =	sdelay $0x3  }
0x33: {  	p0 =	seq.s32 s10, $0x1;
	s10 =	sld [smem:$0x3F9D];
	_ =	sdelay $0x3  }
0x34: {  	[smem:$0x3F9D] =	sst s10  }
0x35: {  	s10 =	sld [smem:$0x3F9C];
	_ =	sdelay $0x3  }
0x36: {  	p1 =	seq.s32 s10, $0x1;
	s10 =	sld [smem:$0x3F9D];
	_ =	sdelay $0x3  }
0x37: {  	[smem:$0x3F9D] =	sst s10  }
0x38: {  	s10 =	sld [smem:$0x3F9E]  }
0x39: {  	_ = 	snop;
	(pc) =	sbr.ind lr, $3  }
0x3a: {  	_ = 	snop  }
0x3b: {  	_ = 	snop  }
0x3c: {  	p2 =	seq.s32 s10, $0x1;
	s10 =	sld [smem:$0x3F9D]  }
0x3d: {  	_ =	shalt  }
0x3e: {  	_ =	shalt  }
0x3f: {  	_ =	shalt  }
0x40: {  	_ =	shalt  }
0x41: {  	_ =	shalt  }
0x42: {  	_ =	shalt  }
0x43: {  	_ =	shalt  }
0x44: {  	_ =	shalt  }
0x45: {  	_ =	shalt  }
0x46: {  	_ =	shalt  }
0x47: {  	_ =	shalt  }
0x48: {  	_ =	shalt  }
0x49: {  	_ =	shalt  }
0x4a: {  	_ =	shalt  }
0x4b: {  	_ =	shalt  }
0x4c: {  	_ =	shalt  }
0x4d: {  	_ =	shalt  }
0x4e: {  	_ =	shalt  }
0x4f: {  	_ =	shalt  }
0x50: {  	_ =	shalt  }
0x51: {  	_ =	shalt  }
0x52: {  	_ =	shalt  }
0x53: {  	_ =	shalt  }
0x54: {  	_ =	shalt  }
0x55: {  	_ =	shalt  }
0x56: {  	_ =	shalt  }
0x57: {  	_ =	shalt  }
0x58: {  	_ =	shalt  }
0x59: {  	_ =	shalt  }
0x5a: {  	_ =	shalt  }
0x5b: {  	_ =	shalt  }
0x5c: {  	_ =	shalt  }
0x5d: {  	_ =	shalt  }
0x5e: {  	_ =	shalt  }
0x5f: {  	_ =	shalt  }
0x60: {  	_ =	shalt  }
0x61: {  	_ =	shalt  }
0x62: {  	_ =	shalt  }
0x63: {  	_ =	shalt  }
0x64: {  	_ =	shalt  }
0x65: {  	_ =	shalt  }
0x66: {  	_ =	shalt  }
0x67: {  	_ =	shalt  }
0x68: {  	_ =	shalt  }
0x69: {  	_ =	shalt  }
0x6a: {  	_ =	shalt  }
0x6b: {  	_ =	shalt  }
0x6c: {  	_ =	shalt  }
0x6d: {  	_ =	shalt  }
0x6e: {  	_ =	shalt  }
0x6f: {  	_ =	shalt  }
0x70: {  	_ =	shalt  }
0x71: {  	_ =	shalt  }
0x72: {  	_ =	shalt  }
0x73: {  	_ =	shalt  }
0x74: {  	_ =	shalt  }
0x75: {  	_ =	shalt  }
0x76: {  	_ =	shalt  }
0x77: {  	_ =	shalt  }
0x78: {  	_ =	shalt  }
0x79: {  	_ =	shalt  }
0x7a: {  	_ =	shalt  }
0x7b: {  	_ =	shalt  }
0x7c: {  	_ =	shalt  }
0x7d: {  	_ =	shalt  }
0x7e: {  	_ =	shalt  }
0x7f: {  	_ =	shalt  }
0x80: {  	_ =	shalt  }
0x81: {  	_ =	shalt  }
0x82: {  	_ =	shalt  }
0x83: {  	_ =	shalt  }
0x84: {  	_ =	shalt  }
0x85: {  	_ =	shalt  }
0x86: {  	_ =	shalt  }
0x87: {  	_ =	shalt  }
.Lfunc_end0:
.L_simem_size_0:
called_computation.3_lowered:
.L_overlay_start_0:
0x88: {  	s2 =	sld [smem:$0x3FD9]  }
0x89: {  	s3 =	sld [smem:$0x3FFE];
	_ =	sdelay $0x1  }
0x8a: {  	s1 =	srdreg.scid  }
0x8b: {  	s0 =	sand.u32 $0x1, s1  }
0x8c: {  	s16 =	sshll.u32 s0, $0xA;
	s2 =	sadd.s32 s3, s2  }
0x8d: {  	s2 =	sadd.s32 s2, s16  }
0x8e: {  	[smem:$0x3FA9] =	sst s2  }
0x8f: {  	_ = 	snop  }
0x90: {  	(tm) =	ssettm $0x1  }
0x91: {  	s17 =	sld [smem:$0x3FFB];
	_ =	sdelay $0x3  }
0x92: {  	_ =	strace s17  }
0x93: {  	s2 =	sld [smem:$0x3FFC];
	_ =	sdelay $0x3  }
0x94: {  	_ =	strace s2  }
0x95: {  	s2 =	sld [smem:$0x3FFD];
	_ =	sdelay $0x3  }
0x96: {  	_ =	strace s2  }
0x97: {  	_ =	strace $0x8FFFFFFF  }
0x98: {  	s18 =	sld [smem:$0x3FDB];
	_ =	sdelay $0x1  }
0x99: {  	s19 =	simm.s32 $_scs_section_size  }
0x9a: {  	s4 =	simm.s32 $_size__tile_overlayer_lowered;
	s5 =	simm.s32 $_tile_overlayer_lowered  }
0x9b: {  	s22 =	simm.s32 $0x1BFF;
	s21 =	sshll.u32 s5, $0x1;
	s2 =	sadd.s32 s19, s18  }
0x9c: {  	s6 =	simm.s32 $0x0;
	s20 =	sshll.u32 s4, $0x1;
	s4 =	sadd.s32 s21, s2  }
0x9d: {  	[timem:s6], [sflag:s22] =	dma.local [hbm:s4], s20  }
0x9e: {  	_ =	swait.ge [sflag:s22], s20  }
0x9f: {  	s3 =	ssub.s32 $0x0, s20;
	[sflag:s22] =	ssyncset.done $0x0  }
0xa0: {  	[sflag:s22] =	ssyncadd.s32 s3;
	_ =	sdelay $0x1  }
0xa1: {  	s23 =	simm.s32 $0x1B8B  }
0xa2: {  	_ =	swait.ge [sflag:s23], $0x1  }
0xa3: {  	[sflag:s23] =	ssyncset.done $0x0  }
0xa4: {  	s25 =	simm.s32 $0x1B8E;
	s24 =	sld [smem:$0x3FFE];
	[sflag:s23] =	ssyncadd.s32 $0xFFFFFFFF  }
0xa5: {  	s26 =	simm.s32 $execute0_lowered;
	[smem:$0x3FD2] =	sst s25  }
0xa6: {  	s4 =	sshll.u32 s26, $0x1;
	_ =	strace $0x8000004F;
	[dreg:$0x1] =	wrdreg $0xFFFFFFFF  }
0xa7: {  	s28 =	simm.s32 $_size_execute0_lowered;
	s2 =	sadd.s32 s2, s4;
	[dreg:$0x0] =	wrdreg $0x0  }
0xa8: {  	s4 =	sshll.u32 s28, $0x1;
	[dreg:$0x2] =	wrdreg s2  }
0xa9: {  	[dreg:$0x3] =	wrdreg s4  }
0xaa: {  	[dreg:$0x4] =	wrdreg $0xC0  }
0xab: {  	_ =	task [dreg:s6], $0x5FFFF  }
0xac: {  	[dreg:$0x1] =	wrdreg $0xFFFFFFFF  }
0xad: {  	[dreg:$0x0] =	wrdreg $0x60  }
0xae: {  	[dreg:$0x2] =	wrdreg s24  }
0xaf: {  	[dreg:$0x3] =	wrdreg $0x9  }
0xb0: {  	_ =	task.clear_ibuf [dreg:s6], $0x4FFFF;
	_ =	strace $0x9000004F  }
0xb1: {  	s29 =	simm.s32 $0x9;
	_ =	strace $0x80000051  }
0xb2: {  	_ =	swait.ge [sflag:s29], $0x1  }
0xb3: {  	[sflag:s29] =	ssyncadd.s32 $0xFFFFFFFF  }
0xb4: {  	_ =	strace $0x90000051  }
0xb5: {  	_ =	sfence  }
0xb6: {  	s30 =	sld [smem:$0x0];
	_ =	sdelay $0x2  }
0xb7: {  	s31 =	sshll.u32 s1, $0xD;
	s1 =	sshrl.u32 s1, $0x2  }
0xb8: {  	s3 =	sand.u32 $0x4000, s31;
	s1 =	sadd.s32 s1, s30  }
0xb9: {  	s0 =	sor.u32 s3, s0;
	s1 =	sshll.u32 s1, $0x11  }
0xba: {  	s0 =	sor.u32 s1, s0  }
0xbb: {  	s0 =	sadd.s32 $0x8F2B, s0  }
0xbc: {  	[sflag:s0] =	ssyncadd.remote.s32 $0x1  }
0xbd: {  	_ =	sfence.sel $0xFFFF  }
0xbe: {  	[dreg:$0x0] =	wrdreg $0xFFFFFFFF;
	(pc) =	sbr.abs _section_cstart, $3  }
0xbf: {  	[dreg:$0x1] =	wrdreg $0xFFFFFFFF  }
0xc0: {  	_ =	task.clear_ibuf [dreg:s6], $0x2FFFF;
	_ =	strace $0x9FFFFFFF  }
0xc1: {  	(tm) =	ssettm $0x7FFFFFFF  }
tec
execute0_lowered:
.L_overlay_start_1:
0x0: {  	(tag) =	ssettag $0x1  }
0x1: {  	s0 =	srdreg.scid;
	s12 =	stileid.u32  }
0x2: {  	s5 =	rddreg [dreg:$0x0];
	s2 =	simm.s32 $0x0;
	s18 =	simm.s32 $0xA700  }
0x3: {  	s19 =	simm.s32 $0xAF00;
	s20 =	simm.s32 $0xB700;
	s21 =	simm.s32 $0xBF00  }
0x4: {  	s22 =	simm.s32 $0xC700;
	s23 =	simm.s32 $0xCF00;
	s24 =	simm.s32 $0xD700  }
0x5: {  	s28 =	simm.s32 $0x11700;
	s29 =	simm.s32 $0x1;
	s30 =	simm.s32 $0x3  }
0x6: {  	s31 =	simm.s32 $0x2;
	s0 =	sand.u32 $0x1, s0;
	s1 =	sshll.u32 s12, $0x1  }
0x7: {  	[smem:$0x7FF] =	sst s2;
	s4 =	sadd.s32 $0xFC1A00, s5;
	s7 =	sadd.s32 $0x20400, s5  }
0x8: {  	s10 =	smul.u32 $0x9C400, s12;
	_ =	strace $0x80000050;
	[dreg:$0x2] =	wrdreg s18  }
0x9: {  	s12 =	smul.u32 $0x4E200, s12;
	s1 =	sor.u32 s0, s1;
	[dreg:$0x3] =	wrdreg s19  }
0xa: {  	s8 =	ssub.s32 $0x2, s0;
	s25 =	smul.u32 $0x4E200, s0;
	[dreg:$0x4] =	wrdreg s20  }
0xb: {  	s0 =	smul.u32 $0x27100, s0;
	s18 =	simm.s32 $0x6F00;
	[dreg:$0x5] =	wrdreg s21  }
0xc: {  	s19 =	simm.s32 $0x7700;
	s20 =	simm.s32 $0x7F00;
	[dreg:$0x6] =	wrdreg s22  }
0xd: {  	s21 =	simm.s32 $0x8700;
	s22 =	simm.s32 $0x8F00;
	[dreg:$0x7] =	wrdreg s23  }
0xe: {  	s23 =	simm.s32 $0x9700;
	[dreg:$0x8] =	wrdreg s24;
	s24 =	simm.s32 $0x50  }
0xf: {  	s1 =	smul.u32 $0x2710, s1;
	s9 =	sshrl.u32 s8, $0x1;
	s14 =	sadd.s32 s10, s7  }
0x10: {  	s8 =	ssub.s32 s8, s9;
	s16 =	sadd.s32 s25, s14;
	s14 =	simm.s32 $0x4F00  }
0x11: {  	s25 =	simm.s32 $0xDF00;
	s3 =	sshrl.u32 s1, $0x3;
	s1 =	sadd.s32 $0x26C0, s1  }
0x12: {  	s17 =	smax.u32 s8, $0x1;
	[dreg:$0x9] =	wrdreg s25;
	s25 =	simm.s32 $0xEF00  }
0x13: {  	s6 =	sadd.s32 s3, s5;
	s3 =	sadd.s32 $0x10CD800, s5;
	s5 =	sadd.s32 $0x9E4400, s5  }
0x14: {  	s26 =	sshll.u32 s1, $0x5;
	[dreg:$0xf] =	wrdreg s17;
	s11 =	sadd.s32 $0x16400, s6  }
0x15: {  	s1 =	sshll.u32 s1, $0x4;
	s6 =	sadd.s32 $0xC600, s6;
	[dreg:$0xb] =	wrdreg s11  }
0x16: {  	s17 =	simm.s32 $0x6700;
	s13 =	sadd.s32 s7, s26;
	[dreg:$0xc] =	wrdreg s6  }
0x17: {  	s15 =	sadd.s32 s12, s5;
	s1 =	sadd.s32 s5, s1;
	[dreg:$0xd] =	wrdreg s13  }
0x18: {  	s12 =	simm.s32 $0x5;
	s26 =	simm.s32 $0xE700;
	[dreg:$0xe] =	wrdreg s1  }
0x19: {  	v2 =	vlaneseq.u32;
	s0 =	sadd.s32 s0, s15;
	s6 =	sadd.s32 $0xA00, s16;
	s15 =	simm.s32 $0x5700  }
0x1a: {  	vm0 =	vmmov $0xffff;
	v1 =	vshrl.u32 v2, $0x3;
	s16 =	simm.s32 $0x5F00;
	[dreg:$0xa] =	wrdreg s26;
	s26 =	simm.s32 $0x9F00  }
0x1b: {  	v0 =	vand.u32 $0x7, v2;
	v2 =	vor.u32 $0x8, v2;
	v1 =	vmul.u32 $0x8, v1;
	s1 =	simm.s32 $0x4;
	s5 =	sadd.s32 $0x500, s0;
	s0 =	simm.s32 $0x0  }
.LBB2_1:
0x1c: {  	s7 =	rddreg [dreg:$0xb]  }
0x1d: {  	[tilespmem:s2], [sflag:$0x5] =	stream.linear.gather [hbm4b:s7+s2], $0x2710, $0x38;
	[tilespmem:$0x13F00] =	vst v63  }
0x1e: {  	_ =	swait.ge [sflag:s12], $0x2710  }
0x1f: {  	[sflag:s12] =	ssyncset.done $0x0  }
0x20: {  	s8 =	simm.s32 $0x2780;
	s13 =	rddreg [dreg:$0xc];
	[sflag:s12] =	ssyncadd.s32 $0xFFFFD8F0  }
0x21: {  	[tilespmem:s8], [sflag:$0x5] =	stream.linear.gather [hbm4b:s13+s2], $0x2710, $0x38;
	[tilespmem:$0x13F00] =	vst v63  }
0x22: {  	_ =	swait.ge [sflag:s12], $0x2710  }
0x23: {  	[sflag:s12] =	ssyncset.done $0x0  }
0x24: {  	[sflag:s12] =	ssyncadd.s32 $0xFFFFD8F0  }
0x25: {  	v3 =	vld [tilespmem:$0x0];
	_ =	sdelay $0x4  }
0x26: {  	v4 =	vshll.u32 v3, $0x1  }
0x27: {  	v3 =	vand.u32 $0x7, v3;
	v4 =	vand.u32 $0xFFFFFFF0, v4  }
0x28: {  	v3 =	vor.u32 v3, v4  }
0x29: {  	v4 =	vperm.xlane v3, v0;
	_ =	sdelay $0x1  }
0x2a: {  	v3 =	vperm.xlane v3, v2;
	v4 =	vadd.s32 v1, v4;
	_ =	sdelay $0x1  }
0x2b: {  	v3 =	vadd.s32 v1, v3;
	_ =	sdelay $0x2  }
0x2c: {  	[tilespmem:s14], [sflag:$0x1] =	stream.indirect_vreg.gather [hbm4b:s3+s2], $0x80, v4, vm0, $0xb8;
	[tilespmem:$0x13F00] =	vst v63  }
0x2d: {  	_ = 	snop  }
0x2e: {  	[tilespmem:s15], [sflag:$0x1] =	stream.indirect_vreg.gather [hbm4b:s3+s2], $0x80, v3, vm0, $0xb8;
	[tilespmem:$0x13F00] =	vst v63  }
0x2f: {  	v3 =	vld [tilespmem:$0x10];
	_ =	sdelay $0x4  }
0x30: {  	v60 =	vshll.u32 v3, $0x1  }
0x31: {  	v3 =	vand.u32 $0x7, v3;
	v4 =	vand.u32 $0xFFFFFFF0, v60  }
0x32: {  	v3 =	vor.u32 v3, v4  }
0x33: {  	v4 =	vperm.xlane v3, v0;
	_ =	sdelay $0x1  }
0x34: {  	v3 =	vperm.xlane v3, v2;
	v4 =	vadd.s32 v1, v4;
	_ =	sdelay $0x1  }
0x35: {  	v3 =	vadd.s32 v1, v3;
	_ =	sdelay $0x2  }
0x36: {  	[tilespmem:s16], [sflag:$0x1] =	stream.indirect_vreg.gather [hbm4b:s3+s2], $0x80, v4, vm0, $0xb8;
	[tilespmem:$0x13F00] =	vst v63  }
0x37: {  	_ = 	snop  }
0x38: {  	[tilespmem:s17], [sflag:$0x1] =	stream.indirect_vreg.gather [hbm4b:s3+s2], $0x80, v3, vm0, $0xb8;
	[tilespmem:$0x13F00] =	vst v63  }
0x39: {  	v3 =	vld [tilespmem:$0x20];
	_ =	sdelay $0x4  }
0x3a: {  	v61 =	vshll.u32 v3, $0x1  }
0x3b: {  	v3 =	vand.u32 $0x7, v3;
	v4 =	vand.u32 $0xFFFFFFF0, v61  }
0x3c: {  	v3 =	vor.u32 v3, v4  }
0x3d: {  	v4 =	vperm.xlane v3, v0;
	_ =	sdelay $0x1  }
0x3e: {  	v3 =	vperm.xlane v3, v2;
	v4 =	vadd.s32 v1, v4;
	_ =	sdelay $0x1  }
0x3f: {  	v3 =	vadd.s32 v1, v3;
	_ =	sdelay $0x2  }
0x40: {  	[tilespmem:s18], [sflag:$0x1] =	stream.indirect_vreg.gather [hbm4b:s3+s2], $0x80, v4, vm0, $0xb8;
	[tilespmem:$0x13F00] =	vst v63  }
0x41: {  	_ = 	snop  }
0x42: {  	[tilespmem:s19], [sflag:$0x1] =	stream.indirect_vreg.gather [hbm4b:s3+s2], $0x80, v3, vm0, $0xb8;
	[tilespmem:$0x13F00] =	vst v63  }
0x43: {  	v3 =	vld [tilespmem:$0x30];
	_ =	sdelay $0x4  }
0x44: {  	v62 =	vshll.u32 v3, $0x1  }
0x45: {  	v3 =	vand.u32 $0x7, v3;
	v4 =	vand.u32 $0xFFFFFFF0, v62  }
0x46: {  	v3 =	vor.u32 v3, v4  }
0x47: {  	v4 =	vperm.xlane v3, v0;
	_ =	sdelay $0x1  }
0x48: {  	v3 =	vperm.xlane v3, v2;
	v4 =	vadd.s32 v1, v4;
	_ =	sdelay $0x1  }
0x49: {  	v3 =	vadd.s32 v1, v3;
	_ =	sdelay $0x2  }
0x4a: {  	[tilespmem:s20], [sflag:$0x1] =	stream.indirect_vreg.gather [hbm4b:s3+s2], $0x80, v4, vm0, $0xb8;
	[tilespmem:$0x13F00] =	vst v63  }
0x4b: {  	_ = 	snop  }
0x4c: {  	[tilespmem:s21], [sflag:$0x1] =	stream.indirect_vreg.gather [hbm4b:s3+s2], $0x80, v3, vm0, $0xb8;
	[tilespmem:$0x13F00] =	vst v63  }
0x4d: {  	v3 =	vld [tilespmem:$0x40];
	_ =	sdelay $0x4  }
0x4e: {  	v63 =	vshll.u32 v3, $0x1  }
0x4f: {  	v3 =	vand.u32 $0x7, v3;
	v4 =	vand.u32 $0xFFFFFFF0, v63  }
0x50: {  	v3 =	vor.u32 v3, v4  }
0x51: {  	v4 =	vperm.xlane v3, v0;
	_ =	sdelay $0x1  }
0x52: {  	v3 =	vperm.xlane v3, v2;
	v4 =	vadd.s32 v1, v4;
	_ =	sdelay $0x1  }
0x53: {  	v3 =	vadd.s32 v1, v3;
	_ =	sdelay $0x2  }
0x54: {  	[tilespmem:s22], [sflag:$0x1] =	stream.indirect_vreg.gather [hbm4b:s3+s2], $0x80, v4, vm0, $0xb8;
	[tilespmem:$0x13F00] =	vst v63  }
0x55: {  	_ = 	snop  }
0x56: {  	[tilespmem:s23], [sflag:$0x1] =	stream.indirect_vreg.gather [hbm4b:s3+s2], $0x80, v3, vm0, $0xb8;
	[tilespmem:$0x13F00] =	vst v63  }
0x57: {  	s11 =	smov.u32 s5;
	s10 =	smov.u32 s6;
	s7 =	simm.s32 $0x0  }
0x58: {  	[tilespmem:s25], [sflag:$0x3] =	stream.indirect.gather [hbm4b:s4+s24], $0x80, s8, s24, $0xb8;
	[tilespmem:$0x13F00] =	vst v63  }
.LBB2_2:
0x59: {  	s8 =	sshra.s32 s7, $0x2  }
0x5a: {  	v3 =	vld [tilespmem:s8+$0x50];
	_ =	sdelay $0x4  }
0x5b: {  	v4 =	vshll.u32 v3, $0x1  }
0x5c: {  	v3 =	vand.u32 $0x7, v3;
	v4 =	vand.u32 $0xFFFFFFF0, v4  }
0x5d: {  	v3 =	vor.u32 v3, v4  }
0x5e: {  	v4 =	vperm.xlane v3, v0;
	_ =	sdelay $0x1  }
0x5f: {  	v3 =	vperm.xlane v3, v2;
	v4 =	vadd.s32 v1, v4;
	_ =	sdelay $0x1  }
0x60: {  	v3 =	vadd.s32 v1, v3;
	_ =	sdelay $0x2  }
0x61: {  	[tilespmem:s26], [sflag:$0x2] =	stream.indirect_vreg.gather [hbm4b:s3+s2], $0x80, v4, vm0, $0xb8;
	[tilespmem:$0x13F00] =	vst v63  }
0x62: {  	s13 =	rddreg [dreg:$0x2]  }
0x63: {  	[tilespmem:s13], [sflag:$0x2] =	stream.indirect_vreg.gather [hbm4b:s3+s2], $0x80, v3, vm0, $0xb8;
	[tilespmem:$0x13F00] =	vst v63  }
0x64: {  	v3 =	vld [tilespmem:s8+$0x60];
	_ =	sdelay $0x4  }
0x65: {  	v55 =	vshll.u32 v3, $0x1  }
0x66: {  	v3 =	vand.u32 $0x7, v3;
	v4 =	vand.u32 $0xFFFFFFF0, v55  }
0x67: {  	v3 =	vor.u32 v3, v4  }
0x68: {  	v4 =	vperm.xlane v3, v0;
	_ =	sdelay $0x1  }
0x69: {  	v3 =	vperm.xlane v3, v2;
	v4 =	vadd.s32 v1, v4;
	_ =	sdelay $0x1  }
0x6a: {  	v3 =	vadd.s32 v1, v3;
	_ =	sdelay $0x1  }
0x6b: {  	s13 =	rddreg [dreg:$0x3]  }
0x6c: {  	[tilespmem:s13], [sflag:$0x2] =	stream.indirect_vreg.gather [hbm4b:s3+s2], $0x80, v4, vm0, $0xb8;
	[tilespmem:$0x13F00] =	vst v63  }
0x6d: {  	s9 =	rddreg [dreg:$0x4]  }
0x6e: {  	[tilespmem:s9], [sflag:$0x2] =	stream.indirect_vreg.gather [hbm4b:s3+s2], $0x80, v3, vm0, $0xb8;
	[tilespmem:$0x13F00] =	vst v63  }
0x6f: {  	v3 =	vld [tilespmem:s8+$0x70];
	_ =	sdelay $0x4  }
0x70: {  	v56 =	vshll.u32 v3, $0x1  }
0x71: {  	v3 =	vand.u32 $0x7, v3;
	v4 =	vand.u32 $0xFFFFFFF0, v56  }
0x72: {  	v3 =	vor.u32 v3, v4  }
0x73: {  	v4 =	vperm.xlane v3, v0;
	_ =	sdelay $0x1  }
0x74: {  	v3 =	vperm.xlane v3, v2;
	v4 =	vadd.s32 v1, v4;
	_ =	sdelay $0x1  }
0x75: {  	v3 =	vadd.s32 v1, v3;
	_ =	sdelay $0x1  }
0x76: {  	s9 =	rddreg [dreg:$0x5]  }
0x77: {  	[tilespmem:s9], [sflag:$0x2] =	stream.indirect_vreg.gather [hbm4b:s3+s2], $0x80, v4, vm0, $0xb8;
	[tilespmem:$0x13F00] =	vst v63  }
0x78: {  	s13 =	rddreg [dreg:$0x6]  }
0x79: {  	[tilespmem:s13], [sflag:$0x2] =	stream.indirect_vreg.gather [hbm4b:s3+s2], $0x80, v3, vm0, $0xb8;
	[tilespmem:$0x13F00] =	vst v63  }
0x7a: {  	v3 =	vld [tilespmem:s8+$0x80];
	_ =	sdelay $0x4  }
0x7b: {  	v57 =	vshll.u32 v3, $0x1  }
0x7c: {  	v3 =	vand.u32 $0x7, v3;
	v4 =	vand.u32 $0xFFFFFFF0, v57  }
0x7d: {  	v3 =	vor.u32 v3, v4  }
0x7e: {  	v4 =	vperm.xlane v3, v0;
	_ =	sdelay $0x1  }
0x7f: {  	v3 =	vperm.xlane v3, v2;
	v4 =	vadd.s32 v1, v4;
	_ =	sdelay $0x1  }
0x80: {  	v3 =	vadd.s32 v1, v3;
	_ =	sdelay $0x1  }
0x81: {  	s9 =	rddreg [dreg:$0x7]  }
0x82: {  	[tilespmem:s9], [sflag:$0x2] =	stream.indirect_vreg.gather [hbm4b:s3+s2], $0x80, v4, vm0, $0xb8;
	[tilespmem:$0x13F00] =	vst v63  }
0x83: {  	s13 =	rddreg [dreg:$0x8]  }
0x84: {  	[tilespmem:s13], [sflag:$0x2] =	stream.indirect_vreg.gather [hbm4b:s3+s2], $0x80, v3, vm0, $0xb8;
	[tilespmem:$0x13F00] =	vst v63  }
0x85: {  	v3 =	vld [tilespmem:s8+$0x90];
	_ =	sdelay $0x4  }
0x86: {  	v58 =	vshll.u32 v3, $0x1  }
0x87: {  	v3 =	vand.u32 $0x7, v3;
	v4 =	vand.u32 $0xFFFFFFF0, v58  }
0x88: {  	v3 =	vor.u32 v3, v4  }
0x89: {  	v4 =	vperm.xlane v3, v0;
	_ =	sdelay $0x1  }
0x8a: {  	v3 =	vperm.xlane v3, v2;
	v4 =	vadd.s32 v1, v4;
	_ =	sdelay $0x1  }
0x8b: {  	v3 =	vadd.s32 v1, v3;
	_ =	sdelay $0x1  }
0x8c: {  	s9 =	rddreg [dreg:$0x9]  }
0x8d: {  	[tilespmem:s9], [sflag:$0x2] =	stream.indirect_vreg.gather [hbm4b:s3+s2], $0x80, v4, vm0, $0xb8;
	[tilespmem:$0x13F00] =	vst v63  }
0x8e: {  	s13 =	rddreg [dreg:$0xa]  }
0x8f: {  	[tilespmem:s13], [sflag:$0x2] =	stream.indirect_vreg.gather [hbm4b:s3+s2], $0x80, v3, vm0, $0xb8;
	[tilespmem:$0x13F00] =	vst v63  }
0x90: {  	s13 =	sadd.s32 $0x27D0, s8  }
0x91: {  	[tilespmem:s28], [sflag:$0x4] =	stream.indirect.gather [hbm4b:s4+s24], $0x80, s13, s24, $0xb8;
	[tilespmem:$0x13F00] =	vst v63  }
0x92: {  	_ =	swait.ge [sflag:s29], $0x5000  }
0x93: {  	[sflag:s29] =	ssyncset.done $0x0  }
0x94: {  	[sflag:s29] =	ssyncadd.s32 $0xFFFFB000  }
0x95: {  	_ =	swait.ge [sflag:s30], $0x2800  }
0x96: {  	[sflag:s30] =	ssyncset.done $0x0  }
0x97: {  	s13 =	sadd.s32 $0xFFFFF600, s10;
	[sflag:s30] =	ssyncadd.s32 $0xFFFFD800  }
0x98: {  	[hbm4b:s13+s2] =	stream.linear.scatter [tilespmem:s14], [sflag:$0x5], $0x5000, $0x38;
	[tilespmem:$0x13F00] =	vst v63  }
0x99: {  	_ =	swait.ge [sflag:s12], $0x5000  }
0x9a: {  	[sflag:s12] =	ssyncset.done $0x0  }
0x9b: {  	s13 =	sadd.s32 $0xFFFFFB00, s11;
	[sflag:s12] =	ssyncadd.s32 $0xFFFFB000  }
0x9c: {  	[hbm4b:s13+s2] =	stream.linear.scatter [tilespmem:s25], [sflag:$0x5], $0x2800, $0x38;
	[tilespmem:$0x13F00] =	vst v63  }
0x9d: {  	_ =	swait.ge [sflag:s12], $0x2800  }
0x9e: {  	[sflag:s12] =	ssyncset.done $0x0  }
0x9f: {  	[sflag:s12] =	ssyncadd.s32 $0xFFFFD800  }
0xa0: {  	v3 =	vld [tilespmem:s8+$0xA0];
	_ =	sdelay $0x4  }
0xa1: {  	v59 =	vshll.u32 v3, $0x1  }
0xa2: {  	v3 =	vand.u32 $0x7, v3;
	v4 =	vand.u32 $0xFFFFFFF0, v59  }
0xa3: {  	v3 =	vor.u32 v3, v4  }
0xa4: {  	v4 =	vperm.xlane v3, v0;
	_ =	sdelay $0x1  }
0xa5: {  	v3 =	vperm.xlane v3, v2;
	v4 =	vadd.s32 v1, v4;
	_ =	sdelay $0x1  }
0xa6: {  	v3 =	vadd.s32 v1, v3;
	_ =	sdelay $0x2  }
0xa7: {  	[tilespmem:s14], [sflag:$0x1] =	stream.indirect_vreg.gather [hbm4b:s3+s2], $0x80, v4, vm0, $0xb8;
	[tilespmem:$0x13F00] =	vst v63  }
0xa8: {  	_ = 	snop  }
0xa9: {  	[tilespmem:s15], [sflag:$0x1] =	stream.indirect_vreg.gather [hbm4b:s3+s2], $0x80, v3, vm0, $0xb8;
	[tilespmem:$0x13F00] =	vst v63  }
0xaa: {  	v3 =	vld [tilespmem:s8+$0xB0];
	_ =	sdelay $0x4  }
0xab: {  	v60 =	vshll.u32 v3, $0x1  }
0xac: {  	v3 =	vand.u32 $0x7, v3;
	v4 =	vand.u32 $0xFFFFFFF0, v60  }
0xad: {  	v3 =	vor.u32 v3, v4  }
0xae: {  	v4 =	vperm.xlane v3, v0;
	_ =	sdelay $0x1  }
0xaf: {  	v3 =	vperm.xlane v3, v2;
	v4 =	vadd.s32 v1, v4;
	_ =	sdelay $0x1  }
0xb0: {  	v3 =	vadd.s32 v1, v3;
	_ =	sdelay $0x2  }
0xb1: {  	[tilespmem:s16], [sflag:$0x1] =	stream.indirect_vreg.gather [hbm4b:s3+s2], $0x80, v4, vm0, $0xb8;
	[tilespmem:$0x13F00] =	vst v63  }
0xb2: {  	_ = 	snop  }
0xb3: {  	[tilespmem:s17], [sflag:$0x1] =	stream.indirect_vreg.gather [hbm4b:s3+s2], $0x80, v3, vm0, $0xb8;
	[tilespmem:$0x13F00] =	vst v63  }
0xb4: {  	v3 =	vld [tilespmem:s8+$0xC0];
	_ =	sdelay $0x4  }
0xb5: {  	v61 =	vshll.u32 v3, $0x1  }
0xb6: {  	v3 =	vand.u32 $0x7, v3;
	v4 =	vand.u32 $0xFFFFFFF0, v61  }
0xb7: {  	v3 =	vor.u32 v3, v4  }
0xb8: {  	v4 =	vperm.xlane v3, v0;
	_ =	sdelay $0x1  }
0xb9: {  	v3 =	vperm.xlane v3, v2;
	v4 =	vadd.s32 v1, v4;
	_ =	sdelay $0x1  }
0xba: {  	v3 =	vadd.s32 v1, v3;
	_ =	sdelay $0x2  }
0xbb: {  	[tilespmem:s18], [sflag:$0x1] =	stream.indirect_vreg.gather [hbm4b:s3+s2], $0x80, v4, vm0, $0xb8;
	[tilespmem:$0x13F00] =	vst v63  }
0xbc: {  	_ = 	snop  }
0xbd: {  	[tilespmem:s19], [sflag:$0x1] =	stream.indirect_vreg.gather [hbm4b:s3+s2], $0x80, v3, vm0, $0xb8;
	[tilespmem:$0x13F00] =	vst v63  }
0xbe: {  	v3 =	vld [tilespmem:s8+$0xD0];
	_ =	sdelay $0x4  }
0xbf: {  	v62 =	vshll.u32 v3, $0x1  }
0xc0: {  	v3 =	vand.u32 $0x7, v3;
	v4 =	vand.u32 $0xFFFFFFF0, v62  }
0xc1: {  	v3 =	vor.u32 v3, v4  }
0xc2: {  	v4 =	vperm.xlane v3, v0;
	_ =	sdelay $0x1  }
0xc3: {  	v3 =	vperm.xlane v3, v2;
	v4 =	vadd.s32 v1, v4;
	_ =	sdelay $0x1  }
0xc4: {  	v3 =	vadd.s32 v1, v3;
	_ =	sdelay $0x2  }
0xc5: {  	[tilespmem:s20], [sflag:$0x1] =	stream.indirect_vreg.gather [hbm4b:s3+s2], $0x80, v4, vm0, $0xb8;
	[tilespmem:$0x13F00] =	vst v63  }
0xc6: {  	_ = 	snop  }
0xc7: {  	[tilespmem:s21], [sflag:$0x1] =	stream.indirect_vreg.gather [hbm4b:s3+s2], $0x80, v3, vm0, $0xb8;
	[tilespmem:$0x13F00] =	vst v63  }
0xc8: {  	v3 =	vld [tilespmem:s8+$0xE0];
	_ =	sdelay $0x4  }
0xc9: {  	v63 =	vshll.u32 v3, $0x1  }
0xca: {  	v3 =	vand.u32 $0x7, v3;
	v4 =	vand.u32 $0xFFFFFFF0, v63  }
0xcb: {  	v3 =	vor.u32 v3, v4  }
0xcc: {  	v4 =	vperm.xlane v3, v0;
	_ =	sdelay $0x1  }
0xcd: {  	v3 =	vperm.xlane v3, v2;
	v4 =	vadd.s32 v1, v4;
	_ =	sdelay $0x1  }
0xce: {  	v3 =	vadd.s32 v1, v3;
	_ =	sdelay $0x2  }
0xcf: {  	[tilespmem:s22], [sflag:$0x1] =	stream.indirect_vreg.gather [hbm4b:s3+s2], $0x80, v4, vm0, $0xb8;
	[tilespmem:$0x13F00] =	vst v63  }
0xd0: {  	_ = 	snop  }
0xd1: {  	[tilespmem:s23], [sflag:$0x1] =	stream.indirect_vreg.gather [hbm4b:s3+s2], $0x80, v3, vm0, $0xb8;
	[tilespmem:$0x13F00] =	vst v63  }
0xd2: {  	s8 =	sadd.s32 $0x2820, s8  }
0xd3: {  	[tilespmem:s25], [sflag:$0x3] =	stream.indirect.gather [hbm4b:s4+s24], $0x80, s8, s24, $0xb8;
	[tilespmem:$0x13F00] =	vst v63  }
0xd4: {  	_ =	swait.ge [sflag:s31], $0x5000  }
0xd5: {  	[sflag:s31] =	ssyncset.done $0x0  }
0xd6: {  	[sflag:s31] =	ssyncadd.s32 $0xFFFFB000  }
0xd7: {  	_ =	swait.ge [sflag:s1], $0x2800  }
0xd8: {  	[sflag:s1] =	ssyncset.done $0x0  }
0xd9: {  	[sflag:s1] =	ssyncadd.s32 $0xFFFFD800  }
0xda: {  	[hbm4b:s10+s2] =	stream.linear.scatter [tilespmem:s26], [sflag:$0x5], $0x5000, $0x38;
	[tilespmem:$0x13F00] =	vst v63  }
0xdb: {  	_ =	swait.ge [sflag:s12], $0x5000  }
0xdc: {  	p0 =	sne.s32 s7, $0x9880;
	[sflag:s12] =	ssyncset.done $0x0  }
.Ltmp0:
0xdd: {  	[sflag:s12] =	ssyncadd.s32 $0xFFFFB000;
	(pc) =	sbr.rel @p0 .LBB2_2-.Ltmp0, $4  }
0xde: {  	[hbm4b:s11+s2] =	stream.linear.scatter [tilespmem:s28], [sflag:$0x5], $0x2800, $0x38;
	[tilespmem:$0x13F00] =	vst v63  }
0xdf: {  	_ =	swait.ge [sflag:s12], $0x2800  }
0xe0: {  	s7 =	sadd.s32 $0x280, s7;
	[sflag:s12] =	ssyncset.done $0x0  }
0xe1: {  	s10 =	sadd.s32 $0x1400, s10;
	s11 =	sadd.s32 $0xA00, s11;
	[sflag:s12] =	ssyncadd.s32 $0xFFFFD800  }
0xe2: {  	_ =	swait.ge [sflag:s29], $0x5000  }
0xe3: {  	[sflag:s29] =	ssyncset.done $0x0  }
0xe4: {  	[sflag:s29] =	ssyncadd.s32 $0xFFFFB000  }
0xe5: {  	_ =	swait.ge [sflag:s30], $0x2800  }
0xe6: {  	[sflag:s30] =	ssyncset.done $0x0  }
0xe7: {  	s7 =	rddreg [dreg:$0xd];
	[sflag:s30] =	ssyncadd.s32 $0xFFFFD800  }
0xe8: {  	[hbm4b:s7+s2] =	stream.linear.scatter [tilespmem:s14], [sflag:$0x5], $0x5000, $0x38;
	[tilespmem:$0x13F00] =	vst v63  }
0xe9: {  	_ =	swait.ge [sflag:s12], $0x5000  }
0xea: {  	[sflag:s12] =	ssyncset.done $0x0  }
0xeb: {  	s11 =	rddreg [dreg:$0xe];
	[sflag:s12] =	ssyncadd.s32 $0xFFFFB000  }
0xec: {  	[hbm4b:s11+s2] =	stream.linear.scatter [tilespmem:s25], [sflag:$0x5], $0x2800, $0x38;
	[tilespmem:$0x13F00] =	vst v63  }
0xed: {  	_ =	swait.ge [sflag:s12], $0x2800  }
0xee: {  	s0 =	sadd.s32 $0x1, s0;
	s13 =	rddreg [dreg:$0xf]  }
0xef: {  	p0 =	sne.s32 s0, s13  }
.Ltmp1:
0xf0: {  	_ = 	snop;
	(pc) =	sbr.rel @p0 .LBB2_1-.Ltmp1, $3  }
0xf1: {  	_ =	sdelay $0x1  }
0xf2: {  	[sflag:s12] =	ssyncset.done $0x0  }
0xf3: {  	[sflag:s12] =	ssyncadd.s32 $0xFFFFD800  }
0xf4: {  	_ =	sfence.sel $0x180000  }
0xf5: {  	[bflag:$0x0] =	sbarrier.arrive $0xFFFF  }
0xf6: {  	_ =	strace $0x90000050  }
0xf7: {  	s0 =	stileid.u32;
	[bflag:$0x2] =	sbarrier.arrive $0xFFFF  }
0xf8: {  	p0 =	sne.s32 s0, $0x0;
	s0 =	rddreg [dreg:$0x1]  }
0xf9: {  	s0 =	sadd.s32 @!p0 $0x100000, s0  }
0xfa: {  	[sflag:s0] =	ssyncadd.tile.s32 @!p0 $0x1;
	_ =	shalt  }
.Lfunc_end2:
_tile_overlayer_lowered:
.L_overlay_start_2:
0xfb: {  	(tag) =	ssettag $0x2  }
0xfc: {  	s0 =	rddreg [dreg:$0x0];
	s2 =	stileid.u32  }
0xfd: {  	s1 =	rddreg [dreg:$0x1];
	p0 =	sne.s32 s2, $0x0  }
0xfe: {  	s3 =	rddreg [dreg:$0x2];
	[bflag:$0x3] =	sbarrier.arrive $0xFFFF;
	s2 =	simm.s32 @!p0 $0x1C05  }
0xff: {  	[timem:s3], [sflag:s2] =	dma.local @!p0 [hbm:s0], s1  }
0x100: {  	s0 =	simm.s32 @!p0 $0x5  }
0x101: {  	_ =	swait.ge @!p0 [sflag:s0], s1  }
0x102: {  	s1 =	ssub.s32 @!p0 $0x0, s1;
	[sflag:s0] =	ssyncset.done @!p0 $0x0  }
0x103: {  	[sflag:s0] =	ssyncadd.s32 @!p0 s1  }
0x104: {  	[bflag:$0x3] =	sbarrier.arrive $0xFFFF  }
0x105: {  	_ =	shalt  }

// kernel: kernel.28.cloned.1.call-start
scs
__scs_entry_jumppad:
0x0: {  	(pc) =	sbr.rel $0x88, $3  }
0x1: {  	(tag) =	ssettag $0x0;
	lr =	simm.s32 $0x1  }
0x2: {  	[smem:$0x3F82] =	sst lr;
	_ =	strace $0xD0000000  }
0x3: {  	_ = 	snop  }
0x4: {  	_ = 	snop  }
0x5: {  	_ = 	snop  }
0x6: {  	_ = 	snop  }
0x7: {  	_ = 	snop  }
__scs_overlays_trampoline_lowered:
0x8: {  	[smem:$0x3F91] =	sst s0  }
0x9: {  	[smem:$0x3F92] =	sst s1  }
0xa: {  	[smem:$0x3F93] =	sst s2  }
0xb: {  	[smem:$0x3F94] =	sst s3  }
0xc: {  	[smem:$0x3F95] =	sst s4  }
0xd: {  	[smem:$0x3F96] =	sst s5  }
0xe: {  	[smem:$0x3F97] =	sst s6  }
0xf: {  	[smem:$0x3F98] =	sst s7  }
0x10: {  	[smem:$0x3F99] =	sst s8  }
0x11: {  	[smem:$0x3F9A] =	sst s9;
	s0 =	simm.s32 @!p0 $0x0  }
0x12: {  	s1 =	sld [smem:$0x3F80];
	s0 =	simm.s32 @p0 $0x1  }
0x13: {  	[smem:$0x3F9B] =	sst s0;
	s0 =	simm.s32 @!p1 $0x0  }
0x14: {  	s2 =	sld [smem:$0x3F7F];
	s0 =	simm.s32 @p1 $0x1  }
0x15: {  	[smem:$0x3F9C] =	sst s0;
	s0 =	simm.s32 @!p2 $0x0  }
0x16: {  	s3 =	sld [smem:$0x3FDB];
	s0 =	simm.s32 @p2 $0x1  }
0x17: {  	s4 =	simm.s32 $0x1BF5;
	[smem:$0x3F9E] =	sst s0  }
0x18: {  	s0 =	sld [smem:$0x3F81];
	_ =	swait.ge [sflag:s4], $0x0  }
0x19: {  	s7 =	sld [smem:$0x3F82]  }
0x1a: {  	s8 =	sadd.s32 $0xFFFFE003, lr  }
0x1b: {  	s9 =	sadd.s32 $0xFFFFFEF7, lr;
	s5 =	simm.s32 $0xFFFFFFFF;
	p2 =	slt.u32 s8, $0xFFFFF086  }
0x1c: {  	p1 =	slt.u32 s9, $0xF7A;
	s5 =	simm.s32 @!p2 $0x0  }
0x1d: {  	s5 =	simm.s32 @p1 $0x1;
	p0 =	seq.s32 s7, s2  }
0x1e: {  	s7 =	smul.u32 @!p0 $0xF7A, s2;
	p2 =	seq.s32 @!p0 s5, $0x0  }
0x1f: {  	s9 =	smul.u32 $0xF7A, s1;
	s8 =	simm.s32 @!p0 $0x1BF5;
	p2 =	por !p2, p0  }
0x20: {  	[sflag:s8] =	ssyncset.s32 @!p0 $0xFFFFF086;
	s6 =	sadd.s32 @!p0 s3, s7;
	s7 =	simm.s32 @!p0 $0x108  }
0x21: {  	s3 =	sadd.s32 s3, s9;
	s6 =	sadd.s32 @!p0 $0x88, s6;
	s7 =	simm.s32 @p2 $0x1082  }
0x22: {  	[simem:s7], [sflag:s8] =	dma.local @!p0 [hbm:s6], $0xF7A  }
0x23: {  	s9 =	sor.u32 $0xD0000000, s2;
	s6 =	simm.s32 $0x108;
	_ =	swait.ge @!p0 [sflag:s8], $0x0  }
0x24: {  	s3 =	sadd.s32 $0x88, s3;
	s6 =	simm.s32 @!p1 $0x1082;
	[sflag:s4] =	ssyncset.s32 $0xFFFFF086  }
0x25: {  	[simem:s6], [sflag:s4] =	dma.local [hbm:s3], $0xF7A  }
0x26: {  	[smem:$0x3F82] =	sst s1;
	(tag) =	ssettag s2;
	_ =	strace s9  }
0x27: {  	s1 =	sld [smem:$0x3F92]  }
0x28: {  	s2 =	sld [smem:$0x3F93]  }
0x29: {  	s4 =	sld [smem:$0x3F95]  }
0x2a: {  	p0 =	seq.s32 s5, $0x0;
	s5 =	sld [smem:$0x3F96]  }
0x2b: {  	s6 =	sld [smem:$0x3F97]  }
0x2c: {  	s7 =	sld [smem:$0x3F98]  }
0x2d: {  	s3 =	simm.s32 $0x108;
	s8 =	sld [smem:$0x3F99]  }
0x2e: {  	s3 =	simm.s32 @!p0 $0x1082;
	s9 =	sld [smem:$0x3F9A]  }
0x2f: {  	lr =	sadd.s32 s0, s3;
	s0 =	sld [smem:$0x3F91]  }
0x30: {  	s3 =	sld [smem:$0x3F94]  }
0x31: {  	[smem:$0x3F9D] =	sst s10  }
0x32: {  	s10 =	sld [smem:$0x3F9B];
	_ =	sdelay $0x3  }
0x33: {  	p0 =	seq.s32 s10, $0x1;
	s10 =	sld [smem:$0x3F9D];
	_ =	sdelay $0x3  }
0x34: {  	[smem:$0x3F9D] =	sst s10  }
0x35: {  	s10 =	sld [smem:$0x3F9C];
	_ =	sdelay $0x3  }
0x36: {  	p1 =	seq.s32 s10, $0x1;
	s10 =	sld [smem:$0x3F9D];
	_ =	sdelay $0x3  }
0x37: {  	[smem:$0x3F9D] =	sst s10  }
0x38: {  	s10 =	sld [smem:$0x3F9E]  }
0x39: {  	_ = 	snop;
	(pc) =	sbr.ind lr, $3  }
0x3a: {  	_ = 	snop  }
0x3b: {  	_ = 	snop  }
0x3c: {  	p2 =	seq.s32 s10, $0x1;
	s10 =	sld [smem:$0x3F9D]  }
0x3d: {  	_ =	shalt  }
0x3e: {  	_ =	shalt  }
0x3f: {  	_ =	shalt  }
0x40: {  	_ =	shalt  }
0x41: {  	_ =	shalt  }
0x42: {  	_ =	shalt  }
0x43: {  	_ =	shalt  }
0x44: {  	_ =	shalt  }
0x45: {  	_ =	shalt  }
0x46: {  	_ =	shalt  }
0x47: {  	_ =	shalt  }
0x48: {  	_ =	shalt  }
0x49: {  	_ =	shalt  }
0x4a: {  	_ =	shalt  }
0x4b: {  	_ =	shalt  }
0x4c: {  	_ =	shalt  }
0x4d: {  	_ =	shalt  }
0x4e: {  	_ =	shalt  }
0x4f: {  	_ =	shalt  }
0x50: {  	_ =	shalt  }
0x51: {  	_ =	shalt  }
0x52: {  	_ =	shalt  }
0x53: {  	_ =	shalt  }
0x54: {  	_ =	shalt  }
0x55: {  	_ =	shalt  }
0x56: {  	_ =	shalt  }
0x57: {  	_ =	shalt  }
0x58: {  	_ =	shalt  }
0x59: {  	_ =	shalt  }
0x5a: {  	_ =	shalt  }
0x5b: {  	_ =	shalt  }
0x5c: {  	_ =	shalt  }
0x5d: {  	_ =	shalt  }
0x5e: {  	_ =	shalt  }
0x5f: {  	_ =	shalt  }
0x60: {  	_ =	shalt  }
0x61: {  	_ =	shalt  }
0x62: {  	_ =	shalt  }
0x63: {  	_ =	shalt  }
0x64: {  	_ =	shalt  }
0x65: {  	_ =	shalt  }
0x66: {  	_ =	shalt  }
0x67: {  	_ =	shalt  }
0x68: {  	_ =	shalt  }
0x69: {  	_ =	shalt  }
0x6a: {  	_ =	shalt  }
0x6b: {  	_ =	shalt  }
0x6c: {  	_ =	shalt  }
0x6d: {  	_ =	shalt  }
0x6e: {  	_ =	shalt  }
0x6f: {  	_ =	shalt  }
0x70: {  	_ =	shalt  }
0x71: {  	_ =	shalt  }
0x72: {  	_ =	shalt  }
0x73: {  	_ =	shalt  }
0x74: {  	_ =	shalt  }
0x75: {  	_ =	shalt  }
0x76: {  	_ =	shalt  }
0x77: {  	_ =	shalt  }
0x78: {  	_ =	shalt  }
0x79: {  	_ =	shalt  }
0x7a: {  	_ =	shalt  }
0x7b: {  	_ =	shalt  }
0x7c: {  	_ =	shalt  }
0x7d: {  	_ =	shalt  }
0x7e: {  	_ =	shalt  }
0x7f: {  	_ =	shalt  }
0x80: {  	_ =	shalt  }
0x81: {  	_ =	shalt  }
0x82: {  	_ =	shalt  }
0x83: {  	_ =	shalt  }
0x84: {  	_ =	shalt  }
0x85: {  	_ =	shalt  }
0x86: {  	_ =	shalt  }
0x87: {  	_ =	shalt  }
.Lfunc_end0:
.L_simem_size_0:
called_computation.4_lowered:
.L_overlay_start_0:
0x88: {  	s2 =	sld [smem:$0x3FD9]  }
0x89: {  	s3 =	sld [smem:$0x3FFE];
	_ =	sdelay $0x1  }
0x8a: {  	s1 =	srdreg.scid  }
0x8b: {  	s0 =	sand.u32 $0x1, s1  }
0x8c: {  	s16 =	sshll.u32 s0, $0xA;
	s2 =	sadd.s32 s3, s2  }
0x8d: {  	s2 =	sadd.s32 s2, s16  }
0x8e: {  	[smem:$0x3FA9] =	sst s2  }
0x8f: {  	_ = 	snop  }
0x90: {  	(tm) =	ssettm $0x1  }
0x91: {  	s17 =	sld [smem:$0x3FFB];
	_ =	sdelay $0x3  }
0x92: {  	_ =	strace s17  }
0x93: {  	s2 =	sld [smem:$0x3FFC];
	_ =	sdelay $0x3  }
0x94: {  	_ =	strace s2  }
0x95: {  	s2 =	sld [smem:$0x3FFD];
	_ =	sdelay $0x3  }
0x96: {  	_ =	strace s2  }
0x97: {  	_ =	strace $0x8FFFFFFF  }
0x98: {  	s18 =	sld [smem:$0x3FDB];
	_ =	sdelay $0x1  }
0x99: {  	s19 =	simm.s32 $_scs_section_size  }
0x9a: {  	s4 =	simm.s32 $_size__tile_overlayer_lowered;
	s5 =	simm.s32 $_tile_overlayer_lowered  }
0x9b: {  	s22 =	simm.s32 $0x1BFF;
	s21 =	sshll.u32 s5, $0x1;
	s2 =	sadd.s32 s19, s18  }
0x9c: {  	s6 =	simm.s32 $0x0;
	s20 =	sshll.u32 s4, $0x1;
	s4 =	sadd.s32 s21, s2  }
0x9d: {  	[timem:s6], [sflag:s22] =	dma.local [hbm:s4], s20  }
0x9e: {  	_ =	swait.ge [sflag:s22], s20  }
0x9f: {  	s3 =	ssub.s32 $0x0, s20;
	[sflag:s22] =	ssyncset.done $0x0  }
0xa0: {  	[sflag:s22] =	ssyncadd.s32 s3;
	_ =	sdelay $0x1  }
0xa1: {  	s23 =	simm.s32 $0x1B8B  }
0xa2: {  	_ =	swait.ge [sflag:s23], $0x1  }
0xa3: {  	[sflag:s23] =	ssyncset.done $0x0  }
0xa4: {  	s25 =	simm.s32 $0x1B8E;
	s24 =	sld [smem:$0x3FFE];
	[sflag:s23] =	ssyncadd.s32 $0xFFFFFFFF  }
0xa5: {  	s26 =	simm.s32 $execute0_lowered;
	[smem:$0x3FD2] =	sst s25  }
0xa6: {  	s4 =	sshll.u32 s26, $0x1;
	_ =	strace $0x80000052;
	[dreg:$0x1] =	wrdreg $0xFFFFFFFF  }
0xa7: {  	s28 =	simm.s32 $_size_execute0_lowered;
	s2 =	sadd.s32 s2, s4;
	[dreg:$0x0] =	wrdreg $0x0  }
0xa8: {  	s4 =	sshll.u32 s28, $0x1;
	[dreg:$0x2] =	wrdreg s2  }
0xa9: {  	[dreg:$0x3] =	wrdreg s4  }
0xaa: {  	[dreg:$0x4] =	wrdreg $0xC0  }
0xab: {  	_ =	task [dreg:s6], $0x5FFFF  }
0xac: {  	[dreg:$0x1] =	wrdreg $0xFFFFFFFF  }
0xad: {  	[dreg:$0x0] =	wrdreg $0x60  }
0xae: {  	[dreg:$0x2] =	wrdreg s24  }
0xaf: {  	[dreg:$0x3] =	wrdreg $0x90000  }
0xb0: {  	[dreg:$0x4] =	wrdreg $0x9  }
0xb1: {  	_ =	task.clear_ibuf [dreg:s6], $0x5FFFF;
	_ =	strace $0x90000052  }
0xb2: {  	s29 =	simm.s32 $0x9;
	_ =	strace $0x80000054  }
0xb3: {  	_ =	swait.ge [sflag:s29], $0x1  }
0xb4: {  	[sflag:s29] =	ssyncadd.s32 $0xFFFFFFFF  }
0xb5: {  	_ =	strace $0x90000054  }
0xb6: {  	_ =	sfence  }
0xb7: {  	s30 =	sld [smem:$0x0];
	_ =	sdelay $0x2  }
0xb8: {  	s31 =	sshll.u32 s1, $0xD;
	s1 =	sshrl.u32 s1, $0x2  }
0xb9: {  	s3 =	sand.u32 $0x4000, s31;
	s1 =	sadd.s32 s1, s30  }
0xba: {  	s0 =	sor.u32 s3, s0;
	s1 =	sshll.u32 s1, $0x11  }
0xbb: {  	s0 =	sor.u32 s1, s0  }
0xbc: {  	s0 =	sadd.s32 $0x8F2B, s0  }
0xbd: {  	[sflag:s0] =	ssyncadd.remote.s32 $0x1  }
0xbe: {  	_ =	sfence.sel $0xFFFF  }
0xbf: {  	[dreg:$0x0] =	wrdreg $0xFFFFFFFF;
	(pc) =	sbr.abs _section_cstart, $3  }
0xc0: {  	[dreg:$0x1] =	wrdreg $0xFFFFFFFF  }
0xc1: {  	_ =	task.clear_ibuf [dreg:s6], $0x2FFFF;
	_ =	strace $0x9FFFFFFF  }
0xc2: {  	(tm) =	ssettm $0x7FFFFFFF  }
0xc3: {  	_ =	shalt  }
tec
execute0_lowered:
.L_overlay_start_1:
0x0: {  	(tag) =	ssettag $0x1  }
0x1: {  	s4 =	rddreg [dreg:$0x0]  }
0x2: {  	s2 =	rddreg [dreg:$0x1]  }
0x3: {  	s0 =	rddreg [dreg:$0x2]  }
0x4: {  	s5 =	srdreg.scid;
	s1 =	stileid.u32  }
0x5: {  	s3 =	simm.s32 $0x0;
	s16 =	simm.s32 $0x50;
	s17 =	simm.s32 $0x2  }
0x6: {  	s18 =	simm.s32 $0x3E00;
	s19 =	simm.s32 $0x0;
	s7 =	smul.u32 $0x2800, s1  }
0x7: {  	s5 =	sand.u32 $0x1, s5;
	s6 =	sshll.u32 s1, $0x1;
	s12 =	smul.u32 $0x50000, s1  }
0x8: {  	[smem:$0x7FF] =	sst s3;
	s10 =	sadd.s32 $0x10CD800, s4;
	s29 =	smul.u32 $0x4E200, s1  }
0x9: {  	s14 =	sshll.u32 s1, $0x6;
	s6 =	sor.u32 s5, s6;
	s9 =	smul.u32 $0x28000, s5  }
0xa: {  	_ =	strace $0x80000053;
	s24 =	ssub.s32 $0x2, s5;
	s15 =	smul.u32 $0x27100, s5  }
0xb: {  	s5 =	sor.u32 $0x1C03, s14;
	s14 =	simm.s32 $0x6800;
	s8 =	sshll.u32 s6, $0xB  }
0xc: {  	s11 =	sadd.s32 s7, s4;
	s25 =	sshrl.u32 s24, $0x1;
	s26 =	smul.u32 $0x27100, s6  }
0xd: {  	s28 =	sshrl.u32 s12, $0x2;
	s30 =	sadd.s32 s29, s10;
	s8 =	sadd.s32 s8, s4  }
0xe: {  	s7 =	sadd.s32 s7, s9;
	s9 =	ssub.s32 s24, s25;
	s12 =	sadd.s32 s28, s2  }
0xf: {  	s31 =	sadd.s32 s15, s30;
	s15 =	simm.s32 $0x1;
	s13 =	sadd.s32 s7, s4  }
0x10: {  	s4 =	sadd.s32 $0xF72800, s11;
	s6 =	sadd.s32 $0xF62800, s8;
	s7 =	sadd.s32 s10, s26  }
0x11: {  	s9 =	smax.u32 s9, $0x1;
	s10 =	sadd.s32 $0xA00, s31;
	s11 =	sshrl.u32 s12, $0x3  }
0x12: {  	s12 =	simm.s32 $0x3;
	s8 =	sadd.s32 $0x1012000, s13;
	s13 =	simm.s32 $0x4000  }
.LBB2_1:
0x13: {  	[spmem:s11], [sflag:s5] =	dma.local [hbm:s4], $0x2800  }
0x14: {  	_ =	swait.ge [sflag:s12], $0x2800  }
0x15: {  	[sflag:s12] =	ssyncset.done $0x0  }
0x16: {  	[sflag:s12] =	ssyncadd.s32 $0xFFFFD800  }
0x17: {  	[tilespmem:s3], [sflag:$0x3] =	stream.linear.gather [hbm4b:s6+s3], $0x3E80, $0x38;
	[tilespmem:$0x1D000] =	vst v63  }
0x18: {  	_ =	swait.ge [sflag:s12], $0x3E80  }
0x19: {  	[sflag:s12] =	ssyncset.done $0x0  }
0x1a: {  	[sflag:s12] =	ssyncadd.s32 $0xFFFFC180  }
0x1b: {  	[bflag:$0x0] =	sbarrier.arrive $0xFFFF  }
0x1c: {  	[tilespmem:s13], [sflag:$0x1] =	stream.linear.gather [hbm4b:s7+s3], $0x2800, $0x38;
	[tilespmem:$0x1D000] =	vst v63  }
0x1d: {  	s20 =	sadd.s32 $0xFFFFFB00, s10  }
0x1e: {  	[tilespmem:s14], [sflag:$0x2] =	stream.linear.gather [hbm4b:s20+s3], $0x2800, $0x38;
	[tilespmem:$0x1D000] =	vst v63  }
0x1f: {  	_ =	swait.ge [sflag:s15], $0x2800  }
0x20: {  	[sflag:s15] =	ssyncset.done $0x0  }
0x21: {  	s30 =	simm.s32 $0x0;
	[sflag:s15] =	ssyncadd.s32 $0xFFFFD800  }
0x22: {  	[spmem:s2] =	stream.indirect.scatter.add.f32 [tilespmem:s13], [sflag:$0x3], $0x80, s30, s16, $0xb8;
	[tilespmem:$0x1D000] =	vst v63  }
0x23: {  	_ =	swait.ge [sflag:s12], $0x2800  }
0x24: {  	[sflag:s12] =	ssyncset.done $0x0  }
0x25: {  	[sflag:s12] =	ssyncadd.s32 $0xFFFFD800  }
0x26: {  	[tilespmem:s13], [sflag:$0x1] =	stream.linear.gather [hbm4b:s10+s3], $0x2800, $0x38;
	[tilespmem:$0x1D000] =	vst v63  }
0x27: {  	_ =	swait.ge [sflag:s17], $0x2800  }
0x28: {  	[sflag:s17] =	ssyncset.done $0x0  }
0x29: {  	s31 =	simm.s32 $0x80;
	[sflag:s17] =	ssyncadd.s32 $0xFFFFD800  }
0x2a: {  	[spmem:s2] =	stream.indirect.scatter.add.f32 [tilespmem:s14], [sflag:$0x3], $0x80, s31, s16, $0xb8;
	[tilespmem:$0x1D000] =	vst v63  }
0x2b: {  	s21 =	simm.s32 $0x400;
	_ =	swait.ge [sflag:s12], $0x2800  }
0x2c: {  	s22 =	simm.s32 $0x800;
	s20 =	sadd.s32 $0xA00, s10;
	[sflag:s12] =	ssyncset.done $0x0  }
.LBB2_2:
0x2d: {  	p0 =	sne.s32 s22, $0xF400;
	s23 =	sadd.s32 $0xFFFFFB00, s20;
	[sflag:s12] =	ssyncadd.s32 $0xFFFFD800  }
0x2e: {  	[tilespmem:s14], [sflag:$0x2] =	stream.linear.gather [hbm4b:s23+s3], $0x2800, $0x38;
	[tilespmem:$0x1D000] =	vst v63  }
0x2f: {  	s23 =	smov.u32 s22;
	s22 =	sadd.s32 $0x400, s22;
	_ =	swait.ge [sflag:s15], $0x2800  }
0x30: {  	[sflag:s15] =	ssyncset.done $0x0  }
0x31: {  	s24 =	sshra.s32 s21, $0x2;
	s21 =	smov.u32 s23;
	[sflag:s15] =	ssyncadd.s32 $0xFFFFD800  }
0x32: {  	[spmem:s2] =	stream.indirect.scatter.add.f32 [tilespmem:s13], [sflag:$0x3], $0x80, s24, s16, $0xb8;
	[tilespmem:$0x1D000] =	vst v63  }
0x33: {  	_ =	swait.ge [sflag:s12], $0x2800  }
0x34: {  	[sflag:s12] =	ssyncset.done $0x0  }
0x35: {  	[sflag:s12] =	ssyncadd.s32 $0xFFFFD800  }
0x36: {  	[tilespmem:s13], [sflag:$0x1] =	stream.linear.gather [hbm4b:s20+s3], $0x2800, $0x38;
	[tilespmem:$0x1D000] =	vst v63  }
0x37: {  	_ =	swait.ge [sflag:s17], $0x2800  }
.Ltmp0:
0x38: {  	[sflag:s17] =	ssyncset.done $0x0;
	(pc) =	sbr.rel @p0 .LBB2_2-.Ltmp0, $4  }
0x39: {  	s23 =	sadd.s32 $0x80, s24;
	[sflag:s17] =	ssyncadd.s32 $0xFFFFD800  }
0x3a: {  	[spmem:s2] =	stream.indirect.scatter.add.f32 [tilespmem:s14], [sflag:$0x3], $0x80, s23, s16, $0xb8;
	[tilespmem:$0x1D000] =	vst v63  }
0x3b: {  	_ =	swait.ge [sflag:s12], $0x2800  }
0x3c: {  	s20 =	sadd.s32 $0xA00, s20;
	[sflag:s12] =	ssyncset.done $0x0  }
0x3d: {  	s22 =	sadd.s32 $0xFFFFFB00, s20;
	[sflag:s12] =	ssyncadd.s32 $0xFFFFD800  }
0x3e: {  	[tilespmem:s14], [sflag:$0x2] =	stream.linear.gather [hbm4b:s22+s3], $0x2800, $0x38;
	[tilespmem:$0x1D000] =	vst v63  }
0x3f: {  	_ =	swait.ge [sflag:s15], $0x2800  }
0x40: {  	[sflag:s15] =	ssyncset.done $0x0  }
0x41: {  	s21 =	sshra.s32 s21, $0x2;
	[sflag:s15] =	ssyncadd.s32 $0xFFFFD800  }
0x42: {  	[spmem:s2] =	stream.indirect.scatter.add.f32 [tilespmem:s13], [sflag:$0x3], $0x80, s21, s16, $0xb8;
	[tilespmem:$0x1D000] =	vst v63  }
0x43: {  	_ =	swait.ge [sflag:s12], $0x2800  }
0x44: {  	[sflag:s12] =	ssyncset.done $0x0  }
0x45: {  	[sflag:s12] =	ssyncadd.s32 $0xFFFFD800  }
0x46: {  	[tilespmem:s13], [sflag:$0x1] =	stream.linear.gather [hbm4b:s20+s3], $0x2800, $0x38;
	[tilespmem:$0x1D000] =	vst v63  }
0x47: {  	_ =	swait.ge [sflag:s17], $0x2800  }
0x48: {  	[sflag:s17] =	ssyncset.done $0x0  }
0x49: {  	s31 =	sadd.s32 $0x80, s21;
	[sflag:s17] =	ssyncadd.s32 $0xFFFFD800  }
0x4a: {  	[spmem:s2] =	stream.indirect.scatter.add.f32 [tilespmem:s14], [sflag:$0x3], $0x80, s31, s16, $0xb8;
	[tilespmem:$0x1D000] =	vst v63  }
0x4b: {  	_ =	swait.ge [sflag:s12], $0x2800  }
0x4c: {  	[sflag:s12] =	ssyncset.done $0x0  }
0x4d: {  	[sflag:s12] =	ssyncadd.s32 $0xFFFFD800  }
0x4e: {  	_ =	swait.ge [sflag:s15], $0x2800  }
0x4f: {  	[sflag:s15] =	ssyncset.done $0x0  }
0x50: {  	[sflag:s15] =	ssyncadd.s32 $0xFFFFD800  }
0x51: {  	[spmem:s2] =	stream.indirect.scatter.add.f32 [tilespmem:s13], [sflag:$0x3], $0x80, s18, s16, $0xb8;
	[tilespmem:$0x1D000] =	vst v63  }
0x52: {  	_ =	swait.ge [sflag:s12], $0x2800  }
0x53: {  	s19 =	sadd.s32 $0x1, s19;
	[sflag:s12] =	ssyncset.done $0x0  }
0x54: {  	p0 =	sne.s32 s19, s9;
	[sflag:s12] =	ssyncadd.s32 $0xFFFFD800  }
.Ltmp1:
0x55: {  	[bflag:$0x0] =	sbarrier.arrive $0xFFFF;
	(pc) =	sbr.rel @p0 .LBB2_1-.Ltmp1, $4  }
0x56: {  	[hbm:s8], [sflag:s5] =	dma.local [spmem:s11], $0x2800  }
0x57: {  	_ =	swait.ge [sflag:s12], $0x2800  }
0x58: {  	[sflag:s12] =	ssyncset.done $0x0  }
0x59: {  	[sflag:s12] =	ssyncadd.s32 $0xFFFFD800  }
0x5a: {  	_ =	sfence.sel $0x180000  }
0x5b: {  	[bflag:$0x0] =	sbarrier.arrive $0xFFFF  }
0x5c: {  	p0 =	sne.s32 s1, $0x0;
	_ =	strace $0x90000053  }
0x5d: {  	s0 =	sadd.s32 @!p0 $0x100000, s0;
	[bflag:$0x2] =	sbarrier.arrive $0xFFFF  }
0x5e: {  	[sflag:s0] =	ssyncadd.tile.s32 @!p0 $0x1;
	_ =	shalt  }
.Lfunc_end2:
_tile_overlayer_lowered:
.L_overlay_start_2:
0x5f: {  	(tag) =	ssettag $0x2  }
0x60: {  	s0 =	rddreg [dreg:$0x0];
	s2 =	stileid.u32  }
0x61: {  	s1 =	rddreg [dreg:$0x1];
	p0 =	sne.s32 s2, $0x0  }
0x62: {  	s3 =	rddreg [dreg:$0x2];
	[bflag:$0x3] =	sbarrier.arrive $0xFFFF;
	s2 =	simm.s32 @!p0 $0x1C03  }
0x63: {  	[timem:s3], [sflag:s2] =	dma.local @!p0 [hbm:s0], s1  }
0x64: {  	s0 =	simm.s32 @!p0 $0x3  }
0x65: {  	_ =	swait.ge @!p0 [sflag:s0], s1  }
0x66: {  	s1 =	ssub.s32 @!p0 $0x0, s1;
	[sflag:s0] =	ssyncset.done @!p0 $0x0  }
0x67: {  	[sflag:s0] =	ssyncadd.s32 @!p0 s1  }
0x68: {  	[bflag:$0x3] =	sbarrier.arrive $0xFFFF  }
0x69: {  	_ =	shalt  }

// kernel: kernel.31.cloned.1.call-start
scs
__scs_entry_jumppad:
0x0: {  	(pc) =	sbr.rel $0x88, $3  }
0x1: {  	(tag) =	ssettag $0x0;
	lr =	simm.s32 $0x1  }
0x2: {  	[smem:$0x3F82] =	sst lr;
	_ =	strace $0xD0000000  }
0x3: {  	_ = 	snop  }
0x4: {  	_ = 	snop  }
0x5: {  	_ = 	snop  }
0x6: {  	_ = 	snop  }
0x7: {  	_ = 	snop  }
__scs_overlays_trampoline_lowered:
0x8: {  	[smem:$0x3F91] =	sst s0  }
0x9: {  	[smem:$0x3F92] =	sst s1  }
0xa: {  	[smem:$0x3F93] =	sst s2  }
0xb: {  	[smem:$0x3F94] =	sst s3  }
0xc: {  	[smem:$0x3F95] =	sst s4  }
0xd: {  	[smem:$0x3F96] =	sst s5  }
0xe: {  	[smem:$0x3F97] =	sst s6  }
0xf: {  	[smem:$0x3F98] =	sst s7  }
0x10: {  	[smem:$0x3F99] =	sst s8  }
0x11: {  	[smem:$0x3F9A] =	sst s9;
	s0 =	simm.s32 @!p0 $0x0  }
0x12: {  	s1 =	sld [smem:$0x3F80];
	s0 =	simm.s32 @p0 $0x1  }
0x13: {  	[smem:$0x3F9B] =	sst s0;
	s0 =	simm.s32 @!p1 $0x0  }
0x14: {  	s2 =	sld [smem:$0x3F7F];
	s0 =	simm.s32 @p1 $0x1  }
0x15: {  	[smem:$0x3F9C] =	sst s0;
	s0 =	simm.s32 @!p2 $0x0  }
0x16: {  	s3 =	sld [smem:$0x3FDB];
	s0 =	simm.s32 @p2 $0x1  }
0x17: {  	s4 =	simm.s32 $0x1BF5;
	[smem:$0x3F9E] =	sst s0  }
0x18: {  	s0 =	sld [smem:$0x3F81];
	_ =	swait.ge [sflag:s4], $0x0  }
0x19: {  	s7 =	sld [smem:$0x3F82]  }
0x1a: {  	s8 =	sadd.s32 $0xFFFFE003, lr  }
0x1b: {  	s9 =	sadd.s32 $0xFFFFFEF7, lr;
	s5 =	simm.s32 $0xFFFFFFFF;
	p2 =	slt.u32 s8, $0xFFFFF086  }
0x1c: {  	p1 =	slt.u32 s9, $0xF7A;
	s5 =	simm.s32 @!p2 $0x0  }
0x1d: {  	s5 =	simm.s32 @p1 $0x1;
	p0 =	seq.s32 s7, s2  }
0x1e: {  	s7 =	smul.u32 @!p0 $0xF7A, s2;
	p2 =	seq.s32 @!p0 s5, $0x0  }
0x1f: {  	s9 =	smul.u32 $0xF7A, s1;
	s8 =	simm.s32 @!p0 $0x1BF5;
	p2 =	por !p2, p0  }
0x20: {  	[sflag:s8] =	ssyncset.s32 @!p0 $0xFFFFF086;
	s6 =	sadd.s32 @!p0 s3, s7;
	s7 =	simm.s32 @!p0 $0x108  }
0x21: {  	s3 =	sadd.s32 s3, s9;
	s6 =	sadd.s32 @!p0 $0x88, s6;
	s7 =	simm.s32 @p2 $0x1082  }
0x22: {  	[simem:s7], [sflag:s8] =	dma.local @!p0 [hbm:s6], $0xF7A  }
0x23: {  	s9 =	sor.u32 $0xD0000000, s2;
	s6 =	simm.s32 $0x108;
	_ =	swait.ge @!p0 [sflag:s8], $0x0  }
0x24: {  	s3 =	sadd.s32 $0x88, s3;
	s6 =	simm.s32 @!p1 $0x1082;
	[sflag:s4] =	ssyncset.s32 $0xFFFFF086  }
0x25: {  	[simem:s6], [sflag:s4] =	dma.local [hbm:s3], $0xF7A  }
0x26: {  	[smem:$0x3F82] =	sst s1;
	(tag) =	ssettag s2;
	_ =	strace s9  }
0x27: {  	s1 =	sld [smem:$0x3F92]  }
0x28: {  	s2 =	sld [smem:$0x3F93]  }
0x29: {  	s4 =	sld [smem:$0x3F95]  }
0x2a: {  	p0 =	seq.s32 s5, $0x0;
	s5 =	sld [smem:$0x3F96]  }
0x2b: {  	s6 =	sld [smem:$0x3F97]  }
0x2c: {  	s7 =	sld [smem:$0x3F98]  }
0x2d: {  	s3 =	simm.s32 $0x108;
	s8 =	sld [smem:$0x3F99]  }
0x2e: {  	s3 =	simm.s32 @!p0 $0x1082;
	s9 =	sld [smem:$0x3F9A]  }
0x2f: {  	lr =	sadd.s32 s0, s3;
	s0 =	sld [smem:$0x3F91]  }
0x30: {  	s3 =	sld [smem:$0x3F94]  }
0x31: {  	[smem:$0x3F9D] =	sst s10  }
0x32: {  	s10 =	sld [smem:$0x3F9B];
	_ =	sdelay $0x3  }
0x33: {  	p0 =	seq.s32 s10, $0x1;
	s10 =	sld [smem:$0x3F9D];
	_ =	sdelay $0x3  }
0x34: {  	[smem:$0x3F9D] =	sst s10  }
0x35: {  	s10 =	sld [smem:$0x3F9C];
	_ =	sdelay $0x3  }
0x36: {  	p1 =	seq.s32 s10, $0x1;
	s10 =	sld [smem:$0x3F9D];
	_ =	sdelay $0x3  }
0x37: {  	[smem:$0x3F9D] =	sst s10  }
0x38: {  	s10 =	sld [smem:$0x3F9E]  }
0x39: {  	_ = 	snop;
	(pc) =	sbr.ind lr, $3  }
0x3a: {  	_ = 	snop  }
0x3b: {  	_ = 	snop  }
0x3c: {  	p2 =	seq.s32 s10, $0x1;
	s10 =	sld [smem:$0x3F9D]  }
0x3d: {  	_ =	shalt  }
0x3e: {  	_ =	shalt  }
0x3f: {  	_ =	shalt  }
0x40: {  	_ =	shalt  }
0x41: {  	_ =	shalt  }
0x42: {  	_ =	shalt  }
0x43: {  	_ =	shalt  }
0x44: {  	_ =	shalt  }
0x45: {  	_ =	shalt  }
0x46: {  	_ =	shalt  }
0x47: {  	_ =	shalt  }
0x48: {  	_ =	shalt  }
0x49: {  	_ =	shalt  }
0x4a: {  	_ =	shalt  }
0x4b: {  	_ =	shalt  }
0x4c: {  	_ =	shalt  }
0x4d: {  	_ =	shalt  }
0x4e: {  	_ =	shalt  }
0x4f: {  	_ =	shalt  }
0x50: {  	_ =	shalt  }
0x51: {  	_ =	shalt  }
0x52: {  	_ =	shalt  }
0x53: {  	_ =	shalt  }
0x54: {  	_ =	shalt  }
0x55: {  	_ =	shalt  }
0x56: {  	_ =	shalt  }
0x57: {  	_ =	shalt  }
0x58: {  	_ =	shalt  }
0x59: {  	_ =	shalt  }
0x5a: {  	_ =	shalt  }
0x5b: {  	_ =	shalt  }
0x5c: {  	_ =	shalt  }
0x5d: {  	_ =	shalt  }
0x5e: {  	_ =	shalt  }
0x5f: {  	_ =	shalt  }
0x60: {  	_ =	shalt  }
0x61: {  	_ =	shalt  }
0x62: {  	_ =	shalt  }
0x63: {  	_ =	shalt  }
0x64: {  	_ =	shalt  }
0x65: {  	_ =	shalt  }
0x66: {  	_ =	shalt  }
0x67: {  	_ =	shalt  }
0x68: {  	_ =	shalt  }
0x69: {  	_ =	shalt  }
0x6a: {  	_ =	shalt  }
0x6b: {  	_ =	shalt  }
0x6c: {  	_ =	shalt  }
0x6d: {  	_ =	shalt  }
0x6e: {  	_ =	shalt  }
0x6f: {  	_ =	shalt  }
0x70: {  	_ =	shalt  }
0x71: {  	_ =	shalt  }
0x72: {  	_ =	shalt  }
0x73: {  	_ =	shalt  }
0x74: {  	_ =	shalt  }
0x75: {  	_ =	shalt  }
0x76: {  	_ =	shalt  }
0x77: {  	_ =	shalt  }
0x78: {  	_ =	shalt  }
0x79: {  	_ =	shalt  }
0x7a: {  	_ =	shalt  }
0x7b: {  	_ =	shalt  }
0x7c: {  	_ =	shalt  }
0x7d: {  	_ =	shalt  }
0x7e: {  	_ =	shalt  }
0x7f: {  	_ =	shalt  }
0x80: {  	_ =	shalt  }
0x81: {  	_ =	shalt  }
0x82: {  	_ =	shalt  }
0x83: {  	_ =	shalt  }
0x84: {  	_ =	shalt  }
0x85: {  	_ =	shalt  }
0x86: {  	_ =	shalt  }
0x87: {  	_ =	shalt  }
.Lfunc_end0:
.L_simem_size_0:
called_computation.5_lowered:
.L_overlay_start_0:
0x88: {  	s2 =	sld [smem:$0x3FD9]  }
0x89: {  	s3 =	sld [smem:$0x3FFE];
	_ =	sdelay $0x1  }
0x8a: {  	s1 =	srdreg.scid  }
0x8b: {  	s0 =	sand.u32 $0x1, s1  }
0x8c: {  	s16 =	sshll.u32 s0, $0xA;
	s2 =	sadd.s32 s3, s2  }
0x8d: {  	s2 =	sadd.s32 s2, s16  }
0x8e: {  	[smem:$0x3FA9] =	sst s2  }
0x8f: {  	_ = 	snop  }
0x90: {  	(tm) =	ssettm $0x1  }
0x91: {  	s17 =	sld [smem:$0x3FFB];
	_ =	sdelay $0x3  }
0x92: {  	_ =	strace s17  }
0x93: {  	s2 =	sld [smem:$0x3FFC];
	_ =	sdelay $0x3  }
0x94: {  	_ =	strace s2  }
0x95: {  	s2 =	sld [smem:$0x3FFD];
	_ =	sdelay $0x3  }
0x96: {  	_ =	strace s2  }
0x97: {  	_ =	strace $0x8FFFFFFF  }
0x98: {  	s18 =	sld [smem:$0x3FDB];
	_ =	sdelay $0x1  }
0x99: {  	s19 =	simm.s32 $_scs_section_size  }
0x9a: {  	s4 =	simm.s32 $_size__tile_overlayer_lowered;
	s5 =	simm.s32 $_tile_overlayer_lowered  }
0x9b: {  	s22 =	simm.s32 $0x1BFF;
	s21 =	sshll.u32 s5, $0x1;
	s2 =	sadd.s32 s19, s18  }
0x9c: {  	s6 =	simm.s32 $0x0;
	s20 =	sshll.u32 s4, $0x1;
	s4 =	sadd.s32 s21, s2  }
0x9d: {  	[timem:s6], [sflag:s22] =	dma.local [hbm:s4], s20  }
0x9e: {  	_ =	swait.ge [sflag:s22], s20  }
0x9f: {  	s3 =	ssub.s32 $0x0, s20;
	[sflag:s22] =	ssyncset.done $0x0  }
0xa0: {  	[sflag:s22] =	ssyncadd.s32 s3;
	_ =	sdelay $0x1  }
0xa1: {  	s23 =	simm.s32 $0x1B8B  }
0xa2: {  	_ =	swait.ge [sflag:s23], $0x1  }
0xa3: {  	[sflag:s23] =	ssyncset.done $0x0  }
0xa4: {  	s25 =	simm.s32 $0x1B8E;
	s24 =	sld [smem:$0x3FFE];
	[sflag:s23] =	ssyncadd.s32 $0xFFFFFFFF  }
0xa5: {  	s26 =	simm.s32 $execute0_lowered;
	[smem:$0x3FD2] =	sst s25  }
0xa6: {  	s4 =	sshll.u32 s26, $0x1;
	_ =	strace $0x80000055;
	[dreg:$0x1] =	wrdreg $0xFFFFFFFF  }
0xa7: {  	s28 =	simm.s32 $_size_execute0_lowered;
	s2 =	sadd.s32 s2, s4;
	[dreg:$0x0] =	wrdreg $0x0  }
0xa8: {  	s4 =	sshll.u32 s28, $0x1;
	[dreg:$0x2] =	wrdreg s2  }
0xa9: {  	[dreg:$0x3] =	wrdreg s4  }
0xaa: {  	[dreg:$0x4] =	wrdreg $0xC0  }
0xab: {  	_ =	task [dreg:s6], $0x5FFFF  }
0xac: {  	[dreg:$0x1] =	wrdreg $0xFFFFFFFF  }
0xad: {  	[dreg:$0x0] =	wrdreg $0x60  }
0xae: {  	[dreg:$0x2] =	wrdreg s24  }
0xaf: {  	[dreg:$0x3] =	wrdreg $0x9  }
0xb0: {  	_ =	task.clear_ibuf [dreg:s6], $0x4FFFF;
	_ =	strace $0x90000055  }
0xb1: {  	s29 =	simm.s32 $0x9;
	_ =	strace $0x80000057  }
0xb2: {  	_ =	swait.ge [sflag:s29], $0x1  }
0xb3: {  	[sflag:s29] =	ssyncadd.s32 $0xFFFFFFFF  }
0xb4: {  	_ =	strace $0x90000057  }
0xb5: {  	_ =	sfence  }
0xb6: {  	s30 =	sld [smem:$0x0];
	_ =	sdelay $0x2  }
0xb7: {  	s31 =	sshll.u32 s1, $0xD;
	s1 =	sshrl.u32 s1, $0x2  }
0xb8: {  	s3 =	sand.u32 $0x4000, s31;
	s1 =	sadd.s32 s1, s30  }
0xb9: {  	s0 =	sor.u32 s3, s0;
	s1 =	sshll.u32 s1, $0x11  }
0xba: {  	s0 =	sor.u32 s1, s0  }
0xbb: {  	s0 =	sadd.s32 $0x8F2B, s0  }
0xbc: {  	[sflag:s0] =	ssyncadd.remote.s32 $0x1  }
0xbd: {  	_ =	sfence.sel $0xFFFF  }
0xbe: {  	[dreg:$0x0] =	wrdreg $0xFFFFFFFF;
	(pc) =	sbr.abs _section_cstart, $3  }
0xbf: {  	[dreg:$0x1] =	wrdreg $0xFFFFFFFF  }
0xc0: {  	_ =	task.clear_ibuf [dreg:s6], $0x2FFFF;
	_ =	strace $0x9FFFFFFF  }
0xc1: {  	(tm) =	ssettm $0x7FFFFFFF  }
tec
execute0_lowered:
.L_overlay_start_1:
0x0: {  	(tag) =	ssettag $0x1  }
0x1: {  	s0 =	srdreg.scid;
	s12 =	stileid.u32  }
0x2: {  	s5 =	rddreg [dreg:$0x0];
	s2 =	simm.s32 $0x0;
	s18 =	simm.s32 $0xA700  }
0x3: {  	s19 =	simm.s32 $0xAF00;
	s20 =	simm.s32 $0xB700;
	s21 =	simm.s32 $0xBF00  }
0x4: {  	s22 =	simm.s32 $0xC700;
	s23 =	simm.s32 $0xCF00;
	s24 =	simm.s32 $0xD700  }
0x5: {  	s28 =	simm.s32 $0x11700;
	s29 =	simm.s32 $0x1;
	s30 =	simm.s32 $0x3  }
0x6: {  	s31 =	simm.s32 $0x2;
	s0 =	sand.u32 $0x1, s0;
	[smem:$0x7FF] =	sst s2  }
0x7: {  	s1 =	sshll.u32 s12, $0x1;
	s4 =	sadd.s32 $0xFC1C00, s5;
	s7 =	sadd.s32 $0x111BA00, s5  }
0x8: {  	s10 =	smul.u32 $0x9C400, s12;
	_ =	strace $0x80000056;
	[dreg:$0x2] =	wrdreg s18  }
0x9: {  	s12 =	smul.u32 $0x4E200, s12;
	s1 =	sor.u32 s0, s1;
	[dreg:$0x3] =	wrdreg s19  }
0xa: {  	s8 =	ssub.s32 $0x2, s0;
	s25 =	smul.u32 $0x4E200, s0;
	[dreg:$0x4] =	wrdreg s20  }
0xb: {  	s0 =	smul.u32 $0x27100, s0;
	s18 =	simm.s32 $0x6F00;
	[dreg:$0x5] =	wrdreg s21  }
0xc: {  	s19 =	simm.s32 $0x7700;
	s20 =	simm.s32 $0x7F00;
	[dreg:$0x6] =	wrdreg s22  }
0xd: {  	s21 =	simm.s32 $0x8700;
	s22 =	simm.s32 $0x8F00;
	[dreg:$0x7] =	wrdreg s23  }
0xe: {  	s23 =	simm.s32 $0x9700;
	[dreg:$0x8] =	wrdreg s24;
	s24 =	simm.s32 $0x50  }
0xf: {  	s1 =	smul.u32 $0x2710, s1;
	s9 =	sshrl.u32 s8, $0x1;
	s14 =	sadd.s32 s10, s7  }
0x10: {  	s8 =	ssub.s32 s8, s9;
	s16 =	sadd.s32 s25, s14;
	s14 =	simm.s32 $0x4F00  }
0x11: {  	s25 =	simm.s32 $0xDF00;
	s3 =	sshrl.u32 s1, $0x3;
	s1 =	sadd.s32 $0x26C0, s1  }
0x12: {  	s17 =	smax.u32 s8, $0x1;
	[dreg:$0x9] =	wrdreg s25;
	s25 =	simm.s32 $0xEF00  }
0x13: {  	s6 =	sadd.s32 s3, s5;
	s3 =	sadd.s32 $0x10CD800, s5;
	s5 =	sadd.s32 $0x20200, s5  }
0x14: {  	s26 =	sshll.u32 s1, $0x5;
	[dreg:$0xf] =	wrdreg s17;
	s11 =	sadd.s32 $0x16400, s6  }
0x15: {  	s1 =	sshll.u32 s1, $0x4;
	s6 =	sadd.s32 $0xC600, s6;
	[dreg:$0xb] =	wrdreg s11  }
0x16: {  	s17 =	simm.s32 $0x6700;
	s13 =	sadd.s32 s7, s26;
	[dreg:$0xc] =	wrdreg s6  }
0x17: {  	s15 =	sadd.s32 s12, s5;
	s1 =	sadd.s32 s5, s1;
	[dreg:$0xd] =	wrdreg s13  }
0x18: {  	s12 =	simm.s32 $0x5;
	s26 =	simm.s32 $0xE700;
	[dreg:$0xe] =	wrdreg s1  }
0x19: {  	v2 =	vlaneseq.u32;
	s0 =	sadd.s32 s0, s15;
	s6 =	sadd.s32 $0xA00, s16;
	s15 =	simm.s32 $0x5700  }
0x1a: {  	vm0 =	vmmov $0xffff;
	v1 =	vshrl.u32 v2, $0x3;
	s16 =	simm.s32 $0x5F00;
	[dreg:$0xa] =	wrdreg s26;
	s26 =	simm.s32 $0x9F00  }
0x1b: {  	v0 =	vand.u32 $0x7, v2;
	v2 =	vor.u32 $0x8, v2;
	v1 =	vmul.u32 $0x8, v1;
	s1 =	simm.s32 $0x4;
	s5 =	sadd.s32 $0x500, s0;
	s0 =	simm.s32 $0x0  }
.LBB2_1:
0x1c: {  	s7 =	rddreg [dreg:$0xb]  }
0x1d: {  	[tilespmem:s2], [sflag:$0x5] =	stream.linear.gather [hbm4b:s7+s2], $0x2710, $0x38;
	[tilespmem:$0x13F00] =	vst v63  }
0x1e: {  	_ =	swait.ge [sflag:s12], $0x2710  }
0x1f: {  	[sflag:s12] =	ssyncset.done $0x0  }
0x20: {  	s8 =	simm.s32 $0x2780;
	s13 =	rddreg [dreg:$0xc];
	[sflag:s12] =	ssyncadd.s32 $0xFFFFD8F0  }
0x21: {  	[tilespmem:s8], [sflag:$0x5] =	stream.linear.gather [hbm4b:s13+s2], $0x2710, $0x38;
	[tilespmem:$0x13F00] =	vst v63  }
0x22: {  	_ =	swait.ge [sflag:s12], $0x2710  }
0x23: {  	[sflag:s12] =	ssyncset.done $0x0  }
0x24: {  	[sflag:s12] =	ssyncadd.s32 $0xFFFFD8F0  }
0x25: {  	v3 =	vld [tilespmem:$0x0];
	_ =	sdelay $0x4  }
0x26: {  	v4 =	vshll.u32 v3, $0x1  }
0x27: {  	v3 =	vand.u32 $0x7, v3;
	v4 =	vand.u32 $0xFFFFFFF0, v4  }
0x28: {  	v3 =	vor.u32 v3, v4  }
0x29: {  	v4 =	vperm.xlane v3, v0;
	_ =	sdelay $0x1  }
0x2a: {  	v3 =	vperm.xlane v3, v2;
	v4 =	vadd.s32 v1, v4;
	_ =	sdelay $0x1  }
0x2b: {  	v3 =	vadd.s32 v1, v3;
	_ =	sdelay $0x2  }
0x2c: {  	[tilespmem:s14], [sflag:$0x1] =	stream.indirect_vreg.gather [hbm4b:s3+s2], $0x80, v4, vm0, $0xb8;
	[tilespmem:$0x13F00] =	vst v63  }
0x2d: {  	_ = 	snop  }
0x2e: {  	[tilespmem:s15], [sflag:$0x1] =	stream.indirect_vreg.gather [hbm4b:s3+s2], $0x80, v3, vm0, $0xb8;
	[tilespmem:$0x13F00] =	vst v63  }
0x2f: {  	v3 =	vld [tilespmem:$0x10];
	_ =	sdelay $0x4  }
0x30: {  	v60 =	vshll.u32 v3, $0x1  }
0x31: {  	v3 =	vand.u32 $0x7, v3;
	v4 =	vand.u32 $0xFFFFFFF0, v60  }
0x32: {  	v3 =	vor.u32 v3, v4  }
0x33: {  	v4 =	vperm.xlane v3, v0;
	_ =	sdelay $0x1  }
0x34: {  	v3 =	vperm.xlane v3, v2;
	v4 =	vadd.s32 v1, v4;
	_ =	sdelay $0x1  }
0x35: {  	v3 =	vadd.s32 v1, v3;
	_ =	sdelay $0x2  }
0x36: {  	[tilespmem:s16], [sflag:$0x1] =	stream.indirect_vreg.gather [hbm4b:s3+s2], $0x80, v4, vm0, $0xb8;
	[tilespmem:$0x13F00] =	vst v63  }
0x37: {  	_ = 	snop  }
0x38: {  	[tilespmem:s17], [sflag:$0x1] =	stream.indirect_vreg.gather [hbm4b:s3+s2], $0x80, v3, vm0, $0xb8;
	[tilespmem:$0x13F00] =	vst v63  }
0x39: {  	v3 =	vld [tilespmem:$0x20];
	_ =	sdelay $0x4  }
0x3a: {  	v61 =	vshll.u32 v3, $0x1  }
0x3b: {  	v3 =	vand.u32 $0x7, v3;
	v4 =	vand.u32 $0xFFFFFFF0, v61  }
0x3c: {  	v3 =	vor.u32 v3, v4  }
0x3d: {  	v4 =	vperm.xlane v3, v0;
	_ =	sdelay $0x1  }
0x3e: {  	v3 =	vperm.xlane v3, v2;
	v4 =	vadd.s32 v1, v4;
	_ =	sdelay $0x1  }
0x3f: {  	v3 =	vadd.s32 v1, v3;
	_ =	sdelay $0x2  }
0x40: {  	[tilespmem:s18], [sflag:$0x1] =	stream.indirect_vreg.gather [hbm4b:s3+s2], $0x80, v4, vm0, $0xb8;
	[tilespmem:$0x13F00] =	vst v63  }
0x41: {  	_ = 	snop  }
0x42: {  	[tilespmem:s19], [sflag:$0x1] =	stream.indirect_vreg.gather [hbm4b:s3+s2], $0x80, v3, vm0, $0xb8;
	[tilespmem:$0x13F00] =	vst v63  }
0x43: {  	v3 =	vld [tilespmem:$0x30];
	_ =	sdelay $0x4  }
0x44: {  	v62 =	vshll.u32 v3, $0x1  }
0x45: {  	v3 =	vand.u32 $0x7, v3;
	v4 =	vand.u32 $0xFFFFFFF0, v62  }
0x46: {  	v3 =	vor.u32 v3, v4  }
0x47: {  	v4 =	vperm.xlane v3, v0;
	_ =	sdelay $0x1  }
0x48: {  	v3 =	vperm.xlane v3, v2;
	v4 =	vadd.s32 v1, v4;
	_ =	sdelay $0x1  }
0x49: {  	v3 =	vadd.s32 v1, v3;
	_ =	sdelay $0x2  }
0x4a: {  	[tilespmem:s20], [sflag:$0x1] =	stream.indirect_vreg.gather [hbm4b:s3+s2], $0x80, v4, vm0, $0xb8;
	[tilespmem:$0x13F00] =	vst v63  }
0x4b: {  	_ = 	snop  }
0x4c: {  	[tilespmem:s21], [sflag:$0x1] =	stream.indirect_vreg.gather [hbm4b:s3+s2], $0x80, v3, vm0, $0xb8;
	[tilespmem:$0x13F00] =	vst v63  }
0x4d: {  	v3 =	vld [tilespmem:$0x40];
	_ =	sdelay $0x4  }
0x4e: {  	v63 =	vshll.u32 v3, $0x1  }
0x4f: {  	v3 =	vand.u32 $0x7, v3;
	v4 =	vand.u32 $0xFFFFFFF0, v63  }
0x50: {  	v3 =	vor.u32 v3, v4  }
0x51: {  	v4 =	vperm.xlane v3, v0;
	_ =	sdelay $0x1  }
0x52: {  	v3 =	vperm.xlane v3, v2;
	v4 =	vadd.s32 v1, v4;
	_ =	sdelay $0x1  }
0x53: {  	v3 =	vadd.s32 v1, v3;
	_ =	sdelay $0x2  }
0x54: {  	[tilespmem:s22], [sflag:$0x1] =	stream.indirect_vreg.gather [hbm4b:s3+s2], $0x80, v4, vm0, $0xb8;
	[tilespmem:$0x13F00] =	vst v63  }
0x55: {  	_ = 	snop  }
0x56: {  	[tilespmem:s23], [sflag:$0x1] =	stream.indirect_vreg.gather [hbm4b:s3+s2], $0x80, v3, vm0, $0xb8;
	[tilespmem:$0x13F00] =	vst v63  }
0x57: {  	s11 =	smov.u32 s5;
	s10 =	smov.u32 s6;
	s7 =	simm.s32 $0x0  }
0x58: {  	[tilespmem:s25], [sflag:$0x3] =	stream.indirect.gather [hbm4b:s4+s24], $0x80, s8, s24, $0xb8;
	[tilespmem:$0x13F00] =	vst v63  }
.LBB2_2:
0x59: {  	s8 =	sshra.s32 s7, $0x2  }
0x5a: {  	v3 =	vld [tilespmem:s8+$0x50];
	_ =	sdelay $0x4  }
0x5b: {  	v4 =	vshll.u32 v3, $0x1  }
0x5c: {  	v3 =	vand.u32 $0x7, v3;
	v4 =	vand.u32 $0xFFFFFFF0, v4  }
0x5d: {  	v3 =	vor.u32 v3, v4  }
0x5e: {  	v4 =	vperm.xlane v3, v0;
	_ =	sdelay $0x1  }
0x5f: {  	v3 =	vperm.xlane v3, v2;
	v4 =	vadd.s32 v1, v4;
	_ =	sdelay $0x1  }
0x60: {  	v3 =	vadd.s32 v1, v3;
	_ =	sdelay $0x2  }
0x61: {  	[tilespmem:s26], [sflag:$0x2] =	stream.indirect_vreg.gather [hbm4b:s3+s2], $0x80, v4, vm0, $0xb8;
	[tilespmem:$0x13F00] =	vst v63  }
0x62: {  	s13 =	rddreg [dreg:$0x2]  }
0x63: {  	[tilespmem:s13], [sflag:$0x2] =	stream.indirect_vreg.gather [hbm4b:s3+s2], $0x80, v3, vm0, $0xb8;
	[tilespmem:$0x13F00] =	vst v63  }
0x64: {  	v3 =	vld [tilespmem:s8+$0x60];
	_ =	sdelay $0x4  }
0x65: {  	v55 =	vshll.u32 v3, $0x1  }
0x66: {  	v3 =	vand.u32 $0x7, v3;
	v4 =	vand.u32 $0xFFFFFFF0, v55  }
0x67: {  	v3 =	vor.u32 v3, v4  }
0x68: {  	v4 =	vperm.xlane v3, v0;
	_ =	sdelay $0x1  }
0x69: {  	v3 =	vperm.xlane v3, v2;
	v4 =	vadd.s32 v1, v4;
	_ =	sdelay $0x1  }
0x6a: {  	v3 =	vadd.s32 v1, v3;
	_ =	sdelay $0x1  }
0x6b: {  	s13 =	rddreg [dreg:$0x3]  }
0x6c: {  	[tilespmem:s13], [sflag:$0x2] =	stream.indirect_vreg.gather [hbm4b:s3+s2], $0x80, v4, vm0, $0xb8;
	[tilespmem:$0x13F00] =	vst v63  }
0x6d: {  	s9 =	rddreg [dreg:$0x4]  }
0x6e: {  	[tilespmem:s9], [sflag:$0x2] =	stream.indirect_vreg.gather [hbm4b:s3+s2], $0x80, v3, vm0, $0xb8;
	[tilespmem:$0x13F00] =	vst v63  }
0x6f: {  	v3 =	vld [tilespmem:s8+$0x70];
	_ =	sdelay $0x4  }
0x70: {  	v56 =	vshll.u32 v3, $0x1  }
0x71: {  	v3 =	vand.u32 $0x7, v3;
	v4 =	vand.u32 $0xFFFFFFF0, v56  }
0x72: {  	v3 =	vor.u32 v3, v4  }
0x73: {  	v4 =	vperm.xlane v3, v0;
	_ =	sdelay $0x1  }
0x74: {  	v3 =	vperm.xlane v3, v2;
	v4 =	vadd.s32 v1, v4;
	_ =	sdelay $0x1  }
0x75: {  	v3 =	vadd.s32 v1, v3;
	_ =	sdelay $0x1  }
0x76: {  	s9 =	rddreg [dreg:$0x5]  }
0x77: {  	[tilespmem:s9], [sflag:$0x2] =	stream.indirect_vreg.gather [hbm4b:s3+s2], $0x80, v4, vm0, $0xb8;
	[tilespmem:$0x13F00] =	vst v63  }
0x78: {  	s13 =	rddreg [dreg:$0x6]  }
0x79: {  	[tilespmem:s13], [sflag:$0x2] =	stream.indirect_vreg.gather [hbm4b:s3+s2], $0x80, v3, vm0, $0xb8;
	[tilespmem:$0x13F00] =	vst v63  }
0x7a: {  	v3 =	vld [tilespmem:s8+$0x80];
	_ =	sdelay $0x4  }
0x7b: {  	v57 =	vshll.u32 v3, $0x1  }
0x7c: {  	v3 =	vand.u32 $0x7, v3;
	v4 =	vand.u32 $0xFFFFFFF0, v57  }
0x7d: {  	v3 =	vor.u32 v3, v4  }
0x7e: {  	v4 =	vperm.xlane v3, v0;
	_ =	sdelay $0x1  }
0x7f: {  	v3 =	vperm.xlane v3, v2;
	v4 =	vadd.s32 v1, v4;
	_ =	sdelay $0x1  }
0x80: {  	v3 =	vadd.s32 v1, v3;
	_ =	sdelay $0x1  }
0x81: {  	s9 =	rddreg [dreg:$0x7]  }
0x82: {  	[tilespmem:s9], [sflag:$0x2] =	stream.indirect_vreg.gather [hbm4b:s3+s2], $0x80, v4, vm0, $0xb8;
	[tilespmem:$0x13F00] =	vst v63  }
0x83: {  	s13 =	rddreg [dreg:$0x8]  }
0x84: {  	[tilespmem:s13], [sflag:$0x2] =	stream.indirect_vreg.gather [hbm4b:s3+s2], $0x80, v3, vm0, $0xb8;
	[tilespmem:$0x13F00] =	vst v63  }
0x85: {  	v3 =	vld [tilespmem:s8+$0x90];
	_ =	sdelay $0x4  }
0x86: {  	v58 =	vshll.u32 v3, $0x1  }
0x87: {  	v3 =	vand.u32 $0x7, v3;
	v4 =	vand.u32 $0xFFFFFFF0, v58  }
0x88: {  	v3 =	vor.u32 v3, v4  }
0x89: {  	v4 =	vperm.xlane v3, v0;
	_ =	sdelay $0x1  }
0x8a: {  	v3 =	vperm.xlane v3, v2;
	v4 =	vadd.s32 v1, v4;
	_ =	sdelay $0x1  }
0x8b: {  	v3 =	vadd.s32 v1, v3;
	_ =	sdelay $0x1  }
0x8c: {  	s9 =	rddreg [dreg:$0x9]  }
0x8d: {  	[tilespmem:s9], [sflag:$0x2] =	stream.indirect_vreg.gather [hbm4b:s3+s2], $0x80, v4, vm0, $0xb8;
	[tilespmem:$0x13F00] =	vst v63  }
0x8e: {  	s13 =	rddreg [dreg:$0xa]  }
0x8f: {  	[tilespmem:s13], [sflag:$0x2] =	stream.indirect_vreg.gather [hbm4b:s3+s2], $0x80, v3, vm0, $0xb8;
	[tilespmem:$0x13F00] =	vst v63  }
0x90: {  	s13 =	sadd.s32 $0x27D0, s8  }
0x91: {  	[tilespmem:s28], [sflag:$0x4] =	stream.indirect.gather [hbm4b:s4+s24], $0x80, s13, s24, $0xb8;
	[tilespmem:$0x13F00] =	vst v63  }
0x92: {  	_ =	swait.ge [sflag:s29], $0x5000  }
0x93: {  	[sflag:s29] =	ssyncset.done $0x0  }
0x94: {  	[sflag:s29] =	ssyncadd.s32 $0xFFFFB000  }
0x95: {  	_ =	swait.ge [sflag:s30], $0x2800  }
0x96: {  	[sflag:s30] =	ssyncset.done $0x0  }
0x97: {  	s13 =	sadd.s32 $0xFFFFF600, s10;
	[sflag:s30] =	ssyncadd.s32 $0xFFFFD800  }
0x98: {  	[hbm4b:s13+s2] =	stream.linear.scatter [tilespmem:s14], [sflag:$0x5], $0x5000, $0x38;
	[tilespmem:$0x13F00] =	vst v63  }
0x99: {  	_ =	swait.ge [sflag:s12], $0x5000  }
0x9a: {  	[sflag:s12] =	ssyncset.done $0x0  }
0x9b: {  	s13 =	sadd.s32 $0xFFFFFB00, s11;
	[sflag:s12] =	ssyncadd.s32 $0xFFFFB000  }
0x9c: {  	[hbm4b:s13+s2] =	stream.linear.scatter [tilespmem:s25], [sflag:$0x5], $0x2800, $0x38;
	[tilespmem:$0x13F00] =	vst v63  }
0x9d: {  	_ =	swait.ge [sflag:s12], $0x2800  }
0x9e: {  	[sflag:s12] =	ssyncset.done $0x0  }
0x9f: {  	[sflag:s12] =	ssyncadd.s32 $0xFFFFD800  }
0xa0: {  	v3 =	vld [tilespmem:s8+$0xA0];
	_ =	sdelay $0x4  }
0xa1: {  	v59 =	vshll.u32 v3, $0x1  }
0xa2: {  	v3 =	vand.u32 $0x7, v3;
	v4 =	vand.u32 $0xFFFFFFF0, v59  }
0xa3: {  	v3 =	vor.u32 v3, v4  }
0xa4: {  	v4 =	vperm.xlane v3, v0;
	_ =	sdelay $0x1  }
0xa5: {  	v3 =	vperm.xlane v3, v2;
	v4 =	vadd.s32 v1, v4;
	_ =	sdelay $0x1  }
0xa6: {  	v3 =	vadd.s32 v1, v3;
	_ =	sdelay $0x2  }
0xa7: {  	[tilespmem:s14], [sflag:$0x1] =	stream.indirect_vreg.gather [hbm4b:s3+s2], $0x80, v4, vm0, $0xb8;
	[tilespmem:$0x13F00] =	vst v63  }
0xa8: {  	_ = 	snop  }
0xa9: {  	[tilespmem:s15], [sflag:$0x1] =	stream.indirect_vreg.gather [hbm4b:s3+s2], $0x80, v3, vm0, $0xb8;
	[tilespmem:$0x13F00] =	vst v63  }
0xaa: {  	v3 =	vld [tilespmem:s8+$0xB0];
	_ =	sdelay $0x4  }
0xab: {  	v60 =	vshll.u32 v3, $0x1  }
0xac: {  	v3 =	vand.u32 $0x7, v3;
	v4 =	vand.u32 $0xFFFFFFF0, v60  }
0xad: {  	v3 =	vor.u32 v3, v4  }
0xae: {  	v4 =	vperm.xlane v3, v0;
	_ =	sdelay $0x1  }
0xaf: {  	v3 =	vperm.xlane v3, v2;
	v4 =	vadd.s32 v1, v4;
	_ =	sdelay $0x1  }
0xb0: {  	v3 =	vadd.s32 v1, v3;
	_ =	sdelay $0x2  }
0xb1: {  	[tilespmem:s16], [sflag:$0x1] =	stream.indirect_vreg.gather [hbm4b:s3+s2], $0x80, v4, vm0, $0xb8;
	[tilespmem:$0x13F00] =	vst v63  }
0xb2: {  	_ = 	snop  }
0xb3: {  	[tilespmem:s17], [sflag:$0x1] =	stream.indirect_vreg.gather [hbm4b:s3+s2], $0x80, v3, vm0, $0xb8;
	[tilespmem:$0x13F00] =	vst v63  }
0xb4: {  	v3 =	vld [tilespmem:s8+$0xC0];
	_ =	sdelay $0x4  }
0xb5: {  	v61 =	vshll.u32 v3, $0x1  }
0xb6: {  	v3 =	vand.u32 $0x7, v3;
	v4 =	vand.u32 $0xFFFFFFF0, v61  }
0xb7: {  	v3 =	vor.u32 v3, v4  }
0xb8: {  	v4 =	vperm.xlane v3, v0;
	_ =	sdelay $0x1  }
0xb9: {  	v3 =	vperm.xlane v3, v2;
	v4 =	vadd.s32 v1, v4;
	_ =	sdelay $0x1  }
0xba: {  	v3 =	vadd.s32 v1, v3;
	_ =	sdelay $0x2  }
0xbb: {  	[tilespmem:s18], [sflag:$0x1] =	stream.indirect_vreg.gather [hbm4b:s3+s2], $0x80, v4, vm0, $0xb8;
	[tilespmem:$0x13F00] =	vst v63  }
0xbc: {  	_ = 	snop  }
0xbd: {  	[tilespmem:s19], [sflag:$0x1] =	stream.indirect_vreg.gather [hbm4b:s3+s2], $0x80, v3, vm0, $0xb8;
	[tilespmem:$0x13F00] =	vst v63  }
0xbe: {  	v3 =	vld [tilespmem:s8+$0xD0];
	_ =	sdelay $0x4  }
0xbf: {  	v62 =	vshll.u32 v3, $0x1  }
0xc0: {  	v3 =	vand.u32 $0x7, v3;
	v4 =	vand.u32 $0xFFFFFFF0, v62  }
0xc1: {  	v3 =	vor.u32 v3, v4  }
0xc2: {  	v4 =	vperm.xlane v3, v0;
	_ =	sdelay $0x1  }
0xc3: {  	v3 =	vperm.xlane v3, v2;
	v4 =	vadd.s32 v1, v4;
	_ =	sdelay $0x1  }
0xc4: {  	v3 =	vadd.s32 v1, v3;
	_ =	sdelay $0x2  }
0xc5: {  	[tilespmem:s20], [sflag:$0x1] =	stream.indirect_vreg.gather [hbm4b:s3+s2], $0x80, v4, vm0, $0xb8;
	[tilespmem:$0x13F00] =	vst v63  }
0xc6: {  	_ = 	snop  }
0xc7: {  	[tilespmem:s21], [sflag:$0x1] =	stream.indirect_vreg.gather [hbm4b:s3+s2], $0x80, v3, vm0, $0xb8;
	[tilespmem:$0x13F00] =	vst v63  }
0xc8: {  	v3 =	vld [tilespmem:s8+$0xE0];
	_ =	sdelay $0x4  }
0xc9: {  	v63 =	vshll.u32 v3, $0x1  }
0xca: {  	v3 =	vand.u32 $0x7, v3;
	v4 =	vand.u32 $0xFFFFFFF0, v63  }
0xcb: {  	v3 =	vor.u32 v3, v4  }
0xcc: {  	v4 =	vperm.xlane v3, v0;
	_ =	sdelay $0x1  }
0xcd: {  	v3 =	vperm.xlane v3, v2;
	v4 =	vadd.s32 v1, v4;
	_ =	sdelay $0x1  }
0xce: {  	v3 =	vadd.s32 v1, v3;
	_ =	sdelay $0x2  }
0xcf: {  	[tilespmem:s22], [sflag:$0x1] =	stream.indirect_vreg.gather [hbm4b:s3+s2], $0x80, v4, vm0, $0xb8;
	[tilespmem:$0x13F00] =	vst v63  }
0xd0: {  	_ = 	snop  }
0xd1: {  	[tilespmem:s23], [sflag:$0x1] =	stream.indirect_vreg.gather [hbm4b:s3+s2], $0x80, v3, vm0, $0xb8;
	[tilespmem:$0x13F00] =	vst v63  }
0xd2: {  	s8 =	sadd.s32 $0x2820, s8  }
0xd3: {  	[tilespmem:s25], [sflag:$0x3] =	stream.indirect.gather [hbm4b:s4+s24], $0x80, s8, s24, $0xb8;
	[tilespmem:$0x13F00] =	vst v63  }
0xd4: {  	_ =	swait.ge [sflag:s31], $0x5000  }
0xd5: {  	[sflag:s31] =	ssyncset.done $0x0  }
0xd6: {  	[sflag:s31] =	ssyncadd.s32 $0xFFFFB000  }
0xd7: {  	_ =	swait.ge [sflag:s1], $0x2800  }
0xd8: {  	[sflag:s1] =	ssyncset.done $0x0  }
0xd9: {  	[sflag:s1] =	ssyncadd.s32 $0xFFFFD800  }
0xda: {  	[hbm4b:s10+s2] =	stream.linear.scatter [tilespmem:s26], [sflag:$0x5], $0x5000, $0x38;
	[tilespmem:$0x13F00] =	vst v63  }
0xdb: {  	_ =	swait.ge [sflag:s12], $0x5000  }
0xdc: {  	p0 =	sne.s32 s7, $0x9880;
	[sflag:s12] =	ssyncset.done $0x0  }
.Ltmp0:
0xdd: {  	[sflag:s12] =	ssyncadd.s32 $0xFFFFB000;
	(pc) =	sbr.rel @p0 .LBB2_2-.Ltmp0, $4  }
0xde: {  	[hbm4b:s11+s2] =	stream.linear.scatter [tilespmem:s28], [sflag:$0x5], $0x2800, $0x38;
	[tilespmem:$0x13F00] =	vst v63  }
0xdf: {  	_ =	swait.ge [sflag:s12], $0x2800  }
0xe0: {  	s7 =	sadd.s32 $0x280, s7;
	[sflag:s12] =	ssyncset.done $0x0  }
0xe1: {  	s10 =	sadd.s32 $0x1400, s10;
	s11 =	sadd.s32 $0xA00, s11;
	[sflag:s12] =	ssyncadd.s32 $0xFFFFD800  }
0xe2: {  	_ =	swait.ge [sflag:s29], $0x5000  }
0xe3: {  	[sflag:s29] =	ssyncset.done $0x0  }
0xe4: {  	[sflag:s29] =	ssyncadd.s32 $0xFFFFB000  }
0xe5: {  	_ =	swait.ge [sflag:s30], $0x2800  }
0xe6: {  	[sflag:s30] =	ssyncset.done $0x0  }
0xe7: {  	s7 =	rddreg [dreg:$0xd];
	[sflag:s30] =	ssyncadd.s32 $0xFFFFD800  }
0xe8: {  	[hbm4b:s7+s2] =	stream.linear.scatter [tilespmem:s14], [sflag:$0x5], $0x5000, $0x38;
	[tilespmem:$0x13F00] =	vst v63  }
0xe9: {  	_ =	swait.ge [sflag:s12], $0x5000  }
0xea: {  	[sflag:s12] =	ssyncset.done $0x0  }
0xeb: {  	s11 =	rddreg [dreg:$0xe];
	[sflag:s12] =	ssyncadd.s32 $0xFFFFB000  }
0xec: {  	[hbm4b:s11+s2] =	stream.linear.scatter [tilespmem:s25], [sflag:$0x5], $0x2800, $0x38;
	[tilespmem:$0x13F00] =	vst v63  }
0xed: {  	_ =	swait.ge [sflag:s12], $0x2800  }
0xee: {  	s0 =	sadd.s32 $0x1, s0;
	s13 =	rddreg [dreg:$0xf]  }
0xef: {  	p0 =	sne.s32 s0, s13  }
.Ltmp1:
0xf0: {  	_ = 	snop;
	(pc) =	sbr.rel @p0 .LBB2_1-.Ltmp1, $3  }
0xf1: {  	_ =	sdelay $0x1  }
0xf2: {  	[sflag:s12] =	ssyncset.done $0x0  }
0xf3: {  	[sflag:s12] =	ssyncadd.s32 $0xFFFFD800  }
0xf4: {  	_ =	sfence.sel $0x180000  }
0xf5: {  	[bflag:$0x0] =	sbarrier.arrive $0xFFFF  }
0xf6: {  	_ =	strace $0x90000056  }
0xf7: {  	s0 =	stileid.u32;
	[bflag:$0x2] =	sbarrier.arrive $0xFFFF  }
0xf8: {  	p0 =	sne.s32 s0, $0x0;
	s0 =	rddreg [dreg:$0x1]  }
0xf9: {  	s0 =	sadd.s32 @!p0 $0x100000, s0  }
0xfa: {  	[sflag:s0] =	ssyncadd.tile.s32 @!p0 $0x1;
	_ =	shalt  }
.Lfunc_end2:
_tile_overlayer_lowered:
.L_overlay_start_2:
0xfb: {  	(tag) =	ssettag $0x2  }
0xfc: {  	s0 =	rddreg [dreg:$0x0];
	s2 =	stileid.u32  }
0xfd: {  	s1 =	rddreg [dreg:$0x1];
	p0 =	sne.s32 s2, $0x0  }
0xfe: {  	s3 =	rddreg [dreg:$0x2];
	[bflag:$0x3] =	sbarrier.arrive $0xFFFF;
	s2 =	simm.s32 @!p0 $0x1C05  }
0xff: {  	[timem:s3], [sflag:s2] =	dma.local @!p0 [hbm:s0], s1  }
0x100: {  	s0 =	simm.s32 @!p0 $0x5  }
0x101: {  	_ =	swait.ge @!p0 [sflag:s0], s1  }
0x102: {  	s1 =	ssub.s32 @!p0 $0x0, s1;
	[sflag:s0] =	ssyncset.done @!p0 $0x0  }
0x103: {  	[sflag:s0] =	ssyncadd.s32 @!p0 s1  }
0x104: {  	[bflag:$0x3] =	sbarrier.arrive $0xFFFF  }
0x105: {  	_ =	shalt  }

// kernel: kernel.34.cloned.1.call-start
scs
__scs_entry_jumppad:
0x0: {  	(pc) =	sbr.rel $0x88, $3  }
0x1: {  	(tag) =	ssettag $0x0;
	lr =	simm.s32 $0x1  }
0x2: {  	[smem:$0x3F82] =	sst lr;
	_ =	strace $0xD0000000  }
0x3: {  	_ = 	snop  }
0x4: {  	_ = 	snop  }
0x5: {  	_ = 	snop  }
0x6: {  	_ = 	snop  }
0x7: {  	_ = 	snop  }
__scs_overlays_trampoline_lowered:
0x8: {  	[smem:$0x3F91] =	sst s0  }
0x9: {  	[smem:$0x3F92] =	sst s1  }
0xa: {  	[smem:$0x3F93] =	sst s2  }
0xb: {  	[smem:$0x3F94] =	sst s3  }
0xc: {  	[smem:$0x3F95] =	sst s4  }
0xd: {  	[smem:$0x3F96] =	sst s5  }
0xe: {  	[smem:$0x3F97] =	sst s6  }
0xf: {  	[smem:$0x3F98] =	sst s7  }
0x10: {  	[smem:$0x3F99] =	sst s8  }
0x11: {  	[smem:$0x3F9A] =	sst s9;
	s0 =	simm.s32 @!p0 $0x0  }
0x12: {  	s1 =	sld [smem:$0x3F80];
	s0 =	simm.s32 @p0 $0x1  }
0x13: {  	[smem:$0x3F9B] =	sst s0;
	s0 =	simm.s32 @!p1 $0x0  }
0x14: {  	s2 =	sld [smem:$0x3F7F];
	s0 =	simm.s32 @p1 $0x1  }
0x15: {  	[smem:$0x3F9C] =	sst s0;
	s0 =	simm.s32 @!p2 $0x0  }
0x16: {  	s3 =	sld [smem:$0x3FDB];
	s0 =	simm.s32 @p2 $0x1  }
0x17: {  	s4 =	simm.s32 $0x1BF5;
	[smem:$0x3F9E] =	sst s0  }
0x18: {  	s0 =	sld [smem:$0x3F81];
	_ =	swait.ge [sflag:s4], $0x0  }
0x19: {  	s7 =	sld [smem:$0x3F82]  }
0x1a: {  	s8 =	sadd.s32 $0xFFFFE003, lr  }
0x1b: {  	s9 =	sadd.s32 $0xFFFFFEF7, lr;
	s5 =	simm.s32 $0xFFFFFFFF;
	p2 =	slt.u32 s8, $0xFFFFF086  }
0x1c: {  	p1 =	slt.u32 s9, $0xF7A;
	s5 =	simm.s32 @!p2 $0x0  }
0x1d: {  	s5 =	simm.s32 @p1 $0x1;
	p0 =	seq.s32 s7, s2  }
0x1e: {  	s7 =	smul.u32 @!p0 $0xF7A, s2;
	p2 =	seq.s32 @!p0 s5, $0x0  }
0x1f: {  	s9 =	smul.u32 $0xF7A, s1;
	s8 =	simm.s32 @!p0 $0x1BF5;
	p2 =	por !p2, p0  }
0x20: {  	[sflag:s8] =	ssyncset.s32 @!p0 $0xFFFFF086;
	s6 =	sadd.s32 @!p0 s3, s7;
	s7 =	simm.s32 @!p0 $0x108  }
0x21: {  	s3 =	sadd.s32 s3, s9;
	s6 =	sadd.s32 @!p0 $0x88, s6;
	s7 =	simm.s32 @p2 $0x1082  }
0x22: {  	[simem:s7], [sflag:s8] =	dma.local @!p0 [hbm:s6], $0xF7A  }
0x23: {  	s9 =	sor.u32 $0xD0000000, s2;
	s6 =	simm.s32 $0x108;
	_ =	swait.ge @!p0 [sflag:s8], $0x0  }
0x24: {  	s3 =	sadd.s32 $0x88, s3;
	s6 =	simm.s32 @!p1 $0x1082;
	[sflag:s4] =	ssyncset.s32 $0xFFFFF086  }
0x25: {  	[simem:s6], [sflag:s4] =	dma.local [hbm:s3], $0xF7A  }
0x26: {  	[smem:$0x3F82] =	sst s1;
	(tag) =	ssettag s2;
	_ =	strace s9  }
0x27: {  	s1 =	sld [smem:$0x3F92]  }
0x28: {  	s2 =	sld [smem:$0x3F93]  }
0x29: {  	s4 =	sld [smem:$0x3F95]  }
0x2a: {  	p0 =	seq.s32 s5, $0x0;
	s5 =	sld [smem:$0x3F96]  }
0x2b: {  	s6 =	sld [smem:$0x3F97]  }
0x2c: {  	s7 =	sld [smem:$0x3F98]  }
0x2d: {  	s3 =	simm.s32 $0x108;
	s8 =	sld [smem:$0x3F99]  }
0x2e: {  	s3 =	simm.s32 @!p0 $0x1082;
	s9 =	sld [smem:$0x3F9A]  }
0x2f: {  	lr =	sadd.s32 s0, s3;
	s0 =	sld [smem:$0x3F91]  }
0x30: {  	s3 =	sld [smem:$0x3F94]  }
0x31: {  	[smem:$0x3F9D] =	sst s10  }
0x32: {  	s10 =	sld [smem:$0x3F9B];
	_ =	sdelay $0x3  }
0x33: {  	p0 =	seq.s32 s10, $0x1;
	s10 =	sld [smem:$0x3F9D];
	_ =	sdelay $0x3  }
0x34: {  	[smem:$0x3F9D] =	sst s10  }
0x35: {  	s10 =	sld [smem:$0x3F9C];
	_ =	sdelay $0x3  }
0x36: {  	p1 =	seq.s32 s10, $0x1;
	s10 =	sld [smem:$0x3F9D];
	_ =	sdelay $0x3  }
0x37: {  	[smem:$0x3F9D] =	sst s10  }
0x38: {  	s10 =	sld [smem:$0x3F9E]  }
0x39: {  	_ = 	snop;
	(pc) =	sbr.ind lr, $3  }
0x3a: {  	_ = 	snop  }
0x3b: {  	_ = 	snop  }
0x3c: {  	p2 =	seq.s32 s10, $0x1;
	s10 =	sld [smem:$0x3F9D]  }
0x3d: {  	_ =	shalt  }
0x3e: {  	_ =	shalt  }
0x3f: {  	_ =	shalt  }
0x40: {  	_ =	shalt  }
0x41: {  	_ =	shalt  }
0x42: {  	_ =	shalt  }
0x43: {  	_ =	shalt  }
0x44: {  	_ =	shalt  }
0x45: {  	_ =	shalt  }
0x46: {  	_ =	shalt  }
0x47: {  	_ =	shalt  }
0x48: {  	_ =	shalt  }
0x49: {  	_ =	shalt  }
0x4a: {  	_ =	shalt  }
0x4b: {  	_ =	shalt  }
0x4c: {  	_ =	shalt  }
0x4d: {  	_ =	shalt  }
0x4e: {  	_ =	shalt  }
0x4f: {  	_ =	shalt  }
0x50: {  	_ =	shalt  }
0x51: {  	_ =	shalt  }
0x52: {  	_ =	shalt  }
0x53: {  	_ =	shalt  }
0x54: {  	_ =	shalt  }
0x55: {  	_ =	shalt  }
0x56: {  	_ =	shalt  }
0x57: {  	_ =	shalt  }
0x58: {  	_ =	shalt  }
0x59: {  	_ =	shalt  }
0x5a: {  	_ =	shalt  }
0x5b: {  	_ =	shalt  }
0x5c: {  	_ =	shalt  }
0x5d: {  	_ =	shalt  }
0x5e: {  	_ =	shalt  }
0x5f: {  	_ =	shalt  }
0x60: {  	_ =	shalt  }
0x61: {  	_ =	shalt  }
0x62: {  	_ =	shalt  }
0x63: {  	_ =	shalt  }
0x64: {  	_ =	shalt  }
0x65: {  	_ =	shalt  }
0x66: {  	_ =	shalt  }
0x67: {  	_ =	shalt  }
0x68: {  	_ =	shalt  }
0x69: {  	_ =	shalt  }
0x6a: {  	_ =	shalt  }
0x6b: {  	_ =	shalt  }
0x6c: {  	_ =	shalt  }
0x6d: {  	_ =	shalt  }
0x6e: {  	_ =	shalt  }
0x6f: {  	_ =	shalt  }
0x70: {  	_ =	shalt  }
0x71: {  	_ =	shalt  }
0x72: {  	_ =	shalt  }
0x73: {  	_ =	shalt  }
0x74: {  	_ =	shalt  }
0x75: {  	_ =	shalt  }
0x76: {  	_ =	shalt  }
0x77: {  	_ =	shalt  }
0x78: {  	_ =	shalt  }
0x79: {  	_ =	shalt  }
0x7a: {  	_ =	shalt  }
0x7b: {  	_ =	shalt  }
0x7c: {  	_ =	shalt  }
0x7d: {  	_ =	shalt  }
0x7e: {  	_ =	shalt  }
0x7f: {  	_ =	shalt  }
0x80: {  	_ =	shalt  }
0x81: {  	_ =	shalt  }
0x82: {  	_ =	shalt  }
0x83: {  	_ =	shalt  }
0x84: {  	_ =	shalt  }
0x85: {  	_ =	shalt  }
0x86: {  	_ =	shalt  }
0x87: {  	_ =	shalt  }
.Lfunc_end0:
.L_simem_size_0:
called_computation.6_lowered:
.L_overlay_start_0:
0x88: {  	s2 =	sld [smem:$0x3FD9]  }
0x89: {  	s3 =	sld [smem:$0x3FFE];
	_ =	sdelay $0x1  }
0x8a: {  	s1 =	srdreg.scid  }
0x8b: {  	s0 =	sand.u32 $0x1, s1  }
0x8c: {  	s16 =	sshll.u32 s0, $0xA;
	s2 =	sadd.s32 s3, s2  }
0x8d: {  	s2 =	sadd.s32 s2, s16  }
0x8e: {  	[smem:$0x3FA9] =	sst s2  }
0x8f: {  	_ = 	snop  }
0x90: {  	(tm) =	ssettm $0x1  }
0x91: {  	s17 =	sld [smem:$0x3FFB];
	_ =	sdelay $0x3  }
0x92: {  	_ =	strace s17  }
0x93: {  	s2 =	sld [smem:$0x3FFC];
	_ =	sdelay $0x3  }
0x94: {  	_ =	strace s2  }
0x95: {  	s2 =	sld [smem:$0x3FFD];
	_ =	sdelay $0x3  }
0x96: {  	_ =	strace s2  }
0x97: {  	_ =	strace $0x8FFFFFFF  }
0x98: {  	s18 =	sld [smem:$0x3FDB];
	_ =	sdelay $0x1  }
0x99: {  	s19 =	simm.s32 $_scs_section_size  }
0x9a: {  	s4 =	simm.s32 $_size__tile_overlayer_lowered;
	s5 =	simm.s32 $_tile_overlayer_lowered  }
0x9b: {  	s22 =	simm.s32 $0x1BFF;
	s21 =	sshll.u32 s5, $0x1;
	s2 =	sadd.s32 s19, s18  }
0x9c: {  	s6 =	simm.s32 $0x0;
	s20 =	sshll.u32 s4, $0x1;
	s4 =	sadd.s32 s21, s2  }
0x9d: {  	[timem:s6], [sflag:s22] =	dma.local [hbm:s4], s20  }
0x9e: {  	_ =	swait.ge [sflag:s22], s20  }
0x9f: {  	s3 =	ssub.s32 $0x0, s20;
	[sflag:s22] =	ssyncset.done $0x0  }
0xa0: {  	[sflag:s22] =	ssyncadd.s32 s3;
	_ =	sdelay $0x1  }
0xa1: {  	s23 =	simm.s32 $0x1B8B  }
0xa2: {  	_ =	swait.ge [sflag:s23], $0x1  }
0xa3: {  	[sflag:s23] =	ssyncset.done $0x0  }
0xa4: {  	s25 =	simm.s32 $0x1B8E;
	s24 =	sld [smem:$0x3FFE];
	[sflag:s23] =	ssyncadd.s32 $0xFFFFFFFF  }
0xa5: {  	s26 =	simm.s32 $execute0_lowered;
	[smem:$0x3FD2] =	sst s25  }
0xa6: {  	s4 =	sshll.u32 s26, $0x1;
	_ =	strace $0x80000058;
	[dreg:$0x1] =	wrdreg $0xFFFFFFFF  }
0xa7: {  	s28 =	simm.s32 $_size_execute0_lowered;
	s2 =	sadd.s32 s2, s4;
	[dreg:$0x0] =	wrdreg $0x0  }
0xa8: {  	s4 =	sshll.u32 s28, $0x1;
	[dreg:$0x2] =	wrdreg s2  }
0xa9: {  	[dreg:$0x3] =	wrdreg s4  }
0xaa: {  	[dreg:$0x4] =	wrdreg $0xC0  }
0xab: {  	_ =	task [dreg:s6], $0x5FFFF  }
0xac: {  	[dreg:$0x1] =	wrdreg $0xFFFFFFFF  }
0xad: {  	[dreg:$0x0] =	wrdreg $0x60  }
0xae: {  	[dreg:$0x2] =	wrdreg s24  }
0xaf: {  	[dreg:$0x3] =	wrdreg $0x90000  }
0xb0: {  	[dreg:$0x4] =	wrdreg $0x9  }
0xb1: {  	_ =	task.clear_ibuf [dreg:s6], $0x5FFFF;
	_ =	strace $0x90000058  }
0xb2: {  	s29 =	simm.s32 $0x9;
	_ =	strace $0x8000005A  }
0xb3: {  	_ =	swait.ge [sflag:s29], $0x1  }
0xb4: {  	[sflag:s29] =	ssyncadd.s32 $0xFFFFFFFF  }
0xb5: {  	_ =	strace $0x9000005A  }
0xb6: {  	_ =	sfence  }
0xb7: {  	s30 =	sld [smem:$0x0];
	_ =	sdelay $0x2  }
0xb8: {  	s31 =	sshll.u32 s1, $0xD;
	s1 =	sshrl.u32 s1, $0x2  }
0xb9: {  	s3 =	sand.u32 $0x4000, s31;
	s1 =	sadd.s32 s1, s30  }
0xba: {  	s0 =	sor.u32 s3, s0;
	s1 =	sshll.u32 s1, $0x11  }
0xbb: {  	s0 =	sor.u32 s1, s0  }
0xbc: {  	s0 =	sadd.s32 $0x8F2B, s0  }
0xbd: {  	[sflag:s0] =	ssyncadd.remote.s32 $0x1  }
0xbe: {  	_ =	sfence.sel $0xFFFF  }
0xbf: {  	[dreg:$0x0] =	wrdreg $0xFFFFFFFF;
	(pc) =	sbr.abs _section_cstart, $3  }
0xc0: {  	[dreg:$0x1] =	wrdreg $0xFFFFFFFF  }
0xc1: {  	_ =	task.clear_ibuf [dreg:s6], $0x2FFFF;
	_ =	strace $0x9FFFFFFF  }
0xc2: {  	(tm) =	ssettm $0x7FFFFFFF  }
0xc3: {  	_ =	shalt  }
tec
execute0_lowered:
.L_overlay_start_1:
0x0: {  	(tag) =	ssettag $0x1  }
0x1: {  	s4 =	rddreg [dreg:$0x0]  }
0x2: {  	s2 =	rddreg [dreg:$0x1]  }
0x3: {  	s0 =	rddreg [dreg:$0x2]  }
0x4: {  	s5 =	srdreg.scid;
	s1 =	stileid.u32  }
0x5: {  	s3 =	simm.s32 $0x0;
	s16 =	simm.s32 $0x50;
	s17 =	simm.s32 $0x2  }
0x6: {  	s18 =	simm.s32 $0x3E00;
	s19 =	simm.s32 $0x0;
	s7 =	smul.u32 $0x2800, s1  }
0x7: {  	s5 =	sand.u32 $0x1, s5;
	s6 =	sshll.u32 s1, $0x1;
	s12 =	smul.u32 $0x50000, s1  }
0x8: {  	[smem:$0x7FF] =	sst s3;
	s10 =	sadd.s32 $0x9E4200, s4;
	s29 =	smul.u32 $0x4E200, s1  }
0x9: {  	s14 =	sshll.u32 s1, $0x6;
	s6 =	sor.u32 s5, s6;
	s9 =	smul.u32 $0x28000, s5  }
0xa: {  	_ =	strace $0x80000059;
	s24 =	ssub.s32 $0x2, s5;
	s15 =	smul.u32 $0x27100, s5  }
0xb: {  	s5 =	sor.u32 $0x1C03, s14;
	s14 =	simm.s32 $0x6800;
	s8 =	sshll.u32 s6, $0xB  }
0xc: {  	s11 =	sadd.s32 s7, s4;
	s25 =	sshrl.u32 s24, $0x1;
	s26 =	smul.u32 $0x27100, s6  }
0xd: {  	s28 =	sshrl.u32 s12, $0x2;
	s30 =	sadd.s32 s29, s10;
	s8 =	sadd.s32 s8, s4  }
0xe: {  	s7 =	sadd.s32 s7, s9;
	s9 =	ssub.s32 s24, s25;
	s12 =	sadd.s32 s28, s2  }
0xf: {  	s31 =	sadd.s32 s15, s30;
	s15 =	simm.s32 $0x1;
	s13 =	sadd.s32 s7, s4  }
0x10: {  	s4 =	sadd.s32 $0xF72800, s11;
	s6 =	sadd.s32 $0xF62800, s8;
	s7 =	sadd.s32 s10, s26  }
0x11: {  	s9 =	smax.u32 s9, $0x1;
	s10 =	sadd.s32 $0xA00, s31;
	s11 =	sshrl.u32 s12, $0x3  }
0x12: {  	s12 =	simm.s32 $0x3;
	s8 =	sadd.s32 $0x1012000, s13;
	s13 =	simm.s32 $0x4000  }
.LBB2_1:
0x13: {  	[spmem:s11], [sflag:s5] =	dma.local [hbm:s4], $0x2800  }
0x14: {  	_ =	swait.ge [sflag:s12], $0x2800  }
0x15: {  	[sflag:s12] =	ssyncset.done $0x0  }
0x16: {  	[sflag:s12] =	ssyncadd.s32 $0xFFFFD800  }
0x17: {  	[tilespmem:s3], [sflag:$0x3] =	stream.linear.gather [hbm4b:s6+s3], $0x3E80, $0x38;
	[tilespmem:$0x1D000] =	vst v63  }
0x18: {  	_ =	swait.ge [sflag:s12], $0x3E80  }
0x19: {  	[sflag:s12] =	ssyncset.done $0x0  }
0x1a: {  	[sflag:s12] =	ssyncadd.s32 $0xFFFFC180  }
0x1b: {  	[bflag:$0x0] =	sbarrier.arrive $0xFFFF  }
0x1c: {  	[tilespmem:s13], [sflag:$0x1] =	stream.linear.gather [hbm4b:s7+s3], $0x2800, $0x38;
	[tilespmem:$0x1D000] =	vst v63  }
0x1d: {  	s20 =	sadd.s32 $0xFFFFFB00, s10  }
0x1e: {  	[tilespmem:s14], [sflag:$0x2] =	stream.linear.gather [hbm4b:s20+s3], $0x2800, $0x38;
	[tilespmem:$0x1D000] =	vst v63  }
0x1f: {  	_ =	swait.ge [sflag:s15], $0x2800  }
0x20: {  	[sflag:s15] =	ssyncset.done $0x0  }
0x21: {  	s30 =	simm.s32 $0x0;
	[sflag:s15] =	ssyncadd.s32 $0xFFFFD800  }
0x22: {  	[spmem:s2] =	stream.indirect.scatter.add.f32 [tilespmem:s13], [sflag:$0x3], $0x80, s30, s16, $0xb8;
	[tilespmem:$0x1D000] =	vst v63  }
0x23: {  	_ =	swait.ge [sflag:s12], $0x2800  }
0x24: {  	[sflag:s12] =	ssyncset.done $0x0  }
0x25: {  	[sflag:s12] =	ssyncadd.s32 $0xFFFFD800  }
0x26: {  	[tilespmem:s13], [sflag:$0x1] =	stream.linear.gather [hbm4b:s10+s3], $0x2800, $0x38;
	[tilespmem:$0x1D000] =	vst v63  }
0x27: {  	_ =	swait.ge [sflag:s17], $0x2800  }
0x28: {  	[sflag:s17] =	ssyncset.done $0x0  }
0x29: {  	s31 =	simm.s32 $0x80;
	[sflag:s17] =	ssyncadd.s32 $0xFFFFD800  }
0x2a: {  	[spmem:s2] =	stream.indirect.scatter.add.f32 [tilespmem:s14], [sflag:$0x3], $0x80, s31, s16, $0xb8;
	[tilespmem:$0x1D000] =	vst v63  }
0x2b: {  	s21 =	simm.s32 $0x400;
	_ =	swait.ge [sflag:s12], $0x2800  }
0x2c: {  	s22 =	simm.s32 $0x800;
	s20 =	sadd.s32 $0xA00, s10;
	[sflag:s12] =	ssyncset.done $0x0  }
.LBB2_2:
0x2d: {  	p0 =	sne.s32 s22, $0xF400;
	s23 =	sadd.s32 $0xFFFFFB00, s20;
	[sflag:s12] =	ssyncadd.s32 $0xFFFFD800  }
0x2e: {  	[tilespmem:s14], [sflag:$0x2] =	stream.linear.gather [hbm4b:s23+s3], $0x2800, $0x38;
	[tilespmem:$0x1D000] =	vst v63  }
0x2f: {  	s23 =	smov.u32 s22;
	s22 =	sadd.s32 $0x400, s22;
	_ =	swait.ge [sflag:s15], $0x2800  }
0x30: {  	[sflag:s15] =	ssyncset.done $0x0  }
0x31: {  	s24 =	sshra.s32 s21, $0x2;
	s21 =	smov.u32 s23;
	[sflag:s15] =	ssyncadd.s32 $0xFFFFD800  }
0x32: {  	[spmem:s2] =	stream.indirect.scatter.add.f32 [tilespmem:s13], [sflag:$0x3], $0x80, s24, s16, $0xb8;
	[tilespmem:$0x1D000] =	vst v63  }
0x33: {  	_ =	swait.ge [sflag:s12], $0x2800  }
0x34: {  	[sflag:s12] =	ssyncset.done $0x0  }
0x35: {  	[sflag:s12] =	ssyncadd.s32 $0xFFFFD800  }
0x36: {  	[tilespmem:s13], [sflag:$0x1] =	stream.linear.gather [hbm4b:s20+s3], $0x2800, $0x38;
	[tilespmem:$0x1D000] =	vst v63  }
0x37: {  	_ =	swait.ge [sflag:s17], $0x2800  }
.Ltmp0:
0x38: {  	[sflag:s17] =	ssyncset.done $0x0;
	(pc) =	sbr.rel @p0 .LBB2_2-.Ltmp0, $4  }
0x39: {  	s23 =	sadd.s32 $0x80, s24;
	[sflag:s17] =	ssyncadd.s32 $0xFFFFD800  }
0x3a: {  	[spmem:s2] =	stream.indirect.scatter.add.f32 [tilespmem:s14], [sflag:$0x3], $0x80, s23, s16, $0xb8;
	[tilespmem:$0x1D000] =	vst v63  }
0x3b: {  	_ =	swait.ge [sflag:s12], $0x2800  }
0x3c: {  	s20 =	sadd.s32 $0xA00, s20;
	[sflag:s12] =	ssyncset.done $0x0  }
0x3d: {  	s22 =	sadd.s32 $0xFFFFFB00, s20;
	[sflag:s12] =	ssyncadd.s32 $0xFFFFD800  }
0x3e: {  	[tilespmem:s14], [sflag:$0x2] =	stream.linear.gather [hbm4b:s22+s3], $0x2800, $0x38;
	[tilespmem:$0x1D000] =	vst v63  }
0x3f: {  	_ =	swait.ge [sflag:s15], $0x2800  }
0x40: {  	[sflag:s15] =	ssyncset.done $0x0  }
0x41: {  	s21 =	sshra.s32 s21, $0x2;
	[sflag:s15] =	ssyncadd.s32 $0xFFFFD800  }
0x42: {  	[spmem:s2] =	stream.indirect.scatter.add.f32 [tilespmem:s13], [sflag:$0x3], $0x80, s21, s16, $0xb8;
	[tilespmem:$0x1D000] =	vst v63  }
0x43: {  	_ =	swait.ge [sflag:s12], $0x2800  }
0x44: {  	[sflag:s12] =	ssyncset.done $0x0  }
0x45: {  	[sflag:s12] =	ssyncadd.s32 $0xFFFFD800  }
0x46: {  	[tilespmem:s13], [sflag:$0x1] =	stream.linear.gather [hbm4b:s20+s3], $0x2800, $0x38;
	[tilespmem:$0x1D000] =	vst v63  }
0x47: {  	_ =	swait.ge [sflag:s17], $0x2800  }
0x48: {  	[sflag:s17] =	ssyncset.done $0x0  }
0x49: {  	s31 =	sadd.s32 $0x80, s21;
	[sflag:s17] =	ssyncadd.s32 $0xFFFFD800  }
0x4a: {  	[spmem:s2] =	stream.indirect.scatter.add.f32 [tilespmem:s14], [sflag:$0x3], $0x80, s31, s16, $0xb8;
	[tilespmem:$0x1D000] =	vst v63  }
0x4b: {  	_ =	swait.ge [sflag:s12], $0x2800  }
0x4c: {  	[sflag:s12] =	ssyncset.done $0x0  }
0x4d: {  	[sflag:s12] =	ssyncadd.s32 $0xFFFFD800  }
0x4e: {  	_ =	swait.ge [sflag:s15], $0x2800  }
0x4f: {  	[sflag:s15] =	ssyncset.done $0x0  }
0x50: {  	[sflag:s15] =	ssyncadd.s32 $0xFFFFD800  }
0x51: {  	[spmem:s2] =	stream.indirect.scatter.add.f32 [tilespmem:s13], [sflag:$0x3], $0x80, s18, s16, $0xb8;
	[tilespmem:$0x1D000] =	vst v63  }
0x52: {  	_ =	swait.ge [sflag:s12], $0x2800  }
0x53: {  	s19 =	sadd.s32 $0x1, s19;
	[sflag:s12] =	ssyncset.done $0x0  }
0x54: {  	p0 =	sne.s32 s19, s9;
	[sflag:s12] =	ssyncadd.s32 $0xFFFFD800  }
.Ltmp1:
0x55: {  	[bflag:$0x0] =	sbarrier.arrive $0xFFFF;
	(pc) =	sbr.rel @p0 .LBB2_1-.Ltmp1, $4  }
0x56: {  	[hbm:s8], [sflag:s5] =	dma.local [spmem:s11], $0x2800  }
0x57: {  	_ =	swait.ge [sflag:s12], $0x2800  }
0x58: {  	[sflag:s12] =	ssyncset.done $0x0  }
0x59: {  	[sflag:s12] =	ssyncadd.s32 $0xFFFFD800  }
0x5a: {  	_ =	sfence.sel $0x180000  }
0x5b: {  	[bflag:$0x0] =	sbarrier.arrive $0xFFFF  }
0x5c: {  	p0 =	sne.s32 s1, $0x0;
	_ =	strace $0x90000059  }
0x5d: {  	s0 =	sadd.s32 @!p0 $0x100000, s0;
	[bflag:$0x2] =	sbarrier.arrive $0xFFFF  }
0x5e: {  	[sflag:s0] =	ssyncadd.tile.s32 @!p0 $0x1;
	_ =	shalt  }
.Lfunc_end2:
_tile_overlayer_lowered:
.L_overlay_start_2:
0x5f: {  	(tag) =	ssettag $0x2  }
0x60: {  	s0 =	rddreg [dreg:$0x0];
	s2 =	stileid.u32  }
0x61: {  	s1 =	rddreg [dreg:$0x1];
	p0 =	sne.s32 s2, $0x0  }
0x62: {  	s3 =	rddreg [dreg:$0x2];
	[bflag:$0x3] =	sbarrier.arrive $0xFFFF;
	s2 =	simm.s32 @!p0 $0x1C03  }
0x63: {  	[timem:s3], [sflag:s2] =	dma.local @!p0 [hbm:s0], s1  }
0x64: {  	s0 =	simm.s32 @!p0 $0x3  }
0x65: {  	_ =	swait.ge @!p0 [sflag:s0], s1  }
0x66: {  	s1 =	ssub.s32 @!p0 $0x0, s1;
	[sflag:s0] =	ssyncset.done @!p0 $0x0  }
0x67: {  	[sflag:s0] =	ssyncadd.s32 @!p0 s1  }
0x68: {  	[bflag:$0x3] =	sbarrier.arrive $0xFFFF  }
0x69: {  	_ =	shalt  }

</sc_bundles>
